<compile_context>
chip_gen: v7x
topology: tpu7x:2x2x1
jax: 0.10.2.dev20260603
libtpu: 0.0.44.dev20260713+nightly
codegen_flags: <defaults>
</compile_context>

<pallas_src>
import functools
import jax
import jax.numpy as jnp
from jax import lax
from jax.experimental import pallas as pl
from jax.experimental.pallas import tpu as pltpu
from jax.experimental.pallas import tpu_sc as plsc

NC = 2
NS = 16
NW = NC * NS
K = 128
BCH = 16
SLOPE = (1.0 / 8.0 + 1.0 / 3.0) / 2.0


def _deg_kernel(n_pad, ch):
    zr = n_pad // NS

    mesh = plsc.VectorSubcoreMesh(core_axis_name="c", subcore_axis_name="s",
                                  num_cores=NC, num_subcores=NS)

    @functools.partial(
        pl.kernel,
        out_type=jax.ShapeDtypeStruct((NC, n_pad), jnp.float32),
        mesh=mesh,
        scratch_types=[
            pltpu.VMEM((ch, K), jnp.int32),
            pltpu.VMEM((K,), jnp.float32),
            pltpu.VMEM_SHARED((n_pad,), jnp.float32),
        ],
    )
    def deg(col_hbm, ones_hbm, zeros_hbm, out_hbm, colv, onesv, acc):
        c = lax.axis_index("c")
        s = lax.axis_index("s")
        wid = s * NC + c
        pltpu.sync_copy(col_hbm.at[pl.ds(wid * ch, ch)], colv)
        pltpu.sync_copy(ones_hbm, onesv)
        pltpu.sync_copy(zeros_hbm, acc.at[pl.ds(s * zr, zr)])
        plsc.subcore_barrier()

        def body(j, carry):
            pltpu.sync_copy(onesv, acc.at[colv.at[j]], add=True)
            return carry

        lax.fori_loop(0, ch, body, 0)
        plsc.subcore_barrier()
        pltpu.sync_copy(acc.at[pl.ds(s * zr, zr)],
                        out_hbm.at[c, pl.ds(s * zr, zr)])

    return deg


def _agg_kernel(n_pad, ch, d):
    zr = n_pad // NS
    assert ch % (2 * BCH) == 0
    nb2 = ch // (2 * BCH)

    mesh = plsc.VectorSubcoreMesh(core_axis_name="c", subcore_axis_name="s",
                                  num_cores=NC, num_subcores=NS)

    @functools.partial(
        pl.kernel,
        out_type=jax.ShapeDtypeStruct((n_pad, d), jnp.float32),
        mesh=mesh,
        scratch_types=[
            [pltpu.VMEM((BCH, K), jnp.int32) for _ in range(2)],
            [pltpu.VMEM((BCH, K), jnp.int32) for _ in range(2)],
            [pltpu.VMEM((K, d), jnp.float32) for _ in range(2)],
            pltpu.VMEM_SHARED((n_pad, d), jnp.float32),
            [pltpu.SemaphoreType.DMA for _ in range(2)],
            [pltpu.SemaphoreType.DMA for _ in range(2)],
        ],
    )
    def agg(xs_hbm, row_hbm, col_hbm, zrows_hbm, out_hbm,
            rowb, colb, buf, acc, gsem, ssem):
        c = lax.axis_index("c")
        s = lax.axis_index("s")

        def gather(rb, k, b):
            pltpu.async_copy(xs_hbm.at[rb.at[k]], buf[b], gsem[b])

        def wait_gather(rb, k, b):
            pltpu.make_async_copy(xs_hbm.at[rb.at[k]], buf[b],
                                  gsem[b]).wait()

        def scatter(cb, k, b):
            pltpu.async_copy(buf[b], acc.at[cb.at[k]], ssem[b], add=True)

        def wait_scatter(cb, k, b):
            pltpu.make_async_copy(buf[b], acc.at[cb.at[k]],
                                  ssem[b]).wait()

        @pl.when(c == 0)
        def _():
            pltpu.sync_copy(zrows_hbm, acc.at[pl.ds(s * zr, zr)])
            plsc.subcore_barrier()

            def body(m, carry):
                for half in range(2):
                    rb = rowb[half]
                    cb = colb[half]
                    c0 = s * ch + (2 * m + half) * BCH
                    pltpu.sync_copy(row_hbm.at[pl.ds(c0, BCH)], rb)
                    pltpu.sync_copy(col_hbm.at[pl.ds(c0, BCH)], cb)
                    for k in range(BCH):
                        b = k & 1
                        if k < 2 and half == 0:
                            @pl.when(m > 0)
                            def _():
                                wait_scatter(cb, k, b)
                        else:
                            wait_scatter(cb, k, b)
                        gather(rb, k, b)
                        wait_gather(rb, k, b)
                        scatter(cb, k, b)
                return carry

            lax.fori_loop(0, nb2, body, 0)
            wait_scatter(colb[1], 0, 0)
            wait_scatter(colb[1], 1, 1)
            plsc.subcore_barrier()
            pltpu.sync_copy(acc.at[pl.ds(s * zr, zr)],
                            out_hbm.at[pl.ds(s * zr, zr)])

    return agg


def _tc_scale1(x, degp):
    n, d = x.shape
    br = 1000
    grid = n // br

    def body(x_ref, degp_ref, o_ref):
        deg = degp_ref[0] + degp_ref[1] + 1.0
        dis = lax.rsqrt(deg)
        o_ref[...] = x_ref[...] * dis

    return pl.pallas_call(
        body,
        grid=(grid,),
        in_specs=[
            pl.BlockSpec((br, d), lambda j: (j, 0)),
            pl.BlockSpec((NC, br, 1), lambda j: (0, j, 0)),
        ],
        out_specs=pl.BlockSpec((br, d), lambda j: (j, 0)),
        out_shape=jax.ShapeDtypeStruct((n, d), jnp.float32),
    )(x, degp)


def _tc_mid(aggp, x1s, degp, w1, b1, w2):
    n, d = x1s.shape
    h2 = w1.shape[1]
    br = 1000
    grid = n // br

    def body(aggp_ref, x1s_ref, degp_ref, w1_ref, b1_ref, w2_ref, o_ref):
        deg = degp_ref[0] + degp_ref[1] + 1.0
        dis = lax.rsqrt(deg)
        z = (aggp_ref[...] + x1s_ref[...]) * dis
        h1 = jnp.dot(z, w1_ref[...], preferred_element_type=jnp.float32)
        h1 = h1 + b1_ref[...]
        h1 = jnp.where(h1 >= 0, h1, SLOPE * h1)
        h2v = jnp.dot(h1, w2_ref[...], preferred_element_type=jnp.float32)
        o_ref[...] = h2v * dis

    return pl.pallas_call(
        body,
        grid=(grid,),
        in_specs=[
            pl.BlockSpec((br, d), lambda j: (j, 0)),
            pl.BlockSpec((br, d), lambda j: (j, 0)),
            pl.BlockSpec((NC, br, 1), lambda j: (0, j, 0)),
            pl.BlockSpec(w1.shape, lambda j: (0, 0)),
            pl.BlockSpec((1, h2), lambda j: (0, 0)),
            pl.BlockSpec(w2.shape, lambda j: (0, 0)),
        ],
        out_specs=pl.BlockSpec((br, d), lambda j: (j, 0)),
        out_shape=jax.ShapeDtypeStruct((n, d), jnp.float32),
    )(aggp, x1s, degp, w1, b1, w2)


def _tc_final(aggp, x2s, degp, b2):
    n, d = x2s.shape
    br = 1000
    grid = n // br

    def body(aggp_ref, x2s_ref, degp_ref, b2_ref, o_ref):
        deg = degp_ref[0] + degp_ref[1] + 1.0
        dis = lax.rsqrt(deg)
        o_ref[...] = (aggp_ref[...] + x2s_ref[...]) * dis + b2_ref[...]

    return pl.pallas_call(
        body,
        grid=(grid,),
        in_specs=[
            pl.BlockSpec((br, d), lambda j: (j, 0)),
            pl.BlockSpec((br, d), lambda j: (j, 0)),
            pl.BlockSpec((NC, br, 1), lambda j: (0, j, 0)),
            pl.BlockSpec((1, d), lambda j: (0, 0)),
        ],
        out_specs=pl.BlockSpec((br, d), lambda j: (j, 0)),
        out_shape=jax.ShapeDtypeStruct((n, d), jnp.float32),
    )(aggp, x2s, degp, b2)


@jax.jit
def kernel(x, edge_index, W1, b1, W2, b2):
    n, d = x.shape
    e = edge_index.shape[1]

    gk = 2 * BCH * K
    ept = ((e + NS - 1) // NS + gk - 1) // gk * gk
    ch = ept // K
    ct = NS * ch
    e_pad = ct * K
    n_pad = (n + NS * 8 - 1) // (NS * 8) * (NS * 8)
    if n_pad <= n:
        n_pad += NS * 8
    n_pad_deg = (n // (NS * K) + 1) * NS * K

    row = edge_index[0]
    col = edge_index[1]

    def pad_edges(ct_total, kk):
        pad = ct_total * kk - e
        pad_i = jnp.arange(pad, dtype=jnp.int32)
        row_p = jnp.concatenate([row, pad_i % n])
        col_p = jnp.concatenate([col, n + pad_i % (n_pad - n)])
        return row_p, col_p

    row_p, col_p = pad_edges(ct, K)
    row_t = row_p.reshape(ct, K)
    col_t = col_p.reshape(ct, K)

    chd = ((e + NW - 1) // NW + 8 * K - 1) // (8 * K) * (8 * K) // K
    ct_deg = NW * chd
    _, col_pd = pad_edges(ct_deg, K)
    col_td = col_pd.reshape(ct_deg, K)

    ones_k = jnp.ones((K,), jnp.float32)
    zeros_deg = jnp.zeros((n_pad_deg // NS,), jnp.float32)
    zeros_rows = jnp.zeros((n_pad // NS, d), jnp.float32)

    degp = _deg_kernel(n_pad_deg, chd)(col_td, ones_k, zeros_deg)
    degp3 = degp.reshape(NC, n_pad_deg, 1)

    x1s = _tc_scale1(x, degp3)
    agg1 = _agg_kernel(n_pad, ch, d)(x1s, row_t, col_t, zeros_rows)
    x2s = _tc_mid(agg1, x1s, degp3, W1, b1.reshape(1, -1), W2)
    agg2 = _agg_kernel(n_pad, ch, d)(x2s, row_t, col_t, zeros_rows)
    out = _tc_final(agg2, x2s, degp3, b2.reshape(1, -1))
    return out

# --- scband reference (transcript-rebuilt; emitter-appended) ---
"""Pipeline reference for scband-encoder-17454747091291 (READ-ONLY COPY).

The authoritative reference and input builder live on the scoring server;
editing this copy changes nothing except your own understanding.
"""

import jax, jax.numpy as jnp
import numpy as np


def gcn_conv(x, edge_index, W, b):
    # Faithful PyG GCNConv: add self-loops, symmetric normalization,
    # linear transform, scatter-add aggregation at dst, plus bias.
    num_nodes = x.shape[0]
    row = edge_index[0]
    col = edge_index[1]
    loop = jnp.arange(num_nodes, dtype=edge_index.dtype)
    row = jnp.concatenate([row, loop])
    col = jnp.concatenate([col, loop])
    deg = jnp.zeros((num_nodes,), dtype=x.dtype).at[col].add(1.0)
    deg_inv_sqrt = jax.lax.rsqrt(deg)  # deg >= 1 due to self-loops
    norm = deg_inv_sqrt[row] * deg_inv_sqrt[col]
    h = x @ W
    msg = h[row] * norm[:, None]
    out = jnp.zeros((num_nodes, W.shape[1]), dtype=x.dtype).at[col].add(msg)
    return out + b


def rrelu_eval(x):
    # F.rrelu in eval mode: leaky relu with slope = (lower+upper)/2 = (1/8+1/3)/2
    slope = (1.0 / 8.0 + 1.0 / 3.0) / 2.0
    return jnp.where(x >= 0, x, slope * x)


def setup_inputs(seed: int = 0) -> dict:
    key = jax.random.key(seed)
    k1, k2, k3, k4 = jax.random.split(key, 4)
    N = 10000
    E = 320000
    D_IN = 128
    H = 128
    x = jax.random.normal(k1, (N, D_IN), dtype=jnp.float32)
    edge_index = jax.random.randint(k2, (2, E), 0, N, dtype=jnp.int32)
    W1 = jax.random.normal(k3, (D_IN, 2 * H), dtype=jnp.float32) * 0.05
    b1 = jnp.zeros((2 * H,), dtype=jnp.float32)
    W2 = jax.random.normal(k4, (2 * H, H), dtype=jnp.float32) * 0.05
    b2 = jnp.zeros((H,), dtype=jnp.float32)
    return {"x": x, "edge_index": edge_index, "W1": W1, "b1": b1, "W2": W2, "b2": b2}


def reference(x, edge_index, W1, b1, W2, b2):
    h = gcn_conv(x, edge_index, W1, b1)
    h = rrelu_eval(h)
    out = gcn_conv(h, edge_index, W2, b2)
    return out

if __name__ == "__main__":
    import jax
    _d = setup_inputs()
    print(jax.jit(kernel)(*tuple(_d.values())))

</pallas_src>

<mosaic_0001>
#map = affine_map<(d0, d1) -> (0, 0)>
#map1 = affine_map<(d0, d1) -> (0)>
module attributes {stable_mosaic.version = 14 : i64} {
  func.func @deg(%arg0: i32, %arg1: i32, %arg2: memref<2560x128xi32, #tpu.memory_space<hbm>>, %arg3: memref<128xf32, #tpu.memory_space<hbm>>, %arg4: memref<640xf32, #tpu.memory_space<hbm>>, %arg5: memref<2x10240xf32, #tpu.memory_space<hbm>>, %arg6: memref<80x128xi32, #tpu.memory_space<vmem>>, %arg7: memref<128xf32, #tpu.memory_space<vmem>>, %arg8: memref<10240xf32, #tpu.memory_space<vmem_shared>>) attributes {dimension_semantics = [#tpu.dimension_semantics<core_parallel>, #tpu.dimension_semantics<subcore_parallel>], iteration_bounds = array<i64: 2, 16>, scalar_prefetch = 0 : i64, scratch_operands = 3 : i64, tpu.core_type = #tpu.core_type<sc_vector_subcore>, window_params = [{transform_indices = #map}, {transform_indices = #map1}, {transform_indices = #map1}, {transform_indices = #map}]} {
    %mul3A = arith.constant 2 : i32
    %mul3A_0 = arith.muli %arg1, %mul3A : i32
    %add3A = arith.addi %mul3A_0, %arg0 : i32
    %mul3A_1 = arith.constant 80 : i32
    %mul3A_2 = arith.muli %add3A, %mul3A_1 : i32
    "tpu.region"() ({
      %run_scoped3A = tpu.sem_alloc : memref<!tpu.dma_semaphore, #tpu.memory_space<semaphore_mem>>
      %dma_start3A = arith.constant 0 : i32
      %dma_start3A_15 = tpu.memref_slice %arg2[%mul3A_2, %dma_start3A] : memref<2560x128xi32, #tpu.memory_space<hbm>> -> memref<80x128xi32, #tpu.memory_space<hbm>>
      %dma_start3A_16 = arith.constant 0 : i32
      %dma_start3A_17 = tpu.memref_slice %arg2[%mul3A_2, %dma_start3A_16] : memref<2560x128xi32, #tpu.memory_space<hbm>> -> memref<80x128xi32, #tpu.memory_space<hbm>>
      tpu.enqueue_dma source(%dma_start3A_17 : memref<80x128xi32, #tpu.memory_space<hbm>>) target(%arg6 : memref<80x128xi32, #tpu.memory_space<vmem>>) target_semaphore(%run_scoped3A : memref<!tpu.dma_semaphore, #tpu.memory_space<semaphore_mem>>)
      %dma_wait3A = arith.constant 0 : i32
      %dma_wait3A_18 = tpu.memref_slice %arg2[%mul3A_2, %dma_wait3A] : memref<2560x128xi32, #tpu.memory_space<hbm>> -> memref<80x128xi32, #tpu.memory_space<hbm>>
      %dma_wait3A_19 = arith.constant 0 : i32
      %dma_wait3A_20 = tpu.memref_slice %arg2[%mul3A_2, %dma_wait3A_19] : memref<2560x128xi32, #tpu.memory_space<hbm>> -> memref<80x128xi32, #tpu.memory_space<hbm>>
      tpu.wait_dma2 semaphore(%run_scoped3A : memref<!tpu.dma_semaphore, #tpu.memory_space<semaphore_mem>>) src(%dma_wait3A_20 : memref<80x128xi32, #tpu.memory_space<hbm>>) dst(%arg6 : memref<80x128xi32, #tpu.memory_space<vmem>>)
      tpu.yield
    }) : () -> ()
    "tpu.region"() ({
      %run_scoped3A = tpu.sem_alloc : memref<!tpu.dma_semaphore, #tpu.memory_space<semaphore_mem>>
      tpu.enqueue_dma source(%arg3 : memref<128xf32, #tpu.memory_space<hbm>>) target(%arg7 : memref<128xf32, #tpu.memory_space<vmem>>) target_semaphore(%run_scoped3A : memref<!tpu.dma_semaphore, #tpu.memory_space<semaphore_mem>>)
      tpu.wait_dma2 semaphore(%run_scoped3A : memref<!tpu.dma_semaphore, #tpu.memory_space<semaphore_mem>>) src(%arg3 : memref<128xf32, #tpu.memory_space<hbm>>) dst(%arg7 : memref<128xf32, #tpu.memory_space<vmem>>)
      tpu.yield
    }) : () -> ()
    %mul3A_3 = arith.constant 640 : i32
    %mul3A_4 = arith.muli %arg1, %mul3A_3 : i32
    "tpu.region"() ({
      %run_scoped3A = tpu.sem_alloc : memref<!tpu.dma_semaphore, #tpu.memory_space<semaphore_mem>>
      %dma_start3A = tpu.memref_slice %arg8[%mul3A_4] : memref<10240xf32, #tpu.memory_space<vmem_shared>> -> memref<640xf32, #tpu.memory_space<vmem_shared>>
      tpu.enqueue_dma source(%arg4 : memref<640xf32, #tpu.memory_space<hbm>>) target(%dma_start3A : memref<640xf32, #tpu.memory_space<vmem_shared>>) target_semaphore(%run_scoped3A : memref<!tpu.dma_semaphore, #tpu.memory_space<semaphore_mem>>)
      %dma_wait3A = tpu.memref_slice %arg8[%mul3A_4] : memref<10240xf32, #tpu.memory_space<vmem_shared>> -> memref<640xf32, #tpu.memory_space<vmem_shared>>
      tpu.wait_dma2 semaphore(%run_scoped3A : memref<!tpu.dma_semaphore, #tpu.memory_space<semaphore_mem>>) src(%arg4 : memref<640xf32, #tpu.memory_space<hbm>>) dst(%dma_wait3A : memref<640xf32, #tpu.memory_space<vmem_shared>>)
      tpu.yield
    }) : () -> ()
    %barrier3A = arith.constant 0 : index
    tpu.barrier barrier_id(%barrier3A)
    %scan3A = arith.constant 0 : i32
    %scan3A_5 = arith.constant 0 : i32
    %scan3A_6 = arith.constant 80 : i32
    %scan3A_7 = arith.addi %scan3A_5, %scan3A_6 : i32
    %scan3A_8 = arith.constant 1 : i32
    scf.for %scan3A_15 = %scan3A_5 to %scan3A_7 step %scan3A_8  : i32 {
      "tpu.region"() ({
        %run_scoped3A = tpu.sem_alloc : memref<!tpu.dma_semaphore, #tpu.memory_space<semaphore_mem>>
        %dma_start3A = arith.constant 0 : i32
        %dma_start3A_16 = tpu.memref_slice %arg6[%scan3A_15, %dma_start3A] : memref<80x128xi32, #tpu.memory_space<vmem>> -> memref<1x128xi32, #tpu.memory_space<vmem>>
        %dma_start3A_17 = tpu.memref_squeeze %dma_start3A_16 : memref<1x128xi32, #tpu.memory_space<vmem>> -> memref<128xi32, #tpu.memory_space<vmem>>
        %dma_start3A_18 = arith.constant 0 : i32
        %dma_start3A_19 = tpu.memref_slice %arg8[%dma_start3A_18] : memref<10240xf32, #tpu.memory_space<vmem_shared>> -> memref<10240xf32, #tpu.memory_space<vmem_shared>>
        tpu.enqueue_indirect_dma source(%arg7 : memref<128xf32, #tpu.memory_space<vmem>>) target(%dma_start3A_19 : memref<10240xf32, #tpu.memory_space<vmem_shared>>) offsets(%dma_start3A_17 : memref<128xi32, #tpu.memory_space<vmem>>) semaphore(%run_scoped3A : memref<!tpu.dma_semaphore, #tpu.memory_space<semaphore_mem>>) {add = true}
        %dma_wait3A = arith.constant 0 : i32
        %dma_wait3A_20 = tpu.memref_slice %arg6[%scan3A_15, %dma_wait3A] : memref<80x128xi32, #tpu.memory_space<vmem>> -> memref<1x128xi32, #tpu.memory_space<vmem>>
        %dma_wait3A_21 = tpu.memref_squeeze %dma_wait3A_20 : memref<1x128xi32, #tpu.memory_space<vmem>> -> memref<128xi32, #tpu.memory_space<vmem>>
        %dma_wait3A_22 = arith.constant 0 : i32
        %dma_wait3A_23 = tpu.memref_slice %arg8[%dma_wait3A_22] : memref<10240xf32, #tpu.memory_space<vmem_shared>> -> memref<10240xf32, #tpu.memory_space<vmem_shared>>
        tpu.wait_indirect_dma semaphore(%run_scoped3A : memref<!tpu.dma_semaphore, #tpu.memory_space<semaphore_mem>>) src(%arg7 : memref<128xf32, #tpu.memory_space<vmem>>) dst(%dma_wait3A_23 : memref<10240xf32, #tpu.memory_space<vmem_shared>>)
        tpu.yield
      }) : () -> ()
    }
    %scan3A_9 = arith.constant 80 : i32
    %barrier3A_10 = arith.constant 0 : index
    tpu.barrier barrier_id(%barrier3A_10)
    %mul3A_11 = arith.constant 640 : i32
    %mul3A_12 = arith.muli %arg1, %mul3A_11 : i32
    %mul3A_13 = arith.constant 640 : i32
    %mul3A_14 = arith.muli %arg1, %mul3A_13 : i32
    "tpu.region"() ({
      %run_scoped3A = tpu.sem_alloc : memref<!tpu.dma_semaphore, #tpu.memory_space<semaphore_mem>>
      %dma_start3A = tpu.memref_slice %arg5[%arg0, %mul3A_14] : memref<2x10240xf32, #tpu.memory_space<hbm>> -> memref<1x640xf32, #tpu.memory_space<hbm>>
      %dma_start3A_15 = tpu.memref_squeeze %dma_start3A : memref<1x640xf32, #tpu.memory_space<hbm>> -> memref<640xf32, #tpu.memory_space<hbm>>
      %dma_start3A_16 = tpu.memref_slice %arg8[%mul3A_12] : memref<10240xf32, #tpu.memory_space<vmem_shared>> -> memref<640xf32, #tpu.memory_space<vmem_shared>>
      tpu.enqueue_dma source(%dma_start3A_16 : memref<640xf32, #tpu.memory_space<vmem_shared>>) target(%dma_start3A_15 : memref<640xf32, #tpu.memory_space<hbm>>) target_semaphore(%run_scoped3A : memref<!tpu.dma_semaphore, #tpu.memory_space<semaphore_mem>>)
      %dma_wait3A = tpu.memref_slice %arg5[%arg0, %mul3A_14] : memref<2x10240xf32, #tpu.memory_space<hbm>> -> memref<1x640xf32, #tpu.memory_space<hbm>>
      %dma_wait3A_17 = tpu.memref_squeeze %dma_wait3A : memref<1x640xf32, #tpu.memory_space<hbm>> -> memref<640xf32, #tpu.memory_space<hbm>>
      %dma_wait3A_18 = tpu.memref_slice %arg8[%mul3A_12] : memref<10240xf32, #tpu.memory_space<vmem_shared>> -> memref<640xf32, #tpu.memory_space<vmem_shared>>
      tpu.wait_dma2 semaphore(%run_scoped3A : memref<!tpu.dma_semaphore, #tpu.memory_space<semaphore_mem>>) src(%dma_wait3A_18 : memref<640xf32, #tpu.memory_space<vmem_shared>>) dst(%dma_wait3A_17 : memref<640xf32, #tpu.memory_space<hbm>>)
      tpu.yield
    }) : () -> ()
    return
  }
}

#map = affine_map<(d0, d1) -> (0, 0)>
module attributes {stable_mosaic.version = 14 : i64} {
  func.func @agg(%arg0: i32, %arg1: i32, %arg2: memref<10000x128xf32, #tpu.memory_space<hbm>>, %arg3: memref<2560x128xi32, #tpu.memory_space<hbm>>, %arg4: memref<2560x128xi32, #tpu.memory_space<hbm>>, %arg5: memref<632x128xf32, #tpu.memory_space<hbm>>, %arg6: memref<10112x128xf32, #tpu.memory_space<hbm>>, %arg7: memref<16x128xi32, #tpu.memory_space<vmem>>, %arg8: memref<16x128xi32, #tpu.memory_space<vmem>>, %arg9: memref<16x128xi32, #tpu.memory_space<vmem>>, %arg10: memref<16x128xi32, #tpu.memory_space<vmem>>, %arg11: memref<128x128xf32, #tpu.memory_space<vmem>>, %arg12: memref<128x128xf32, #tpu.memory_space<vmem>>, %arg13: memref<10112x128xf32, #tpu.memory_space<vmem_shared>>, %arg14: memref<!tpu.dma_semaphore, #tpu.memory_space<semaphore_mem>>, %arg15: memref<!tpu.dma_semaphore, #tpu.memory_space<semaphore_mem>>, %arg16: memref<!tpu.dma_semaphore, #tpu.memory_space<semaphore_mem>>, %arg17: memref<!tpu.dma_semaphore, #tpu.memory_space<semaphore_mem>>) attributes {dimension_semantics = [#tpu.dimension_semantics<core_parallel>, #tpu.dimension_semantics<subcore_parallel>], iteration_bounds = array<i64: 2, 16>, scalar_prefetch = 0 : i64, scratch_operands = 11 : i64, tpu.core_type = #tpu.core_type<sc_vector_subcore>, window_params = [{transform_indices = #map}, {transform_indices = #map}, {transform_indices = #map}, {transform_indices = #map}, {transform_indices = #map}]} {
    %eq3A = arith.constant 0 : i32
    %eq3A_0 = arith.cmpi eq, %arg0, %eq3A : i32
    %convert_element_type3A = arith.extui %eq3A_0 : i1 to i32
    %cond3A = arith.constant 0 : i32
    %cond3A_1 = arith.cmpi ne, %convert_element_type3A, %cond3A : i32
    scf.if %cond3A_1 {
      %mul3A = arith.constant 632 : i32
      %mul3A_2 = arith.muli %arg1, %mul3A : i32
      "tpu.region"() ({
        %run_scoped3A = tpu.sem_alloc : memref<!tpu.dma_semaphore, #tpu.memory_space<semaphore_mem>>
        %dma_start3A = arith.constant 0 : i32
        %dma_start3A_26 = tpu.memref_slice %arg13[%mul3A_2, %dma_start3A] : memref<10112x128xf32, #tpu.memory_space<vmem_shared>> -> memref<632x128xf32, #tpu.memory_space<vmem_shared>>
        tpu.enqueue_dma source(%arg5 : memref<632x128xf32, #tpu.memory_space<hbm>>) target(%dma_start3A_26 : memref<632x128xf32, #tpu.memory_space<vmem_shared>>) target_semaphore(%run_scoped3A : memref<!tpu.dma_semaphore, #tpu.memory_space<semaphore_mem>>)
        %dma_wait3A_27 = arith.constant 0 : i32
        %dma_wait3A_28 = tpu.memref_slice %arg13[%mul3A_2, %dma_wait3A_27] : memref<10112x128xf32, #tpu.memory_space<vmem_shared>> -> memref<632x128xf32, #tpu.memory_space<vmem_shared>>
        tpu.wait_dma2 semaphore(%run_scoped3A : memref<!tpu.dma_semaphore, #tpu.memory_space<semaphore_mem>>) src(%arg5 : memref<632x128xf32, #tpu.memory_space<hbm>>) dst(%dma_wait3A_28 : memref<632x128xf32, #tpu.memory_space<vmem_shared>>)
        tpu.yield
      }) : () -> ()
      %barrier3A = arith.constant 0 : index
      tpu.barrier barrier_id(%barrier3A)
      %scan3A = arith.constant 0 : i32
      %scan3A_3 = arith.constant 0 : i32
      %scan3A_4 = arith.constant 5 : i32
      %scan3A_5 = arith.addi %scan3A_3, %scan3A_4 : i32
      %scan3A_6 = arith.constant 1 : i32
      scf.for %scan3A_26 = %scan3A_3 to %scan3A_5 step %scan3A_6  : i32 {
        %mul3A_27 = arith.constant 160 : i32
        %mul3A_28 = arith.muli %arg1, %mul3A_27 : i32
        %mul3A_29 = arith.constant 2 : i32
        %mul3A_30 = arith.muli %mul3A_29, %scan3A_26 : i32
        %add3A = arith.constant 0 : i32
        %add3A_31 = arith.addi %mul3A_30, %add3A : i32
        %mul3A_32 = arith.constant 16 : i32
        %mul3A_33 = arith.muli %add3A_31, %mul3A_32 : i32
        %add3A_34 = arith.addi %mul3A_28, %mul3A_33 : i32
        "tpu.region"() ({
          %run_scoped3A = tpu.sem_alloc : memref<!tpu.dma_semaphore, #tpu.memory_space<semaphore_mem>>
          %dma_start3A_934 = arith.constant 0 : i32
          %dma_start3A_935 = tpu.memref_slice %arg3[%add3A_34, %dma_start3A_934] : memref<2560x128xi32, #tpu.memory_space<hbm>> -> memref<16x128xi32, #tpu.memory_space<hbm>>
          %dma_start3A_936 = arith.constant 0 : i32
          %dma_start3A_937 = tpu.memref_slice %arg3[%add3A_34, %dma_start3A_936] : memref<2560x128xi32, #tpu.memory_space<hbm>> -> memref<16x128xi32, #tpu.memory_space<hbm>>
          tpu.enqueue_dma source(%dma_start3A_937 : memref<16x128xi32, #tpu.memory_space<hbm>>) target(%arg7 : memref<16x128xi32, #tpu.memory_space<vmem>>) target_semaphore(%run_scoped3A : memref<!tpu.dma_semaphore, #tpu.memory_space<semaphore_mem>>)
          %dma_wait3A_938 = arith.constant 0 : i32
          %dma_wait3A_939 = tpu.memref_slice %arg3[%add3A_34, %dma_wait3A_938] : memref<2560x128xi32, #tpu.memory_space<hbm>> -> memref<16x128xi32, #tpu.memory_space<hbm>>
          %dma_wait3A_940 = arith.constant 0 : i32
          %dma_wait3A_941 = tpu.memref_slice %arg3[%add3A_34, %dma_wait3A_940] : memref<2560x128xi32, #tpu.memory_space<hbm>> -> memref<16x128xi32, #tpu.memory_space<hbm>>
          tpu.wait_dma2 semaphore(%run_scoped3A : memref<!tpu.dma_semaphore, #tpu.memory_space<semaphore_mem>>) src(%dma_wait3A_941 : memref<16x128xi32, #tpu.memory_space<hbm>>) dst(%arg7 : memref<16x128xi32, #tpu.memory_space<vmem>>)
          tpu.yield
        }) : () -> ()
        "tpu.region"() ({
          %run_scoped3A = tpu.sem_alloc : memref<!tpu.dma_semaphore, #tpu.memory_space<semaphore_mem>>
          %dma_start3A_934 = arith.constant 0 : i32
          %dma_start3A_935 = tpu.memref_slice %arg4[%add3A_34, %dma_start3A_934] : memref<2560x128xi32, #tpu.memory_space<hbm>> -> memref<16x128xi32, #tpu.memory_space<hbm>>
          %dma_start3A_936 = arith.constant 0 : i32
          %dma_start3A_937 = tpu.memref_slice %arg4[%add3A_34, %dma_start3A_936] : memref<2560x128xi32, #tpu.memory_space<hbm>> -> memref<16x128xi32, #tpu.memory_space<hbm>>
          tpu.enqueue_dma source(%dma_start3A_937 : memref<16x128xi32, #tpu.memory_space<hbm>>) target(%arg9 : memref<16x128xi32, #tpu.memory_space<vmem>>) target_semaphore(%run_scoped3A : memref<!tpu.dma_semaphore, #tpu.memory_space<semaphore_mem>>)
          %dma_wait3A_938 = arith.constant 0 : i32
          %dma_wait3A_939 = tpu.memref_slice %arg4[%add3A_34, %dma_wait3A_938] : memref<2560x128xi32, #tpu.memory_space<hbm>> -> memref<16x128xi32, #tpu.memory_space<hbm>>
          %dma_wait3A_940 = arith.constant 0 : i32
          %dma_wait3A_941 = tpu.memref_slice %arg4[%add3A_34, %dma_wait3A_940] : memref<2560x128xi32, #tpu.memory_space<hbm>> -> memref<16x128xi32, #tpu.memory_space<hbm>>
          tpu.wait_dma2 semaphore(%run_scoped3A : memref<!tpu.dma_semaphore, #tpu.memory_space<semaphore_mem>>) src(%dma_wait3A_941 : memref<16x128xi32, #tpu.memory_space<hbm>>) dst(%arg9 : memref<16x128xi32, #tpu.memory_space<vmem>>)
          tpu.yield
        }) : () -> ()
        %gt3A = arith.constant 0 : i32
        %gt3A_35 = arith.cmpi sgt, %scan3A_26, %gt3A : i32
        %convert_element_type3A_36 = arith.extui %gt3A_35 : i1 to i32
        %cond3A_37 = arith.constant 0 : i32
        %cond3A_38 = arith.cmpi ne, %convert_element_type3A_36, %cond3A_37 : i32
        scf.if %cond3A_38 {
          %dma_wait3A_934 = arith.constant 0 : i32
          %dma_wait3A_935 = arith.constant 0 : i32
          %dma_wait3A_936 = tpu.memref_slice %arg9[%dma_wait3A_934, %dma_wait3A_935] : memref<16x128xi32, #tpu.memory_space<vmem>> -> memref<1x128xi32, #tpu.memory_space<vmem>>
          %dma_wait3A_937 = tpu.memref_squeeze %dma_wait3A_936 : memref<1x128xi32, #tpu.memory_space<vmem>> -> memref<128xi32, #tpu.memory_space<vmem>>
          %dma_wait3A_938 = arith.constant 0 : i32
          %dma_wait3A_939 = arith.constant 0 : i32
          %dma_wait3A_940 = tpu.memref_slice %arg13[%dma_wait3A_938, %dma_wait3A_939] : memref<10112x128xf32, #tpu.memory_space<vmem_shared>> -> memref<10112x128xf32, #tpu.memory_space<vmem_shared>>
          tpu.wait_indirect_dma semaphore(%arg16 : memref<!tpu.dma_semaphore, #tpu.memory_space<semaphore_mem>>) src(%arg11 : memref<128x128xf32, #tpu.memory_space<vmem>>) dst(%dma_wait3A_940 : memref<10112x128xf32, #tpu.memory_space<vmem_shared>>)
        } else {
        }
        %dma_start3A = arith.constant 0 : i32
        %dma_start3A_39 = arith.constant 0 : i32
        %dma_start3A_40 = tpu.memref_slice %arg7[%dma_start3A, %dma_start3A_39] : memref<16x128xi32, #tpu.memory_space<vmem>> -> memref<1x128xi32, #tpu.memory_space<vmem>>
        %dma_start3A_41 = tpu.memref_squeeze %dma_start3A_40 : memref<1x128xi32, #tpu.memory_space<vmem>> -> memref<128xi32, #tpu.memory_space<vmem>>
        %dma_start3A_42 = arith.constant 0 : i32
        %dma_start3A_43 = arith.constant 0 : i32
        %dma_start3A_44 = tpu.memref_slice %arg2[%dma_start3A_42, %dma_start3A_43] : memref<10000x128xf32, #tpu.memory_space<hbm>> -> memref<10000x128xf32, #tpu.memory_space<hbm>>
        tpu.enqueue_indirect_dma source(%dma_start3A_44 : memref<10000x128xf32, #tpu.memory_space<hbm>>) target(%arg11 : memref<128x128xf32, #tpu.memory_space<vmem>>) offsets(%dma_start3A_41 : memref<128xi32, #tpu.memory_space<vmem>>) semaphore(%arg14 : memref<!tpu.dma_semaphore, #tpu.memory_space<semaphore_mem>>)
        %dma_wait3A_45 = arith.constant 0 : i32
        %dma_wait3A_46 = arith.constant 0 : i32
        %dma_wait3A_47 = tpu.memref_slice %arg7[%dma_wait3A_45, %dma_wait3A_46] : memref<16x128xi32, #tpu.memory_space<vmem>> -> memref<1x128xi32, #tpu.memory_space<vmem>>
        %dma_wait3A_48 = tpu.memref_squeeze %dma_wait3A_47 : memref<1x128xi32, #tpu.memory_space<vmem>> -> memref<128xi32, #tpu.memory_space<vmem>>
        %dma_wait3A_49 = arith.constant 0 : i32
        %dma_wait3A_50 = arith.constant 0 : i32
        %dma_wait3A_51 = tpu.memref_slice %arg2[%dma_wait3A_49, %dma_wait3A_50] : memref<10000x128xf32, #tpu.memory_space<hbm>> -> memref<10000x128xf32, #tpu.memory_space<hbm>>
        tpu.wait_indirect_dma semaphore(%arg14 : memref<!tpu.dma_semaphore, #tpu.memory_space<semaphore_mem>>) src(%dma_wait3A_51 : memref<10000x128xf32, #tpu.memory_space<hbm>>) dst(%arg11 : memref<128x128xf32, #tpu.memory_space<vmem>>)
        %dma_start3A_52 = arith.constant 0 : i32
        %dma_start3A_53 = arith.constant 0 : i32
        %dma_start3A_54 = tpu.memref_slice %arg9[%dma_start3A_52, %dma_start3A_53] : memref<16x128xi32, #tpu.memory_space<vmem>> -> memref<1x128xi32, #tpu.memory_space<vmem>>
        %dma_start3A_55 = tpu.memref_squeeze %dma_start3A_54 : memref<1x128xi32, #tpu.memory_space<vmem>> -> memref<128xi32, #tpu.memory_space<vmem>>
        %dma_start3A_56 = arith.constant 0 : i32
        %dma_start3A_57 = arith.constant 0 : i32
        %dma_start3A_58 = tpu.memref_slice %arg13[%dma_start3A_56, %dma_start3A_57] : memref<10112x128xf32, #tpu.memory_space<vmem_shared>> -> memref<10112x128xf32, #tpu.memory_space<vmem_shared>>
        tpu.enqueue_indirect_dma source(%arg11 : memref<128x128xf32, #tpu.memory_space<vmem>>) target(%dma_start3A_58 : memref<10112x128xf32, #tpu.memory_space<vmem_shared>>) offsets(%dma_start3A_55 : memref<128xi32, #tpu.memory_space<vmem>>) semaphore(%arg16 : memref<!tpu.dma_semaphore, #tpu.memory_space<semaphore_mem>>) {add = true}
        %gt3A_59 = arith.constant 0 : i32
        %gt3A_60 = arith.cmpi sgt, %scan3A_26, %gt3A_59 : i32
        %convert_element_type3A_61 = arith.extui %gt3A_60 : i1 to i32
        %cond3A_62 = arith.constant 0 : i32
        %cond3A_63 = arith.cmpi ne, %convert_element_type3A_61, %cond3A_62 : i32
        scf.if %cond3A_63 {
          %dma_wait3A_934 = arith.constant 1 : i32
          %dma_wait3A_935 = arith.constant 0 : i32
          %dma_wait3A_936 = tpu.memref_slice %arg9[%dma_wait3A_934, %dma_wait3A_935] : memref<16x128xi32, #tpu.memory_space<vmem>> -> memref<1x128xi32, #tpu.memory_space<vmem>>
          %dma_wait3A_937 = tpu.memref_squeeze %dma_wait3A_936 : memref<1x128xi32, #tpu.memory_space<vmem>> -> memref<128xi32, #tpu.memory_space<vmem>>
          %dma_wait3A_938 = arith.constant 0 : i32
          %dma_wait3A_939 = arith.constant 0 : i32
          %dma_wait3A_940 = tpu.memref_slice %arg13[%dma_wait3A_938, %dma_wait3A_939] : memref<10112x128xf32, #tpu.memory_space<vmem_shared>> -> memref<10112x128xf32, #tpu.memory_space<vmem_shared>>
          tpu.wait_indirect_dma semaphore(%arg17 : memref<!tpu.dma_semaphore, #tpu.memory_space<semaphore_mem>>) src(%arg12 : memref<128x128xf32, #tpu.memory_space<vmem>>) dst(%dma_wait3A_940 : memref<10112x128xf32, #tpu.memory_space<vmem_shared>>)
        } else {
        }
        %dma_start3A_64 = arith.constant 1 : i32
        %dma_start3A_65 = arith.constant 0 : i32
        %dma_start3A_66 = tpu.memref_slice %arg7[%dma_start3A_64, %dma_start3A_65] : memref<16x128xi32, #tpu.memory_space<vmem>> -> memref<1x128xi32, #tpu.memory_space<vmem>>
        %dma_start3A_67 = tpu.memref_squeeze %dma_start3A_66 : memref<1x128xi32, #tpu.memory_space<vmem>> -> memref<128xi32, #tpu.memory_space<vmem>>
        %dma_start3A_68 = arith.constant 0 : i32
        %dma_start3A_69 = arith.constant 0 : i32
        %dma_start3A_70 = tpu.memref_slice %arg2[%dma_start3A_68, %dma_start3A_69] : memref<10000x128xf32, #tpu.memory_space<hbm>> -> memref<10000x128xf32, #tpu.memory_space<hbm>>
        tpu.enqueue_indirect_dma source(%dma_start3A_70 : memref<10000x128xf32, #tpu.memory_space<hbm>>) target(%arg12 : memref<128x128xf32, #tpu.memory_space<vmem>>) offsets(%dma_start3A_67 : memref<128xi32, #tpu.memory_space<vmem>>) semaphore(%arg15 : memref<!tpu.dma_semaphore, #tpu.memory_space<semaphore_mem>>)
        %dma_wait3A_71 = arith.constant 1 : i32
        %dma_wait3A_72 = arith.constant 0 : i32
        %dma_wait3A_73 = tpu.memref_slice %arg7[%dma_wait3A_71, %dma_wait3A_72] : memref<16x128xi32, #tpu.memory_space<vmem>> -> memref<1x128xi32, #tpu.memory_space<vmem>>
        %dma_wait3A_74 = tpu.memref_squeeze %dma_wait3A_73 : memref<1x128xi32, #tpu.memory_space<vmem>> -> memref<128xi32, #tpu.memory_space<vmem>>
        %dma_wait3A_75 = arith.constant 0 : i32
        %dma_wait3A_76 = arith.constant 0 : i32
        %dma_wait3A_77 = tpu.memref_slice %arg2[%dma_wait3A_75, %dma_wait3A_76] : memref<10000x128xf32, #tpu.memory_space<hbm>> -> memref<10000x128xf32, #tpu.memory_space<hbm>>
        tpu.wait_indirect_dma semaphore(%arg15 : memref<!tpu.dma_semaphore, #tpu.memory_space<semaphore_mem>>) src(%dma_wait3A_77 : memref<10000x128xf32, #tpu.memory_space<hbm>>) dst(%arg12 : memref<128x128xf32, #tpu.memory_space<vmem>>)
        %dma_start3A_78 = arith.constant 1 : i32
        %dma_start3A_79 = arith.constant 0 : i32
        %dma_start3A_80 = tpu.memref_slice %arg9[%dma_start3A_78, %dma_start3A_79] : memref<16x128xi32, #tpu.memory_space<vmem>> -> memref<1x128xi32, #tpu.memory_space<vmem>>
        %dma_start3A_81 = tpu.memref_squeeze %dma_start3A_80 : memref<1x128xi32, #tpu.memory_space<vmem>> -> memref<128xi32, #tpu.memory_space<vmem>>
        %dma_start3A_82 = arith.constant 0 : i32
        %dma_start3A_83 = arith.constant 0 : i32
        %dma_start3A_84 = tpu.memref_slice %arg13[%dma_start3A_82, %dma_start3A_83] : memref<10112x128xf32, #tpu.memory_space<vmem_shared>> -> memref<10112x128xf32, #tpu.memory_space<vmem_shared>>
        tpu.enqueue_indirect_dma source(%arg12 : memref<128x128xf32, #tpu.memory_space<vmem>>) target(%dma_start3A_84 : memref<10112x128xf32, #tpu.memory_space<vmem_shared>>) offsets(%dma_start3A_81 : memref<128xi32, #tpu.memory_space<vmem>>) semaphore(%arg17 : memref<!tpu.dma_semaphore, #tpu.memory_space<semaphore_mem>>) {add = true}
        %dma_wait3A_85 = arith.constant 2 : i32
        %dma_wait3A_86 = arith.constant 0 : i32
        %dma_wait3A_87 = tpu.memref_slice %arg9[%dma_wait3A_85, %dma_wait3A_86] : memref<16x128xi32, #tpu.memory_space<vmem>> -> memref<1x128xi32, #tpu.memory_space<vmem>>
        %dma_wait3A_88 = tpu.memref_squeeze %dma_wait3A_87 : memref<1x128xi32, #tpu.memory_space<vmem>> -> memref<128xi32, #tpu.memory_space<vmem>>
        %dma_wait3A_89 = arith.constant 0 : i32
        %dma_wait3A_90 = arith.constant 0 : i32
        %dma_wait3A_91 = tpu.memref_slice %arg13[%dma_wait3A_89, %dma_wait3A_90] : memref<10112x128xf32, #tpu.memory_space<vmem_shared>> -> memref<10112x128xf32, #tpu.memory_space<vmem_shared>>
        tpu.wait_indirect_dma semaphore(%arg16 : memref<!tpu.dma_semaphore, #tpu.memory_space<semaphore_mem>>) src(%arg11 : memref<128x128xf32, #tpu.memory_space<vmem>>) dst(%dma_wait3A_91 : memref<10112x128xf32, #tpu.memory_space<vmem_shared>>)
        %dma_start3A_92 = arith.constant 2 : i32
        %dma_start3A_93 = arith.constant 0 : i32
        %dma_start3A_94 = tpu.memref_slice %arg7[%dma_start3A_92, %dma_start3A_93] : memref<16x128xi32, #tpu.memory_space<vmem>> -> memref<1x128xi32, #tpu.memory_space<vmem>>
        %dma_start3A_95 = tpu.memref_squeeze %dma_start3A_94 : memref<1x128xi32, #tpu.memory_space<vmem>> -> memref<128xi32, #tpu.memory_space<vmem>>
        %dma_start3A_96 = arith.constant 0 : i32
        %dma_start3A_97 = arith.constant 0 : i32
        %dma_start3A_98 = tpu.memref_slice %arg2[%dma_start3A_96, %dma_start3A_97] : memref<10000x128xf32, #tpu.memory_space<hbm>> -> memref<10000x128xf32, #tpu.memory_space<hbm>>
        tpu.enqueue_indirect_dma source(%dma_start3A_98 : memref<10000x128xf32, #tpu.memory_space<hbm>>) target(%arg11 : memref<128x128xf32, #tpu.memory_space<vmem>>) offsets(%dma_start3A_95 : memref<128xi32, #tpu.memory_space<vmem>>) semaphore(%arg14 : memref<!tpu.dma_semaphore, #tpu.memory_space<semaphore_mem>>)
        %dma_wait3A_99 = arith.constant 2 : i32
        %dma_wait3A_100 = arith.constant 0 : i32
        %dma_wait3A_101 = tpu.memref_slice %arg7[%dma_wait3A_99, %dma_wait3A_100] : memref<16x128xi32, #tpu.memory_space<vmem>> -> memref<1x128xi32, #tpu.memory_space<vmem>>
        %dma_wait3A_102 = tpu.memref_squeeze %dma_wait3A_101 : memref<1x128xi32, #tpu.memory_space<vmem>> -> memref<128xi32, #tpu.memory_space<vmem>>
        %dma_wait3A_103 = arith.constant 0 : i32
        %dma_wait3A_104 = arith.constant 0 : i32
        %dma_wait3A_105 = tpu.memref_slice %arg2[%dma_wait3A_103, %dma_wait3A_104] : memref<10000x128xf32, #tpu.memory_space<hbm>> -> memref<10000x128xf32, #tpu.memory_space<hbm>>
        tpu.wait_indirect_dma semaphore(%arg14 : memref<!tpu.dma_semaphore, #tpu.memory_space<semaphore_mem>>) src(%dma_wait3A_105 : memref<10000x128xf32, #tpu.memory_space<hbm>>) dst(%arg11 : memref<128x128xf32, #tpu.memory_space<vmem>>)
        %dma_start3A_106 = arith.constant 2 : i32
        %dma_start3A_107 = arith.constant 0 : i32
        %dma_start3A_108 = tpu.memref_slice %arg9[%dma_start3A_106, %dma_start3A_107] : memref<16x128xi32, #tpu.memory_space<vmem>> -> memref<1x128xi32, #tpu.memory_space<vmem>>
        %dma_start3A_109 = tpu.memref_squeeze %dma_start3A_108 : memref<1x128xi32, #tpu.memory_space<vmem>> -> memref<128xi32, #tpu.memory_space<vmem>>
        %dma_start3A_110 = arith.constant 0 : i32
        %dma_start3A_111 = arith.constant 0 : i32
        %dma_start3A_112 = tpu.memref_slice %arg13[%dma_start3A_110, %dma_start3A_111] : memref<10112x128xf32, #tpu.memory_space<vmem_shared>> -> memref<10112x128xf32, #tpu.memory_space<vmem_shared>>
        tpu.enqueue_indirect_dma source(%arg11 : memref<128x128xf32, #tpu.memory_space<vmem>>) target(%dma_start3A_112 : memref<10112x128xf32, #tpu.memory_space<vmem_shared>>) offsets(%dma_start3A_109 : memref<128xi32, #tpu.memory_space<vmem>>) semaphore(%arg16 : memref<!tpu.dma_semaphore, #tpu.memory_space<semaphore_mem>>) {add = true}
        %dma_wait3A_113 = arith.constant 3 : i32
        %dma_wait3A_114 = arith.constant 0 : i32
        %dma_wait3A_115 = tpu.memref_slice %arg9[%dma_wait3A_113, %dma_wait3A_114] : memref<16x128xi32, #tpu.memory_space<vmem>> -> memref<1x128xi32, #tpu.memory_space<vmem>>
        %dma_wait3A_116 = tpu.memref_squeeze %dma_wait3A_115 : memref<1x128xi32, #tpu.memory_space<vmem>> -> memref<128xi32, #tpu.memory_space<vmem>>
        %dma_wait3A_117 = arith.constant 0 : i32
        %dma_wait3A_118 = arith.constant 0 : i32
        %dma_wait3A_119 = tpu.memref_slice %arg13[%dma_wait3A_117, %dma_wait3A_118] : memref<10112x128xf32, #tpu.memory_space<vmem_shared>> -> memref<10112x128xf32, #tpu.memory_space<vmem_shared>>
        tpu.wait_indirect_dma semaphore(%arg17 : memref<!tpu.dma_semaphore, #tpu.memory_space<semaphore_mem>>) src(%arg12 : memref<128x128xf32, #tpu.memory_space<vmem>>) dst(%dma_wait3A_119 : memref<10112x128xf32, #tpu.memory_space<vmem_shared>>)
        %dma_start3A_120 = arith.constant 3 : i32
        %dma_start3A_121 = arith.constant 0 : i32
        %dma_start3A_122 = tpu.memref_slice %arg7[%dma_start3A_120, %dma_start3A_121] : memref<16x128xi32, #tpu.memory_space<vmem>> -> memref<1x128xi32, #tpu.memory_space<vmem>>
        %dma_start3A_123 = tpu.memref_squeeze %dma_start3A_122 : memref<1x128xi32, #tpu.memory_space<vmem>> -> memref<128xi32, #tpu.memory_space<vmem>>
        %dma_start3A_124 = arith.constant 0 : i32
        %dma_start3A_125 = arith.constant 0 : i32
        %dma_start3A_126 = tpu.memref_slice %arg2[%dma_start3A_124, %dma_start3A_125] : memref<10000x128xf32, #tpu.memory_space<hbm>> -> memref<10000x128xf32, #tpu.memory_space<hbm>>
        tpu.enqueue_indirect_dma source(%dma_start3A_126 : memref<10000x128xf32, #tpu.memory_space<hbm>>) target(%arg12 : memref<128x128xf32, #tpu.memory_space<vmem>>) offsets(%dma_start3A_123 : memref<128xi32, #tpu.memory_space<vmem>>) semaphore(%arg15 : memref<!tpu.dma_semaphore, #tpu.memory_space<semaphore_mem>>)
        %dma_wait3A_127 = arith.constant 3 : i32
        %dma_wait3A_128 = arith.constant 0 : i32
        %dma_wait3A_129 = tpu.memref_slice %arg7[%dma_wait3A_127, %dma_wait3A_128] : memref<16x128xi32, #tpu.memory_space<vmem>> -> memref<1x128xi32, #tpu.memory_space<vmem>>
        %dma_wait3A_130 = tpu.memref_squeeze %dma_wait3A_129 : memref<1x128xi32, #tpu.memory_space<vmem>> -> memref<128xi32, #tpu.memory_space<vmem>>
        %dma_wait3A_131 = arith.constant 0 : i32
        %dma_wait3A_132 = arith.constant 0 : i32
        %dma_wait3A_133 = tpu.memref_slice %arg2[%dma_wait3A_131, %dma_wait3A_132] : memref<10000x128xf32, #tpu.memory_space<hbm>> -> memref<10000x128xf32, #tpu.memory_space<hbm>>
        tpu.wait_indirect_dma semaphore(%arg15 : memref<!tpu.dma_semaphore, #tpu.memory_space<semaphore_mem>>) src(%dma_wait3A_133 : memref<10000x128xf32, #tpu.memory_space<hbm>>) dst(%arg12 : memref<128x128xf32, #tpu.memory_space<vmem>>)
        %dma_start3A_134 = arith.constant 3 : i32
        %dma_start3A_135 = arith.constant 0 : i32
        %dma_start3A_136 = tpu.memref_slice %arg9[%dma_start3A_134, %dma_start3A_135] : memref<16x128xi32, #tpu.memory_space<vmem>> -> memref<1x128xi32, #tpu.memory_space<vmem>>
        %dma_start3A_137 = tpu.memref_squeeze %dma_start3A_136 : memref<1x128xi32, #tpu.memory_space<vmem>> -> memref<128xi32, #tpu.memory_space<vmem>>
        %dma_start3A_138 = arith.constant 0 : i32
        %dma_start3A_139 = arith.constant 0 : i32
        %dma_start3A_140 = tpu.memref_slice %arg13[%dma_start3A_138, %dma_start3A_139] : memref<10112x128xf32, #tpu.memory_space<vmem_shared>> -> memref<10112x128xf32, #tpu.memory_space<vmem_shared>>
        tpu.enqueue_indirect_dma source(%arg12 : memref<128x128xf32, #tpu.memory_space<vmem>>) target(%dma_start3A_140 : memref<10112x128xf32, #tpu.memory_space<vmem_shared>>) offsets(%dma_start3A_137 : memref<128xi32, #tpu.memory_space<vmem>>) semaphore(%arg17 : memref<!tpu.dma_semaphore, #tpu.memory_space<semaphore_mem>>) {add = true}
        %dma_wait3A_141 = arith.constant 4 : i32
        %dma_wait3A_142 = arith.constant 0 : i32
        %dma_wait3A_143 = tpu.memref_slice %arg9[%dma_wait3A_141, %dma_wait3A_142] : memref<16x128xi32, #tpu.memory_space<vmem>> -> memref<1x128xi32, #tpu.memory_space<vmem>>
        %dma_wait3A_144 = tpu.memref_squeeze %dma_wait3A_143 : memref<1x128xi32, #tpu.memory_space<vmem>> -> memref<128xi32, #tpu.memory_space<vmem>>
        %dma_wait3A_145 = arith.constant 0 : i32
        %dma_wait3A_146 = arith.constant 0 : i32
        %dma_wait3A_147 = tpu.memref_slice %arg13[%dma_wait3A_145, %dma_wait3A_146] : memref<10112x128xf32, #tpu.memory_space<vmem_shared>> -> memref<10112x128xf32, #tpu.memory_space<vmem_shared>>
        tpu.wait_indirect_dma semaphore(%arg16 : memref<!tpu.dma_semaphore, #tpu.memory_space<semaphore_mem>>) src(%arg11 : memref<128x128xf32, #tpu.memory_space<vmem>>) dst(%dma_wait3A_147 : memref<10112x128xf32, #tpu.memory_space<vmem_shared>>)
        %dma_start3A_148 = arith.constant 4 : i32
        %dma_start3A_149 = arith.constant 0 : i32
        %dma_start3A_150 = tpu.memref_slice %arg7[%dma_start3A_148, %dma_start3A_149] : memref<16x128xi32, #tpu.memory_space<vmem>> -> memref<1x128xi32, #tpu.memory_space<vmem>>
        %dma_start3A_151 = tpu.memref_squeeze %dma_start3A_150 : memref<1x128xi32, #tpu.memory_space<vmem>> -> memref<128xi32, #tpu.memory_space<vmem>>
        %dma_start3A_152 = arith.constant 0 : i32
        %dma_start3A_153 = arith.constant 0 : i32
        %dma_start3A_154 = tpu.memref_slice %arg2[%dma_start3A_152, %dma_start3A_153] : memref<10000x128xf32, #tpu.memory_space<hbm>> -> memref<10000x128xf32, #tpu.memory_space<hbm>>
        tpu.enqueue_indirect_dma source(%dma_start3A_154 : memref<10000x128xf32, #tpu.memory_space<hbm>>) target(%arg11 : memref<128x128xf32, #tpu.memory_space<vmem>>) offsets(%dma_start3A_151 : memref<128xi32, #tpu.memory_space<vmem>>) semaphore(%arg14 : memref<!tpu.dma_semaphore, #tpu.memory_space<semaphore_mem>>)
        %dma_wait3A_155 = arith.constant 4 : i32
        %dma_wait3A_156 = arith.constant 0 : i32
        %dma_wait3A_157 = tpu.memref_slice %arg7[%dma_wait3A_155, %dma_wait3A_156] : memref<16x128xi32, #tpu.memory_space<vmem>> -> memref<1x128xi32, #tpu.memory_space<vmem>>
        %dma_wait3A_158 = tpu.memref_squeeze %dma_wait3A_157 : memref<1x128xi32, #tpu.memory_space<vmem>> -> memref<128xi32, #tpu.memory_space<vmem>>
        %dma_wait3A_159 = arith.constant 0 : i32
        %dma_wait3A_160 = arith.constant 0 : i32
        %dma_wait3A_161 = tpu.memref_slice %arg2[%dma_wait3A_159, %dma_wait3A_160] : memref<10000x128xf32, #tpu.memory_space<hbm>> -> memref<10000x128xf32, #tpu.memory_space<hbm>>
        tpu.wait_indirect_dma semaphore(%arg14 : memref<!tpu.dma_semaphore, #tpu.memory_space<semaphore_mem>>) src(%dma_wait3A_161 : memref<10000x128xf32, #tpu.memory_space<hbm>>) dst(%arg11 : memref<128x128xf32, #tpu.memory_space<vmem>>)
        %dma_start3A_162 = arith.constant 4 : i32
        %dma_start3A_163 = arith.constant 0 : i32
        %dma_start3A_164 = tpu.memref_slice %arg9[%dma_start3A_162, %dma_start3A_163] : memref<16x128xi32, #tpu.memory_space<vmem>> -> memref<1x128xi32, #tpu.memory_space<vmem>>
        %dma_start3A_165 = tpu.memref_squeeze %dma_start3A_164 : memref<1x128xi32, #tpu.memory_space<vmem>> -> memref<128xi32, #tpu.memory_space<vmem>>
        %dma_start3A_166 = arith.constant 0 : i32
        %dma_start3A_167 = arith.constant 0 : i32
        %dma_start3A_168 = tpu.memref_slice %arg13[%dma_start3A_166, %dma_start3A_167] : memref<10112x128xf32, #tpu.memory_space<vmem_shared>> -> memref<10112x128xf32, #tpu.memory_space<vmem_shared>>
        tpu.enqueue_indirect_dma source(%arg11 : memref<128x128xf32, #tpu.memory_space<vmem>>) target(%dma_start3A_168 : memref<10112x128xf32, #tpu.memory_space<vmem_shared>>) offsets(%dma_start3A_165 : memref<128xi32, #tpu.memory_space<vmem>>) semaphore(%arg16 : memref<!tpu.dma_semaphore, #tpu.memory_space<semaphore_mem>>) {add = true}
        %dma_wait3A_169 = arith.constant 5 : i32
        %dma_wait3A_170 = arith.constant 0 : i32
        %dma_wait3A_171 = tpu.memref_slice %arg9[%dma_wait3A_169, %dma_wait3A_170] : memref<16x128xi32, #tpu.memory_space<vmem>> -> memref<1x128xi32, #tpu.memory_space<vmem>>
        %dma_wait3A_172 = tpu.memref_squeeze %dma_wait3A_171 : memref<1x128xi32, #tpu.memory_space<vmem>> -> memref<128xi32, #tpu.memory_space<vmem>>
        %dma_wait3A_173 = arith.constant 0 : i32
        %dma_wait3A_174 = arith.constant 0 : i32
        %dma_wait3A_175 = tpu.memref_slice %arg13[%dma_wait3A_173, %dma_wait3A_174] : memref<10112x128xf32, #tpu.memory_space<vmem_shared>> -> memref<10112x128xf32, #tpu.memory_space<vmem_shared>>
        tpu.wait_indirect_dma semaphore(%arg17 : memref<!tpu.dma_semaphore, #tpu.memory_space<semaphore_mem>>) src(%arg12 : memref<128x128xf32, #tpu.memory_space<vmem>>) dst(%dma_wait3A_175 : memref<10112x128xf32, #tpu.memory_space<vmem_shared>>)
        %dma_start3A_176 = arith.constant 5 : i32
        %dma_start3A_177 = arith.constant 0 : i32
        %dma_start3A_178 = tpu.memref_slice %arg7[%dma_start3A_176, %dma_start3A_177] : memref<16x128xi32, #tpu.memory_space<vmem>> -> memref<1x128xi32, #tpu.memory_space<vmem>>
        %dma_start3A_179 = tpu.memref_squeeze %dma_start3A_178 : memref<1x128xi32, #tpu.memory_space<vmem>> -> memref<128xi32, #tpu.memory_space<vmem>>
        %dma_start3A_180 = arith.constant 0 : i32
        %dma_start3A_181 = arith.constant 0 : i32
        %dma_start3A_182 = tpu.memref_slice %arg2[%dma_start3A_180, %dma_start3A_181] : memref<10000x128xf32, #tpu.memory_space<hbm>> -> memref<10000x128xf32, #tpu.memory_space<hbm>>
        tpu.enqueue_indirect_dma source(%dma_start3A_182 : memref<10000x128xf32, #tpu.memory_space<hbm>>) target(%arg12 : memref<128x128xf32, #tpu.memory_space<vmem>>) offsets(%dma_start3A_179 : memref<128xi32, #tpu.memory_space<vmem>>) semaphore(%arg15 : memref<!tpu.dma_semaphore, #tpu.memory_space<semaphore_mem>>)
        %dma_wait3A_183 = arith.constant 5 : i32
        %dma_wait3A_184 = arith.constant 0 : i32
        %dma_wait3A_185 = tpu.memref_slice %arg7[%dma_wait3A_183, %dma_wait3A_184] : memref<16x128xi32, #tpu.memory_space<vmem>> -> memref<1x128xi32, #tpu.memory_space<vmem>>
        %dma_wait3A_186 = tpu.memref_squeeze %dma_wait3A_185 : memref<1x128xi32, #tpu.memory_space<vmem>> -> memref<128xi32, #tpu.memory_space<vmem>>
        %dma_wait3A_187 = arith.constant 0 : i32
        %dma_wait3A_188 = arith.constant 0 : i32
        %dma_wait3A_189 = tpu.memref_slice %arg2[%dma_wait3A_187, %dma_wait3A_188] : memref<10000x128xf32, #tpu.memory_space<hbm>> -> memref<10000x128xf32, #tpu.memory_space<hbm>>
        tpu.wait_indirect_dma semaphore(%arg15 : memref<!tpu.dma_semaphore, #tpu.memory_space<semaphore_mem>>) src(%dma_wait3A_189 : memref<10000x128xf32, #tpu.memory_space<hbm>>) dst(%arg12 : memref<128x128xf32, #tpu.memory_space<vmem>>)
        %dma_start3A_190 = arith.constant 5 : i32
        %dma_start3A_191 = arith.constant 0 : i32
        %dma_start3A_192 = tpu.memref_slice %arg9[%dma_start3A_190, %dma_start3A_191] : memref<16x128xi32, #tpu.memory_space<vmem>> -> memref<1x128xi32, #tpu.memory_space<vmem>>
        %dma_start3A_193 = tpu.memref_squeeze %dma_start3A_192 : memref<1x128xi32, #tpu.memory_space<vmem>> -> memref<128xi32, #tpu.memory_space<vmem>>
        %dma_start3A_194 = arith.constant 0 : i32
        %dma_start3A_195 = arith.constant 0 : i32
        %dma_start3A_196 = tpu.memref_slice %arg13[%dma_start3A_194, %dma_start3A_195] : memref<10112x128xf32, #tpu.memory_space<vmem_shared>> -> memref<10112x128xf32, #tpu.memory_space<vmem_shared>>
        tpu.enqueue_indirect_dma source(%arg12 : memref<128x128xf32, #tpu.memory_space<vmem>>) target(%dma_start3A_196 : memref<10112x128xf32, #tpu.memory_space<vmem_shared>>) offsets(%dma_start3A_193 : memref<128xi32, #tpu.memory_space<vmem>>) semaphore(%arg17 : memref<!tpu.dma_semaphore, #tpu.memory_space<semaphore_mem>>) {add = true}
        %dma_wait3A_197 = arith.constant 6 : i32
        %dma_wait3A_198 = arith.constant 0 : i32
        %dma_wait3A_199 = tpu.memref_slice %arg9[%dma_wait3A_197, %dma_wait3A_198] : memref<16x128xi32, #tpu.memory_space<vmem>> -> memref<1x128xi32, #tpu.memory_space<vmem>>
        %dma_wait3A_200 = tpu.memref_squeeze %dma_wait3A_199 : memref<1x128xi32, #tpu.memory_space<vmem>> -> memref<128xi32, #tpu.memory_space<vmem>>
        %dma_wait3A_201 = arith.constant 0 : i32
        %dma_wait3A_202 = arith.constant 0 : i32
        %dma_wait3A_203 = tpu.memref_slice %arg13[%dma_wait3A_201, %dma_wait3A_202] : memref<10112x128xf32, #tpu.memory_space<vmem_shared>> -> memref<10112x128xf32, #tpu.memory_space<vmem_shared>>
        tpu.wait_indirect_dma semaphore(%arg16 : memref<!tpu.dma_semaphore, #tpu.memory_space<semaphore_mem>>) src(%arg11 : memref<128x128xf32, #tpu.memory_space<vmem>>) dst(%dma_wait3A_203 : memref<10112x128xf32, #tpu.memory_space<vmem_shared>>)
        %dma_start3A_204 = arith.constant 6 : i32
        %dma_start3A_205 = arith.constant 0 : i32
        %dma_start3A_206 = tpu.memref_slice %arg7[%dma_start3A_204, %dma_start3A_205] : memref<16x128xi32, #tpu.memory_space<vmem>> -> memref<1x128xi32, #tpu.memory_space<vmem>>
        %dma_start3A_207 = tpu.memref_squeeze %dma_start3A_206 : memref<1x128xi32, #tpu.memory_space<vmem>> -> memref<128xi32, #tpu.memory_space<vmem>>
        %dma_start3A_208 = arith.constant 0 : i32
        %dma_start3A_209 = arith.constant 0 : i32
        %dma_start3A_210 = tpu.memref_slice %arg2[%dma_start3A_208, %dma_start3A_209] : memref<10000x128xf32, #tpu.memory_space<hbm>> -> memref<10000x128xf32, #tpu.memory_space<hbm>>
        tpu.enqueue_indirect_dma source(%dma_start3A_210 : memref<10000x128xf32, #tpu.memory_space<hbm>>) target(%arg11 : memref<128x128xf32, #tpu.memory_space<vmem>>) offsets(%dma_start3A_207 : memref<128xi32, #tpu.memory_space<vmem>>) semaphore(%arg14 : memref<!tpu.dma_semaphore, #tpu.memory_space<semaphore_mem>>)
        %dma_wait3A_211 = arith.constant 6 : i32
        %dma_wait3A_212 = arith.constant 0 : i32
        %dma_wait3A_213 = tpu.memref_slice %arg7[%dma_wait3A_211, %dma_wait3A_212] : memref<16x128xi32, #tpu.memory_space<vmem>> -> memref<1x128xi32, #tpu.memory_space<vmem>>
        %dma_wait3A_214 = tpu.memref_squeeze %dma_wait3A_213 : memref<1x128xi32, #tpu.memory_space<vmem>> -> memref<128xi32, #tpu.memory_space<vmem>>
        %dma_wait3A_215 = arith.constant 0 : i32
        %dma_wait3A_216 = arith.constant 0 : i32
        %dma_wait3A_217 = tpu.memref_slice %arg2[%dma_wait3A_215, %dma_wait3A_216] : memref<10000x128xf32, #tpu.memory_space<hbm>> -> memref<10000x128xf32, #tpu.memory_space<hbm>>
        tpu.wait_indirect_dma semaphore(%arg14 : memref<!tpu.dma_semaphore, #tpu.memory_space<semaphore_mem>>) src(%dma_wait3A_217 : memref<10000x128xf32, #tpu.memory_space<hbm>>) dst(%arg11 : memref<128x128xf32, #tpu.memory_space<vmem>>)
        %dma_start3A_218 = arith.constant 6 : i32
        %dma_start3A_219 = arith.constant 0 : i32
        %dma_start3A_220 = tpu.memref_slice %arg9[%dma_start3A_218, %dma_start3A_219] : memref<16x128xi32, #tpu.memory_space<vmem>> -> memref<1x128xi32, #tpu.memory_space<vmem>>
        %dma_start3A_221 = tpu.memref_squeeze %dma_start3A_220 : memref<1x128xi32, #tpu.memory_space<vmem>> -> memref<128xi32, #tpu.memory_space<vmem>>
        %dma_start3A_222 = arith.constant 0 : i32
        %dma_start3A_223 = arith.constant 0 : i32
        %dma_start3A_224 = tpu.memref_slice %arg13[%dma_start3A_222, %dma_start3A_223] : memref<10112x128xf32, #tpu.memory_space<vmem_shared>> -> memref<10112x128xf32, #tpu.memory_space<vmem_shared>>
        tpu.enqueue_indirect_dma source(%arg11 : memref<128x128xf32, #tpu.memory_space<vmem>>) target(%dma_start3A_224 : memref<10112x128xf32, #tpu.memory_space<vmem_shared>>) offsets(%dma_start3A_221 : memref<128xi32, #tpu.memory_space<vmem>>) semaphore(%arg16 : memref<!tpu.dma_semaphore, #tpu.memory_space<semaphore_mem>>) {add = true}
        %dma_wait3A_225 = arith.constant 7 : i32
        %dma_wait3A_226 = arith.constant 0 : i32
        %dma_wait3A_227 = tpu.memref_slice %arg9[%dma_wait3A_225, %dma_wait3A_226] : memref<16x128xi32, #tpu.memory_space<vmem>> -> memref<1x128xi32, #tpu.memory_space<vmem>>
        %dma_wait3A_228 = tpu.memref_squeeze %dma_wait3A_227 : memref<1x128xi32, #tpu.memory_space<vmem>> -> memref<128xi32, #tpu.memory_space<vmem>>
        %dma_wait3A_229 = arith.constant 0 : i32
        %dma_wait3A_230 = arith.constant 0 : i32
        %dma_wait3A_231 = tpu.memref_slice %arg13[%dma_wait3A_229, %dma_wait3A_230] : memref<10112x128xf32, #tpu.memory_space<vmem_shared>> -> memref<10112x128xf32, #tpu.memory_space<vmem_shared>>
        tpu.wait_indirect_dma semaphore(%arg17 : memref<!tpu.dma_semaphore, #tpu.memory_space<semaphore_mem>>) src(%arg12 : memref<128x128xf32, #tpu.memory_space<vmem>>) dst(%dma_wait3A_231 : memref<10112x128xf32, #tpu.memory_space<vmem_shared>>)
        %dma_start3A_232 = arith.constant 7 : i32
        %dma_start3A_233 = arith.constant 0 : i32
        %dma_start3A_234 = tpu.memref_slice %arg7[%dma_start3A_232, %dma_start3A_233] : memref<16x128xi32, #tpu.memory_space<vmem>> -> memref<1x128xi32, #tpu.memory_space<vmem>>
        %dma_start3A_235 = tpu.memref_squeeze %dma_start3A_234 : memref<1x128xi32, #tpu.memory_space<vmem>> -> memref<128xi32, #tpu.memory_space<vmem>>
        %dma_start3A_236 = arith.constant 0 : i32
        %dma_start3A_237 = arith.constant 0 : i32
        %dma_start3A_238 = tpu.memref_slice %arg2[%dma_start3A_236, %dma_start3A_237] : memref<10000x128xf32, #tpu.memory_space<hbm>> -> memref<10000x128xf32, #tpu.memory_space<hbm>>
        tpu.enqueue_indirect_dma source(%dma_start3A_238 : memref<10000x128xf32, #tpu.memory_space<hbm>>) target(%arg12 : memref<128x128xf32, #tpu.memory_space<vmem>>) offsets(%dma_start3A_235 : memref<128xi32, #tpu.memory_space<vmem>>) semaphore(%arg15 : memref<!tpu.dma_semaphore, #tpu.memory_space<semaphore_mem>>)
        %dma_wait3A_239 = arith.constant 7 : i32
        %dma_wait3A_240 = arith.constant 0 : i32
        %dma_wait3A_241 = tpu.memref_slice %arg7[%dma_wait3A_239, %dma_wait3A_240] : memref<16x128xi32, #tpu.memory_space<vmem>> -> memref<1x128xi32, #tpu.memory_space<vmem>>
        %dma_wait3A_242 = tpu.memref_squeeze %dma_wait3A_241 : memref<1x128xi32, #tpu.memory_space<vmem>> -> memref<128xi32, #tpu.memory_space<vmem>>
        %dma_wait3A_243 = arith.constant 0 : i32
        %dma_wait3A_244 = arith.constant 0 : i32
        %dma_wait3A_245 = tpu.memref_slice %arg2[%dma_wait3A_243, %dma_wait3A_244] : memref<10000x128xf32, #tpu.memory_space<hbm>> -> memref<10000x128xf32, #tpu.memory_space<hbm>>
        tpu.wait_indirect_dma semaphore(%arg15 : memref<!tpu.dma_semaphore, #tpu.memory_space<semaphore_mem>>) src(%dma_wait3A_245 : memref<10000x128xf32, #tpu.memory_space<hbm>>) dst(%arg12 : memref<128x128xf32, #tpu.memory_space<vmem>>)
        %dma_start3A_246 = arith.constant 7 : i32
        %dma_start3A_247 = arith.constant 0 : i32
        %dma_start3A_248 = tpu.memref_slice %arg9[%dma_start3A_246, %dma_start3A_247] : memref<16x128xi32, #tpu.memory_space<vmem>> -> memref<1x128xi32, #tpu.memory_space<vmem>>
        %dma_start3A_249 = tpu.memref_squeeze %dma_start3A_248 : memref<1x128xi32, #tpu.memory_space<vmem>> -> memref<128xi32, #tpu.memory_space<vmem>>
        %dma_start3A_250 = arith.constant 0 : i32
        %dma_start3A_251 = arith.constant 0 : i32
        %dma_start3A_252 = tpu.memref_slice %arg13[%dma_start3A_250, %dma_start3A_251] : memref<10112x128xf32, #tpu.memory_space<vmem_shared>> -> memref<10112x128xf32, #tpu.memory_space<vmem_shared>>
        tpu.enqueue_indirect_dma source(%arg12 : memref<128x128xf32, #tpu.memory_space<vmem>>) target(%dma_start3A_252 : memref<10112x128xf32, #tpu.memory_space<vmem_shared>>) offsets(%dma_start3A_249 : memref<128xi32, #tpu.memory_space<vmem>>) semaphore(%arg17 : memref<!tpu.dma_semaphore, #tpu.memory_space<semaphore_mem>>) {add = true}
        %dma_wait3A_253 = arith.constant 8 : i32
        %dma_wait3A_254 = arith.constant 0 : i32
        %dma_wait3A_255 = tpu.memref_slice %arg9[%dma_wait3A_253, %dma_wait3A_254] : memref<16x128xi32, #tpu.memory_space<vmem>> -> memref<1x128xi32, #tpu.memory_space<vmem>>
        %dma_wait3A_256 = tpu.memref_squeeze %dma_wait3A_255 : memref<1x128xi32, #tpu.memory_space<vmem>> -> memref<128xi32, #tpu.memory_space<vmem>>
        %dma_wait3A_257 = arith.constant 0 : i32
        %dma_wait3A_258 = arith.constant 0 : i32
        %dma_wait3A_259 = tpu.memref_slice %arg13[%dma_wait3A_257, %dma_wait3A_258] : memref<10112x128xf32, #tpu.memory_space<vmem_shared>> -> memref<10112x128xf32, #tpu.memory_space<vmem_shared>>
        tpu.wait_indirect_dma semaphore(%arg16 : memref<!tpu.dma_semaphore, #tpu.memory_space<semaphore_mem>>) src(%arg11 : memref<128x128xf32, #tpu.memory_space<vmem>>) dst(%dma_wait3A_259 : memref<10112x128xf32, #tpu.memory_space<vmem_shared>>)
        %dma_start3A_260 = arith.constant 8 : i32
        %dma_start3A_261 = arith.constant 0 : i32
        %dma_start3A_262 = tpu.memref_slice %arg7[%dma_start3A_260, %dma_start3A_261] : memref<16x128xi32, #tpu.memory_space<vmem>> -> memref<1x128xi32, #tpu.memory_space<vmem>>
        %dma_start3A_263 = tpu.memref_squeeze %dma_start3A_262 : memref<1x128xi32, #tpu.memory_space<vmem>> -> memref<128xi32, #tpu.memory_space<vmem>>
        %dma_start3A_264 = arith.constant 0 : i32
        %dma_start3A_265 = arith.constant 0 : i32
        %dma_start3A_266 = tpu.memref_slice %arg2[%dma_start3A_264, %dma_start3A_265] : memref<10000x128xf32, #tpu.memory_space<hbm>> -> memref<10000x128xf32, #tpu.memory_space<hbm>>
        tpu.enqueue_indirect_dma source(%dma_start3A_266 : memref<10000x128xf32, #tpu.memory_space<hbm>>) target(%arg11 : memref<128x128xf32, #tpu.memory_space<vmem>>) offsets(%dma_start3A_263 : memref<128xi32, #tpu.memory_space<vmem>>) semaphore(%arg14 : memref<!tpu.dma_semaphore, #tpu.memory_space<semaphore_mem>>)
        %dma_wait3A_267 = arith.constant 8 : i32
        %dma_wait3A_268 = arith.constant 0 : i32
        %dma_wait3A_269 = tpu.memref_slice %arg7[%dma_wait3A_267, %dma_wait3A_268] : memref<16x128xi32, #tpu.memory_space<vmem>> -> memref<1x128xi32, #tpu.memory_space<vmem>>
        %dma_wait3A_270 = tpu.memref_squeeze %dma_wait3A_269 : memref<1x128xi32, #tpu.memory_space<vmem>> -> memref<128xi32, #tpu.memory_space<vmem>>
        %dma_wait3A_271 = arith.constant 0 : i32
        %dma_wait3A_272 = arith.constant 0 : i32
        %dma_wait3A_273 = tpu.memref_slice %arg2[%dma_wait3A_271, %dma_wait3A_272] : memref<10000x128xf32, #tpu.memory_space<hbm>> -> memref<10000x128xf32, #tpu.memory_space<hbm>>
        tpu.wait_indirect_dma semaphore(%arg14 : memref<!tpu.dma_semaphore, #tpu.memory_space<semaphore_mem>>) src(%dma_wait3A_273 : memref<10000x128xf32, #tpu.memory_space<hbm>>) dst(%arg11 : memref<128x128xf32, #tpu.memory_space<vmem>>)
        %dma_start3A_274 = arith.constant 8 : i32
        %dma_start3A_275 = arith.constant 0 : i32
        %dma_start3A_276 = tpu.memref_slice %arg9[%dma_start3A_274, %dma_start3A_275] : memref<16x128xi32, #tpu.memory_space<vmem>> -> memref<1x128xi32, #tpu.memory_space<vmem>>
        %dma_start3A_277 = tpu.memref_squeeze %dma_start3A_276 : memref<1x128xi32, #tpu.memory_space<vmem>> -> memref<128xi32, #tpu.memory_space<vmem>>
        %dma_start3A_278 = arith.constant 0 : i32
        %dma_start3A_279 = arith.constant 0 : i32
        %dma_start3A_280 = tpu.memref_slice %arg13[%dma_start3A_278, %dma_start3A_279] : memref<10112x128xf32, #tpu.memory_space<vmem_shared>> -> memref<10112x128xf32, #tpu.memory_space<vmem_shared>>
        tpu.enqueue_indirect_dma source(%arg11 : memref<128x128xf32, #tpu.memory_space<vmem>>) target(%dma_start3A_280 : memref<10112x128xf32, #tpu.memory_space<vmem_shared>>) offsets(%dma_start3A_277 : memref<128xi32, #tpu.memory_space<vmem>>) semaphore(%arg16 : memref<!tpu.dma_semaphore, #tpu.memory_space<semaphore_mem>>) {add = true}
        %dma_wait3A_281 = arith.constant 9 : i32
        %dma_wait3A_282 = arith.constant 0 : i32
        %dma_wait3A_283 = tpu.memref_slice %arg9[%dma_wait3A_281, %dma_wait3A_282] : memref<16x128xi32, #tpu.memory_space<vmem>> -> memref<1x128xi32, #tpu.memory_space<vmem>>
        %dma_wait3A_284 = tpu.memref_squeeze %dma_wait3A_283 : memref<1x128xi32, #tpu.memory_space<vmem>> -> memref<128xi32, #tpu.memory_space<vmem>>
        %dma_wait3A_285 = arith.constant 0 : i32
        %dma_wait3A_286 = arith.constant 0 : i32
        %dma_wait3A_287 = tpu.memref_slice %arg13[%dma_wait3A_285, %dma_wait3A_286] : memref<10112x128xf32, #tpu.memory_space<vmem_shared>> -> memref<10112x128xf32, #tpu.memory_space<vmem_shared>>
        tpu.wait_indirect_dma semaphore(%arg17 : memref<!tpu.dma_semaphore, #tpu.memory_space<semaphore_mem>>) src(%arg12 : memref<128x128xf32, #tpu.memory_space<vmem>>) dst(%dma_wait3A_287 : memref<10112x128xf32, #tpu.memory_space<vmem_shared>>)
        %dma_start3A_288 = arith.constant 9 : i32
        %dma_start3A_289 = arith.constant 0 : i32
        %dma_start3A_290 = tpu.memref_slice %arg7[%dma_start3A_288, %dma_start3A_289] : memref<16x128xi32, #tpu.memory_space<vmem>> -> memref<1x128xi32, #tpu.memory_space<vmem>>
        %dma_start3A_291 = tpu.memref_squeeze %dma_start3A_290 : memref<1x128xi32, #tpu.memory_space<vmem>> -> memref<128xi32, #tpu.memory_space<vmem>>
        %dma_start3A_292 = arith.constant 0 : i32
        %dma_start3A_293 = arith.constant 0 : i32
        %dma_start3A_294 = tpu.memref_slice %arg2[%dma_start3A_292, %dma_start3A_293] : memref<10000x128xf32, #tpu.memory_space<hbm>> -> memref<10000x128xf32, #tpu.memory_space<hbm>>
        tpu.enqueue_indirect_dma source(%dma_start3A_294 : memref<10000x128xf32, #tpu.memory_space<hbm>>) target(%arg12 : memref<128x128xf32, #tpu.memory_space<vmem>>) offsets(%dma_start3A_291 : memref<128xi32, #tpu.memory_space<vmem>>) semaphore(%arg15 : memref<!tpu.dma_semaphore, #tpu.memory_space<semaphore_mem>>)
        %dma_wait3A_295 = arith.constant 9 : i32
        %dma_wait3A_296 = arith.constant 0 : i32
        %dma_wait3A_297 = tpu.memref_slice %arg7[%dma_wait3A_295, %dma_wait3A_296] : memref<16x128xi32, #tpu.memory_space<vmem>> -> memref<1x128xi32, #tpu.memory_space<vmem>>
        %dma_wait3A_298 = tpu.memref_squeeze %dma_wait3A_297 : memref<1x128xi32, #tpu.memory_space<vmem>> -> memref<128xi32, #tpu.memory_space<vmem>>
        %dma_wait3A_299 = arith.constant 0 : i32
        %dma_wait3A_300 = arith.constant 0 : i32
        %dma_wait3A_301 = tpu.memref_slice %arg2[%dma_wait3A_299, %dma_wait3A_300] : memref<10000x128xf32, #tpu.memory_space<hbm>> -> memref<10000x128xf32, #tpu.memory_space<hbm>>
        tpu.wait_indirect_dma semaphore(%arg15 : memref<!tpu.dma_semaphore, #tpu.memory_space<semaphore_mem>>) src(%dma_wait3A_301 : memref<10000x128xf32, #tpu.memory_space<hbm>>) dst(%arg12 : memref<128x128xf32, #tpu.memory_space<vmem>>)
        %dma_start3A_302 = arith.constant 9 : i32
        %dma_start3A_303 = arith.constant 0 : i32
        %dma_start3A_304 = tpu.memref_slice %arg9[%dma_start3A_302, %dma_start3A_303] : memref<16x128xi32, #tpu.memory_space<vmem>> -> memref<1x128xi32, #tpu.memory_space<vmem>>
        %dma_start3A_305 = tpu.memref_squeeze %dma_start3A_304 : memref<1x128xi32, #tpu.memory_space<vmem>> -> memref<128xi32, #tpu.memory_space<vmem>>
        %dma_start3A_306 = arith.constant 0 : i32
        %dma_start3A_307 = arith.constant 0 : i32
        %dma_start3A_308 = tpu.memref_slice %arg13[%dma_start3A_306, %dma_start3A_307] : memref<10112x128xf32, #tpu.memory_space<vmem_shared>> -> memref<10112x128xf32, #tpu.memory_space<vmem_shared>>
        tpu.enqueue_indirect_dma source(%arg12 : memref<128x128xf32, #tpu.memory_space<vmem>>) target(%dma_start3A_308 : memref<10112x128xf32, #tpu.memory_space<vmem_shared>>) offsets(%dma_start3A_305 : memref<128xi32, #tpu.memory_space<vmem>>) semaphore(%arg17 : memref<!tpu.dma_semaphore, #tpu.memory_space<semaphore_mem>>) {add = true}
        %dma_wait3A_309 = arith.constant 10 : i32
        %dma_wait3A_310 = arith.constant 0 : i32
        %dma_wait3A_311 = tpu.memref_slice %arg9[%dma_wait3A_309, %dma_wait3A_310] : memref<16x128xi32, #tpu.memory_space<vmem>> -> memref<1x128xi32, #tpu.memory_space<vmem>>
        %dma_wait3A_312 = tpu.memref_squeeze %dma_wait3A_311 : memref<1x128xi32, #tpu.memory_space<vmem>> -> memref<128xi32, #tpu.memory_space<vmem>>
        %dma_wait3A_313 = arith.constant 0 : i32
        %dma_wait3A_314 = arith.constant 0 : i32
        %dma_wait3A_315 = tpu.memref_slice %arg13[%dma_wait3A_313, %dma_wait3A_314] : memref<10112x128xf32, #tpu.memory_space<vmem_shared>> -> memref<10112x128xf32, #tpu.memory_space<vmem_shared>>
        tpu.wait_indirect_dma semaphore(%arg16 : memref<!tpu.dma_semaphore, #tpu.memory_space<semaphore_mem>>) src(%arg11 : memref<128x128xf32, #tpu.memory_space<vmem>>) dst(%dma_wait3A_315 : memref<10112x128xf32, #tpu.memory_space<vmem_shared>>)
        %dma_start3A_316 = arith.constant 10 : i32
        %dma_start3A_317 = arith.constant 0 : i32
        %dma_start3A_318 = tpu.memref_slice %arg7[%dma_start3A_316, %dma_start3A_317] : memref<16x128xi32, #tpu.memory_space<vmem>> -> memref<1x128xi32, #tpu.memory_space<vmem>>
        %dma_start3A_319 = tpu.memref_squeeze %dma_start3A_318 : memref<1x128xi32, #tpu.memory_space<vmem>> -> memref<128xi32, #tpu.memory_space<vmem>>
        %dma_start3A_320 = arith.constant 0 : i32
        %dma_start3A_321 = arith.constant 0 : i32
        %dma_start3A_322 = tpu.memref_slice %arg2[%dma_start3A_320, %dma_start3A_321] : memref<10000x128xf32, #tpu.memory_space<hbm>> -> memref<10000x128xf32, #tpu.memory_space<hbm>>
        tpu.enqueue_indirect_dma source(%dma_start3A_322 : memref<10000x128xf32, #tpu.memory_space<hbm>>) target(%arg11 : memref<128x128xf32, #tpu.memory_space<vmem>>) offsets(%dma_start3A_319 : memref<128xi32, #tpu.memory_space<vmem>>) semaphore(%arg14 : memref<!tpu.dma_semaphore, #tpu.memory_space<semaphore_mem>>)
        %dma_wait3A_323 = arith.constant 10 : i32
        %dma_wait3A_324 = arith.constant 0 : i32
        %dma_wait3A_325 = tpu.memref_slice %arg7[%dma_wait3A_323, %dma_wait3A_324] : memref<16x128xi32, #tpu.memory_space<vmem>> -> memref<1x128xi32, #tpu.memory_space<vmem>>
        %dma_wait3A_326 = tpu.memref_squeeze %dma_wait3A_325 : memref<1x128xi32, #tpu.memory_space<vmem>> -> memref<128xi32, #tpu.memory_space<vmem>>
        %dma_wait3A_327 = arith.constant 0 : i32
        %dma_wait3A_328 = arith.constant 0 : i32
        %dma_wait3A_329 = tpu.memref_slice %arg2[%dma_wait3A_327, %dma_wait3A_328] : memref<10000x128xf32, #tpu.memory_space<hbm>> -> memref<10000x128xf32, #tpu.memory_space<hbm>>
        tpu.wait_indirect_dma semaphore(%arg14 : memref<!tpu.dma_semaphore, #tpu.memory_space<semaphore_mem>>) src(%dma_wait3A_329 : memref<10000x128xf32, #tpu.memory_space<hbm>>) dst(%arg11 : memref<128x128xf32, #tpu.memory_space<vmem>>)
        %dma_start3A_330 = arith.constant 10 : i32
        %dma_start3A_331 = arith.constant 0 : i32
        %dma_start3A_332 = tpu.memref_slice %arg9[%dma_start3A_330, %dma_start3A_331] : memref<16x128xi32, #tpu.memory_space<vmem>> -> memref<1x128xi32, #tpu.memory_space<vmem>>
        %dma_start3A_333 = tpu.memref_squeeze %dma_start3A_332 : memref<1x128xi32, #tpu.memory_space<vmem>> -> memref<128xi32, #tpu.memory_space<vmem>>
        %dma_start3A_334 = arith.constant 0 : i32
        %dma_start3A_335 = arith.constant 0 : i32
        %dma_start3A_336 = tpu.memref_slice %arg13[%dma_start3A_334, %dma_start3A_335] : memref<10112x128xf32, #tpu.memory_space<vmem_shared>> -> memref<10112x128xf32, #tpu.memory_space<vmem_shared>>
        tpu.enqueue_indirect_dma source(%arg11 : memref<128x128xf32, #tpu.memory_space<vmem>>) target(%dma_start3A_336 : memref<10112x128xf32, #tpu.memory_space<vmem_shared>>) offsets(%dma_start3A_333 : memref<128xi32, #tpu.memory_space<vmem>>) semaphore(%arg16 : memref<!tpu.dma_semaphore, #tpu.memory_space<semaphore_mem>>) {add = true}
        %dma_wait3A_337 = arith.constant 11 : i32
        %dma_wait3A_338 = arith.constant 0 : i32
        %dma_wait3A_339 = tpu.memref_slice %arg9[%dma_wait3A_337, %dma_wait3A_338] : memref<16x128xi32, #tpu.memory_space<vmem>> -> memref<1x128xi32, #tpu.memory_space<vmem>>
        %dma_wait3A_340 = tpu.memref_squeeze %dma_wait3A_339 : memref<1x128xi32, #tpu.memory_space<vmem>> -> memref<128xi32, #tpu.memory_space<vmem>>
        %dma_wait3A_341 = arith.constant 0 : i32
        %dma_wait3A_342 = arith.constant 0 : i32
        %dma_wait3A_343 = tpu.memref_slice %arg13[%dma_wait3A_341, %dma_wait3A_342] : memref<10112x128xf32, #tpu.memory_space<vmem_shared>> -> memref<10112x128xf32, #tpu.memory_space<vmem_shared>>
        tpu.wait_indirect_dma semaphore(%arg17 : memref<!tpu.dma_semaphore, #tpu.memory_space<semaphore_mem>>) src(%arg12 : memref<128x128xf32, #tpu.memory_space<vmem>>) dst(%dma_wait3A_343 : memref<10112x128xf32, #tpu.memory_space<vmem_shared>>)
        %dma_start3A_344 = arith.constant 11 : i32
        %dma_start3A_345 = arith.constant 0 : i32
        %dma_start3A_346 = tpu.memref_slice %arg7[%dma_start3A_344, %dma_start3A_345] : memref<16x128xi32, #tpu.memory_space<vmem>> -> memref<1x128xi32, #tpu.memory_space<vmem>>
        %dma_start3A_347 = tpu.memref_squeeze %dma_start3A_346 : memref<1x128xi32, #tpu.memory_space<vmem>> -> memref<128xi32, #tpu.memory_space<vmem>>
        %dma_start3A_348 = arith.constant 0 : i32
        %dma_start3A_349 = arith.constant 0 : i32
        %dma_start3A_350 = tpu.memref_slice %arg2[%dma_start3A_348, %dma_start3A_349] : memref<10000x128xf32, #tpu.memory_space<hbm>> -> memref<10000x128xf32, #tpu.memory_space<hbm>>
        tpu.enqueue_indirect_dma source(%dma_start3A_350 : memref<10000x128xf32, #tpu.memory_space<hbm>>) target(%arg12 : memref<128x128xf32, #tpu.memory_space<vmem>>) offsets(%dma_start3A_347 : memref<128xi32, #tpu.memory_space<vmem>>) semaphore(%arg15 : memref<!tpu.dma_semaphore, #tpu.memory_space<semaphore_mem>>)
        %dma_wait3A_351 = arith.constant 11 : i32
        %dma_wait3A_352 = arith.constant 0 : i32
        %dma_wait3A_353 = tpu.memref_slice %arg7[%dma_wait3A_351, %dma_wait3A_352] : memref<16x128xi32, #tpu.memory_space<vmem>> -> memref<1x128xi32, #tpu.memory_space<vmem>>
        %dma_wait3A_354 = tpu.memref_squeeze %dma_wait3A_353 : memref<1x128xi32, #tpu.memory_space<vmem>> -> memref<128xi32, #tpu.memory_space<vmem>>
        %dma_wait3A_355 = arith.constant 0 : i32
        %dma_wait3A_356 = arith.constant 0 : i32
        %dma_wait3A_357 = tpu.memref_slice %arg2[%dma_wait3A_355, %dma_wait3A_356] : memref<10000x128xf32, #tpu.memory_space<hbm>> -> memref<10000x128xf32, #tpu.memory_space<hbm>>
        tpu.wait_indirect_dma semaphore(%arg15 : memref<!tpu.dma_semaphore, #tpu.memory_space<semaphore_mem>>) src(%dma_wait3A_357 : memref<10000x128xf32, #tpu.memory_space<hbm>>) dst(%arg12 : memref<128x128xf32, #tpu.memory_space<vmem>>)
        %dma_start3A_358 = arith.constant 11 : i32
        %dma_start3A_359 = arith.constant 0 : i32
        %dma_start3A_360 = tpu.memref_slice %arg9[%dma_start3A_358, %dma_start3A_359] : memref<16x128xi32, #tpu.memory_space<vmem>> -> memref<1x128xi32, #tpu.memory_space<vmem>>
        %dma_start3A_361 = tpu.memref_squeeze %dma_start3A_360 : memref<1x128xi32, #tpu.memory_space<vmem>> -> memref<128xi32, #tpu.memory_space<vmem>>
        %dma_start3A_362 = arith.constant 0 : i32
        %dma_start3A_363 = arith.constant 0 : i32
        %dma_start3A_364 = tpu.memref_slice %arg13[%dma_start3A_362, %dma_start3A_363] : memref<10112x128xf32, #tpu.memory_space<vmem_shared>> -> memref<10112x128xf32, #tpu.memory_space<vmem_shared>>
        tpu.enqueue_indirect_dma source(%arg12 : memref<128x128xf32, #tpu.memory_space<vmem>>) target(%dma_start3A_364 : memref<10112x128xf32, #tpu.memory_space<vmem_shared>>) offsets(%dma_start3A_361 : memref<128xi32, #tpu.memory_space<vmem>>) semaphore(%arg17 : memref<!tpu.dma_semaphore, #tpu.memory_space<semaphore_mem>>) {add = true}
        %dma_wait3A_365 = arith.constant 12 : i32
        %dma_wait3A_366 = arith.constant 0 : i32
        %dma_wait3A_367 = tpu.memref_slice %arg9[%dma_wait3A_365, %dma_wait3A_366] : memref<16x128xi32, #tpu.memory_space<vmem>> -> memref<1x128xi32, #tpu.memory_space<vmem>>
        %dma_wait3A_368 = tpu.memref_squeeze %dma_wait3A_367 : memref<1x128xi32, #tpu.memory_space<vmem>> -> memref<128xi32, #tpu.memory_space<vmem>>
        %dma_wait3A_369 = arith.constant 0 : i32
        %dma_wait3A_370 = arith.constant 0 : i32
        %dma_wait3A_371 = tpu.memref_slice %arg13[%dma_wait3A_369, %dma_wait3A_370] : memref<10112x128xf32, #tpu.memory_space<vmem_shared>> -> memref<10112x128xf32, #tpu.memory_space<vmem_shared>>
        tpu.wait_indirect_dma semaphore(%arg16 : memref<!tpu.dma_semaphore, #tpu.memory_space<semaphore_mem>>) src(%arg11 : memref<128x128xf32, #tpu.memory_space<vmem>>) dst(%dma_wait3A_371 : memref<10112x128xf32, #tpu.memory_space<vmem_shared>>)
        %dma_start3A_372 = arith.constant 12 : i32
        %dma_start3A_373 = arith.constant 0 : i32
        %dma_start3A_374 = tpu.memref_slice %arg7[%dma_start3A_372, %dma_start3A_373] : memref<16x128xi32, #tpu.memory_space<vmem>> -> memref<1x128xi32, #tpu.memory_space<vmem>>
        %dma_start3A_375 = tpu.memref_squeeze %dma_start3A_374 : memref<1x128xi32, #tpu.memory_space<vmem>> -> memref<128xi32, #tpu.memory_space<vmem>>
        %dma_start3A_376 = arith.constant 0 : i32
        %dma_start3A_377 = arith.constant 0 : i32
        %dma_start3A_378 = tpu.memref_slice %arg2[%dma_start3A_376, %dma_start3A_377] : memref<10000x128xf32, #tpu.memory_space<hbm>> -> memref<10000x128xf32, #tpu.memory_space<hbm>>
        tpu.enqueue_indirect_dma source(%dma_start3A_378 : memref<10000x128xf32, #tpu.memory_space<hbm>>) target(%arg11 : memref<128x128xf32, #tpu.memory_space<vmem>>) offsets(%dma_start3A_375 : memref<128xi32, #tpu.memory_space<vmem>>) semaphore(%arg14 : memref<!tpu.dma_semaphore, #tpu.memory_space<semaphore_mem>>)
        %dma_wait3A_379 = arith.constant 12 : i32
        %dma_wait3A_380 = arith.constant 0 : i32
        %dma_wait3A_381 = tpu.memref_slice %arg7[%dma_wait3A_379, %dma_wait3A_380] : memref<16x128xi32, #tpu.memory_space<vmem>> -> memref<1x128xi32, #tpu.memory_space<vmem>>
        %dma_wait3A_382 = tpu.memref_squeeze %dma_wait3A_381 : memref<1x128xi32, #tpu.memory_space<vmem>> -> memref<128xi32, #tpu.memory_space<vmem>>
        %dma_wait3A_383 = arith.constant 0 : i32
        %dma_wait3A_384 = arith.constant 0 : i32
        %dma_wait3A_385 = tpu.memref_slice %arg2[%dma_wait3A_383, %dma_wait3A_384] : memref<10000x128xf32, #tpu.memory_space<hbm>> -> memref<10000x128xf32, #tpu.memory_space<hbm>>
        tpu.wait_indirect_dma semaphore(%arg14 : memref<!tpu.dma_semaphore, #tpu.memory_space<semaphore_mem>>) src(%dma_wait3A_385 : memref<10000x128xf32, #tpu.memory_space<hbm>>) dst(%arg11 : memref<128x128xf32, #tpu.memory_space<vmem>>)
        %dma_start3A_386 = arith.constant 12 : i32
        %dma_start3A_387 = arith.constant 0 : i32
        %dma_start3A_388 = tpu.memref_slice %arg9[%dma_start3A_386, %dma_start3A_387] : memref<16x128xi32, #tpu.memory_space<vmem>> -> memref<1x128xi32, #tpu.memory_space<vmem>>
        %dma_start3A_389 = tpu.memref_squeeze %dma_start3A_388 : memref<1x128xi32, #tpu.memory_space<vmem>> -> memref<128xi32, #tpu.memory_space<vmem>>
        %dma_start3A_390 = arith.constant 0 : i32
        %dma_start3A_391 = arith.constant 0 : i32
        %dma_start3A_392 = tpu.memref_slice %arg13[%dma_start3A_390, %dma_start3A_391] : memref<10112x128xf32, #tpu.memory_space<vmem_shared>> -> memref<10112x128xf32, #tpu.memory_space<vmem_shared>>
        tpu.enqueue_indirect_dma source(%arg11 : memref<128x128xf32, #tpu.memory_space<vmem>>) target(%dma_start3A_392 : memref<10112x128xf32, #tpu.memory_space<vmem_shared>>) offsets(%dma_start3A_389 : memref<128xi32, #tpu.memory_space<vmem>>) semaphore(%arg16 : memref<!tpu.dma_semaphore, #tpu.memory_space<semaphore_mem>>) {add = true}
        %dma_wait3A_393 = arith.constant 13 : i32
        %dma_wait3A_394 = arith.constant 0 : i32
        %dma_wait3A_395 = tpu.memref_slice %arg9[%dma_wait3A_393, %dma_wait3A_394] : memref<16x128xi32, #tpu.memory_space<vmem>> -> memref<1x128xi32, #tpu.memory_space<vmem>>
        %dma_wait3A_396 = tpu.memref_squeeze %dma_wait3A_395 : memref<1x128xi32, #tpu.memory_space<vmem>> -> memref<128xi32, #tpu.memory_space<vmem>>
        %dma_wait3A_397 = arith.constant 0 : i32
        %dma_wait3A_398 = arith.constant 0 : i32
        %dma_wait3A_399 = tpu.memref_slice %arg13[%dma_wait3A_397, %dma_wait3A_398] : memref<10112x128xf32, #tpu.memory_space<vmem_shared>> -> memref<10112x128xf32, #tpu.memory_space<vmem_shared>>
        tpu.wait_indirect_dma semaphore(%arg17 : memref<!tpu.dma_semaphore, #tpu.memory_space<semaphore_mem>>) src(%arg12 : memref<128x128xf32, #tpu.memory_space<vmem>>) dst(%dma_wait3A_399 : memref<10112x128xf32, #tpu.memory_space<vmem_shared>>)
        %dma_start3A_400 = arith.constant 13 : i32
        %dma_start3A_401 = arith.constant 0 : i32
        %dma_start3A_402 = tpu.memref_slice %arg7[%dma_start3A_400, %dma_start3A_401] : memref<16x128xi32, #tpu.memory_space<vmem>> -> memref<1x128xi32, #tpu.memory_space<vmem>>
        %dma_start3A_403 = tpu.memref_squeeze %dma_start3A_402 : memref<1x128xi32, #tpu.memory_space<vmem>> -> memref<128xi32, #tpu.memory_space<vmem>>
        %dma_start3A_404 = arith.constant 0 : i32
        %dma_start3A_405 = arith.constant 0 : i32
        %dma_start3A_406 = tpu.memref_slice %arg2[%dma_start3A_404, %dma_start3A_405] : memref<10000x128xf32, #tpu.memory_space<hbm>> -> memref<10000x128xf32, #tpu.memory_space<hbm>>
        tpu.enqueue_indirect_dma source(%dma_start3A_406 : memref<10000x128xf32, #tpu.memory_space<hbm>>) target(%arg12 : memref<128x128xf32, #tpu.memory_space<vmem>>) offsets(%dma_start3A_403 : memref<128xi32, #tpu.memory_space<vmem>>) semaphore(%arg15 : memref<!tpu.dma_semaphore, #tpu.memory_space<semaphore_mem>>)
        %dma_wait3A_407 = arith.constant 13 : i32
        %dma_wait3A_408 = arith.constant 0 : i32
        %dma_wait3A_409 = tpu.memref_slice %arg7[%dma_wait3A_407, %dma_wait3A_408] : memref<16x128xi32, #tpu.memory_space<vmem>> -> memref<1x128xi32, #tpu.memory_space<vmem>>
        %dma_wait3A_410 = tpu.memref_squeeze %dma_wait3A_409 : memref<1x128xi32, #tpu.memory_space<vmem>> -> memref<128xi32, #tpu.memory_space<vmem>>
        %dma_wait3A_411 = arith.constant 0 : i32
        %dma_wait3A_412 = arith.constant 0 : i32
        %dma_wait3A_413 = tpu.memref_slice %arg2[%dma_wait3A_411, %dma_wait3A_412] : memref<10000x128xf32, #tpu.memory_space<hbm>> -> memref<10000x128xf32, #tpu.memory_space<hbm>>
        tpu.wait_indirect_dma semaphore(%arg15 : memref<!tpu.dma_semaphore, #tpu.memory_space<semaphore_mem>>) src(%dma_wait3A_413 : memref<10000x128xf32, #tpu.memory_space<hbm>>) dst(%arg12 : memref<128x128xf32, #tpu.memory_space<vmem>>)
        %dma_start3A_414 = arith.constant 13 : i32
        %dma_start3A_415 = arith.constant 0 : i32
        %dma_start3A_416 = tpu.memref_slice %arg9[%dma_start3A_414, %dma_start3A_415] : memref<16x128xi32, #tpu.memory_space<vmem>> -> memref<1x128xi32, #tpu.memory_space<vmem>>
        %dma_start3A_417 = tpu.memref_squeeze %dma_start3A_416 : memref<1x128xi32, #tpu.memory_space<vmem>> -> memref<128xi32, #tpu.memory_space<vmem>>
        %dma_start3A_418 = arith.constant 0 : i32
        %dma_start3A_419 = arith.constant 0 : i32
        %dma_start3A_420 = tpu.memref_slice %arg13[%dma_start3A_418, %dma_start3A_419] : memref<10112x128xf32, #tpu.memory_space<vmem_shared>> -> memref<10112x128xf32, #tpu.memory_space<vmem_shared>>
        tpu.enqueue_indirect_dma source(%arg12 : memref<128x128xf32, #tpu.memory_space<vmem>>) target(%dma_start3A_420 : memref<10112x128xf32, #tpu.memory_space<vmem_shared>>) offsets(%dma_start3A_417 : memref<128xi32, #tpu.memory_space<vmem>>) semaphore(%arg17 : memref<!tpu.dma_semaphore, #tpu.memory_space<semaphore_mem>>) {add = true}
        %dma_wait3A_421 = arith.constant 14 : i32
        %dma_wait3A_422 = arith.constant 0 : i32
        %dma_wait3A_423 = tpu.memref_slice %arg9[%dma_wait3A_421, %dma_wait3A_422] : memref<16x128xi32, #tpu.memory_space<vmem>> -> memref<1x128xi32, #tpu.memory_space<vmem>>
        %dma_wait3A_424 = tpu.memref_squeeze %dma_wait3A_423 : memref<1x128xi32, #tpu.memory_space<vmem>> -> memref<128xi32, #tpu.memory_space<vmem>>
        %dma_wait3A_425 = arith.constant 0 : i32
        %dma_wait3A_426 = arith.constant 0 : i32
        %dma_wait3A_427 = tpu.memref_slice %arg13[%dma_wait3A_425, %dma_wait3A_426] : memref<10112x128xf32, #tpu.memory_space<vmem_shared>> -> memref<10112x128xf32, #tpu.memory_space<vmem_shared>>
        tpu.wait_indirect_dma semaphore(%arg16 : memref<!tpu.dma_semaphore, #tpu.memory_space<semaphore_mem>>) src(%arg11 : memref<128x128xf32, #tpu.memory_space<vmem>>) dst(%dma_wait3A_427 : memref<10112x128xf32, #tpu.memory_space<vmem_shared>>)
        %dma_start3A_428 = arith.constant 14 : i32
        %dma_start3A_429 = arith.constant 0 : i32
        %dma_start3A_430 = tpu.memref_slice %arg7[%dma_start3A_428, %dma_start3A_429] : memref<16x128xi32, #tpu.memory_space<vmem>> -> memref<1x128xi32, #tpu.memory_space<vmem>>
        %dma_start3A_431 = tpu.memref_squeeze %dma_start3A_430 : memref<1x128xi32, #tpu.memory_space<vmem>> -> memref<128xi32, #tpu.memory_space<vmem>>
        %dma_start3A_432 = arith.constant 0 : i32
        %dma_start3A_433 = arith.constant 0 : i32
        %dma_start3A_434 = tpu.memref_slice %arg2[%dma_start3A_432, %dma_start3A_433] : memref<10000x128xf32, #tpu.memory_space<hbm>> -> memref<10000x128xf32, #tpu.memory_space<hbm>>
        tpu.enqueue_indirect_dma source(%dma_start3A_434 : memref<10000x128xf32, #tpu.memory_space<hbm>>) target(%arg11 : memref<128x128xf32, #tpu.memory_space<vmem>>) offsets(%dma_start3A_431 : memref<128xi32, #tpu.memory_space<vmem>>) semaphore(%arg14 : memref<!tpu.dma_semaphore, #tpu.memory_space<semaphore_mem>>)
        %dma_wait3A_435 = arith.constant 14 : i32
        %dma_wait3A_436 = arith.constant 0 : i32
        %dma_wait3A_437 = tpu.memref_slice %arg7[%dma_wait3A_435, %dma_wait3A_436] : memref<16x128xi32, #tpu.memory_space<vmem>> -> memref<1x128xi32, #tpu.memory_space<vmem>>
        %dma_wait3A_438 = tpu.memref_squeeze %dma_wait3A_437 : memref<1x128xi32, #tpu.memory_space<vmem>> -> memref<128xi32, #tpu.memory_space<vmem>>
        %dma_wait3A_439 = arith.constant 0 : i32
        %dma_wait3A_440 = arith.constant 0 : i32
        %dma_wait3A_441 = tpu.memref_slice %arg2[%dma_wait3A_439, %dma_wait3A_440] : memref<10000x128xf32, #tpu.memory_space<hbm>> -> memref<10000x128xf32, #tpu.memory_space<hbm>>
        tpu.wait_indirect_dma semaphore(%arg14 : memref<!tpu.dma_semaphore, #tpu.memory_space<semaphore_mem>>) src(%dma_wait3A_441 : memref<10000x128xf32, #tpu.memory_space<hbm>>) dst(%arg11 : memref<128x128xf32, #tpu.memory_space<vmem>>)
        %dma_start3A_442 = arith.constant 14 : i32
        %dma_start3A_443 = arith.constant 0 : i32
        %dma_start3A_444 = tpu.memref_slice %arg9[%dma_start3A_442, %dma_start3A_443] : memref<16x128xi32, #tpu.memory_space<vmem>> -> memref<1x128xi32, #tpu.memory_space<vmem>>
        %dma_start3A_445 = tpu.memref_squeeze %dma_start3A_444 : memref<1x128xi32, #tpu.memory_space<vmem>> -> memref<128xi32, #tpu.memory_space<vmem>>
        %dma_start3A_446 = arith.constant 0 : i32
        %dma_start3A_447 = arith.constant 0 : i32
        %dma_start3A_448 = tpu.memref_slice %arg13[%dma_start3A_446, %dma_start3A_447] : memref<10112x128xf32, #tpu.memory_space<vmem_shared>> -> memref<10112x128xf32, #tpu.memory_space<vmem_shared>>
        tpu.enqueue_indirect_dma source(%arg11 : memref<128x128xf32, #tpu.memory_space<vmem>>) target(%dma_start3A_448 : memref<10112x128xf32, #tpu.memory_space<vmem_shared>>) offsets(%dma_start3A_445 : memref<128xi32, #tpu.memory_space<vmem>>) semaphore(%arg16 : memref<!tpu.dma_semaphore, #tpu.memory_space<semaphore_mem>>) {add = true}
        %dma_wait3A_449 = arith.constant 15 : i32
        %dma_wait3A_450 = arith.constant 0 : i32
        %dma_wait3A_451 = tpu.memref_slice %arg9[%dma_wait3A_449, %dma_wait3A_450] : memref<16x128xi32, #tpu.memory_space<vmem>> -> memref<1x128xi32, #tpu.memory_space<vmem>>
        %dma_wait3A_452 = tpu.memref_squeeze %dma_wait3A_451 : memref<1x128xi32, #tpu.memory_space<vmem>> -> memref<128xi32, #tpu.memory_space<vmem>>
        %dma_wait3A_453 = arith.constant 0 : i32
        %dma_wait3A_454 = arith.constant 0 : i32
        %dma_wait3A_455 = tpu.memref_slice %arg13[%dma_wait3A_453, %dma_wait3A_454] : memref<10112x128xf32, #tpu.memory_space<vmem_shared>> -> memref<10112x128xf32, #tpu.memory_space<vmem_shared>>
        tpu.wait_indirect_dma semaphore(%arg17 : memref<!tpu.dma_semaphore, #tpu.memory_space<semaphore_mem>>) src(%arg12 : memref<128x128xf32, #tpu.memory_space<vmem>>) dst(%dma_wait3A_455 : memref<10112x128xf32, #tpu.memory_space<vmem_shared>>)
        %dma_start3A_456 = arith.constant 15 : i32
        %dma_start3A_457 = arith.constant 0 : i32
        %dma_start3A_458 = tpu.memref_slice %arg7[%dma_start3A_456, %dma_start3A_457] : memref<16x128xi32, #tpu.memory_space<vmem>> -> memref<1x128xi32, #tpu.memory_space<vmem>>
        %dma_start3A_459 = tpu.memref_squeeze %dma_start3A_458 : memref<1x128xi32, #tpu.memory_space<vmem>> -> memref<128xi32, #tpu.memory_space<vmem>>
        %dma_start3A_460 = arith.constant 0 : i32
        %dma_start3A_461 = arith.constant 0 : i32
        %dma_start3A_462 = tpu.memref_slice %arg2[%dma_start3A_460, %dma_start3A_461] : memref<10000x128xf32, #tpu.memory_space<hbm>> -> memref<10000x128xf32, #tpu.memory_space<hbm>>
        tpu.enqueue_indirect_dma source(%dma_start3A_462 : memref<10000x128xf32, #tpu.memory_space<hbm>>) target(%arg12 : memref<128x128xf32, #tpu.memory_space<vmem>>) offsets(%dma_start3A_459 : memref<128xi32, #tpu.memory_space<vmem>>) semaphore(%arg15 : memref<!tpu.dma_semaphore, #tpu.memory_space<semaphore_mem>>)
        %dma_wait3A_463 = arith.constant 15 : i32
        %dma_wait3A_464 = arith.constant 0 : i32
        %dma_wait3A_465 = tpu.memref_slice %arg7[%dma_wait3A_463, %dma_wait3A_464] : memref<16x128xi32, #tpu.memory_space<vmem>> -> memref<1x128xi32, #tpu.memory_space<vmem>>
        %dma_wait3A_466 = tpu.memref_squeeze %dma_wait3A_465 : memref<1x128xi32, #tpu.memory_space<vmem>> -> memref<128xi32, #tpu.memory_space<vmem>>
        %dma_wait3A_467 = arith.constant 0 : i32
        %dma_wait3A_468 = arith.constant 0 : i32
        %dma_wait3A_469 = tpu.memref_slice %arg2[%dma_wait3A_467, %dma_wait3A_468] : memref<10000x128xf32, #tpu.memory_space<hbm>> -> memref<10000x128xf32, #tpu.memory_space<hbm>>
        tpu.wait_indirect_dma semaphore(%arg15 : memref<!tpu.dma_semaphore, #tpu.memory_space<semaphore_mem>>) src(%dma_wait3A_469 : memref<10000x128xf32, #tpu.memory_space<hbm>>) dst(%arg12 : memref<128x128xf32, #tpu.memory_space<vmem>>)
        %dma_start3A_470 = arith.constant 15 : i32
        %dma_start3A_471 = arith.constant 0 : i32
        %dma_start3A_472 = tpu.memref_slice %arg9[%dma_start3A_470, %dma_start3A_471] : memref<16x128xi32, #tpu.memory_space<vmem>> -> memref<1x128xi32, #tpu.memory_space<vmem>>
        %dma_start3A_473 = tpu.memref_squeeze %dma_start3A_472 : memref<1x128xi32, #tpu.memory_space<vmem>> -> memref<128xi32, #tpu.memory_space<vmem>>
        %dma_start3A_474 = arith.constant 0 : i32
        %dma_start3A_475 = arith.constant 0 : i32
        %dma_start3A_476 = tpu.memref_slice %arg13[%dma_start3A_474, %dma_start3A_475] : memref<10112x128xf32, #tpu.memory_space<vmem_shared>> -> memref<10112x128xf32, #tpu.memory_space<vmem_shared>>
        tpu.enqueue_indirect_dma source(%arg12 : memref<128x128xf32, #tpu.memory_space<vmem>>) target(%dma_start3A_476 : memref<10112x128xf32, #tpu.memory_space<vmem_shared>>) offsets(%dma_start3A_473 : memref<128xi32, #tpu.memory_space<vmem>>) semaphore(%arg17 : memref<!tpu.dma_semaphore, #tpu.memory_space<semaphore_mem>>) {add = true}
        %mul3A_477 = arith.constant 160 : i32
        %mul3A_478 = arith.muli %arg1, %mul3A_477 : i32
        %mul3A_479 = arith.constant 2 : i32
        %mul3A_480 = arith.muli %mul3A_479, %scan3A_26 : i32
        %add3A_481 = arith.constant 1 : i32
        %add3A_482 = arith.addi %mul3A_480, %add3A_481 : i32
        %mul3A_483 = arith.constant 16 : i32
        %mul3A_484 = arith.muli %add3A_482, %mul3A_483 : i32
        %add3A_485 = arith.addi %mul3A_478, %mul3A_484 : i32
        "tpu.region"() ({
          %run_scoped3A = tpu.sem_alloc : memref<!tpu.dma_semaphore, #tpu.memory_space<semaphore_mem>>
          %dma_start3A_934 = arith.constant 0 : i32
          %dma_start3A_935 = tpu.memref_slice %arg3[%add3A_485, %dma_start3A_934] : memref<2560x128xi32, #tpu.memory_space<hbm>> -> memref<16x128xi32, #tpu.memory_space<hbm>>
          %dma_start3A_936 = arith.constant 0 : i32
          %dma_start3A_937 = tpu.memref_slice %arg3[%add3A_485, %dma_start3A_936] : memref<2560x128xi32, #tpu.memory_space<hbm>> -> memref<16x128xi32, #tpu.memory_space<hbm>>
          tpu.enqueue_dma source(%dma_start3A_937 : memref<16x128xi32, #tpu.memory_space<hbm>>) target(%arg8 : memref<16x128xi32, #tpu.memory_space<vmem>>) target_semaphore(%run_scoped3A : memref<!tpu.dma_semaphore, #tpu.memory_space<semaphore_mem>>)
          %dma_wait3A_938 = arith.constant 0 : i32
          %dma_wait3A_939 = tpu.memref_slice %arg3[%add3A_485, %dma_wait3A_938] : memref<2560x128xi32, #tpu.memory_space<hbm>> -> memref<16x128xi32, #tpu.memory_space<hbm>>
          %dma_wait3A_940 = arith.constant 0 : i32
          %dma_wait3A_941 = tpu.memref_slice %arg3[%add3A_485, %dma_wait3A_940] : memref<2560x128xi32, #tpu.memory_space<hbm>> -> memref<16x128xi32, #tpu.memory_space<hbm>>
          tpu.wait_dma2 semaphore(%run_scoped3A : memref<!tpu.dma_semaphore, #tpu.memory_space<semaphore_mem>>) src(%dma_wait3A_941 : memref<16x128xi32, #tpu.memory_space<hbm>>) dst(%arg8 : memref<16x128xi32, #tpu.memory_space<vmem>>)
          tpu.yield
        }) : () -> ()
        "tpu.region"() ({
          %run_scoped3A = tpu.sem_alloc : memref<!tpu.dma_semaphore, #tpu.memory_space<semaphore_mem>>
          %dma_start3A_934 = arith.constant 0 : i32
          %dma_start3A_935 = tpu.memref_slice %arg4[%add3A_485, %dma_start3A_934] : memref<2560x128xi32, #tpu.memory_space<hbm>> -> memref<16x128xi32, #tpu.memory_space<hbm>>
          %dma_start3A_936 = arith.constant 0 : i32
          %dma_start3A_937 = tpu.memref_slice %arg4[%add3A_485, %dma_start3A_936] : memref<2560x128xi32, #tpu.memory_space<hbm>> -> memref<16x128xi32, #tpu.memory_space<hbm>>
          tpu.enqueue_dma source(%dma_start3A_937 : memref<16x128xi32, #tpu.memory_space<hbm>>) target(%arg10 : memref<16x128xi32, #tpu.memory_space<vmem>>) target_semaphore(%run_scoped3A : memref<!tpu.dma_semaphore, #tpu.memory_space<semaphore_mem>>)
          %dma_wait3A_938 = arith.constant 0 : i32
          %dma_wait3A_939 = tpu.memref_slice %arg4[%add3A_485, %dma_wait3A_938] : memref<2560x128xi32, #tpu.memory_space<hbm>> -> memref<16x128xi32, #tpu.memory_space<hbm>>
          %dma_wait3A_940 = arith.constant 0 : i32
          %dma_wait3A_941 = tpu.memref_slice %arg4[%add3A_485, %dma_wait3A_940] : memref<2560x128xi32, #tpu.memory_space<hbm>> -> memref<16x128xi32, #tpu.memory_space<hbm>>
          tpu.wait_dma2 semaphore(%run_scoped3A : memref<!tpu.dma_semaphore, #tpu.memory_space<semaphore_mem>>) src(%dma_wait3A_941 : memref<16x128xi32, #tpu.memory_space<hbm>>) dst(%arg10 : memref<16x128xi32, #tpu.memory_space<vmem>>)
          tpu.yield
        }) : () -> ()
        %dma_wait3A_486 = arith.constant 0 : i32
        %dma_wait3A_487 = arith.constant 0 : i32
        %dma_wait3A_488 = tpu.memref_slice %arg10[%dma_wait3A_486, %dma_wait3A_487] : memref<16x128xi32, #tpu.memory_space<vmem>> -> memref<1x128xi32, #tpu.memory_space<vmem>>
        %dma_wait3A_489 = tpu.memref_squeeze %dma_wait3A_488 : memref<1x128xi32, #tpu.memory_space<vmem>> -> memref<128xi32, #tpu.memory_space<vmem>>
        %dma_wait3A_490 = arith.constant 0 : i32
        %dma_wait3A_491 = arith.constant 0 : i32
        %dma_wait3A_492 = tpu.memref_slice %arg13[%dma_wait3A_490, %dma_wait3A_491] : memref<10112x128xf32, #tpu.memory_space<vmem_shared>> -> memref<10112x128xf32, #tpu.memory_space<vmem_shared>>
        tpu.wait_indirect_dma semaphore(%arg16 : memref<!tpu.dma_semaphore, #tpu.memory_space<semaphore_mem>>) src(%arg11 : memref<128x128xf32, #tpu.memory_space<vmem>>) dst(%dma_wait3A_492 : memref<10112x128xf32, #tpu.memory_space<vmem_shared>>)
        %dma_start3A_493 = arith.constant 0 : i32
        %dma_start3A_494 = arith.constant 0 : i32
        %dma_start3A_495 = tpu.memref_slice %arg8[%dma_start3A_493, %dma_start3A_494] : memref<16x128xi32, #tpu.memory_space<vmem>> -> memref<1x128xi32, #tpu.memory_space<vmem>>
        %dma_start3A_496 = tpu.memref_squeeze %dma_start3A_495 : memref<1x128xi32, #tpu.memory_space<vmem>> -> memref<128xi32, #tpu.memory_space<vmem>>
        %dma_start3A_497 = arith.constant 0 : i32
        %dma_start3A_498 = arith.constant 0 : i32
        %dma_start3A_499 = tpu.memref_slice %arg2[%dma_start3A_497, %dma_start3A_498] : memref<10000x128xf32, #tpu.memory_space<hbm>> -> memref<10000x128xf32, #tpu.memory_space<hbm>>
        tpu.enqueue_indirect_dma source(%dma_start3A_499 : memref<10000x128xf32, #tpu.memory_space<hbm>>) target(%arg11 : memref<128x128xf32, #tpu.memory_space<vmem>>) offsets(%dma_start3A_496 : memref<128xi32, #tpu.memory_space<vmem>>) semaphore(%arg14 : memref<!tpu.dma_semaphore, #tpu.memory_space<semaphore_mem>>)
        %dma_wait3A_500 = arith.constant 0 : i32
        %dma_wait3A_501 = arith.constant 0 : i32
        %dma_wait3A_502 = tpu.memref_slice %arg8[%dma_wait3A_500, %dma_wait3A_501] : memref<16x128xi32, #tpu.memory_space<vmem>> -> memref<1x128xi32, #tpu.memory_space<vmem>>
        %dma_wait3A_503 = tpu.memref_squeeze %dma_wait3A_502 : memref<1x128xi32, #tpu.memory_space<vmem>> -> memref<128xi32, #tpu.memory_space<vmem>>
        %dma_wait3A_504 = arith.constant 0 : i32
        %dma_wait3A_505 = arith.constant 0 : i32
        %dma_wait3A_506 = tpu.memref_slice %arg2[%dma_wait3A_504, %dma_wait3A_505] : memref<10000x128xf32, #tpu.memory_space<hbm>> -> memref<10000x128xf32, #tpu.memory_space<hbm>>
        tpu.wait_indirect_dma semaphore(%arg14 : memref<!tpu.dma_semaphore, #tpu.memory_space<semaphore_mem>>) src(%dma_wait3A_506 : memref<10000x128xf32, #tpu.memory_space<hbm>>) dst(%arg11 : memref<128x128xf32, #tpu.memory_space<vmem>>)
        %dma_start3A_507 = arith.constant 0 : i32
        %dma_start3A_508 = arith.constant 0 : i32
        %dma_start3A_509 = tpu.memref_slice %arg10[%dma_start3A_507, %dma_start3A_508] : memref<16x128xi32, #tpu.memory_space<vmem>> -> memref<1x128xi32, #tpu.memory_space<vmem>>
        %dma_start3A_510 = tpu.memref_squeeze %dma_start3A_509 : memref<1x128xi32, #tpu.memory_space<vmem>> -> memref<128xi32, #tpu.memory_space<vmem>>
        %dma_start3A_511 = arith.constant 0 : i32
        %dma_start3A_512 = arith.constant 0 : i32
        %dma_start3A_513 = tpu.memref_slice %arg13[%dma_start3A_511, %dma_start3A_512] : memref<10112x128xf32, #tpu.memory_space<vmem_shared>> -> memref<10112x128xf32, #tpu.memory_space<vmem_shared>>
        tpu.enqueue_indirect_dma source(%arg11 : memref<128x128xf32, #tpu.memory_space<vmem>>) target(%dma_start3A_513 : memref<10112x128xf32, #tpu.memory_space<vmem_shared>>) offsets(%dma_start3A_510 : memref<128xi32, #tpu.memory_space<vmem>>) semaphore(%arg16 : memref<!tpu.dma_semaphore, #tpu.memory_space<semaphore_mem>>) {add = true}
        %dma_wait3A_514 = arith.constant 1 : i32
        %dma_wait3A_515 = arith.constant 0 : i32
        %dma_wait3A_516 = tpu.memref_slice %arg10[%dma_wait3A_514, %dma_wait3A_515] : memref<16x128xi32, #tpu.memory_space<vmem>> -> memref<1x128xi32, #tpu.memory_space<vmem>>
        %dma_wait3A_517 = tpu.memref_squeeze %dma_wait3A_516 : memref<1x128xi32, #tpu.memory_space<vmem>> -> memref<128xi32, #tpu.memory_space<vmem>>
        %dma_wait3A_518 = arith.constant 0 : i32
        %dma_wait3A_519 = arith.constant 0 : i32
        %dma_wait3A_520 = tpu.memref_slice %arg13[%dma_wait3A_518, %dma_wait3A_519] : memref<10112x128xf32, #tpu.memory_space<vmem_shared>> -> memref<10112x128xf32, #tpu.memory_space<vmem_shared>>
        tpu.wait_indirect_dma semaphore(%arg17 : memref<!tpu.dma_semaphore, #tpu.memory_space<semaphore_mem>>) src(%arg12 : memref<128x128xf32, #tpu.memory_space<vmem>>) dst(%dma_wait3A_520 : memref<10112x128xf32, #tpu.memory_space<vmem_shared>>)
        %dma_start3A_521 = arith.constant 1 : i32
        %dma_start3A_522 = arith.constant 0 : i32
        %dma_start3A_523 = tpu.memref_slice %arg8[%dma_start3A_521, %dma_start3A_522] : memref<16x128xi32, #tpu.memory_space<vmem>> -> memref<1x128xi32, #tpu.memory_space<vmem>>
        %dma_start3A_524 = tpu.memref_squeeze %dma_start3A_523 : memref<1x128xi32, #tpu.memory_space<vmem>> -> memref<128xi32, #tpu.memory_space<vmem>>
        %dma_start3A_525 = arith.constant 0 : i32
        %dma_start3A_526 = arith.constant 0 : i32
        %dma_start3A_527 = tpu.memref_slice %arg2[%dma_start3A_525, %dma_start3A_526] : memref<10000x128xf32, #tpu.memory_space<hbm>> -> memref<10000x128xf32, #tpu.memory_space<hbm>>
        tpu.enqueue_indirect_dma source(%dma_start3A_527 : memref<10000x128xf32, #tpu.memory_space<hbm>>) target(%arg12 : memref<128x128xf32, #tpu.memory_space<vmem>>) offsets(%dma_start3A_524 : memref<128xi32, #tpu.memory_space<vmem>>) semaphore(%arg15 : memref<!tpu.dma_semaphore, #tpu.memory_space<semaphore_mem>>)
        %dma_wait3A_528 = arith.constant 1 : i32
        %dma_wait3A_529 = arith.constant 0 : i32
        %dma_wait3A_530 = tpu.memref_slice %arg8[%dma_wait3A_528, %dma_wait3A_529] : memref<16x128xi32, #tpu.memory_space<vmem>> -> memref<1x128xi32, #tpu.memory_space<vmem>>
        %dma_wait3A_531 = tpu.memref_squeeze %dma_wait3A_530 : memref<1x128xi32, #tpu.memory_space<vmem>> -> memref<128xi32, #tpu.memory_space<vmem>>
        %dma_wait3A_532 = arith.constant 0 : i32
        %dma_wait3A_533 = arith.constant 0 : i32
        %dma_wait3A_534 = tpu.memref_slice %arg2[%dma_wait3A_532, %dma_wait3A_533] : memref<10000x128xf32, #tpu.memory_space<hbm>> -> memref<10000x128xf32, #tpu.memory_space<hbm>>
        tpu.wait_indirect_dma semaphore(%arg15 : memref<!tpu.dma_semaphore, #tpu.memory_space<semaphore_mem>>) src(%dma_wait3A_534 : memref<10000x128xf32, #tpu.memory_space<hbm>>) dst(%arg12 : memref<128x128xf32, #tpu.memory_space<vmem>>)
        %dma_start3A_535 = arith.constant 1 : i32
        %dma_start3A_536 = arith.constant 0 : i32
        %dma_start3A_537 = tpu.memref_slice %arg10[%dma_start3A_535, %dma_start3A_536] : memref<16x128xi32, #tpu.memory_space<vmem>> -> memref<1x128xi32, #tpu.memory_space<vmem>>
        %dma_start3A_538 = tpu.memref_squeeze %dma_start3A_537 : memref<1x128xi32, #tpu.memory_space<vmem>> -> memref<128xi32, #tpu.memory_space<vmem>>
        %dma_start3A_539 = arith.constant 0 : i32
        %dma_start3A_540 = arith.constant 0 : i32
        %dma_start3A_541 = tpu.memref_slice %arg13[%dma_start3A_539, %dma_start3A_540] : memref<10112x128xf32, #tpu.memory_space<vmem_shared>> -> memref<10112x128xf32, #tpu.memory_space<vmem_shared>>
        tpu.enqueue_indirect_dma source(%arg12 : memref<128x128xf32, #tpu.memory_space<vmem>>) target(%dma_start3A_541 : memref<10112x128xf32, #tpu.memory_space<vmem_shared>>) offsets(%dma_start3A_538 : memref<128xi32, #tpu.memory_space<vmem>>) semaphore(%arg17 : memref<!tpu.dma_semaphore, #tpu.memory_space<semaphore_mem>>) {add = true}
        %dma_wait3A_542 = arith.constant 2 : i32
        %dma_wait3A_543 = arith.constant 0 : i32
        %dma_wait3A_544 = tpu.memref_slice %arg10[%dma_wait3A_542, %dma_wait3A_543] : memref<16x128xi32, #tpu.memory_space<vmem>> -> memref<1x128xi32, #tpu.memory_space<vmem>>
        %dma_wait3A_545 = tpu.memref_squeeze %dma_wait3A_544 : memref<1x128xi32, #tpu.memory_space<vmem>> -> memref<128xi32, #tpu.memory_space<vmem>>
        %dma_wait3A_546 = arith.constant 0 : i32
        %dma_wait3A_547 = arith.constant 0 : i32
        %dma_wait3A_548 = tpu.memref_slice %arg13[%dma_wait3A_546, %dma_wait3A_547] : memref<10112x128xf32, #tpu.memory_space<vmem_shared>> -> memref<10112x128xf32, #tpu.memory_space<vmem_shared>>
        tpu.wait_indirect_dma semaphore(%arg16 : memref<!tpu.dma_semaphore, #tpu.memory_space<semaphore_mem>>) src(%arg11 : memref<128x128xf32, #tpu.memory_space<vmem>>) dst(%dma_wait3A_548 : memref<10112x128xf32, #tpu.memory_space<vmem_shared>>)
        %dma_start3A_549 = arith.constant 2 : i32
        %dma_start3A_550 = arith.constant 0 : i32
        %dma_start3A_551 = tpu.memref_slice %arg8[%dma_start3A_549, %dma_start3A_550] : memref<16x128xi32, #tpu.memory_space<vmem>> -> memref<1x128xi32, #tpu.memory_space<vmem>>
        %dma_start3A_552 = tpu.memref_squeeze %dma_start3A_551 : memref<1x128xi32, #tpu.memory_space<vmem>> -> memref<128xi32, #tpu.memory_space<vmem>>
        %dma_start3A_553 = arith.constant 0 : i32
        %dma_start3A_554 = arith.constant 0 : i32
        %dma_start3A_555 = tpu.memref_slice %arg2[%dma_start3A_553, %dma_start3A_554] : memref<10000x128xf32, #tpu.memory_space<hbm>> -> memref<10000x128xf32, #tpu.memory_space<hbm>>
        tpu.enqueue_indirect_dma source(%dma_start3A_555 : memref<10000x128xf32, #tpu.memory_space<hbm>>) target(%arg11 : memref<128x128xf32, #tpu.memory_space<vmem>>) offsets(%dma_start3A_552 : memref<128xi32, #tpu.memory_space<vmem>>) semaphore(%arg14 : memref<!tpu.dma_semaphore, #tpu.memory_space<semaphore_mem>>)
        %dma_wait3A_556 = arith.constant 2 : i32
        %dma_wait3A_557 = arith.constant 0 : i32
        %dma_wait3A_558 = tpu.memref_slice %arg8[%dma_wait3A_556, %dma_wait3A_557] : memref<16x128xi32, #tpu.memory_space<vmem>> -> memref<1x128xi32, #tpu.memory_space<vmem>>
        %dma_wait3A_559 = tpu.memref_squeeze %dma_wait3A_558 : memref<1x128xi32, #tpu.memory_space<vmem>> -> memref<128xi32, #tpu.memory_space<vmem>>
        %dma_wait3A_560 = arith.constant 0 : i32
        %dma_wait3A_561 = arith.constant 0 : i32
        %dma_wait3A_562 = tpu.memref_slice %arg2[%dma_wait3A_560, %dma_wait3A_561] : memref<10000x128xf32, #tpu.memory_space<hbm>> -> memref<10000x128xf32, #tpu.memory_space<hbm>>
        tpu.wait_indirect_dma semaphore(%arg14 : memref<!tpu.dma_semaphore, #tpu.memory_space<semaphore_mem>>) src(%dma_wait3A_562 : memref<10000x128xf32, #tpu.memory_space<hbm>>) dst(%arg11 : memref<128x128xf32, #tpu.memory_space<vmem>>)
        %dma_start3A_563 = arith.constant 2 : i32
        %dma_start3A_564 = arith.constant 0 : i32
        %dma_start3A_565 = tpu.memref_slice %arg10[%dma_start3A_563, %dma_start3A_564] : memref<16x128xi32, #tpu.memory_space<vmem>> -> memref<1x128xi32, #tpu.memory_space<vmem>>
        %dma_start3A_566 = tpu.memref_squeeze %dma_start3A_565 : memref<1x128xi32, #tpu.memory_space<vmem>> -> memref<128xi32, #tpu.memory_space<vmem>>
        %dma_start3A_567 = arith.constant 0 : i32
        %dma_start3A_568 = arith.constant 0 : i32
        %dma_start3A_569 = tpu.memref_slice %arg13[%dma_start3A_567, %dma_start3A_568] : memref<10112x128xf32, #tpu.memory_space<vmem_shared>> -> memref<10112x128xf32, #tpu.memory_space<vmem_shared>>
        tpu.enqueue_indirect_dma source(%arg11 : memref<128x128xf32, #tpu.memory_space<vmem>>) target(%dma_start3A_569 : memref<10112x128xf32, #tpu.memory_space<vmem_shared>>) offsets(%dma_start3A_566 : memref<128xi32, #tpu.memory_space<vmem>>) semaphore(%arg16 : memref<!tpu.dma_semaphore, #tpu.memory_space<semaphore_mem>>) {add = true}
        %dma_wait3A_570 = arith.constant 3 : i32
        %dma_wait3A_571 = arith.constant 0 : i32
        %dma_wait3A_572 = tpu.memref_slice %arg10[%dma_wait3A_570, %dma_wait3A_571] : memref<16x128xi32, #tpu.memory_space<vmem>> -> memref<1x128xi32, #tpu.memory_space<vmem>>
        %dma_wait3A_573 = tpu.memref_squeeze %dma_wait3A_572 : memref<1x128xi32, #tpu.memory_space<vmem>> -> memref<128xi32, #tpu.memory_space<vmem>>
        %dma_wait3A_574 = arith.constant 0 : i32
        %dma_wait3A_575 = arith.constant 0 : i32
        %dma_wait3A_576 = tpu.memref_slice %arg13[%dma_wait3A_574, %dma_wait3A_575] : memref<10112x128xf32, #tpu.memory_space<vmem_shared>> -> memref<10112x128xf32, #tpu.memory_space<vmem_shared>>
        tpu.wait_indirect_dma semaphore(%arg17 : memref<!tpu.dma_semaphore, #tpu.memory_space<semaphore_mem>>) src(%arg12 : memref<128x128xf32, #tpu.memory_space<vmem>>) dst(%dma_wait3A_576 : memref<10112x128xf32, #tpu.memory_space<vmem_shared>>)
        %dma_start3A_577 = arith.constant 3 : i32
        %dma_start3A_578 = arith.constant 0 : i32
        %dma_start3A_579 = tpu.memref_slice %arg8[%dma_start3A_577, %dma_start3A_578] : memref<16x128xi32, #tpu.memory_space<vmem>> -> memref<1x128xi32, #tpu.memory_space<vmem>>
        %dma_start3A_580 = tpu.memref_squeeze %dma_start3A_579 : memref<1x128xi32, #tpu.memory_space<vmem>> -> memref<128xi32, #tpu.memory_space<vmem>>
        %dma_start3A_581 = arith.constant 0 : i32
        %dma_start3A_582 = arith.constant 0 : i32
        %dma_start3A_583 = tpu.memref_slice %arg2[%dma_start3A_581, %dma_start3A_582] : memref<10000x128xf32, #tpu.memory_space<hbm>> -> memref<10000x128xf32, #tpu.memory_space<hbm>>
        tpu.enqueue_indirect_dma source(%dma_start3A_583 : memref<10000x128xf32, #tpu.memory_space<hbm>>) target(%arg12 : memref<128x128xf32, #tpu.memory_space<vmem>>) offsets(%dma_start3A_580 : memref<128xi32, #tpu.memory_space<vmem>>) semaphore(%arg15 : memref<!tpu.dma_semaphore, #tpu.memory_space<semaphore_mem>>)
        %dma_wait3A_584 = arith.constant 3 : i32
        %dma_wait3A_585 = arith.constant 0 : i32
        %dma_wait3A_586 = tpu.memref_slice %arg8[%dma_wait3A_584, %dma_wait3A_585] : memref<16x128xi32, #tpu.memory_space<vmem>> -> memref<1x128xi32, #tpu.memory_space<vmem>>
        %dma_wait3A_587 = tpu.memref_squeeze %dma_wait3A_586 : memref<1x128xi32, #tpu.memory_space<vmem>> -> memref<128xi32, #tpu.memory_space<vmem>>
        %dma_wait3A_588 = arith.constant 0 : i32
        %dma_wait3A_589 = arith.constant 0 : i32
        %dma_wait3A_590 = tpu.memref_slice %arg2[%dma_wait3A_588, %dma_wait3A_589] : memref<10000x128xf32, #tpu.memory_space<hbm>> -> memref<10000x128xf32, #tpu.memory_space<hbm>>
        tpu.wait_indirect_dma semaphore(%arg15 : memref<!tpu.dma_semaphore, #tpu.memory_space<semaphore_mem>>) src(%dma_wait3A_590 : memref<10000x128xf32, #tpu.memory_space<hbm>>) dst(%arg12 : memref<128x128xf32, #tpu.memory_space<vmem>>)
        %dma_start3A_591 = arith.constant 3 : i32
        %dma_start3A_592 = arith.constant 0 : i32
        %dma_start3A_593 = tpu.memref_slice %arg10[%dma_start3A_591, %dma_start3A_592] : memref<16x128xi32, #tpu.memory_space<vmem>> -> memref<1x128xi32, #tpu.memory_space<vmem>>
        %dma_start3A_594 = tpu.memref_squeeze %dma_start3A_593 : memref<1x128xi32, #tpu.memory_space<vmem>> -> memref<128xi32, #tpu.memory_space<vmem>>
        %dma_start3A_595 = arith.constant 0 : i32
        %dma_start3A_596 = arith.constant 0 : i32
        %dma_start3A_597 = tpu.memref_slice %arg13[%dma_start3A_595, %dma_start3A_596] : memref<10112x128xf32, #tpu.memory_space<vmem_shared>> -> memref<10112x128xf32, #tpu.memory_space<vmem_shared>>
        tpu.enqueue_indirect_dma source(%arg12 : memref<128x128xf32, #tpu.memory_space<vmem>>) target(%dma_start3A_597 : memref<10112x128xf32, #tpu.memory_space<vmem_shared>>) offsets(%dma_start3A_594 : memref<128xi32, #tpu.memory_space<vmem>>) semaphore(%arg17 : memref<!tpu.dma_semaphore, #tpu.memory_space<semaphore_mem>>) {add = true}
        %dma_wait3A_598 = arith.constant 4 : i32
        %dma_wait3A_599 = arith.constant 0 : i32
        %dma_wait3A_600 = tpu.memref_slice %arg10[%dma_wait3A_598, %dma_wait3A_599] : memref<16x128xi32, #tpu.memory_space<vmem>> -> memref<1x128xi32, #tpu.memory_space<vmem>>
        %dma_wait3A_601 = tpu.memref_squeeze %dma_wait3A_600 : memref<1x128xi32, #tpu.memory_space<vmem>> -> memref<128xi32, #tpu.memory_space<vmem>>
        %dma_wait3A_602 = arith.constant 0 : i32
        %dma_wait3A_603 = arith.constant 0 : i32
        %dma_wait3A_604 = tpu.memref_slice %arg13[%dma_wait3A_602, %dma_wait3A_603] : memref<10112x128xf32, #tpu.memory_space<vmem_shared>> -> memref<10112x128xf32, #tpu.memory_space<vmem_shared>>
        tpu.wait_indirect_dma semaphore(%arg16 : memref<!tpu.dma_semaphore, #tpu.memory_space<semaphore_mem>>) src(%arg11 : memref<128x128xf32, #tpu.memory_space<vmem>>) dst(%dma_wait3A_604 : memref<10112x128xf32, #tpu.memory_space<vmem_shared>>)
        %dma_start3A_605 = arith.constant 4 : i32
        %dma_start3A_606 = arith.constant 0 : i32
        %dma_start3A_607 = tpu.memref_slice %arg8[%dma_start3A_605, %dma_start3A_606] : memref<16x128xi32, #tpu.memory_space<vmem>> -> memref<1x128xi32, #tpu.memory_space<vmem>>
        %dma_start3A_608 = tpu.memref_squeeze %dma_start3A_607 : memref<1x128xi32, #tpu.memory_space<vmem>> -> memref<128xi32, #tpu.memory_space<vmem>>
        %dma_start3A_609 = arith.constant 0 : i32
        %dma_start3A_610 = arith.constant 0 : i32
        %dma_start3A_611 = tpu.memref_slice %arg2[%dma_start3A_609, %dma_start3A_610] : memref<10000x128xf32, #tpu.memory_space<hbm>> -> memref<10000x128xf32, #tpu.memory_space<hbm>>
        tpu.enqueue_indirect_dma source(%dma_start3A_611 : memref<10000x128xf32, #tpu.memory_space<hbm>>) target(%arg11 : memref<128x128xf32, #tpu.memory_space<vmem>>) offsets(%dma_start3A_608 : memref<128xi32, #tpu.memory_space<vmem>>) semaphore(%arg14 : memref<!tpu.dma_semaphore, #tpu.memory_space<semaphore_mem>>)
        %dma_wait3A_612 = arith.constant 4 : i32
        %dma_wait3A_613 = arith.constant 0 : i32
        %dma_wait3A_614 = tpu.memref_slice %arg8[%dma_wait3A_612, %dma_wait3A_613] : memref<16x128xi32, #tpu.memory_space<vmem>> -> memref<1x128xi32, #tpu.memory_space<vmem>>
        %dma_wait3A_615 = tpu.memref_squeeze %dma_wait3A_614 : memref<1x128xi32, #tpu.memory_space<vmem>> -> memref<128xi32, #tpu.memory_space<vmem>>
        %dma_wait3A_616 = arith.constant 0 : i32
        %dma_wait3A_617 = arith.constant 0 : i32
        %dma_wait3A_618 = tpu.memref_slice %arg2[%dma_wait3A_616, %dma_wait3A_617] : memref<10000x128xf32, #tpu.memory_space<hbm>> -> memref<10000x128xf32, #tpu.memory_space<hbm>>
        tpu.wait_indirect_dma semaphore(%arg14 : memref<!tpu.dma_semaphore, #tpu.memory_space<semaphore_mem>>) src(%dma_wait3A_618 : memref<10000x128xf32, #tpu.memory_space<hbm>>) dst(%arg11 : memref<128x128xf32, #tpu.memory_space<vmem>>)
        %dma_start3A_619 = arith.constant 4 : i32
        %dma_start3A_620 = arith.constant 0 : i32
        %dma_start3A_621 = tpu.memref_slice %arg10[%dma_start3A_619, %dma_start3A_620] : memref<16x128xi32, #tpu.memory_space<vmem>> -> memref<1x128xi32, #tpu.memory_space<vmem>>
        %dma_start3A_622 = tpu.memref_squeeze %dma_start3A_621 : memref<1x128xi32, #tpu.memory_space<vmem>> -> memref<128xi32, #tpu.memory_space<vmem>>
        %dma_start3A_623 = arith.constant 0 : i32
        %dma_start3A_624 = arith.constant 0 : i32
        %dma_start3A_625 = tpu.memref_slice %arg13[%dma_start3A_623, %dma_start3A_624] : memref<10112x128xf32, #tpu.memory_space<vmem_shared>> -> memref<10112x128xf32, #tpu.memory_space<vmem_shared>>
        tpu.enqueue_indirect_dma source(%arg11 : memref<128x128xf32, #tpu.memory_space<vmem>>) target(%dma_start3A_625 : memref<10112x128xf32, #tpu.memory_space<vmem_shared>>) offsets(%dma_start3A_622 : memref<128xi32, #tpu.memory_space<vmem>>) semaphore(%arg16 : memref<!tpu.dma_semaphore, #tpu.memory_space<semaphore_mem>>) {add = true}
        %dma_wait3A_626 = arith.constant 5 : i32
        %dma_wait3A_627 = arith.constant 0 : i32
        %dma_wait3A_628 = tpu.memref_slice %arg10[%dma_wait3A_626, %dma_wait3A_627] : memref<16x128xi32, #tpu.memory_space<vmem>> -> memref<1x128xi32, #tpu.memory_space<vmem>>
        %dma_wait3A_629 = tpu.memref_squeeze %dma_wait3A_628 : memref<1x128xi32, #tpu.memory_space<vmem>> -> memref<128xi32, #tpu.memory_space<vmem>>
        %dma_wait3A_630 = arith.constant 0 : i32
        %dma_wait3A_631 = arith.constant 0 : i32
        %dma_wait3A_632 = tpu.memref_slice %arg13[%dma_wait3A_630, %dma_wait3A_631] : memref<10112x128xf32, #tpu.memory_space<vmem_shared>> -> memref<10112x128xf32, #tpu.memory_space<vmem_shared>>
        tpu.wait_indirect_dma semaphore(%arg17 : memref<!tpu.dma_semaphore, #tpu.memory_space<semaphore_mem>>) src(%arg12 : memref<128x128xf32, #tpu.memory_space<vmem>>) dst(%dma_wait3A_632 : memref<10112x128xf32, #tpu.memory_space<vmem_shared>>)
        %dma_start3A_633 = arith.constant 5 : i32
        %dma_start3A_634 = arith.constant 0 : i32
        %dma_start3A_635 = tpu.memref_slice %arg8[%dma_start3A_633, %dma_start3A_634] : memref<16x128xi32, #tpu.memory_space<vmem>> -> memref<1x128xi32, #tpu.memory_space<vmem>>
        %dma_start3A_636 = tpu.memref_squeeze %dma_start3A_635 : memref<1x128xi32, #tpu.memory_space<vmem>> -> memref<128xi32, #tpu.memory_space<vmem>>
        %dma_start3A_637 = arith.constant 0 : i32
        %dma_start3A_638 = arith.constant 0 : i32
        %dma_start3A_639 = tpu.memref_slice %arg2[%dma_start3A_637, %dma_start3A_638] : memref<10000x128xf32, #tpu.memory_space<hbm>> -> memref<10000x128xf32, #tpu.memory_space<hbm>>
        tpu.enqueue_indirect_dma source(%dma_start3A_639 : memref<10000x128xf32, #tpu.memory_space<hbm>>) target(%arg12 : memref<128x128xf32, #tpu.memory_space<vmem>>) offsets(%dma_start3A_636 : memref<128xi32, #tpu.memory_space<vmem>>) semaphore(%arg15 : memref<!tpu.dma_semaphore, #tpu.memory_space<semaphore_mem>>)
        %dma_wait3A_640 = arith.constant 5 : i32
        %dma_wait3A_641 = arith.constant 0 : i32
        %dma_wait3A_642 = tpu.memref_slice %arg8[%dma_wait3A_640, %dma_wait3A_641] : memref<16x128xi32, #tpu.memory_space<vmem>> -> memref<1x128xi32, #tpu.memory_space<vmem>>
        %dma_wait3A_643 = tpu.memref_squeeze %dma_wait3A_642 : memref<1x128xi32, #tpu.memory_space<vmem>> -> memref<128xi32, #tpu.memory_space<vmem>>
        %dma_wait3A_644 = arith.constant 0 : i32
        %dma_wait3A_645 = arith.constant 0 : i32
        %dma_wait3A_646 = tpu.memref_slice %arg2[%dma_wait3A_644, %dma_wait3A_645] : memref<10000x128xf32, #tpu.memory_space<hbm>> -> memref<10000x128xf32, #tpu.memory_space<hbm>>
        tpu.wait_indirect_dma semaphore(%arg15 : memref<!tpu.dma_semaphore, #tpu.memory_space<semaphore_mem>>) src(%dma_wait3A_646 : memref<10000x128xf32, #tpu.memory_space<hbm>>) dst(%arg12 : memref<128x128xf32, #tpu.memory_space<vmem>>)
        %dma_start3A_647 = arith.constant 5 : i32
        %dma_start3A_648 = arith.constant 0 : i32
        %dma_start3A_649 = tpu.memref_slice %arg10[%dma_start3A_647, %dma_start3A_648] : memref<16x128xi32, #tpu.memory_space<vmem>> -> memref<1x128xi32, #tpu.memory_space<vmem>>
        %dma_start3A_650 = tpu.memref_squeeze %dma_start3A_649 : memref<1x128xi32, #tpu.memory_space<vmem>> -> memref<128xi32, #tpu.memory_space<vmem>>
        %dma_start3A_651 = arith.constant 0 : i32
        %dma_start3A_652 = arith.constant 0 : i32
        %dma_start3A_653 = tpu.memref_slice %arg13[%dma_start3A_651, %dma_start3A_652] : memref<10112x128xf32, #tpu.memory_space<vmem_shared>> -> memref<10112x128xf32, #tpu.memory_space<vmem_shared>>
        tpu.enqueue_indirect_dma source(%arg12 : memref<128x128xf32, #tpu.memory_space<vmem>>) target(%dma_start3A_653 : memref<10112x128xf32, #tpu.memory_space<vmem_shared>>) offsets(%dma_start3A_650 : memref<128xi32, #tpu.memory_space<vmem>>) semaphore(%arg17 : memref<!tpu.dma_semaphore, #tpu.memory_space<semaphore_mem>>) {add = true}
        %dma_wait3A_654 = arith.constant 6 : i32
        %dma_wait3A_655 = arith.constant 0 : i32
        %dma_wait3A_656 = tpu.memref_slice %arg10[%dma_wait3A_654, %dma_wait3A_655] : memref<16x128xi32, #tpu.memory_space<vmem>> -> memref<1x128xi32, #tpu.memory_space<vmem>>
        %dma_wait3A_657 = tpu.memref_squeeze %dma_wait3A_656 : memref<1x128xi32, #tpu.memory_space<vmem>> -> memref<128xi32, #tpu.memory_space<vmem>>
        %dma_wait3A_658 = arith.constant 0 : i32
        %dma_wait3A_659 = arith.constant 0 : i32
        %dma_wait3A_660 = tpu.memref_slice %arg13[%dma_wait3A_658, %dma_wait3A_659] : memref<10112x128xf32, #tpu.memory_space<vmem_shared>> -> memref<10112x128xf32, #tpu.memory_space<vmem_shared>>
        tpu.wait_indirect_dma semaphore(%arg16 : memref<!tpu.dma_semaphore, #tpu.memory_space<semaphore_mem>>) src(%arg11 : memref<128x128xf32, #tpu.memory_space<vmem>>) dst(%dma_wait3A_660 : memref<10112x128xf32, #tpu.memory_space<vmem_shared>>)
        %dma_start3A_661 = arith.constant 6 : i32
        %dma_start3A_662 = arith.constant 0 : i32
        %dma_start3A_663 = tpu.memref_slice %arg8[%dma_start3A_661, %dma_start3A_662] : memref<16x128xi32, #tpu.memory_space<vmem>> -> memref<1x128xi32, #tpu.memory_space<vmem>>
        %dma_start3A_664 = tpu.memref_squeeze %dma_start3A_663 : memref<1x128xi32, #tpu.memory_space<vmem>> -> memref<128xi32, #tpu.memory_space<vmem>>
        %dma_start3A_665 = arith.constant 0 : i32
        %dma_start3A_666 = arith.constant 0 : i32
        %dma_start3A_667 = tpu.memref_slice %arg2[%dma_start3A_665, %dma_start3A_666] : memref<10000x128xf32, #tpu.memory_space<hbm>> -> memref<10000x128xf32, #tpu.memory_space<hbm>>
        tpu.enqueue_indirect_dma source(%dma_start3A_667 : memref<10000x128xf32, #tpu.memory_space<hbm>>) target(%arg11 : memref<128x128xf32, #tpu.memory_space<vmem>>) offsets(%dma_start3A_664 : memref<128xi32, #tpu.memory_space<vmem>>) semaphore(%arg14 : memref<!tpu.dma_semaphore, #tpu.memory_space<semaphore_mem>>)
        %dma_wait3A_668 = arith.constant 6 : i32
        %dma_wait3A_669 = arith.constant 0 : i32
        %dma_wait3A_670 = tpu.memref_slice %arg8[%dma_wait3A_668, %dma_wait3A_669] : memref<16x128xi32, #tpu.memory_space<vmem>> -> memref<1x128xi32, #tpu.memory_space<vmem>>
        %dma_wait3A_671 = tpu.memref_squeeze %dma_wait3A_670 : memref<1x128xi32, #tpu.memory_space<vmem>> -> memref<128xi32, #tpu.memory_space<vmem>>
        %dma_wait3A_672 = arith.constant 0 : i32
        %dma_wait3A_673 = arith.constant 0 : i32
        %dma_wait3A_674 = tpu.memref_slice %arg2[%dma_wait3A_672, %dma_wait3A_673] : memref<10000x128xf32, #tpu.memory_space<hbm>> -> memref<10000x128xf32, #tpu.memory_space<hbm>>
        tpu.wait_indirect_dma semaphore(%arg14 : memref<!tpu.dma_semaphore, #tpu.memory_space<semaphore_mem>>) src(%dma_wait3A_674 : memref<10000x128xf32, #tpu.memory_space<hbm>>) dst(%arg11 : memref<128x128xf32, #tpu.memory_space<vmem>>)
        %dma_start3A_675 = arith.constant 6 : i32
        %dma_start3A_676 = arith.constant 0 : i32
        %dma_start3A_677 = tpu.memref_slice %arg10[%dma_start3A_675, %dma_start3A_676] : memref<16x128xi32, #tpu.memory_space<vmem>> -> memref<1x128xi32, #tpu.memory_space<vmem>>
        %dma_start3A_678 = tpu.memref_squeeze %dma_start3A_677 : memref<1x128xi32, #tpu.memory_space<vmem>> -> memref<128xi32, #tpu.memory_space<vmem>>
        %dma_start3A_679 = arith.constant 0 : i32
        %dma_start3A_680 = arith.constant 0 : i32
        %dma_start3A_681 = tpu.memref_slice %arg13[%dma_start3A_679, %dma_start3A_680] : memref<10112x128xf32, #tpu.memory_space<vmem_shared>> -> memref<10112x128xf32, #tpu.memory_space<vmem_shared>>
        tpu.enqueue_indirect_dma source(%arg11 : memref<128x128xf32, #tpu.memory_space<vmem>>) target(%dma_start3A_681 : memref<10112x128xf32, #tpu.memory_space<vmem_shared>>) offsets(%dma_start3A_678 : memref<128xi32, #tpu.memory_space<vmem>>) semaphore(%arg16 : memref<!tpu.dma_semaphore, #tpu.memory_space<semaphore_mem>>) {add = true}
        %dma_wait3A_682 = arith.constant 7 : i32
        %dma_wait3A_683 = arith.constant 0 : i32
        %dma_wait3A_684 = tpu.memref_slice %arg10[%dma_wait3A_682, %dma_wait3A_683] : memref<16x128xi32, #tpu.memory_space<vmem>> -> memref<1x128xi32, #tpu.memory_space<vmem>>
        %dma_wait3A_685 = tpu.memref_squeeze %dma_wait3A_684 : memref<1x128xi32, #tpu.memory_space<vmem>> -> memref<128xi32, #tpu.memory_space<vmem>>
        %dma_wait3A_686 = arith.constant 0 : i32
        %dma_wait3A_687 = arith.constant 0 : i32
        %dma_wait3A_688 = tpu.memref_slice %arg13[%dma_wait3A_686, %dma_wait3A_687] : memref<10112x128xf32, #tpu.memory_space<vmem_shared>> -> memref<10112x128xf32, #tpu.memory_space<vmem_shared>>
        tpu.wait_indirect_dma semaphore(%arg17 : memref<!tpu.dma_semaphore, #tpu.memory_space<semaphore_mem>>) src(%arg12 : memref<128x128xf32, #tpu.memory_space<vmem>>) dst(%dma_wait3A_688 : memref<10112x128xf32, #tpu.memory_space<vmem_shared>>)
        %dma_start3A_689 = arith.constant 7 : i32
        %dma_start3A_690 = arith.constant 0 : i32
        %dma_start3A_691 = tpu.memref_slice %arg8[%dma_start3A_689, %dma_start3A_690] : memref<16x128xi32, #tpu.memory_space<vmem>> -> memref<1x128xi32, #tpu.memory_space<vmem>>
        %dma_start3A_692 = tpu.memref_squeeze %dma_start3A_691 : memref<1x128xi32, #tpu.memory_space<vmem>> -> memref<128xi32, #tpu.memory_space<vmem>>
        %dma_start3A_693 = arith.constant 0 : i32
        %dma_start3A_694 = arith.constant 0 : i32
        %dma_start3A_695 = tpu.memref_slice %arg2[%dma_start3A_693, %dma_start3A_694] : memref<10000x128xf32, #tpu.memory_space<hbm>> -> memref<10000x128xf32, #tpu.memory_space<hbm>>
        tpu.enqueue_indirect_dma source(%dma_start3A_695 : memref<10000x128xf32, #tpu.memory_space<hbm>>) target(%arg12 : memref<128x128xf32, #tpu.memory_space<vmem>>) offsets(%dma_start3A_692 : memref<128xi32, #tpu.memory_space<vmem>>) semaphore(%arg15 : memref<!tpu.dma_semaphore, #tpu.memory_space<semaphore_mem>>)
        %dma_wait3A_696 = arith.constant 7 : i32
        %dma_wait3A_697 = arith.constant 0 : i32
        %dma_wait3A_698 = tpu.memref_slice %arg8[%dma_wait3A_696, %dma_wait3A_697] : memref<16x128xi32, #tpu.memory_space<vmem>> -> memref<1x128xi32, #tpu.memory_space<vmem>>
        %dma_wait3A_699 = tpu.memref_squeeze %dma_wait3A_698 : memref<1x128xi32, #tpu.memory_space<vmem>> -> memref<128xi32, #tpu.memory_space<vmem>>
        %dma_wait3A_700 = arith.constant 0 : i32
        %dma_wait3A_701 = arith.constant 0 : i32
        %dma_wait3A_702 = tpu.memref_slice %arg2[%dma_wait3A_700, %dma_wait3A_701] : memref<10000x128xf32, #tpu.memory_space<hbm>> -> memref<10000x128xf32, #tpu.memory_space<hbm>>
        tpu.wait_indirect_dma semaphore(%arg15 : memref<!tpu.dma_semaphore, #tpu.memory_space<semaphore_mem>>) src(%dma_wait3A_702 : memref<10000x128xf32, #tpu.memory_space<hbm>>) dst(%arg12 : memref<128x128xf32, #tpu.memory_space<vmem>>)
        %dma_start3A_703 = arith.constant 7 : i32
        %dma_start3A_704 = arith.constant 0 : i32
        %dma_start3A_705 = tpu.memref_slice %arg10[%dma_start3A_703, %dma_start3A_704] : memref<16x128xi32, #tpu.memory_space<vmem>> -> memref<1x128xi32, #tpu.memory_space<vmem>>
        %dma_start3A_706 = tpu.memref_squeeze %dma_start3A_705 : memref<1x128xi32, #tpu.memory_space<vmem>> -> memref<128xi32, #tpu.memory_space<vmem>>
        %dma_start3A_707 = arith.constant 0 : i32
        %dma_start3A_708 = arith.constant 0 : i32
        %dma_start3A_709 = tpu.memref_slice %arg13[%dma_start3A_707, %dma_start3A_708] : memref<10112x128xf32, #tpu.memory_space<vmem_shared>> -> memref<10112x128xf32, #tpu.memory_space<vmem_shared>>
        tpu.enqueue_indirect_dma source(%arg12 : memref<128x128xf32, #tpu.memory_space<vmem>>) target(%dma_start3A_709 : memref<10112x128xf32, #tpu.memory_space<vmem_shared>>) offsets(%dma_start3A_706 : memref<128xi32, #tpu.memory_space<vmem>>) semaphore(%arg17 : memref<!tpu.dma_semaphore, #tpu.memory_space<semaphore_mem>>) {add = true}
        %dma_wait3A_710 = arith.constant 8 : i32
        %dma_wait3A_711 = arith.constant 0 : i32
        %dma_wait3A_712 = tpu.memref_slice %arg10[%dma_wait3A_710, %dma_wait3A_711] : memref<16x128xi32, #tpu.memory_space<vmem>> -> memref<1x128xi32, #tpu.memory_space<vmem>>
        %dma_wait3A_713 = tpu.memref_squeeze %dma_wait3A_712 : memref<1x128xi32, #tpu.memory_space<vmem>> -> memref<128xi32, #tpu.memory_space<vmem>>
        %dma_wait3A_714 = arith.constant 0 : i32
        %dma_wait3A_715 = arith.constant 0 : i32
        %dma_wait3A_716 = tpu.memref_slice %arg13[%dma_wait3A_714, %dma_wait3A_715] : memref<10112x128xf32, #tpu.memory_space<vmem_shared>> -> memref<10112x128xf32, #tpu.memory_space<vmem_shared>>
        tpu.wait_indirect_dma semaphore(%arg16 : memref<!tpu.dma_semaphore, #tpu.memory_space<semaphore_mem>>) src(%arg11 : memref<128x128xf32, #tpu.memory_space<vmem>>) dst(%dma_wait3A_716 : memref<10112x128xf32, #tpu.memory_space<vmem_shared>>)
        %dma_start3A_717 = arith.constant 8 : i32
        %dma_start3A_718 = arith.constant 0 : i32
        %dma_start3A_719 = tpu.memref_slice %arg8[%dma_start3A_717, %dma_start3A_718] : memref<16x128xi32, #tpu.memory_space<vmem>> -> memref<1x128xi32, #tpu.memory_space<vmem>>
        %dma_start3A_720 = tpu.memref_squeeze %dma_start3A_719 : memref<1x128xi32, #tpu.memory_space<vmem>> -> memref<128xi32, #tpu.memory_space<vmem>>
        %dma_start3A_721 = arith.constant 0 : i32
        %dma_start3A_722 = arith.constant 0 : i32
        %dma_start3A_723 = tpu.memref_slice %arg2[%dma_start3A_721, %dma_start3A_722] : memref<10000x128xf32, #tpu.memory_space<hbm>> -> memref<10000x128xf32, #tpu.memory_space<hbm>>
        tpu.enqueue_indirect_dma source(%dma_start3A_723 : memref<10000x128xf32, #tpu.memory_space<hbm>>) target(%arg11 : memref<128x128xf32, #tpu.memory_space<vmem>>) offsets(%dma_start3A_720 : memref<128xi32, #tpu.memory_space<vmem>>) semaphore(%arg14 : memref<!tpu.dma_semaphore, #tpu.memory_space<semaphore_mem>>)
        %dma_wait3A_724 = arith.constant 8 : i32
        %dma_wait3A_725 = arith.constant 0 : i32
        %dma_wait3A_726 = tpu.memref_slice %arg8[%dma_wait3A_724, %dma_wait3A_725] : memref<16x128xi32, #tpu.memory_space<vmem>> -> memref<1x128xi32, #tpu.memory_space<vmem>>
        %dma_wait3A_727 = tpu.memref_squeeze %dma_wait3A_726 : memref<1x128xi32, #tpu.memory_space<vmem>> -> memref<128xi32, #tpu.memory_space<vmem>>
        %dma_wait3A_728 = arith.constant 0 : i32
        %dma_wait3A_729 = arith.constant 0 : i32
        %dma_wait3A_730 = tpu.memref_slice %arg2[%dma_wait3A_728, %dma_wait3A_729] : memref<10000x128xf32, #tpu.memory_space<hbm>> -> memref<10000x128xf32, #tpu.memory_space<hbm>>
        tpu.wait_indirect_dma semaphore(%arg14 : memref<!tpu.dma_semaphore, #tpu.memory_space<semaphore_mem>>) src(%dma_wait3A_730 : memref<10000x128xf32, #tpu.memory_space<hbm>>) dst(%arg11 : memref<128x128xf32, #tpu.memory_space<vmem>>)
        %dma_start3A_731 = arith.constant 8 : i32
        %dma_start3A_732 = arith.constant 0 : i32
        %dma_start3A_733 = tpu.memref_slice %arg10[%dma_start3A_731, %dma_start3A_732] : memref<16x128xi32, #tpu.memory_space<vmem>> -> memref<1x128xi32, #tpu.memory_space<vmem>>
        %dma_start3A_734 = tpu.memref_squeeze %dma_start3A_733 : memref<1x128xi32, #tpu.memory_space<vmem>> -> memref<128xi32, #tpu.memory_space<vmem>>
        %dma_start3A_735 = arith.constant 0 : i32
        %dma_start3A_736 = arith.constant 0 : i32
        %dma_start3A_737 = tpu.memref_slice %arg13[%dma_start3A_735, %dma_start3A_736] : memref<10112x128xf32, #tpu.memory_space<vmem_shared>> -> memref<10112x128xf32, #tpu.memory_space<vmem_shared>>
        tpu.enqueue_indirect_dma source(%arg11 : memref<128x128xf32, #tpu.memory_space<vmem>>) target(%dma_start3A_737 : memref<10112x128xf32, #tpu.memory_space<vmem_shared>>) offsets(%dma_start3A_734 : memref<128xi32, #tpu.memory_space<vmem>>) semaphore(%arg16 : memref<!tpu.dma_semaphore, #tpu.memory_space<semaphore_mem>>) {add = true}
        %dma_wait3A_738 = arith.constant 9 : i32
        %dma_wait3A_739 = arith.constant 0 : i32
        %dma_wait3A_740 = tpu.memref_slice %arg10[%dma_wait3A_738, %dma_wait3A_739] : memref<16x128xi32, #tpu.memory_space<vmem>> -> memref<1x128xi32, #tpu.memory_space<vmem>>
        %dma_wait3A_741 = tpu.memref_squeeze %dma_wait3A_740 : memref<1x128xi32, #tpu.memory_space<vmem>> -> memref<128xi32, #tpu.memory_space<vmem>>
        %dma_wait3A_742 = arith.constant 0 : i32
        %dma_wait3A_743 = arith.constant 0 : i32
        %dma_wait3A_744 = tpu.memref_slice %arg13[%dma_wait3A_742, %dma_wait3A_743] : memref<10112x128xf32, #tpu.memory_space<vmem_shared>> -> memref<10112x128xf32, #tpu.memory_space<vmem_shared>>
        tpu.wait_indirect_dma semaphore(%arg17 : memref<!tpu.dma_semaphore, #tpu.memory_space<semaphore_mem>>) src(%arg12 : memref<128x128xf32, #tpu.memory_space<vmem>>) dst(%dma_wait3A_744 : memref<10112x128xf32, #tpu.memory_space<vmem_shared>>)
        %dma_start3A_745 = arith.constant 9 : i32
        %dma_start3A_746 = arith.constant 0 : i32
        %dma_start3A_747 = tpu.memref_slice %arg8[%dma_start3A_745, %dma_start3A_746] : memref<16x128xi32, #tpu.memory_space<vmem>> -> memref<1x128xi32, #tpu.memory_space<vmem>>
        %dma_start3A_748 = tpu.memref_squeeze %dma_start3A_747 : memref<1x128xi32, #tpu.memory_space<vmem>> -> memref<128xi32, #tpu.memory_space<vmem>>
        %dma_start3A_749 = arith.constant 0 : i32
        %dma_start3A_750 = arith.constant 0 : i32
        %dma_start3A_751 = tpu.memref_slice %arg2[%dma_start3A_749, %dma_start3A_750] : memref<10000x128xf32, #tpu.memory_space<hbm>> -> memref<10000x128xf32, #tpu.memory_space<hbm>>
        tpu.enqueue_indirect_dma source(%dma_start3A_751 : memref<10000x128xf32, #tpu.memory_space<hbm>>) target(%arg12 : memref<128x128xf32, #tpu.memory_space<vmem>>) offsets(%dma_start3A_748 : memref<128xi32, #tpu.memory_space<vmem>>) semaphore(%arg15 : memref<!tpu.dma_semaphore, #tpu.memory_space<semaphore_mem>>)
        %dma_wait3A_752 = arith.constant 9 : i32
        %dma_wait3A_753 = arith.constant 0 : i32
        %dma_wait3A_754 = tpu.memref_slice %arg8[%dma_wait3A_752, %dma_wait3A_753] : memref<16x128xi32, #tpu.memory_space<vmem>> -> memref<1x128xi32, #tpu.memory_space<vmem>>
        %dma_wait3A_755 = tpu.memref_squeeze %dma_wait3A_754 : memref<1x128xi32, #tpu.memory_space<vmem>> -> memref<128xi32, #tpu.memory_space<vmem>>
        %dma_wait3A_756 = arith.constant 0 : i32
        %dma_wait3A_757 = arith.constant 0 : i32
        %dma_wait3A_758 = tpu.memref_slice %arg2[%dma_wait3A_756, %dma_wait3A_757] : memref<10000x128xf32, #tpu.memory_space<hbm>> -> memref<10000x128xf32, #tpu.memory_space<hbm>>
        tpu.wait_indirect_dma semaphore(%arg15 : memref<!tpu.dma_semaphore, #tpu.memory_space<semaphore_mem>>) src(%dma_wait3A_758 : memref<10000x128xf32, #tpu.memory_space<hbm>>) dst(%arg12 : memref<128x128xf32, #tpu.memory_space<vmem>>)
        %dma_start3A_759 = arith.constant 9 : i32
        %dma_start3A_760 = arith.constant 0 : i32
        %dma_start3A_761 = tpu.memref_slice %arg10[%dma_start3A_759, %dma_start3A_760] : memref<16x128xi32, #tpu.memory_space<vmem>> -> memref<1x128xi32, #tpu.memory_space<vmem>>
        %dma_start3A_762 = tpu.memref_squeeze %dma_start3A_761 : memref<1x128xi32, #tpu.memory_space<vmem>> -> memref<128xi32, #tpu.memory_space<vmem>>
        %dma_start3A_763 = arith.constant 0 : i32
        %dma_start3A_764 = arith.constant 0 : i32
        %dma_start3A_765 = tpu.memref_slice %arg13[%dma_start3A_763, %dma_start3A_764] : memref<10112x128xf32, #tpu.memory_space<vmem_shared>> -> memref<10112x128xf32, #tpu.memory_space<vmem_shared>>
        tpu.enqueue_indirect_dma source(%arg12 : memref<128x128xf32, #tpu.memory_space<vmem>>) target(%dma_start3A_765 : memref<10112x128xf32, #tpu.memory_space<vmem_shared>>) offsets(%dma_start3A_762 : memref<128xi32, #tpu.memory_space<vmem>>) semaphore(%arg17 : memref<!tpu.dma_semaphore, #tpu.memory_space<semaphore_mem>>) {add = true}
        %dma_wait3A_766 = arith.constant 10 : i32
        %dma_wait3A_767 = arith.constant 0 : i32
        %dma_wait3A_768 = tpu.memref_slice %arg10[%dma_wait3A_766, %dma_wait3A_767] : memref<16x128xi32, #tpu.memory_space<vmem>> -> memref<1x128xi32, #tpu.memory_space<vmem>>
        %dma_wait3A_769 = tpu.memref_squeeze %dma_wait3A_768 : memref<1x128xi32, #tpu.memory_space<vmem>> -> memref<128xi32, #tpu.memory_space<vmem>>
        %dma_wait3A_770 = arith.constant 0 : i32
        %dma_wait3A_771 = arith.constant 0 : i32
        %dma_wait3A_772 = tpu.memref_slice %arg13[%dma_wait3A_770, %dma_wait3A_771] : memref<10112x128xf32, #tpu.memory_space<vmem_shared>> -> memref<10112x128xf32, #tpu.memory_space<vmem_shared>>
        tpu.wait_indirect_dma semaphore(%arg16 : memref<!tpu.dma_semaphore, #tpu.memory_space<semaphore_mem>>) src(%arg11 : memref<128x128xf32, #tpu.memory_space<vmem>>) dst(%dma_wait3A_772 : memref<10112x128xf32, #tpu.memory_space<vmem_shared>>)
        %dma_start3A_773 = arith.constant 10 : i32
        %dma_start3A_774 = arith.constant 0 : i32
        %dma_start3A_775 = tpu.memref_slice %arg8[%dma_start3A_773, %dma_start3A_774] : memref<16x128xi32, #tpu.memory_space<vmem>> -> memref<1x128xi32, #tpu.memory_space<vmem>>
        %dma_start3A_776 = tpu.memref_squeeze %dma_start3A_775 : memref<1x128xi32, #tpu.memory_space<vmem>> -> memref<128xi32, #tpu.memory_space<vmem>>
        %dma_start3A_777 = arith.constant 0 : i32
        %dma_start3A_778 = arith.constant 0 : i32
        %dma_start3A_779 = tpu.memref_slice %arg2[%dma_start3A_777, %dma_start3A_778] : memref<10000x128xf32, #tpu.memory_space<hbm>> -> memref<10000x128xf32, #tpu.memory_space<hbm>>
        tpu.enqueue_indirect_dma source(%dma_start3A_779 : memref<10000x128xf32, #tpu.memory_space<hbm>>) target(%arg11 : memref<128x128xf32, #tpu.memory_space<vmem>>) offsets(%dma_start3A_776 : memref<128xi32, #tpu.memory_space<vmem>>) semaphore(%arg14 : memref<!tpu.dma_semaphore, #tpu.memory_space<semaphore_mem>>)
        %dma_wait3A_780 = arith.constant 10 : i32
        %dma_wait3A_781 = arith.constant 0 : i32
        %dma_wait3A_782 = tpu.memref_slice %arg8[%dma_wait3A_780, %dma_wait3A_781] : memref<16x128xi32, #tpu.memory_space<vmem>> -> memref<1x128xi32, #tpu.memory_space<vmem>>
        %dma_wait3A_783 = tpu.memref_squeeze %dma_wait3A_782 : memref<1x128xi32, #tpu.memory_space<vmem>> -> memref<128xi32, #tpu.memory_space<vmem>>
        %dma_wait3A_784 = arith.constant 0 : i32
        %dma_wait3A_785 = arith.constant 0 : i32
        %dma_wait3A_786 = tpu.memref_slice %arg2[%dma_wait3A_784, %dma_wait3A_785] : memref<10000x128xf32, #tpu.memory_space<hbm>> -> memref<10000x128xf32, #tpu.memory_space<hbm>>
        tpu.wait_indirect_dma semaphore(%arg14 : memref<!tpu.dma_semaphore, #tpu.memory_space<semaphore_mem>>) src(%dma_wait3A_786 : memref<10000x128xf32, #tpu.memory_space<hbm>>) dst(%arg11 : memref<128x128xf32, #tpu.memory_space<vmem>>)
        %dma_start3A_787 = arith.constant 10 : i32
        %dma_start3A_788 = arith.constant 0 : i32
        %dma_start3A_789 = tpu.memref_slice %arg10[%dma_start3A_787, %dma_start3A_788] : memref<16x128xi32, #tpu.memory_space<vmem>> -> memref<1x128xi32, #tpu.memory_space<vmem>>
        %dma_start3A_790 = tpu.memref_squeeze %dma_start3A_789 : memref<1x128xi32, #tpu.memory_space<vmem>> -> memref<128xi32, #tpu.memory_space<vmem>>
        %dma_start3A_791 = arith.constant 0 : i32
        %dma_start3A_792 = arith.constant 0 : i32
        %dma_start3A_793 = tpu.memref_slice %arg13[%dma_start3A_791, %dma_start3A_792] : memref<10112x128xf32, #tpu.memory_space<vmem_shared>> -> memref<10112x128xf32, #tpu.memory_space<vmem_shared>>
        tpu.enqueue_indirect_dma source(%arg11 : memref<128x128xf32, #tpu.memory_space<vmem>>) target(%dma_start3A_793 : memref<10112x128xf32, #tpu.memory_space<vmem_shared>>) offsets(%dma_start3A_790 : memref<128xi32, #tpu.memory_space<vmem>>) semaphore(%arg16 : memref<!tpu.dma_semaphore, #tpu.memory_space<semaphore_mem>>) {add = true}
        %dma_wait3A_794 = arith.constant 11 : i32
        %dma_wait3A_795 = arith.constant 0 : i32
        %dma_wait3A_796 = tpu.memref_slice %arg10[%dma_wait3A_794, %dma_wait3A_795] : memref<16x128xi32, #tpu.memory_space<vmem>> -> memref<1x128xi32, #tpu.memory_space<vmem>>
        %dma_wait3A_797 = tpu.memref_squeeze %dma_wait3A_796 : memref<1x128xi32, #tpu.memory_space<vmem>> -> memref<128xi32, #tpu.memory_space<vmem>>
        %dma_wait3A_798 = arith.constant 0 : i32
        %dma_wait3A_799 = arith.constant 0 : i32
        %dma_wait3A_800 = tpu.memref_slice %arg13[%dma_wait3A_798, %dma_wait3A_799] : memref<10112x128xf32, #tpu.memory_space<vmem_shared>> -> memref<10112x128xf32, #tpu.memory_space<vmem_shared>>
        tpu.wait_indirect_dma semaphore(%arg17 : memref<!tpu.dma_semaphore, #tpu.memory_space<semaphore_mem>>) src(%arg12 : memref<128x128xf32, #tpu.memory_space<vmem>>) dst(%dma_wait3A_800 : memref<10112x128xf32, #tpu.memory_space<vmem_shared>>)
        %dma_start3A_801 = arith.constant 11 : i32
        %dma_start3A_802 = arith.constant 0 : i32
        %dma_start3A_803 = tpu.memref_slice %arg8[%dma_start3A_801, %dma_start3A_802] : memref<16x128xi32, #tpu.memory_space<vmem>> -> memref<1x128xi32, #tpu.memory_space<vmem>>
        %dma_start3A_804 = tpu.memref_squeeze %dma_start3A_803 : memref<1x128xi32, #tpu.memory_space<vmem>> -> memref<128xi32, #tpu.memory_space<vmem>>
        %dma_start3A_805 = arith.constant 0 : i32
        %dma_start3A_806 = arith.constant 0 : i32
        %dma_start3A_807 = tpu.memref_slice %arg2[%dma_start3A_805, %dma_start3A_806] : memref<10000x128xf32, #tpu.memory_space<hbm>> -> memref<10000x128xf32, #tpu.memory_space<hbm>>
        tpu.enqueue_indirect_dma source(%dma_start3A_807 : memref<10000x128xf32, #tpu.memory_space<hbm>>) target(%arg12 : memref<128x128xf32, #tpu.memory_space<vmem>>) offsets(%dma_start3A_804 : memref<128xi32, #tpu.memory_space<vmem>>) semaphore(%arg15 : memref<!tpu.dma_semaphore, #tpu.memory_space<semaphore_mem>>)
        %dma_wait3A_808 = arith.constant 11 : i32
        %dma_wait3A_809 = arith.constant 0 : i32
        %dma_wait3A_810 = tpu.memref_slice %arg8[%dma_wait3A_808, %dma_wait3A_809] : memref<16x128xi32, #tpu.memory_space<vmem>> -> memref<1x128xi32, #tpu.memory_space<vmem>>
        %dma_wait3A_811 = tpu.memref_squeeze %dma_wait3A_810 : memref<1x128xi32, #tpu.memory_space<vmem>> -> memref<128xi32, #tpu.memory_space<vmem>>
        %dma_wait3A_812 = arith.constant 0 : i32
        %dma_wait3A_813 = arith.constant 0 : i32
        %dma_wait3A_814 = tpu.memref_slice %arg2[%dma_wait3A_812, %dma_wait3A_813] : memref<10000x128xf32, #tpu.memory_space<hbm>> -> memref<10000x128xf32, #tpu.memory_space<hbm>>
        tpu.wait_indirect_dma semaphore(%arg15 : memref<!tpu.dma_semaphore, #tpu.memory_space<semaphore_mem>>) src(%dma_wait3A_814 : memref<10000x128xf32, #tpu.memory_space<hbm>>) dst(%arg12 : memref<128x128xf32, #tpu.memory_space<vmem>>)
        %dma_start3A_815 = arith.constant 11 : i32
        %dma_start3A_816 = arith.constant 0 : i32
        %dma_start3A_817 = tpu.memref_slice %arg10[%dma_start3A_815, %dma_start3A_816] : memref<16x128xi32, #tpu.memory_space<vmem>> -> memref<1x128xi32, #tpu.memory_space<vmem>>
        %dma_start3A_818 = tpu.memref_squeeze %dma_start3A_817 : memref<1x128xi32, #tpu.memory_space<vmem>> -> memref<128xi32, #tpu.memory_space<vmem>>
        %dma_start3A_819 = arith.constant 0 : i32
        %dma_start3A_820 = arith.constant 0 : i32
        %dma_start3A_821 = tpu.memref_slice %arg13[%dma_start3A_819, %dma_start3A_820] : memref<10112x128xf32, #tpu.memory_space<vmem_shared>> -> memref<10112x128xf32, #tpu.memory_space<vmem_shared>>
        tpu.enqueue_indirect_dma source(%arg12 : memref<128x128xf32, #tpu.memory_space<vmem>>) target(%dma_start3A_821 : memref<10112x128xf32, #tpu.memory_space<vmem_shared>>) offsets(%dma_start3A_818 : memref<128xi32, #tpu.memory_space<vmem>>) semaphore(%arg17 : memref<!tpu.dma_semaphore, #tpu.memory_space<semaphore_mem>>) {add = true}
        %dma_wait3A_822 = arith.constant 12 : i32
        %dma_wait3A_823 = arith.constant 0 : i32
        %dma_wait3A_824 = tpu.memref_slice %arg10[%dma_wait3A_822, %dma_wait3A_823] : memref<16x128xi32, #tpu.memory_space<vmem>> -> memref<1x128xi32, #tpu.memory_space<vmem>>
        %dma_wait3A_825 = tpu.memref_squeeze %dma_wait3A_824 : memref<1x128xi32, #tpu.memory_space<vmem>> -> memref<128xi32, #tpu.memory_space<vmem>>
        %dma_wait3A_826 = arith.constant 0 : i32
        %dma_wait3A_827 = arith.constant 0 : i32
        %dma_wait3A_828 = tpu.memref_slice %arg13[%dma_wait3A_826, %dma_wait3A_827] : memref<10112x128xf32, #tpu.memory_space<vmem_shared>> -> memref<10112x128xf32, #tpu.memory_space<vmem_shared>>
        tpu.wait_indirect_dma semaphore(%arg16 : memref<!tpu.dma_semaphore, #tpu.memory_space<semaphore_mem>>) src(%arg11 : memref<128x128xf32, #tpu.memory_space<vmem>>) dst(%dma_wait3A_828 : memref<10112x128xf32, #tpu.memory_space<vmem_shared>>)
        %dma_start3A_829 = arith.constant 12 : i32
        %dma_start3A_830 = arith.constant 0 : i32
        %dma_start3A_831 = tpu.memref_slice %arg8[%dma_start3A_829, %dma_start3A_830] : memref<16x128xi32, #tpu.memory_space<vmem>> -> memref<1x128xi32, #tpu.memory_space<vmem>>
        %dma_start3A_832 = tpu.memref_squeeze %dma_start3A_831 : memref<1x128xi32, #tpu.memory_space<vmem>> -> memref<128xi32, #tpu.memory_space<vmem>>
        %dma_start3A_833 = arith.constant 0 : i32
        %dma_start3A_834 = arith.constant 0 : i32
        %dma_start3A_835 = tpu.memref_slice %arg2[%dma_start3A_833, %dma_start3A_834] : memref<10000x128xf32, #tpu.memory_space<hbm>> -> memref<10000x128xf32, #tpu.memory_space<hbm>>
        tpu.enqueue_indirect_dma source(%dma_start3A_835 : memref<10000x128xf32, #tpu.memory_space<hbm>>) target(%arg11 : memref<128x128xf32, #tpu.memory_space<vmem>>) offsets(%dma_start3A_832 : memref<128xi32, #tpu.memory_space<vmem>>) semaphore(%arg14 : memref<!tpu.dma_semaphore, #tpu.memory_space<semaphore_mem>>)
        %dma_wait3A_836 = arith.constant 12 : i32
        %dma_wait3A_837 = arith.constant 0 : i32
        %dma_wait3A_838 = tpu.memref_slice %arg8[%dma_wait3A_836, %dma_wait3A_837] : memref<16x128xi32, #tpu.memory_space<vmem>> -> memref<1x128xi32, #tpu.memory_space<vmem>>
        %dma_wait3A_839 = tpu.memref_squeeze %dma_wait3A_838 : memref<1x128xi32, #tpu.memory_space<vmem>> -> memref<128xi32, #tpu.memory_space<vmem>>
        %dma_wait3A_840 = arith.constant 0 : i32
        %dma_wait3A_841 = arith.constant 0 : i32
        %dma_wait3A_842 = tpu.memref_slice %arg2[%dma_wait3A_840, %dma_wait3A_841] : memref<10000x128xf32, #tpu.memory_space<hbm>> -> memref<10000x128xf32, #tpu.memory_space<hbm>>
        tpu.wait_indirect_dma semaphore(%arg14 : memref<!tpu.dma_semaphore, #tpu.memory_space<semaphore_mem>>) src(%dma_wait3A_842 : memref<10000x128xf32, #tpu.memory_space<hbm>>) dst(%arg11 : memref<128x128xf32, #tpu.memory_space<vmem>>)
        %dma_start3A_843 = arith.constant 12 : i32
        %dma_start3A_844 = arith.constant 0 : i32
        %dma_start3A_845 = tpu.memref_slice %arg10[%dma_start3A_843, %dma_start3A_844] : memref<16x128xi32, #tpu.memory_space<vmem>> -> memref<1x128xi32, #tpu.memory_space<vmem>>
        %dma_start3A_846 = tpu.memref_squeeze %dma_start3A_845 : memref<1x128xi32, #tpu.memory_space<vmem>> -> memref<128xi32, #tpu.memory_space<vmem>>
        %dma_start3A_847 = arith.constant 0 : i32
        %dma_start3A_848 = arith.constant 0 : i32
        %dma_start3A_849 = tpu.memref_slice %arg13[%dma_start3A_847, %dma_start3A_848] : memref<10112x128xf32, #tpu.memory_space<vmem_shared>> -> memref<10112x128xf32, #tpu.memory_space<vmem_shared>>
        tpu.enqueue_indirect_dma source(%arg11 : memref<128x128xf32, #tpu.memory_space<vmem>>) target(%dma_start3A_849 : memref<10112x128xf32, #tpu.memory_space<vmem_shared>>) offsets(%dma_start3A_846 : memref<128xi32, #tpu.memory_space<vmem>>) semaphore(%arg16 : memref<!tpu.dma_semaphore, #tpu.memory_space<semaphore_mem>>) {add = true}
        %dma_wait3A_850 = arith.constant 13 : i32
        %dma_wait3A_851 = arith.constant 0 : i32
        %dma_wait3A_852 = tpu.memref_slice %arg10[%dma_wait3A_850, %dma_wait3A_851] : memref<16x128xi32, #tpu.memory_space<vmem>> -> memref<1x128xi32, #tpu.memory_space<vmem>>
        %dma_wait3A_853 = tpu.memref_squeeze %dma_wait3A_852 : memref<1x128xi32, #tpu.memory_space<vmem>> -> memref<128xi32, #tpu.memory_space<vmem>>
        %dma_wait3A_854 = arith.constant 0 : i32
        %dma_wait3A_855 = arith.constant 0 : i32
        %dma_wait3A_856 = tpu.memref_slice %arg13[%dma_wait3A_854, %dma_wait3A_855] : memref<10112x128xf32, #tpu.memory_space<vmem_shared>> -> memref<10112x128xf32, #tpu.memory_space<vmem_shared>>
        tpu.wait_indirect_dma semaphore(%arg17 : memref<!tpu.dma_semaphore, #tpu.memory_space<semaphore_mem>>) src(%arg12 : memref<128x128xf32, #tpu.memory_space<vmem>>) dst(%dma_wait3A_856 : memref<10112x128xf32, #tpu.memory_space<vmem_shared>>)
        %dma_start3A_857 = arith.constant 13 : i32
        %dma_start3A_858 = arith.constant 0 : i32
        %dma_start3A_859 = tpu.memref_slice %arg8[%dma_start3A_857, %dma_start3A_858] : memref<16x128xi32, #tpu.memory_space<vmem>> -> memref<1x128xi32, #tpu.memory_space<vmem>>
        %dma_start3A_860 = tpu.memref_squeeze %dma_start3A_859 : memref<1x128xi32, #tpu.memory_space<vmem>> -> memref<128xi32, #tpu.memory_space<vmem>>
        %dma_start3A_861 = arith.constant 0 : i32
        %dma_start3A_862 = arith.constant 0 : i32
        %dma_start3A_863 = tpu.memref_slice %arg2[%dma_start3A_861, %dma_start3A_862] : memref<10000x128xf32, #tpu.memory_space<hbm>> -> memref<10000x128xf32, #tpu.memory_space<hbm>>
        tpu.enqueue_indirect_dma source(%dma_start3A_863 : memref<10000x128xf32, #tpu.memory_space<hbm>>) target(%arg12 : memref<128x128xf32, #tpu.memory_space<vmem>>) offsets(%dma_start3A_860 : memref<128xi32, #tpu.memory_space<vmem>>) semaphore(%arg15 : memref<!tpu.dma_semaphore, #tpu.memory_space<semaphore_mem>>)
        %dma_wait3A_864 = arith.constant 13 : i32
        %dma_wait3A_865 = arith.constant 0 : i32
        %dma_wait3A_866 = tpu.memref_slice %arg8[%dma_wait3A_864, %dma_wait3A_865] : memref<16x128xi32, #tpu.memory_space<vmem>> -> memref<1x128xi32, #tpu.memory_space<vmem>>
        %dma_wait3A_867 = tpu.memref_squeeze %dma_wait3A_866 : memref<1x128xi32, #tpu.memory_space<vmem>> -> memref<128xi32, #tpu.memory_space<vmem>>
        %dma_wait3A_868 = arith.constant 0 : i32
        %dma_wait3A_869 = arith.constant 0 : i32
        %dma_wait3A_870 = tpu.memref_slice %arg2[%dma_wait3A_868, %dma_wait3A_869] : memref<10000x128xf32, #tpu.memory_space<hbm>> -> memref<10000x128xf32, #tpu.memory_space<hbm>>
        tpu.wait_indirect_dma semaphore(%arg15 : memref<!tpu.dma_semaphore, #tpu.memory_space<semaphore_mem>>) src(%dma_wait3A_870 : memref<10000x128xf32, #tpu.memory_space<hbm>>) dst(%arg12 : memref<128x128xf32, #tpu.memory_space<vmem>>)
        %dma_start3A_871 = arith.constant 13 : i32
        %dma_start3A_872 = arith.constant 0 : i32
        %dma_start3A_873 = tpu.memref_slice %arg10[%dma_start3A_871, %dma_start3A_872] : memref<16x128xi32, #tpu.memory_space<vmem>> -> memref<1x128xi32, #tpu.memory_space<vmem>>
        %dma_start3A_874 = tpu.memref_squeeze %dma_start3A_873 : memref<1x128xi32, #tpu.memory_space<vmem>> -> memref<128xi32, #tpu.memory_space<vmem>>
        %dma_start3A_875 = arith.constant 0 : i32
        %dma_start3A_876 = arith.constant 0 : i32
        %dma_start3A_877 = tpu.memref_slice %arg13[%dma_start3A_875, %dma_start3A_876] : memref<10112x128xf32, #tpu.memory_space<vmem_shared>> -> memref<10112x128xf32, #tpu.memory_space<vmem_shared>>
        tpu.enqueue_indirect_dma source(%arg12 : memref<128x128xf32, #tpu.memory_space<vmem>>) target(%dma_start3A_877 : memref<10112x128xf32, #tpu.memory_space<vmem_shared>>) offsets(%dma_start3A_874 : memref<128xi32, #tpu.memory_space<vmem>>) semaphore(%arg17 : memref<!tpu.dma_semaphore, #tpu.memory_space<semaphore_mem>>) {add = true}
        %dma_wait3A_878 = arith.constant 14 : i32
        %dma_wait3A_879 = arith.constant 0 : i32
        %dma_wait3A_880 = tpu.memref_slice %arg10[%dma_wait3A_878, %dma_wait3A_879] : memref<16x128xi32, #tpu.memory_space<vmem>> -> memref<1x128xi32, #tpu.memory_space<vmem>>
        %dma_wait3A_881 = tpu.memref_squeeze %dma_wait3A_880 : memref<1x128xi32, #tpu.memory_space<vmem>> -> memref<128xi32, #tpu.memory_space<vmem>>
        %dma_wait3A_882 = arith.constant 0 : i32
        %dma_wait3A_883 = arith.constant 0 : i32
        %dma_wait3A_884 = tpu.memref_slice %arg13[%dma_wait3A_882, %dma_wait3A_883] : memref<10112x128xf32, #tpu.memory_space<vmem_shared>> -> memref<10112x128xf32, #tpu.memory_space<vmem_shared>>
        tpu.wait_indirect_dma semaphore(%arg16 : memref<!tpu.dma_semaphore, #tpu.memory_space<semaphore_mem>>) src(%arg11 : memref<128x128xf32, #tpu.memory_space<vmem>>) dst(%dma_wait3A_884 : memref<10112x128xf32, #tpu.memory_space<vmem_shared>>)
        %dma_start3A_885 = arith.constant 14 : i32
        %dma_start3A_886 = arith.constant 0 : i32
        %dma_start3A_887 = tpu.memref_slice %arg8[%dma_start3A_885, %dma_start3A_886] : memref<16x128xi32, #tpu.memory_space<vmem>> -> memref<1x128xi32, #tpu.memory_space<vmem>>
        %dma_start3A_888 = tpu.memref_squeeze %dma_start3A_887 : memref<1x128xi32, #tpu.memory_space<vmem>> -> memref<128xi32, #tpu.memory_space<vmem>>
        %dma_start3A_889 = arith.constant 0 : i32
        %dma_start3A_890 = arith.constant 0 : i32
        %dma_start3A_891 = tpu.memref_slice %arg2[%dma_start3A_889, %dma_start3A_890] : memref<10000x128xf32, #tpu.memory_space<hbm>> -> memref<10000x128xf32, #tpu.memory_space<hbm>>
        tpu.enqueue_indirect_dma source(%dma_start3A_891 : memref<10000x128xf32, #tpu.memory_space<hbm>>) target(%arg11 : memref<128x128xf32, #tpu.memory_space<vmem>>) offsets(%dma_start3A_888 : memref<128xi32, #tpu.memory_space<vmem>>) semaphore(%arg14 : memref<!tpu.dma_semaphore, #tpu.memory_space<semaphore_mem>>)
        %dma_wait3A_892 = arith.constant 14 : i32
        %dma_wait3A_893 = arith.constant 0 : i32
        %dma_wait3A_894 = tpu.memref_slice %arg8[%dma_wait3A_892, %dma_wait3A_893] : memref<16x128xi32, #tpu.memory_space<vmem>> -> memref<1x128xi32, #tpu.memory_space<vmem>>
        %dma_wait3A_895 = tpu.memref_squeeze %dma_wait3A_894 : memref<1x128xi32, #tpu.memory_space<vmem>> -> memref<128xi32, #tpu.memory_space<vmem>>
        %dma_wait3A_896 = arith.constant 0 : i32
        %dma_wait3A_897 = arith.constant 0 : i32
        %dma_wait3A_898 = tpu.memref_slice %arg2[%dma_wait3A_896, %dma_wait3A_897] : memref<10000x128xf32, #tpu.memory_space<hbm>> -> memref<10000x128xf32, #tpu.memory_space<hbm>>
        tpu.wait_indirect_dma semaphore(%arg14 : memref<!tpu.dma_semaphore, #tpu.memory_space<semaphore_mem>>) src(%dma_wait3A_898 : memref<10000x128xf32, #tpu.memory_space<hbm>>) dst(%arg11 : memref<128x128xf32, #tpu.memory_space<vmem>>)
        %dma_start3A_899 = arith.constant 14 : i32
        %dma_start3A_900 = arith.constant 0 : i32
        %dma_start3A_901 = tpu.memref_slice %arg10[%dma_start3A_899, %dma_start3A_900] : memref<16x128xi32, #tpu.memory_space<vmem>> -> memref<1x128xi32, #tpu.memory_space<vmem>>
        %dma_start3A_902 = tpu.memref_squeeze %dma_start3A_901 : memref<1x128xi32, #tpu.memory_space<vmem>> -> memref<128xi32, #tpu.memory_space<vmem>>
        %dma_start3A_903 = arith.constant 0 : i32
        %dma_start3A_904 = arith.constant 0 : i32
        %dma_start3A_905 = tpu.memref_slice %arg13[%dma_start3A_903, %dma_start3A_904] : memref<10112x128xf32, #tpu.memory_space<vmem_shared>> -> memref<10112x128xf32, #tpu.memory_space<vmem_shared>>
        tpu.enqueue_indirect_dma source(%arg11 : memref<128x128xf32, #tpu.memory_space<vmem>>) target(%dma_start3A_905 : memref<10112x128xf32, #tpu.memory_space<vmem_shared>>) offsets(%dma_start3A_902 : memref<128xi32, #tpu.memory_space<vmem>>) semaphore(%arg16 : memref<!tpu.dma_semaphore, #tpu.memory_space<semaphore_mem>>) {add = true}
        %dma_wait3A_906 = arith.constant 15 : i32
        %dma_wait3A_907 = arith.constant 0 : i32
        %dma_wait3A_908 = tpu.memref_slice %arg10[%dma_wait3A_906, %dma_wait3A_907] : memref<16x128xi32, #tpu.memory_space<vmem>> -> memref<1x128xi32, #tpu.memory_space<vmem>>
        %dma_wait3A_909 = tpu.memref_squeeze %dma_wait3A_908 : memref<1x128xi32, #tpu.memory_space<vmem>> -> memref<128xi32, #tpu.memory_space<vmem>>
        %dma_wait3A_910 = arith.constant 0 : i32
        %dma_wait3A_911 = arith.constant 0 : i32
        %dma_wait3A_912 = tpu.memref_slice %arg13[%dma_wait3A_910, %dma_wait3A_911] : memref<10112x128xf32, #tpu.memory_space<vmem_shared>> -> memref<10112x128xf32, #tpu.memory_space<vmem_shared>>
        tpu.wait_indirect_dma semaphore(%arg17 : memref<!tpu.dma_semaphore, #tpu.memory_space<semaphore_mem>>) src(%arg12 : memref<128x128xf32, #tpu.memory_space<vmem>>) dst(%dma_wait3A_912 : memref<10112x128xf32, #tpu.memory_space<vmem_shared>>)
        %dma_start3A_913 = arith.constant 15 : i32
        %dma_start3A_914 = arith.constant 0 : i32
        %dma_start3A_915 = tpu.memref_slice %arg8[%dma_start3A_913, %dma_start3A_914] : memref<16x128xi32, #tpu.memory_space<vmem>> -> memref<1x128xi32, #tpu.memory_space<vmem>>
        %dma_start3A_916 = tpu.memref_squeeze %dma_start3A_915 : memref<1x128xi32, #tpu.memory_space<vmem>> -> memref<128xi32, #tpu.memory_space<vmem>>
        %dma_start3A_917 = arith.constant 0 : i32
        %dma_start3A_918 = arith.constant 0 : i32
        %dma_start3A_919 = tpu.memref_slice %arg2[%dma_start3A_917, %dma_start3A_918] : memref<10000x128xf32, #tpu.memory_space<hbm>> -> memref<10000x128xf32, #tpu.memory_space<hbm>>
        tpu.enqueue_indirect_dma source(%dma_start3A_919 : memref<10000x128xf32, #tpu.memory_space<hbm>>) target(%arg12 : memref<128x128xf32, #tpu.memory_space<vmem>>) offsets(%dma_start3A_916 : memref<128xi32, #tpu.memory_space<vmem>>) semaphore(%arg15 : memref<!tpu.dma_semaphore, #tpu.memory_space<semaphore_mem>>)
        %dma_wait3A_920 = arith.constant 15 : i32
        %dma_wait3A_921 = arith.constant 0 : i32
        %dma_wait3A_922 = tpu.memref_slice %arg8[%dma_wait3A_920, %dma_wait3A_921] : memref<16x128xi32, #tpu.memory_space<vmem>> -> memref<1x128xi32, #tpu.memory_space<vmem>>
        %dma_wait3A_923 = tpu.memref_squeeze %dma_wait3A_922 : memref<1x128xi32, #tpu.memory_space<vmem>> -> memref<128xi32, #tpu.memory_space<vmem>>
        %dma_wait3A_924 = arith.constant 0 : i32
        %dma_wait3A_925 = arith.constant 0 : i32
        %dma_wait3A_926 = tpu.memref_slice %arg2[%dma_wait3A_924, %dma_wait3A_925] : memref<10000x128xf32, #tpu.memory_space<hbm>> -> memref<10000x128xf32, #tpu.memory_space<hbm>>
        tpu.wait_indirect_dma semaphore(%arg15 : memref<!tpu.dma_semaphore, #tpu.memory_space<semaphore_mem>>) src(%dma_wait3A_926 : memref<10000x128xf32, #tpu.memory_space<hbm>>) dst(%arg12 : memref<128x128xf32, #tpu.memory_space<vmem>>)
        %dma_start3A_927 = arith.constant 15 : i32
        %dma_start3A_928 = arith.constant 0 : i32
        %dma_start3A_929 = tpu.memref_slice %arg10[%dma_start3A_927, %dma_start3A_928] : memref<16x128xi32, #tpu.memory_space<vmem>> -> memref<1x128xi32, #tpu.memory_space<vmem>>
        %dma_start3A_930 = tpu.memref_squeeze %dma_start3A_929 : memref<1x128xi32, #tpu.memory_space<vmem>> -> memref<128xi32, #tpu.memory_space<vmem>>
        %dma_start3A_931 = arith.constant 0 : i32
        %dma_start3A_932 = arith.constant 0 : i32
        %dma_start3A_933 = tpu.memref_slice %arg13[%dma_start3A_931, %dma_start3A_932] : memref<10112x128xf32, #tpu.memory_space<vmem_shared>> -> memref<10112x128xf32, #tpu.memory_space<vmem_shared>>
        tpu.enqueue_indirect_dma source(%arg12 : memref<128x128xf32, #tpu.memory_space<vmem>>) target(%dma_start3A_933 : memref<10112x128xf32, #tpu.memory_space<vmem_shared>>) offsets(%dma_start3A_930 : memref<128xi32, #tpu.memory_space<vmem>>) semaphore(%arg17 : memref<!tpu.dma_semaphore, #tpu.memory_space<semaphore_mem>>) {add = true}
      }
      %scan3A_7 = arith.constant 5 : i32
      %dma_wait3A = arith.constant 0 : i32
      %dma_wait3A_8 = arith.constant 0 : i32
      %dma_wait3A_9 = tpu.memref_slice %arg10[%dma_wait3A, %dma_wait3A_8] : memref<16x128xi32, #tpu.memory_space<vmem>> -> memref<1x128xi32, #tpu.memory_space<vmem>>
      %dma_wait3A_10 = tpu.memref_squeeze %dma_wait3A_9 : memref<1x128xi32, #tpu.memory_space<vmem>> -> memref<128xi32, #tpu.memory_space<vmem>>
      %dma_wait3A_11 = arith.constant 0 : i32
      %dma_wait3A_12 = arith.constant 0 : i32
      %dma_wait3A_13 = tpu.memref_slice %arg13[%dma_wait3A_11, %dma_wait3A_12] : memref<10112x128xf32, #tpu.memory_space<vmem_shared>> -> memref<10112x128xf32, #tpu.memory_space<vmem_shared>>
      tpu.wait_indirect_dma semaphore(%arg16 : memref<!tpu.dma_semaphore, #tpu.memory_space<semaphore_mem>>) src(%arg11 : memref<128x128xf32, #tpu.memory_space<vmem>>) dst(%dma_wait3A_13 : memref<10112x128xf32, #tpu.memory_space<vmem_shared>>)
      %dma_wait3A_14 = arith.constant 1 : i32
      %dma_wait3A_15 = arith.constant 0 : i32
      %dma_wait3A_16 = tpu.memref_slice %arg10[%dma_wait3A_14, %dma_wait3A_15] : memref<16x128xi32, #tpu.memory_space<vmem>> -> memref<1x128xi32, #tpu.memory_space<vmem>>
      %dma_wait3A_17 = tpu.memref_squeeze %dma_wait3A_16 : memref<1x128xi32, #tpu.memory_space<vmem>> -> memref<128xi32, #tpu.memory_space<vmem>>
      %dma_wait3A_18 = arith.constant 0 : i32
      %dma_wait3A_19 = arith.constant 0 : i32
      %dma_wait3A_20 = tpu.memref_slice %arg13[%dma_wait3A_18, %dma_wait3A_19] : memref<10112x128xf32, #tpu.memory_space<vmem_shared>> -> memref<10112x128xf32, #tpu.memory_space<vmem_shared>>
      tpu.wait_indirect_dma semaphore(%arg17 : memref<!tpu.dma_semaphore, #tpu.memory_space<semaphore_mem>>) src(%arg12 : memref<128x128xf32, #tpu.memory_space<vmem>>) dst(%dma_wait3A_20 : memref<10112x128xf32, #tpu.memory_space<vmem_shared>>)
      %barrier3A_21 = arith.constant 0 : index
      tpu.barrier barrier_id(%barrier3A_21)
      %mul3A_22 = arith.constant 632 : i32
      %mul3A_23 = arith.muli %arg1, %mul3A_22 : i32
      %mul3A_24 = arith.constant 632 : i32
      %mul3A_25 = arith.muli %arg1, %mul3A_24 : i32
      "tpu.region"() ({
        %run_scoped3A = tpu.sem_alloc : memref<!tpu.dma_semaphore, #tpu.memory_space<semaphore_mem>>
        %dma_start3A = arith.constant 0 : i32
        %dma_start3A_26 = tpu.memref_slice %arg6[%mul3A_25, %dma_start3A] : memref<10112x128xf32, #tpu.memory_space<hbm>> -> memref<632x128xf32, #tpu.memory_space<hbm>>
        %dma_start3A_27 = arith.constant 0 : i32
        %dma_start3A_28 = tpu.memref_slice %arg13[%mul3A_23, %dma_start3A_27] : memref<10112x128xf32, #tpu.memory_space<vmem_shared>> -> memref<632x128xf32, #tpu.memory_space<vmem_shared>>
        tpu.enqueue_dma source(%dma_start3A_28 : memref<632x128xf32, #tpu.memory_space<vmem_shared>>) target(%dma_start3A_26 : memref<632x128xf32, #tpu.memory_space<hbm>>) target_semaphore(%run_scoped3A : memref<!tpu.dma_semaphore, #tpu.memory_space<semaphore_mem>>)
        %dma_wait3A_29 = arith.constant 0 : i32
        %dma_wait3A_30 = tpu.memref_slice %arg6[%mul3A_25, %dma_wait3A_29] : memref<10112x128xf32, #tpu.memory_space<hbm>> -> memref<632x128xf32, #tpu.memory_space<hbm>>
        %dma_wait3A_31 = arith.constant 0 : i32
        %dma_wait3A_32 = tpu.memref_slice %arg13[%mul3A_23, %dma_wait3A_31] : memref<10112x128xf32, #tpu.memory_space<vmem_shared>> -> memref<632x128xf32, #tpu.memory_space<vmem_shared>>
        tpu.wait_dma2 semaphore(%run_scoped3A : memref<!tpu.dma_semaphore, #tpu.memory_space<semaphore_mem>>) src(%dma_wait3A_32 : memref<632x128xf32, #tpu.memory_space<vmem_shared>>) dst(%dma_wait3A_30 : memref<632x128xf32, #tpu.memory_space<hbm>>)
        tpu.yield
      }) : () -> ()
    } else {
    }
    return
  }
}

#map = affine_map<(d0, d1) -> (0, 0)>
module attributes {stable_mosaic.version = 14 : i64} {
  func.func @agg(%arg0: i32, %arg1: i32, %arg2: memref<10000x128xf32, #tpu.memory_space<hbm>>, %arg3: memref<2560x128xi32, #tpu.memory_space<hbm>>, %arg4: memref<2560x128xi32, #tpu.memory_space<hbm>>, %arg5: memref<632x128xf32, #tpu.memory_space<hbm>>, %arg6: memref<10112x128xf32, #tpu.memory_space<hbm>>, %arg7: memref<16x128xi32, #tpu.memory_space<vmem>>, %arg8: memref<16x128xi32, #tpu.memory_space<vmem>>, %arg9: memref<16x128xi32, #tpu.memory_space<vmem>>, %arg10: memref<16x128xi32, #tpu.memory_space<vmem>>, %arg11: memref<128x128xf32, #tpu.memory_space<vmem>>, %arg12: memref<128x128xf32, #tpu.memory_space<vmem>>, %arg13: memref<10112x128xf32, #tpu.memory_space<vmem_shared>>, %arg14: memref<!tpu.dma_semaphore, #tpu.memory_space<semaphore_mem>>, %arg15: memref<!tpu.dma_semaphore, #tpu.memory_space<semaphore_mem>>, %arg16: memref<!tpu.dma_semaphore, #tpu.memory_space<semaphore_mem>>, %arg17: memref<!tpu.dma_semaphore, #tpu.memory_space<semaphore_mem>>) attributes {dimension_semantics = [#tpu.dimension_semantics<core_parallel>, #tpu.dimension_semantics<subcore_parallel>], iteration_bounds = array<i64: 2, 16>, scalar_prefetch = 0 : i64, scratch_operands = 11 : i64, tpu.core_type = #tpu.core_type<sc_vector_subcore>, window_params = [{transform_indices = #map}, {transform_indices = #map}, {transform_indices = #map}, {transform_indices = #map}, {transform_indices = #map}]} {
    %eq3A = arith.constant 0 : i32
    %eq3A_0 = arith.cmpi eq, %arg0, %eq3A : i32
    %convert_element_type3A = arith.extui %eq3A_0 : i1 to i32
    %cond3A = arith.constant 0 : i32
    %cond3A_1 = arith.cmpi ne, %convert_element_type3A, %cond3A : i32
    scf.if %cond3A_1 {
      %mul3A = arith.constant 632 : i32
      %mul3A_2 = arith.muli %arg1, %mul3A : i32
      "tpu.region"() ({
        %run_scoped3A = tpu.sem_alloc : memref<!tpu.dma_semaphore, #tpu.memory_space<semaphore_mem>>
        %dma_start3A = arith.constant 0 : i32
        %dma_start3A_26 = tpu.memref_slice %arg13[%mul3A_2, %dma_start3A] : memref<10112x128xf32, #tpu.memory_space<vmem_shared>> -> memref<632x128xf32, #tpu.memory_space<vmem_shared>>
        tpu.enqueue_dma source(%arg5 : memref<632x128xf32, #tpu.memory_space<hbm>>) target(%dma_start3A_26 : memref<632x128xf32, #tpu.memory_space<vmem_shared>>) target_semaphore(%run_scoped3A : memref<!tpu.dma_semaphore, #tpu.memory_space<semaphore_mem>>)
        %dma_wait3A_27 = arith.constant 0 : i32
        %dma_wait3A_28 = tpu.memref_slice %arg13[%mul3A_2, %dma_wait3A_27] : memref<10112x128xf32, #tpu.memory_space<vmem_shared>> -> memref<632x128xf32, #tpu.memory_space<vmem_shared>>
        tpu.wait_dma2 semaphore(%run_scoped3A : memref<!tpu.dma_semaphore, #tpu.memory_space<semaphore_mem>>) src(%arg5 : memref<632x128xf32, #tpu.memory_space<hbm>>) dst(%dma_wait3A_28 : memref<632x128xf32, #tpu.memory_space<vmem_shared>>)
        tpu.yield
      }) : () -> ()
      %barrier3A = arith.constant 0 : index
      tpu.barrier barrier_id(%barrier3A)
      %scan3A = arith.constant 0 : i32
      %scan3A_3 = arith.constant 0 : i32
      %scan3A_4 = arith.constant 5 : i32
      %scan3A_5 = arith.addi %scan3A_3, %scan3A_4 : i32
      %scan3A_6 = arith.constant 1 : i32
      scf.for %scan3A_26 = %scan3A_3 to %scan3A_5 step %scan3A_6  : i32 {
        %mul3A_27 = arith.constant 160 : i32
        %mul3A_28 = arith.muli %arg1, %mul3A_27 : i32
        %mul3A_29 = arith.constant 2 : i32
        %mul3A_30 = arith.muli %mul3A_29, %scan3A_26 : i32
        %add3A = arith.constant 0 : i32
        %add3A_31 = arith.addi %mul3A_30, %add3A : i32
        %mul3A_32 = arith.constant 16 : i32
        %mul3A_33 = arith.muli %add3A_31, %mul3A_32 : i32
        %add3A_34 = arith.addi %mul3A_28, %mul3A_33 : i32
        "tpu.region"() ({
          %run_scoped3A = tpu.sem_alloc : memref<!tpu.dma_semaphore, #tpu.memory_space<semaphore_mem>>
          %dma_start3A_934 = arith.constant 0 : i32
          %dma_start3A_935 = tpu.memref_slice %arg3[%add3A_34, %dma_start3A_934] : memref<2560x128xi32, #tpu.memory_space<hbm>> -> memref<16x128xi32, #tpu.memory_space<hbm>>
          %dma_start3A_936 = arith.constant 0 : i32
          %dma_start3A_937 = tpu.memref_slice %arg3[%add3A_34, %dma_start3A_936] : memref<2560x128xi32, #tpu.memory_space<hbm>> -> memref<16x128xi32, #tpu.memory_space<hbm>>
          tpu.enqueue_dma source(%dma_start3A_937 : memref<16x128xi32, #tpu.memory_space<hbm>>) target(%arg7 : memref<16x128xi32, #tpu.memory_space<vmem>>) target_semaphore(%run_scoped3A : memref<!tpu.dma_semaphore, #tpu.memory_space<semaphore_mem>>)
          %dma_wait3A_938 = arith.constant 0 : i32
          %dma_wait3A_939 = tpu.memref_slice %arg3[%add3A_34, %dma_wait3A_938] : memref<2560x128xi32, #tpu.memory_space<hbm>> -> memref<16x128xi32, #tpu.memory_space<hbm>>
          %dma_wait3A_940 = arith.constant 0 : i32
          %dma_wait3A_941 = tpu.memref_slice %arg3[%add3A_34, %dma_wait3A_940] : memref<2560x128xi32, #tpu.memory_space<hbm>> -> memref<16x128xi32, #tpu.memory_space<hbm>>
          tpu.wait_dma2 semaphore(%run_scoped3A : memref<!tpu.dma_semaphore, #tpu.memory_space<semaphore_mem>>) src(%dma_wait3A_941 : memref<16x128xi32, #tpu.memory_space<hbm>>) dst(%arg7 : memref<16x128xi32, #tpu.memory_space<vmem>>)
          tpu.yield
        }) : () -> ()
        "tpu.region"() ({
          %run_scoped3A = tpu.sem_alloc : memref<!tpu.dma_semaphore, #tpu.memory_space<semaphore_mem>>
          %dma_start3A_934 = arith.constant 0 : i32
          %dma_start3A_935 = tpu.memref_slice %arg4[%add3A_34, %dma_start3A_934] : memref<2560x128xi32, #tpu.memory_space<hbm>> -> memref<16x128xi32, #tpu.memory_space<hbm>>
          %dma_start3A_936 = arith.constant 0 : i32
          %dma_start3A_937 = tpu.memref_slice %arg4[%add3A_34, %dma_start3A_936] : memref<2560x128xi32, #tpu.memory_space<hbm>> -> memref<16x128xi32, #tpu.memory_space<hbm>>
          tpu.enqueue_dma source(%dma_start3A_937 : memref<16x128xi32, #tpu.memory_space<hbm>>) target(%arg9 : memref<16x128xi32, #tpu.memory_space<vmem>>) target_semaphore(%run_scoped3A : memref<!tpu.dma_semaphore, #tpu.memory_space<semaphore_mem>>)
          %dma_wait3A_938 = arith.constant 0 : i32
          %dma_wait3A_939 = tpu.memref_slice %arg4[%add3A_34, %dma_wait3A_938] : memref<2560x128xi32, #tpu.memory_space<hbm>> -> memref<16x128xi32, #tpu.memory_space<hbm>>
          %dma_wait3A_940 = arith.constant 0 : i32
          %dma_wait3A_941 = tpu.memref_slice %arg4[%add3A_34, %dma_wait3A_940] : memref<2560x128xi32, #tpu.memory_space<hbm>> -> memref<16x128xi32, #tpu.memory_space<hbm>>
          tpu.wait_dma2 semaphore(%run_scoped3A : memref<!tpu.dma_semaphore, #tpu.memory_space<semaphore_mem>>) src(%dma_wait3A_941 : memref<16x128xi32, #tpu.memory_space<hbm>>) dst(%arg9 : memref<16x128xi32, #tpu.memory_space<vmem>>)
          tpu.yield
        }) : () -> ()
        %gt3A = arith.constant 0 : i32
        %gt3A_35 = arith.cmpi sgt, %scan3A_26, %gt3A : i32
        %convert_element_type3A_36 = arith.extui %gt3A_35 : i1 to i32
        %cond3A_37 = arith.constant 0 : i32
        %cond3A_38 = arith.cmpi ne, %convert_element_type3A_36, %cond3A_37 : i32
        scf.if %cond3A_38 {
          %dma_wait3A_934 = arith.constant 0 : i32
          %dma_wait3A_935 = arith.constant 0 : i32
          %dma_wait3A_936 = tpu.memref_slice %arg9[%dma_wait3A_934, %dma_wait3A_935] : memref<16x128xi32, #tpu.memory_space<vmem>> -> memref<1x128xi32, #tpu.memory_space<vmem>>
          %dma_wait3A_937 = tpu.memref_squeeze %dma_wait3A_936 : memref<1x128xi32, #tpu.memory_space<vmem>> -> memref<128xi32, #tpu.memory_space<vmem>>
          %dma_wait3A_938 = arith.constant 0 : i32
          %dma_wait3A_939 = arith.constant 0 : i32
          %dma_wait3A_940 = tpu.memref_slice %arg13[%dma_wait3A_938, %dma_wait3A_939] : memref<10112x128xf32, #tpu.memory_space<vmem_shared>> -> memref<10112x128xf32, #tpu.memory_space<vmem_shared>>
          tpu.wait_indirect_dma semaphore(%arg16 : memref<!tpu.dma_semaphore, #tpu.memory_space<semaphore_mem>>) src(%arg11 : memref<128x128xf32, #tpu.memory_space<vmem>>) dst(%dma_wait3A_940 : memref<10112x128xf32, #tpu.memory_space<vmem_shared>>)
        } else {
        }
        %dma_start3A = arith.constant 0 : i32
        %dma_start3A_39 = arith.constant 0 : i32
        %dma_start3A_40 = tpu.memref_slice %arg7[%dma_start3A, %dma_start3A_39] : memref<16x128xi32, #tpu.memory_space<vmem>> -> memref<1x128xi32, #tpu.memory_space<vmem>>
        %dma_start3A_41 = tpu.memref_squeeze %dma_start3A_40 : memref<1x128xi32, #tpu.memory_space<vmem>> -> memref<128xi32, #tpu.memory_space<vmem>>
        %dma_start3A_42 = arith.constant 0 : i32
        %dma_start3A_43 = arith.constant 0 : i32
        %dma_start3A_44 = tpu.memref_slice %arg2[%dma_start3A_42, %dma_start3A_43] : memref<10000x128xf32, #tpu.memory_space<hbm>> -> memref<10000x128xf32, #tpu.memory_space<hbm>>
        tpu.enqueue_indirect_dma source(%dma_start3A_44 : memref<10000x128xf32, #tpu.memory_space<hbm>>) target(%arg11 : memref<128x128xf32, #tpu.memory_space<vmem>>) offsets(%dma_start3A_41 : memref<128xi32, #tpu.memory_space<vmem>>) semaphore(%arg14 : memref<!tpu.dma_semaphore, #tpu.memory_space<semaphore_mem>>)
        %dma_wait3A_45 = arith.constant 0 : i32
        %dma_wait3A_46 = arith.constant 0 : i32
        %dma_wait3A_47 = tpu.memref_slice %arg7[%dma_wait3A_45, %dma_wait3A_46] : memref<16x128xi32, #tpu.memory_space<vmem>> -> memref<1x128xi32, #tpu.memory_space<vmem>>
        %dma_wait3A_48 = tpu.memref_squeeze %dma_wait3A_47 : memref<1x128xi32, #tpu.memory_space<vmem>> -> memref<128xi32, #tpu.memory_space<vmem>>
        %dma_wait3A_49 = arith.constant 0 : i32
        %dma_wait3A_50 = arith.constant 0 : i32
        %dma_wait3A_51 = tpu.memref_slice %arg2[%dma_wait3A_49, %dma_wait3A_50] : memref<10000x128xf32, #tpu.memory_space<hbm>> -> memref<10000x128xf32, #tpu.memory_space<hbm>>
        tpu.wait_indirect_dma semaphore(%arg14 : memref<!tpu.dma_semaphore, #tpu.memory_space<semaphore_mem>>) src(%dma_wait3A_51 : memref<10000x128xf32, #tpu.memory_space<hbm>>) dst(%arg11 : memref<128x128xf32, #tpu.memory_space<vmem>>)
        %dma_start3A_52 = arith.constant 0 : i32
        %dma_start3A_53 = arith.constant 0 : i32
        %dma_start3A_54 = tpu.memref_slice %arg9[%dma_start3A_52, %dma_start3A_53] : memref<16x128xi32, #tpu.memory_space<vmem>> -> memref<1x128xi32, #tpu.memory_space<vmem>>
        %dma_start3A_55 = tpu.memref_squeeze %dma_start3A_54 : memref<1x128xi32, #tpu.memory_space<vmem>> -> memref<128xi32, #tpu.memory_space<vmem>>
        %dma_start3A_56 = arith.constant 0 : i32
        %dma_start3A_57 = arith.constant 0 : i32
        %dma_start3A_58 = tpu.memref_slice %arg13[%dma_start3A_56, %dma_start3A_57] : memref<10112x128xf32, #tpu.memory_space<vmem_shared>> -> memref<10112x128xf32, #tpu.memory_space<vmem_shared>>
        tpu.enqueue_indirect_dma source(%arg11 : memref<128x128xf32, #tpu.memory_space<vmem>>) target(%dma_start3A_58 : memref<10112x128xf32, #tpu.memory_space<vmem_shared>>) offsets(%dma_start3A_55 : memref<128xi32, #tpu.memory_space<vmem>>) semaphore(%arg16 : memref<!tpu.dma_semaphore, #tpu.memory_space<semaphore_mem>>) {add = true}
        %gt3A_59 = arith.constant 0 : i32
        %gt3A_60 = arith.cmpi sgt, %scan3A_26, %gt3A_59 : i32
        %convert_element_type3A_61 = arith.extui %gt3A_60 : i1 to i32
        %cond3A_62 = arith.constant 0 : i32
        %cond3A_63 = arith.cmpi ne, %convert_element_type3A_61, %cond3A_62 : i32
        scf.if %cond3A_63 {
          %dma_wait3A_934 = arith.constant 1 : i32
          %dma_wait3A_935 = arith.constant 0 : i32
          %dma_wait3A_936 = tpu.memref_slice %arg9[%dma_wait3A_934, %dma_wait3A_935] : memref<16x128xi32, #tpu.memory_space<vmem>> -> memref<1x128xi32, #tpu.memory_space<vmem>>
          %dma_wait3A_937 = tpu.memref_squeeze %dma_wait3A_936 : memref<1x128xi32, #tpu.memory_space<vmem>> -> memref<128xi32, #tpu.memory_space<vmem>>
          %dma_wait3A_938 = arith.constant 0 : i32
          %dma_wait3A_939 = arith.constant 0 : i32
          %dma_wait3A_940 = tpu.memref_slice %arg13[%dma_wait3A_938, %dma_wait3A_939] : memref<10112x128xf32, #tpu.memory_space<vmem_shared>> -> memref<10112x128xf32, #tpu.memory_space<vmem_shared>>
          tpu.wait_indirect_dma semaphore(%arg17 : memref<!tpu.dma_semaphore, #tpu.memory_space<semaphore_mem>>) src(%arg12 : memref<128x128xf32, #tpu.memory_space<vmem>>) dst(%dma_wait3A_940 : memref<10112x128xf32, #tpu.memory_space<vmem_shared>>)
        } else {
        }
        %dma_start3A_64 = arith.constant 1 : i32
        %dma_start3A_65 = arith.constant 0 : i32
        %dma_start3A_66 = tpu.memref_slice %arg7[%dma_start3A_64, %dma_start3A_65] : memref<16x128xi32, #tpu.memory_space<vmem>> -> memref<1x128xi32, #tpu.memory_space<vmem>>
        %dma_start3A_67 = tpu.memref_squeeze %dma_start3A_66 : memref<1x128xi32, #tpu.memory_space<vmem>> -> memref<128xi32, #tpu.memory_space<vmem>>
        %dma_start3A_68 = arith.constant 0 : i32
        %dma_start3A_69 = arith.constant 0 : i32
        %dma_start3A_70 = tpu.memref_slice %arg2[%dma_start3A_68, %dma_start3A_69] : memref<10000x128xf32, #tpu.memory_space<hbm>> -> memref<10000x128xf32, #tpu.memory_space<hbm>>
        tpu.enqueue_indirect_dma source(%dma_start3A_70 : memref<10000x128xf32, #tpu.memory_space<hbm>>) target(%arg12 : memref<128x128xf32, #tpu.memory_space<vmem>>) offsets(%dma_start3A_67 : memref<128xi32, #tpu.memory_space<vmem>>) semaphore(%arg15 : memref<!tpu.dma_semaphore, #tpu.memory_space<semaphore_mem>>)
        %dma_wait3A_71 = arith.constant 1 : i32
        %dma_wait3A_72 = arith.constant 0 : i32
        %dma_wait3A_73 = tpu.memref_slice %arg7[%dma_wait3A_71, %dma_wait3A_72] : memref<16x128xi32, #tpu.memory_space<vmem>> -> memref<1x128xi32, #tpu.memory_space<vmem>>
        %dma_wait3A_74 = tpu.memref_squeeze %dma_wait3A_73 : memref<1x128xi32, #tpu.memory_space<vmem>> -> memref<128xi32, #tpu.memory_space<vmem>>
        %dma_wait3A_75 = arith.constant 0 : i32
        %dma_wait3A_76 = arith.constant 0 : i32
        %dma_wait3A_77 = tpu.memref_slice %arg2[%dma_wait3A_75, %dma_wait3A_76] : memref<10000x128xf32, #tpu.memory_space<hbm>> -> memref<10000x128xf32, #tpu.memory_space<hbm>>
        tpu.wait_indirect_dma semaphore(%arg15 : memref<!tpu.dma_semaphore, #tpu.memory_space<semaphore_mem>>) src(%dma_wait3A_77 : memref<10000x128xf32, #tpu.memory_space<hbm>>) dst(%arg12 : memref<128x128xf32, #tpu.memory_space<vmem>>)
        %dma_start3A_78 = arith.constant 1 : i32
        %dma_start3A_79 = arith.constant 0 : i32
        %dma_start3A_80 = tpu.memref_slice %arg9[%dma_start3A_78, %dma_start3A_79] : memref<16x128xi32, #tpu.memory_space<vmem>> -> memref<1x128xi32, #tpu.memory_space<vmem>>
        %dma_start3A_81 = tpu.memref_squeeze %dma_start3A_80 : memref<1x128xi32, #tpu.memory_space<vmem>> -> memref<128xi32, #tpu.memory_space<vmem>>
        %dma_start3A_82 = arith.constant 0 : i32
        %dma_start3A_83 = arith.constant 0 : i32
        %dma_start3A_84 = tpu.memref_slice %arg13[%dma_start3A_82, %dma_start3A_83] : memref<10112x128xf32, #tpu.memory_space<vmem_shared>> -> memref<10112x128xf32, #tpu.memory_space<vmem_shared>>
        tpu.enqueue_indirect_dma source(%arg12 : memref<128x128xf32, #tpu.memory_space<vmem>>) target(%dma_start3A_84 : memref<10112x128xf32, #tpu.memory_space<vmem_shared>>) offsets(%dma_start3A_81 : memref<128xi32, #tpu.memory_space<vmem>>) semaphore(%arg17 : memref<!tpu.dma_semaphore, #tpu.memory_space<semaphore_mem>>) {add = true}
        %dma_wait3A_85 = arith.constant 2 : i32
        %dma_wait3A_86 = arith.constant 0 : i32
        %dma_wait3A_87 = tpu.memref_slice %arg9[%dma_wait3A_85, %dma_wait3A_86] : memref<16x128xi32, #tpu.memory_space<vmem>> -> memref<1x128xi32, #tpu.memory_space<vmem>>
        %dma_wait3A_88 = tpu.memref_squeeze %dma_wait3A_87 : memref<1x128xi32, #tpu.memory_space<vmem>> -> memref<128xi32, #tpu.memory_space<vmem>>
        %dma_wait3A_89 = arith.constant 0 : i32
        %dma_wait3A_90 = arith.constant 0 : i32
        %dma_wait3A_91 = tpu.memref_slice %arg13[%dma_wait3A_89, %dma_wait3A_90] : memref<10112x128xf32, #tpu.memory_space<vmem_shared>> -> memref<10112x128xf32, #tpu.memory_space<vmem_shared>>
        tpu.wait_indirect_dma semaphore(%arg16 : memref<!tpu.dma_semaphore, #tpu.memory_space<semaphore_mem>>) src(%arg11 : memref<128x128xf32, #tpu.memory_space<vmem>>) dst(%dma_wait3A_91 : memref<10112x128xf32, #tpu.memory_space<vmem_shared>>)
        %dma_start3A_92 = arith.constant 2 : i32
        %dma_start3A_93 = arith.constant 0 : i32
        %dma_start3A_94 = tpu.memref_slice %arg7[%dma_start3A_92, %dma_start3A_93] : memref<16x128xi32, #tpu.memory_space<vmem>> -> memref<1x128xi32, #tpu.memory_space<vmem>>
        %dma_start3A_95 = tpu.memref_squeeze %dma_start3A_94 : memref<1x128xi32, #tpu.memory_space<vmem>> -> memref<128xi32, #tpu.memory_space<vmem>>
        %dma_start3A_96 = arith.constant 0 : i32
        %dma_start3A_97 = arith.constant 0 : i32
        %dma_start3A_98 = tpu.memref_slice %arg2[%dma_start3A_96, %dma_start3A_97] : memref<10000x128xf32, #tpu.memory_space<hbm>> -> memref<10000x128xf32, #tpu.memory_space<hbm>>
        tpu.enqueue_indirect_dma source(%dma_start3A_98 : memref<10000x128xf32, #tpu.memory_space<hbm>>) target(%arg11 : memref<128x128xf32, #tpu.memory_space<vmem>>) offsets(%dma_start3A_95 : memref<128xi32, #tpu.memory_space<vmem>>) semaphore(%arg14 : memref<!tpu.dma_semaphore, #tpu.memory_space<semaphore_mem>>)
        %dma_wait3A_99 = arith.constant 2 : i32
        %dma_wait3A_100 = arith.constant 0 : i32
        %dma_wait3A_101 = tpu.memref_slice %arg7[%dma_wait3A_99, %dma_wait3A_100] : memref<16x128xi32, #tpu.memory_space<vmem>> -> memref<1x128xi32, #tpu.memory_space<vmem>>
        %dma_wait3A_102 = tpu.memref_squeeze %dma_wait3A_101 : memref<1x128xi32, #tpu.memory_space<vmem>> -> memref<128xi32, #tpu.memory_space<vmem>>
        %dma_wait3A_103 = arith.constant 0 : i32
        %dma_wait3A_104 = arith.constant 0 : i32
        %dma_wait3A_105 = tpu.memref_slice %arg2[%dma_wait3A_103, %dma_wait3A_104] : memref<10000x128xf32, #tpu.memory_space<hbm>> -> memref<10000x128xf32, #tpu.memory_space<hbm>>
        tpu.wait_indirect_dma semaphore(%arg14 : memref<!tpu.dma_semaphore, #tpu.memory_space<semaphore_mem>>) src(%dma_wait3A_105 : memref<10000x128xf32, #tpu.memory_space<hbm>>) dst(%arg11 : memref<128x128xf32, #tpu.memory_space<vmem>>)
        %dma_start3A_106 = arith.constant 2 : i32
        %dma_start3A_107 = arith.constant 0 : i32
        %dma_start3A_108 = tpu.memref_slice %arg9[%dma_start3A_106, %dma_start3A_107] : memref<16x128xi32, #tpu.memory_space<vmem>> -> memref<1x128xi32, #tpu.memory_space<vmem>>
        %dma_start3A_109 = tpu.memref_squeeze %dma_start3A_108 : memref<1x128xi32, #tpu.memory_space<vmem>> -> memref<128xi32, #tpu.memory_space<vmem>>
        %dma_start3A_110 = arith.constant 0 : i32
        %dma_start3A_111 = arith.constant 0 : i32
        %dma_start3A_112 = tpu.memref_slice %arg13[%dma_start3A_110, %dma_start3A_111] : memref<10112x128xf32, #tpu.memory_space<vmem_shared>> -> memref<10112x128xf32, #tpu.memory_space<vmem_shared>>
        tpu.enqueue_indirect_dma source(%arg11 : memref<128x128xf32, #tpu.memory_space<vmem>>) target(%dma_start3A_112 : memref<10112x128xf32, #tpu.memory_space<vmem_shared>>) offsets(%dma_start3A_109 : memref<128xi32, #tpu.memory_space<vmem>>) semaphore(%arg16 : memref<!tpu.dma_semaphore, #tpu.memory_space<semaphore_mem>>) {add = true}
        %dma_wait3A_113 = arith.constant 3 : i32
        %dma_wait3A_114 = arith.constant 0 : i32
        %dma_wait3A_115 = tpu.memref_slice %arg9[%dma_wait3A_113, %dma_wait3A_114] : memref<16x128xi32, #tpu.memory_space<vmem>> -> memref<1x128xi32, #tpu.memory_space<vmem>>
        %dma_wait3A_116 = tpu.memref_squeeze %dma_wait3A_115 : memref<1x128xi32, #tpu.memory_space<vmem>> -> memref<128xi32, #tpu.memory_space<vmem>>
        %dma_wait3A_117 = arith.constant 0 : i32
        %dma_wait3A_118 = arith.constant 0 : i32
        %dma_wait3A_119 = tpu.memref_slice %arg13[%dma_wait3A_117, %dma_wait3A_118] : memref<10112x128xf32, #tpu.memory_space<vmem_shared>> -> memref<10112x128xf32, #tpu.memory_space<vmem_shared>>
        tpu.wait_indirect_dma semaphore(%arg17 : memref<!tpu.dma_semaphore, #tpu.memory_space<semaphore_mem>>) src(%arg12 : memref<128x128xf32, #tpu.memory_space<vmem>>) dst(%dma_wait3A_119 : memref<10112x128xf32, #tpu.memory_space<vmem_shared>>)
        %dma_start3A_120 = arith.constant 3 : i32
        %dma_start3A_121 = arith.constant 0 : i32
        %dma_start3A_122 = tpu.memref_slice %arg7[%dma_start3A_120, %dma_start3A_121] : memref<16x128xi32, #tpu.memory_space<vmem>> -> memref<1x128xi32, #tpu.memory_space<vmem>>
        %dma_start3A_123 = tpu.memref_squeeze %dma_start3A_122 : memref<1x128xi32, #tpu.memory_space<vmem>> -> memref<128xi32, #tpu.memory_space<vmem>>
        %dma_start3A_124 = arith.constant 0 : i32
        %dma_start3A_125 = arith.constant 0 : i32
        %dma_start3A_126 = tpu.memref_slice %arg2[%dma_start3A_124, %dma_start3A_125] : memref<10000x128xf32, #tpu.memory_space<hbm>> -> memref<10000x128xf32, #tpu.memory_space<hbm>>
        tpu.enqueue_indirect_dma source(%dma_start3A_126 : memref<10000x128xf32, #tpu.memory_space<hbm>>) target(%arg12 : memref<128x128xf32, #tpu.memory_space<vmem>>) offsets(%dma_start3A_123 : memref<128xi32, #tpu.memory_space<vmem>>) semaphore(%arg15 : memref<!tpu.dma_semaphore, #tpu.memory_space<semaphore_mem>>)
        %dma_wait3A_127 = arith.constant 3 : i32
        %dma_wait3A_128 = arith.constant 0 : i32
        %dma_wait3A_129 = tpu.memref_slice %arg7[%dma_wait3A_127, %dma_wait3A_128] : memref<16x128xi32, #tpu.memory_space<vmem>> -> memref<1x128xi32, #tpu.memory_space<vmem>>
        %dma_wait3A_130 = tpu.memref_squeeze %dma_wait3A_129 : memref<1x128xi32, #tpu.memory_space<vmem>> -> memref<128xi32, #tpu.memory_space<vmem>>
        %dma_wait3A_131 = arith.constant 0 : i32
        %dma_wait3A_132 = arith.constant 0 : i32
        %dma_wait3A_133 = tpu.memref_slice %arg2[%dma_wait3A_131, %dma_wait3A_132] : memref<10000x128xf32, #tpu.memory_space<hbm>> -> memref<10000x128xf32, #tpu.memory_space<hbm>>
        tpu.wait_indirect_dma semaphore(%arg15 : memref<!tpu.dma_semaphore, #tpu.memory_space<semaphore_mem>>) src(%dma_wait3A_133 : memref<10000x128xf32, #tpu.memory_space<hbm>>) dst(%arg12 : memref<128x128xf32, #tpu.memory_space<vmem>>)
        %dma_start3A_134 = arith.constant 3 : i32
        %dma_start3A_135 = arith.constant 0 : i32
        %dma_start3A_136 = tpu.memref_slice %arg9[%dma_start3A_134, %dma_start3A_135] : memref<16x128xi32, #tpu.memory_space<vmem>> -> memref<1x128xi32, #tpu.memory_space<vmem>>
        %dma_start3A_137 = tpu.memref_squeeze %dma_start3A_136 : memref<1x128xi32, #tpu.memory_space<vmem>> -> memref<128xi32, #tpu.memory_space<vmem>>
        %dma_start3A_138 = arith.constant 0 : i32
        %dma_start3A_139 = arith.constant 0 : i32
        %dma_start3A_140 = tpu.memref_slice %arg13[%dma_start3A_138, %dma_start3A_139] : memref<10112x128xf32, #tpu.memory_space<vmem_shared>> -> memref<10112x128xf32, #tpu.memory_space<vmem_shared>>
        tpu.enqueue_indirect_dma source(%arg12 : memref<128x128xf32, #tpu.memory_space<vmem>>) target(%dma_start3A_140 : memref<10112x128xf32, #tpu.memory_space<vmem_shared>>) offsets(%dma_start3A_137 : memref<128xi32, #tpu.memory_space<vmem>>) semaphore(%arg17 : memref<!tpu.dma_semaphore, #tpu.memory_space<semaphore_mem>>) {add = true}
        %dma_wait3A_141 = arith.constant 4 : i32
        %dma_wait3A_142 = arith.constant 0 : i32
        %dma_wait3A_143 = tpu.memref_slice %arg9[%dma_wait3A_141, %dma_wait3A_142] : memref<16x128xi32, #tpu.memory_space<vmem>> -> memref<1x128xi32, #tpu.memory_space<vmem>>
        %dma_wait3A_144 = tpu.memref_squeeze %dma_wait3A_143 : memref<1x128xi32, #tpu.memory_space<vmem>> -> memref<128xi32, #tpu.memory_space<vmem>>
        %dma_wait3A_145 = arith.constant 0 : i32
        %dma_wait3A_146 = arith.constant 0 : i32
        %dma_wait3A_147 = tpu.memref_slice %arg13[%dma_wait3A_145, %dma_wait3A_146] : memref<10112x128xf32, #tpu.memory_space<vmem_shared>> -> memref<10112x128xf32, #tpu.memory_space<vmem_shared>>
        tpu.wait_indirect_dma semaphore(%arg16 : memref<!tpu.dma_semaphore, #tpu.memory_space<semaphore_mem>>) src(%arg11 : memref<128x128xf32, #tpu.memory_space<vmem>>) dst(%dma_wait3A_147 : memref<10112x128xf32, #tpu.memory_space<vmem_shared>>)
        %dma_start3A_148 = arith.constant 4 : i32
        %dma_start3A_149 = arith.constant 0 : i32
        %dma_start3A_150 = tpu.memref_slice %arg7[%dma_start3A_148, %dma_start3A_149] : memref<16x128xi32, #tpu.memory_space<vmem>> -> memref<1x128xi32, #tpu.memory_space<vmem>>
        %dma_start3A_151 = tpu.memref_squeeze %dma_start3A_150 : memref<1x128xi32, #tpu.memory_space<vmem>> -> memref<128xi32, #tpu.memory_space<vmem>>
        %dma_start3A_152 = arith.constant 0 : i32
        %dma_start3A_153 = arith.constant 0 : i32
        %dma_start3A_154 = tpu.memref_slice %arg2[%dma_start3A_152, %dma_start3A_153] : memref<10000x128xf32, #tpu.memory_space<hbm>> -> memref<10000x128xf32, #tpu.memory_space<hbm>>
        tpu.enqueue_indirect_dma source(%dma_start3A_154 : memref<10000x128xf32, #tpu.memory_space<hbm>>) target(%arg11 : memref<128x128xf32, #tpu.memory_space<vmem>>) offsets(%dma_start3A_151 : memref<128xi32, #tpu.memory_space<vmem>>) semaphore(%arg14 : memref<!tpu.dma_semaphore, #tpu.memory_space<semaphore_mem>>)
        %dma_wait3A_155 = arith.constant 4 : i32
        %dma_wait3A_156 = arith.constant 0 : i32
        %dma_wait3A_157 = tpu.memref_slice %arg7[%dma_wait3A_155, %dma_wait3A_156] : memref<16x128xi32, #tpu.memory_space<vmem>> -> memref<1x128xi32, #tpu.memory_space<vmem>>
        %dma_wait3A_158 = tpu.memref_squeeze %dma_wait3A_157 : memref<1x128xi32, #tpu.memory_space<vmem>> -> memref<128xi32, #tpu.memory_space<vmem>>
        %dma_wait3A_159 = arith.constant 0 : i32
        %dma_wait3A_160 = arith.constant 0 : i32
        %dma_wait3A_161 = tpu.memref_slice %arg2[%dma_wait3A_159, %dma_wait3A_160] : memref<10000x128xf32, #tpu.memory_space<hbm>> -> memref<10000x128xf32, #tpu.memory_space<hbm>>
        tpu.wait_indirect_dma semaphore(%arg14 : memref<!tpu.dma_semaphore, #tpu.memory_space<semaphore_mem>>) src(%dma_wait3A_161 : memref<10000x128xf32, #tpu.memory_space<hbm>>) dst(%arg11 : memref<128x128xf32, #tpu.memory_space<vmem>>)
        %dma_start3A_162 = arith.constant 4 : i32
        %dma_start3A_163 = arith.constant 0 : i32
        %dma_start3A_164 = tpu.memref_slice %arg9[%dma_start3A_162, %dma_start3A_163] : memref<16x128xi32, #tpu.memory_space<vmem>> -> memref<1x128xi32, #tpu.memory_space<vmem>>
        %dma_start3A_165 = tpu.memref_squeeze %dma_start3A_164 : memref<1x128xi32, #tpu.memory_space<vmem>> -> memref<128xi32, #tpu.memory_space<vmem>>
        %dma_start3A_166 = arith.constant 0 : i32
        %dma_start3A_167 = arith.constant 0 : i32
        %dma_start3A_168 = tpu.memref_slice %arg13[%dma_start3A_166, %dma_start3A_167] : memref<10112x128xf32, #tpu.memory_space<vmem_shared>> -> memref<10112x128xf32, #tpu.memory_space<vmem_shared>>
        tpu.enqueue_indirect_dma source(%arg11 : memref<128x128xf32, #tpu.memory_space<vmem>>) target(%dma_start3A_168 : memref<10112x128xf32, #tpu.memory_space<vmem_shared>>) offsets(%dma_start3A_165 : memref<128xi32, #tpu.memory_space<vmem>>) semaphore(%arg16 : memref<!tpu.dma_semaphore, #tpu.memory_space<semaphore_mem>>) {add = true}
        %dma_wait3A_169 = arith.constant 5 : i32
        %dma_wait3A_170 = arith.constant 0 : i32
        %dma_wait3A_171 = tpu.memref_slice %arg9[%dma_wait3A_169, %dma_wait3A_170] : memref<16x128xi32, #tpu.memory_space<vmem>> -> memref<1x128xi32, #tpu.memory_space<vmem>>
        %dma_wait3A_172 = tpu.memref_squeeze %dma_wait3A_171 : memref<1x128xi32, #tpu.memory_space<vmem>> -> memref<128xi32, #tpu.memory_space<vmem>>
        %dma_wait3A_173 = arith.constant 0 : i32
        %dma_wait3A_174 = arith.constant 0 : i32
        %dma_wait3A_175 = tpu.memref_slice %arg13[%dma_wait3A_173, %dma_wait3A_174] : memref<10112x128xf32, #tpu.memory_space<vmem_shared>> -> memref<10112x128xf32, #tpu.memory_space<vmem_shared>>
        tpu.wait_indirect_dma semaphore(%arg17 : memref<!tpu.dma_semaphore, #tpu.memory_space<semaphore_mem>>) src(%arg12 : memref<128x128xf32, #tpu.memory_space<vmem>>) dst(%dma_wait3A_175 : memref<10112x128xf32, #tpu.memory_space<vmem_shared>>)
        %dma_start3A_176 = arith.constant 5 : i32
        %dma_start3A_177 = arith.constant 0 : i32
        %dma_start3A_178 = tpu.memref_slice %arg7[%dma_start3A_176, %dma_start3A_177] : memref<16x128xi32, #tpu.memory_space<vmem>> -> memref<1x128xi32, #tpu.memory_space<vmem>>
        %dma_start3A_179 = tpu.memref_squeeze %dma_start3A_178 : memref<1x128xi32, #tpu.memory_space<vmem>> -> memref<128xi32, #tpu.memory_space<vmem>>
        %dma_start3A_180 = arith.constant 0 : i32
        %dma_start3A_181 = arith.constant 0 : i32
        %dma_start3A_182 = tpu.memref_slice %arg2[%dma_start3A_180, %dma_start3A_181] : memref<10000x128xf32, #tpu.memory_space<hbm>> -> memref<10000x128xf32, #tpu.memory_space<hbm>>
        tpu.enqueue_indirect_dma source(%dma_start3A_182 : memref<10000x128xf32, #tpu.memory_space<hbm>>) target(%arg12 : memref<128x128xf32, #tpu.memory_space<vmem>>) offsets(%dma_start3A_179 : memref<128xi32, #tpu.memory_space<vmem>>) semaphore(%arg15 : memref<!tpu.dma_semaphore, #tpu.memory_space<semaphore_mem>>)
        %dma_wait3A_183 = arith.constant 5 : i32
        %dma_wait3A_184 = arith.constant 0 : i32
        %dma_wait3A_185 = tpu.memref_slice %arg7[%dma_wait3A_183, %dma_wait3A_184] : memref<16x128xi32, #tpu.memory_space<vmem>> -> memref<1x128xi32, #tpu.memory_space<vmem>>
        %dma_wait3A_186 = tpu.memref_squeeze %dma_wait3A_185 : memref<1x128xi32, #tpu.memory_space<vmem>> -> memref<128xi32, #tpu.memory_space<vmem>>
        %dma_wait3A_187 = arith.constant 0 : i32
        %dma_wait3A_188 = arith.constant 0 : i32
        %dma_wait3A_189 = tpu.memref_slice %arg2[%dma_wait3A_187, %dma_wait3A_188] : memref<10000x128xf32, #tpu.memory_space<hbm>> -> memref<10000x128xf32, #tpu.memory_space<hbm>>
        tpu.wait_indirect_dma semaphore(%arg15 : memref<!tpu.dma_semaphore, #tpu.memory_space<semaphore_mem>>) src(%dma_wait3A_189 : memref<10000x128xf32, #tpu.memory_space<hbm>>) dst(%arg12 : memref<128x128xf32, #tpu.memory_space<vmem>>)
        %dma_start3A_190 = arith.constant 5 : i32
        %dma_start3A_191 = arith.constant 0 : i32
        %dma_start3A_192 = tpu.memref_slice %arg9[%dma_start3A_190, %dma_start3A_191] : memref<16x128xi32, #tpu.memory_space<vmem>> -> memref<1x128xi32, #tpu.memory_space<vmem>>
        %dma_start3A_193 = tpu.memref_squeeze %dma_start3A_192 : memref<1x128xi32, #tpu.memory_space<vmem>> -> memref<128xi32, #tpu.memory_space<vmem>>
        %dma_start3A_194 = arith.constant 0 : i32
        %dma_start3A_195 = arith.constant 0 : i32
        %dma_start3A_196 = tpu.memref_slice %arg13[%dma_start3A_194, %dma_start3A_195] : memref<10112x128xf32, #tpu.memory_space<vmem_shared>> -> memref<10112x128xf32, #tpu.memory_space<vmem_shared>>
        tpu.enqueue_indirect_dma source(%arg12 : memref<128x128xf32, #tpu.memory_space<vmem>>) target(%dma_start3A_196 : memref<10112x128xf32, #tpu.memory_space<vmem_shared>>) offsets(%dma_start3A_193 : memref<128xi32, #tpu.memory_space<vmem>>) semaphore(%arg17 : memref<!tpu.dma_semaphore, #tpu.memory_space<semaphore_mem>>) {add = true}
        %dma_wait3A_197 = arith.constant 6 : i32
        %dma_wait3A_198 = arith.constant 0 : i32
        %dma_wait3A_199 = tpu.memref_slice %arg9[%dma_wait3A_197, %dma_wait3A_198] : memref<16x128xi32, #tpu.memory_space<vmem>> -> memref<1x128xi32, #tpu.memory_space<vmem>>
        %dma_wait3A_200 = tpu.memref_squeeze %dma_wait3A_199 : memref<1x128xi32, #tpu.memory_space<vmem>> -> memref<128xi32, #tpu.memory_space<vmem>>
        %dma_wait3A_201 = arith.constant 0 : i32
        %dma_wait3A_202 = arith.constant 0 : i32
        %dma_wait3A_203 = tpu.memref_slice %arg13[%dma_wait3A_201, %dma_wait3A_202] : memref<10112x128xf32, #tpu.memory_space<vmem_shared>> -> memref<10112x128xf32, #tpu.memory_space<vmem_shared>>
        tpu.wait_indirect_dma semaphore(%arg16 : memref<!tpu.dma_semaphore, #tpu.memory_space<semaphore_mem>>) src(%arg11 : memref<128x128xf32, #tpu.memory_space<vmem>>) dst(%dma_wait3A_203 : memref<10112x128xf32, #tpu.memory_space<vmem_shared>>)
        %dma_start3A_204 = arith.constant 6 : i32
        %dma_start3A_205 = arith.constant 0 : i32
        %dma_start3A_206 = tpu.memref_slice %arg7[%dma_start3A_204, %dma_start3A_205] : memref<16x128xi32, #tpu.memory_space<vmem>> -> memref<1x128xi32, #tpu.memory_space<vmem>>
        %dma_start3A_207 = tpu.memref_squeeze %dma_start3A_206 : memref<1x128xi32, #tpu.memory_space<vmem>> -> memref<128xi32, #tpu.memory_space<vmem>>
        %dma_start3A_208 = arith.constant 0 : i32
        %dma_start3A_209 = arith.constant 0 : i32
        %dma_start3A_210 = tpu.memref_slice %arg2[%dma_start3A_208, %dma_start3A_209] : memref<10000x128xf32, #tpu.memory_space<hbm>> -> memref<10000x128xf32, #tpu.memory_space<hbm>>
        tpu.enqueue_indirect_dma source(%dma_start3A_210 : memref<10000x128xf32, #tpu.memory_space<hbm>>) target(%arg11 : memref<128x128xf32, #tpu.memory_space<vmem>>) offsets(%dma_start3A_207 : memref<128xi32, #tpu.memory_space<vmem>>) semaphore(%arg14 : memref<!tpu.dma_semaphore, #tpu.memory_space<semaphore_mem>>)
        %dma_wait3A_211 = arith.constant 6 : i32
        %dma_wait3A_212 = arith.constant 0 : i32
        %dma_wait3A_213 = tpu.memref_slice %arg7[%dma_wait3A_211, %dma_wait3A_212] : memref<16x128xi32, #tpu.memory_space<vmem>> -> memref<1x128xi32, #tpu.memory_space<vmem>>
        %dma_wait3A_214 = tpu.memref_squeeze %dma_wait3A_213 : memref<1x128xi32, #tpu.memory_space<vmem>> -> memref<128xi32, #tpu.memory_space<vmem>>
        %dma_wait3A_215 = arith.constant 0 : i32
        %dma_wait3A_216 = arith.constant 0 : i32
        %dma_wait3A_217 = tpu.memref_slice %arg2[%dma_wait3A_215, %dma_wait3A_216] : memref<10000x128xf32, #tpu.memory_space<hbm>> -> memref<10000x128xf32, #tpu.memory_space<hbm>>
        tpu.wait_indirect_dma semaphore(%arg14 : memref<!tpu.dma_semaphore, #tpu.memory_space<semaphore_mem>>) src(%dma_wait3A_217 : memref<10000x128xf32, #tpu.memory_space<hbm>>) dst(%arg11 : memref<128x128xf32, #tpu.memory_space<vmem>>)
        %dma_start3A_218 = arith.constant 6 : i32
        %dma_start3A_219 = arith.constant 0 : i32
        %dma_start3A_220 = tpu.memref_slice %arg9[%dma_start3A_218, %dma_start3A_219] : memref<16x128xi32, #tpu.memory_space<vmem>> -> memref<1x128xi32, #tpu.memory_space<vmem>>
        %dma_start3A_221 = tpu.memref_squeeze %dma_start3A_220 : memref<1x128xi32, #tpu.memory_space<vmem>> -> memref<128xi32, #tpu.memory_space<vmem>>
        %dma_start3A_222 = arith.constant 0 : i32
        %dma_start3A_223 = arith.constant 0 : i32
        %dma_start3A_224 = tpu.memref_slice %arg13[%dma_start3A_222, %dma_start3A_223] : memref<10112x128xf32, #tpu.memory_space<vmem_shared>> -> memref<10112x128xf32, #tpu.memory_space<vmem_shared>>
        tpu.enqueue_indirect_dma source(%arg11 : memref<128x128xf32, #tpu.memory_space<vmem>>) target(%dma_start3A_224 : memref<10112x128xf32, #tpu.memory_space<vmem_shared>>) offsets(%dma_start3A_221 : memref<128xi32, #tpu.memory_space<vmem>>) semaphore(%arg16 : memref<!tpu.dma_semaphore, #tpu.memory_space<semaphore_mem>>) {add = true}
        %dma_wait3A_225 = arith.constant 7 : i32
        %dma_wait3A_226 = arith.constant 0 : i32
        %dma_wait3A_227 = tpu.memref_slice %arg9[%dma_wait3A_225, %dma_wait3A_226] : memref<16x128xi32, #tpu.memory_space<vmem>> -> memref<1x128xi32, #tpu.memory_space<vmem>>
        %dma_wait3A_228 = tpu.memref_squeeze %dma_wait3A_227 : memref<1x128xi32, #tpu.memory_space<vmem>> -> memref<128xi32, #tpu.memory_space<vmem>>
        %dma_wait3A_229 = arith.constant 0 : i32
        %dma_wait3A_230 = arith.constant 0 : i32
        %dma_wait3A_231 = tpu.memref_slice %arg13[%dma_wait3A_229, %dma_wait3A_230] : memref<10112x128xf32, #tpu.memory_space<vmem_shared>> -> memref<10112x128xf32, #tpu.memory_space<vmem_shared>>
        tpu.wait_indirect_dma semaphore(%arg17 : memref<!tpu.dma_semaphore, #tpu.memory_space<semaphore_mem>>) src(%arg12 : memref<128x128xf32, #tpu.memory_space<vmem>>) dst(%dma_wait3A_231 : memref<10112x128xf32, #tpu.memory_space<vmem_shared>>)
        %dma_start3A_232 = arith.constant 7 : i32
        %dma_start3A_233 = arith.constant 0 : i32
        %dma_start3A_234 = tpu.memref_slice %arg7[%dma_start3A_232, %dma_start3A_233] : memref<16x128xi32, #tpu.memory_space<vmem>> -> memref<1x128xi32, #tpu.memory_space<vmem>>
        %dma_start3A_235 = tpu.memref_squeeze %dma_start3A_234 : memref<1x128xi32, #tpu.memory_space<vmem>> -> memref<128xi32, #tpu.memory_space<vmem>>
        %dma_start3A_236 = arith.constant 0 : i32
        %dma_start3A_237 = arith.constant 0 : i32
        %dma_start3A_238 = tpu.memref_slice %arg2[%dma_start3A_236, %dma_start3A_237] : memref<10000x128xf32, #tpu.memory_space<hbm>> -> memref<10000x128xf32, #tpu.memory_space<hbm>>
        tpu.enqueue_indirect_dma source(%dma_start3A_238 : memref<10000x128xf32, #tpu.memory_space<hbm>>) target(%arg12 : memref<128x128xf32, #tpu.memory_space<vmem>>) offsets(%dma_start3A_235 : memref<128xi32, #tpu.memory_space<vmem>>) semaphore(%arg15 : memref<!tpu.dma_semaphore, #tpu.memory_space<semaphore_mem>>)
        %dma_wait3A_239 = arith.constant 7 : i32
        %dma_wait3A_240 = arith.constant 0 : i32
        %dma_wait3A_241 = tpu.memref_slice %arg7[%dma_wait3A_239, %dma_wait3A_240] : memref<16x128xi32, #tpu.memory_space<vmem>> -> memref<1x128xi32, #tpu.memory_space<vmem>>
        %dma_wait3A_242 = tpu.memref_squeeze %dma_wait3A_241 : memref<1x128xi32, #tpu.memory_space<vmem>> -> memref<128xi32, #tpu.memory_space<vmem>>
        %dma_wait3A_243 = arith.constant 0 : i32
        %dma_wait3A_244 = arith.constant 0 : i32
        %dma_wait3A_245 = tpu.memref_slice %arg2[%dma_wait3A_243, %dma_wait3A_244] : memref<10000x128xf32, #tpu.memory_space<hbm>> -> memref<10000x128xf32, #tpu.memory_space<hbm>>
        tpu.wait_indirect_dma semaphore(%arg15 : memref<!tpu.dma_semaphore, #tpu.memory_space<semaphore_mem>>) src(%dma_wait3A_245 : memref<10000x128xf32, #tpu.memory_space<hbm>>) dst(%arg12 : memref<128x128xf32, #tpu.memory_space<vmem>>)
        %dma_start3A_246 = arith.constant 7 : i32
        %dma_start3A_247 = arith.constant 0 : i32
        %dma_start3A_248 = tpu.memref_slice %arg9[%dma_start3A_246, %dma_start3A_247] : memref<16x128xi32, #tpu.memory_space<vmem>> -> memref<1x128xi32, #tpu.memory_space<vmem>>
        %dma_start3A_249 = tpu.memref_squeeze %dma_start3A_248 : memref<1x128xi32, #tpu.memory_space<vmem>> -> memref<128xi32, #tpu.memory_space<vmem>>
        %dma_start3A_250 = arith.constant 0 : i32
        %dma_start3A_251 = arith.constant 0 : i32
        %dma_start3A_252 = tpu.memref_slice %arg13[%dma_start3A_250, %dma_start3A_251] : memref<10112x128xf32, #tpu.memory_space<vmem_shared>> -> memref<10112x128xf32, #tpu.memory_space<vmem_shared>>
        tpu.enqueue_indirect_dma source(%arg12 : memref<128x128xf32, #tpu.memory_space<vmem>>) target(%dma_start3A_252 : memref<10112x128xf32, #tpu.memory_space<vmem_shared>>) offsets(%dma_start3A_249 : memref<128xi32, #tpu.memory_space<vmem>>) semaphore(%arg17 : memref<!tpu.dma_semaphore, #tpu.memory_space<semaphore_mem>>) {add = true}
        %dma_wait3A_253 = arith.constant 8 : i32
        %dma_wait3A_254 = arith.constant 0 : i32
        %dma_wait3A_255 = tpu.memref_slice %arg9[%dma_wait3A_253, %dma_wait3A_254] : memref<16x128xi32, #tpu.memory_space<vmem>> -> memref<1x128xi32, #tpu.memory_space<vmem>>
        %dma_wait3A_256 = tpu.memref_squeeze %dma_wait3A_255 : memref<1x128xi32, #tpu.memory_space<vmem>> -> memref<128xi32, #tpu.memory_space<vmem>>
        %dma_wait3A_257 = arith.constant 0 : i32
        %dma_wait3A_258 = arith.constant 0 : i32
        %dma_wait3A_259 = tpu.memref_slice %arg13[%dma_wait3A_257, %dma_wait3A_258] : memref<10112x128xf32, #tpu.memory_space<vmem_shared>> -> memref<10112x128xf32, #tpu.memory_space<vmem_shared>>
        tpu.wait_indirect_dma semaphore(%arg16 : memref<!tpu.dma_semaphore, #tpu.memory_space<semaphore_mem>>) src(%arg11 : memref<128x128xf32, #tpu.memory_space<vmem>>) dst(%dma_wait3A_259 : memref<10112x128xf32, #tpu.memory_space<vmem_shared>>)
        %dma_start3A_260 = arith.constant 8 : i32
        %dma_start3A_261 = arith.constant 0 : i32
        %dma_start3A_262 = tpu.memref_slice %arg7[%dma_start3A_260, %dma_start3A_261] : memref<16x128xi32, #tpu.memory_space<vmem>> -> memref<1x128xi32, #tpu.memory_space<vmem>>
        %dma_start3A_263 = tpu.memref_squeeze %dma_start3A_262 : memref<1x128xi32, #tpu.memory_space<vmem>> -> memref<128xi32, #tpu.memory_space<vmem>>
        %dma_start3A_264 = arith.constant 0 : i32
        %dma_start3A_265 = arith.constant 0 : i32
        %dma_start3A_266 = tpu.memref_slice %arg2[%dma_start3A_264, %dma_start3A_265] : memref<10000x128xf32, #tpu.memory_space<hbm>> -> memref<10000x128xf32, #tpu.memory_space<hbm>>
        tpu.enqueue_indirect_dma source(%dma_start3A_266 : memref<10000x128xf32, #tpu.memory_space<hbm>>) target(%arg11 : memref<128x128xf32, #tpu.memory_space<vmem>>) offsets(%dma_start3A_263 : memref<128xi32, #tpu.memory_space<vmem>>) semaphore(%arg14 : memref<!tpu.dma_semaphore, #tpu.memory_space<semaphore_mem>>)
        %dma_wait3A_267 = arith.constant 8 : i32
        %dma_wait3A_268 = arith.constant 0 : i32
        %dma_wait3A_269 = tpu.memref_slice %arg7[%dma_wait3A_267, %dma_wait3A_268] : memref<16x128xi32, #tpu.memory_space<vmem>> -> memref<1x128xi32, #tpu.memory_space<vmem>>
        %dma_wait3A_270 = tpu.memref_squeeze %dma_wait3A_269 : memref<1x128xi32, #tpu.memory_space<vmem>> -> memref<128xi32, #tpu.memory_space<vmem>>
        %dma_wait3A_271 = arith.constant 0 : i32
        %dma_wait3A_272 = arith.constant 0 : i32
        %dma_wait3A_273 = tpu.memref_slice %arg2[%dma_wait3A_271, %dma_wait3A_272] : memref<10000x128xf32, #tpu.memory_space<hbm>> -> memref<10000x128xf32, #tpu.memory_space<hbm>>
        tpu.wait_indirect_dma semaphore(%arg14 : memref<!tpu.dma_semaphore, #tpu.memory_space<semaphore_mem>>) src(%dma_wait3A_273 : memref<10000x128xf32, #tpu.memory_space<hbm>>) dst(%arg11 : memref<128x128xf32, #tpu.memory_space<vmem>>)
        %dma_start3A_274 = arith.constant 8 : i32
        %dma_start3A_275 = arith.constant 0 : i32
        %dma_start3A_276 = tpu.memref_slice %arg9[%dma_start3A_274, %dma_start3A_275] : memref<16x128xi32, #tpu.memory_space<vmem>> -> memref<1x128xi32, #tpu.memory_space<vmem>>
        %dma_start3A_277 = tpu.memref_squeeze %dma_start3A_276 : memref<1x128xi32, #tpu.memory_space<vmem>> -> memref<128xi32, #tpu.memory_space<vmem>>
        %dma_start3A_278 = arith.constant 0 : i32
        %dma_start3A_279 = arith.constant 0 : i32
        %dma_start3A_280 = tpu.memref_slice %arg13[%dma_start3A_278, %dma_start3A_279] : memref<10112x128xf32, #tpu.memory_space<vmem_shared>> -> memref<10112x128xf32, #tpu.memory_space<vmem_shared>>
        tpu.enqueue_indirect_dma source(%arg11 : memref<128x128xf32, #tpu.memory_space<vmem>>) target(%dma_start3A_280 : memref<10112x128xf32, #tpu.memory_space<vmem_shared>>) offsets(%dma_start3A_277 : memref<128xi32, #tpu.memory_space<vmem>>) semaphore(%arg16 : memref<!tpu.dma_semaphore, #tpu.memory_space<semaphore_mem>>) {add = true}
        %dma_wait3A_281 = arith.constant 9 : i32
        %dma_wait3A_282 = arith.constant 0 : i32
        %dma_wait3A_283 = tpu.memref_slice %arg9[%dma_wait3A_281, %dma_wait3A_282] : memref<16x128xi32, #tpu.memory_space<vmem>> -> memref<1x128xi32, #tpu.memory_space<vmem>>
        %dma_wait3A_284 = tpu.memref_squeeze %dma_wait3A_283 : memref<1x128xi32, #tpu.memory_space<vmem>> -> memref<128xi32, #tpu.memory_space<vmem>>
        %dma_wait3A_285 = arith.constant 0 : i32
        %dma_wait3A_286 = arith.constant 0 : i32
        %dma_wait3A_287 = tpu.memref_slice %arg13[%dma_wait3A_285, %dma_wait3A_286] : memref<10112x128xf32, #tpu.memory_space<vmem_shared>> -> memref<10112x128xf32, #tpu.memory_space<vmem_shared>>
        tpu.wait_indirect_dma semaphore(%arg17 : memref<!tpu.dma_semaphore, #tpu.memory_space<semaphore_mem>>) src(%arg12 : memref<128x128xf32, #tpu.memory_space<vmem>>) dst(%dma_wait3A_287 : memref<10112x128xf32, #tpu.memory_space<vmem_shared>>)
        %dma_start3A_288 = arith.constant 9 : i32
        %dma_start3A_289 = arith.constant 0 : i32
        %dma_start3A_290 = tpu.memref_slice %arg7[%dma_start3A_288, %dma_start3A_289] : memref<16x128xi32, #tpu.memory_space<vmem>> -> memref<1x128xi32, #tpu.memory_space<vmem>>
        %dma_start3A_291 = tpu.memref_squeeze %dma_start3A_290 : memref<1x128xi32, #tpu.memory_space<vmem>> -> memref<128xi32, #tpu.memory_space<vmem>>
        %dma_start3A_292 = arith.constant 0 : i32
        %dma_start3A_293 = arith.constant 0 : i32
        %dma_start3A_294 = tpu.memref_slice %arg2[%dma_start3A_292, %dma_start3A_293] : memref<10000x128xf32, #tpu.memory_space<hbm>> -> memref<10000x128xf32, #tpu.memory_space<hbm>>
        tpu.enqueue_indirect_dma source(%dma_start3A_294 : memref<10000x128xf32, #tpu.memory_space<hbm>>) target(%arg12 : memref<128x128xf32, #tpu.memory_space<vmem>>) offsets(%dma_start3A_291 : memref<128xi32, #tpu.memory_space<vmem>>) semaphore(%arg15 : memref<!tpu.dma_semaphore, #tpu.memory_space<semaphore_mem>>)
        %dma_wait3A_295 = arith.constant 9 : i32
        %dma_wait3A_296 = arith.constant 0 : i32
        %dma_wait3A_297 = tpu.memref_slice %arg7[%dma_wait3A_295, %dma_wait3A_296] : memref<16x128xi32, #tpu.memory_space<vmem>> -> memref<1x128xi32, #tpu.memory_space<vmem>>
        %dma_wait3A_298 = tpu.memref_squeeze %dma_wait3A_297 : memref<1x128xi32, #tpu.memory_space<vmem>> -> memref<128xi32, #tpu.memory_space<vmem>>
        %dma_wait3A_299 = arith.constant 0 : i32
        %dma_wait3A_300 = arith.constant 0 : i32
        %dma_wait3A_301 = tpu.memref_slice %arg2[%dma_wait3A_299, %dma_wait3A_300] : memref<10000x128xf32, #tpu.memory_space<hbm>> -> memref<10000x128xf32, #tpu.memory_space<hbm>>
        tpu.wait_indirect_dma semaphore(%arg15 : memref<!tpu.dma_semaphore, #tpu.memory_space<semaphore_mem>>) src(%dma_wait3A_301 : memref<10000x128xf32, #tpu.memory_space<hbm>>) dst(%arg12 : memref<128x128xf32, #tpu.memory_space<vmem>>)
        %dma_start3A_302 = arith.constant 9 : i32
        %dma_start3A_303 = arith.constant 0 : i32
        %dma_start3A_304 = tpu.memref_slice %arg9[%dma_start3A_302, %dma_start3A_303] : memref<16x128xi32, #tpu.memory_space<vmem>> -> memref<1x128xi32, #tpu.memory_space<vmem>>
        %dma_start3A_305 = tpu.memref_squeeze %dma_start3A_304 : memref<1x128xi32, #tpu.memory_space<vmem>> -> memref<128xi32, #tpu.memory_space<vmem>>
        %dma_start3A_306 = arith.constant 0 : i32
        %dma_start3A_307 = arith.constant 0 : i32
        %dma_start3A_308 = tpu.memref_slice %arg13[%dma_start3A_306, %dma_start3A_307] : memref<10112x128xf32, #tpu.memory_space<vmem_shared>> -> memref<10112x128xf32, #tpu.memory_space<vmem_shared>>
        tpu.enqueue_indirect_dma source(%arg12 : memref<128x128xf32, #tpu.memory_space<vmem>>) target(%dma_start3A_308 : memref<10112x128xf32, #tpu.memory_space<vmem_shared>>) offsets(%dma_start3A_305 : memref<128xi32, #tpu.memory_space<vmem>>) semaphore(%arg17 : memref<!tpu.dma_semaphore, #tpu.memory_space<semaphore_mem>>) {add = true}
        %dma_wait3A_309 = arith.constant 10 : i32
        %dma_wait3A_310 = arith.constant 0 : i32
        %dma_wait3A_311 = tpu.memref_slice %arg9[%dma_wait3A_309, %dma_wait3A_310] : memref<16x128xi32, #tpu.memory_space<vmem>> -> memref<1x128xi32, #tpu.memory_space<vmem>>
        %dma_wait3A_312 = tpu.memref_squeeze %dma_wait3A_311 : memref<1x128xi32, #tpu.memory_space<vmem>> -> memref<128xi32, #tpu.memory_space<vmem>>
        %dma_wait3A_313 = arith.constant 0 : i32
        %dma_wait3A_314 = arith.constant 0 : i32
        %dma_wait3A_315 = tpu.memref_slice %arg13[%dma_wait3A_313, %dma_wait3A_314] : memref<10112x128xf32, #tpu.memory_space<vmem_shared>> -> memref<10112x128xf32, #tpu.memory_space<vmem_shared>>
        tpu.wait_indirect_dma semaphore(%arg16 : memref<!tpu.dma_semaphore, #tpu.memory_space<semaphore_mem>>) src(%arg11 : memref<128x128xf32, #tpu.memory_space<vmem>>) dst(%dma_wait3A_315 : memref<10112x128xf32, #tpu.memory_space<vmem_shared>>)
        %dma_start3A_316 = arith.constant 10 : i32
        %dma_start3A_317 = arith.constant 0 : i32
        %dma_start3A_318 = tpu.memref_slice %arg7[%dma_start3A_316, %dma_start3A_317] : memref<16x128xi32, #tpu.memory_space<vmem>> -> memref<1x128xi32, #tpu.memory_space<vmem>>
        %dma_start3A_319 = tpu.memref_squeeze %dma_start3A_318 : memref<1x128xi32, #tpu.memory_space<vmem>> -> memref<128xi32, #tpu.memory_space<vmem>>
        %dma_start3A_320 = arith.constant 0 : i32
        %dma_start3A_321 = arith.constant 0 : i32
        %dma_start3A_322 = tpu.memref_slice %arg2[%dma_start3A_320, %dma_start3A_321] : memref<10000x128xf32, #tpu.memory_space<hbm>> -> memref<10000x128xf32, #tpu.memory_space<hbm>>
        tpu.enqueue_indirect_dma source(%dma_start3A_322 : memref<10000x128xf32, #tpu.memory_space<hbm>>) target(%arg11 : memref<128x128xf32, #tpu.memory_space<vmem>>) offsets(%dma_start3A_319 : memref<128xi32, #tpu.memory_space<vmem>>) semaphore(%arg14 : memref<!tpu.dma_semaphore, #tpu.memory_space<semaphore_mem>>)
        %dma_wait3A_323 = arith.constant 10 : i32
        %dma_wait3A_324 = arith.constant 0 : i32
        %dma_wait3A_325 = tpu.memref_slice %arg7[%dma_wait3A_323, %dma_wait3A_324] : memref<16x128xi32, #tpu.memory_space<vmem>> -> memref<1x128xi32, #tpu.memory_space<vmem>>
        %dma_wait3A_326 = tpu.memref_squeeze %dma_wait3A_325 : memref<1x128xi32, #tpu.memory_space<vmem>> -> memref<128xi32, #tpu.memory_space<vmem>>
        %dma_wait3A_327 = arith.constant 0 : i32
        %dma_wait3A_328 = arith.constant 0 : i32
        %dma_wait3A_329 = tpu.memref_slice %arg2[%dma_wait3A_327, %dma_wait3A_328] : memref<10000x128xf32, #tpu.memory_space<hbm>> -> memref<10000x128xf32, #tpu.memory_space<hbm>>
        tpu.wait_indirect_dma semaphore(%arg14 : memref<!tpu.dma_semaphore, #tpu.memory_space<semaphore_mem>>) src(%dma_wait3A_329 : memref<10000x128xf32, #tpu.memory_space<hbm>>) dst(%arg11 : memref<128x128xf32, #tpu.memory_space<vmem>>)
        %dma_start3A_330 = arith.constant 10 : i32
        %dma_start3A_331 = arith.constant 0 : i32
        %dma_start3A_332 = tpu.memref_slice %arg9[%dma_start3A_330, %dma_start3A_331] : memref<16x128xi32, #tpu.memory_space<vmem>> -> memref<1x128xi32, #tpu.memory_space<vmem>>
        %dma_start3A_333 = tpu.memref_squeeze %dma_start3A_332 : memref<1x128xi32, #tpu.memory_space<vmem>> -> memref<128xi32, #tpu.memory_space<vmem>>
        %dma_start3A_334 = arith.constant 0 : i32
        %dma_start3A_335 = arith.constant 0 : i32
        %dma_start3A_336 = tpu.memref_slice %arg13[%dma_start3A_334, %dma_start3A_335] : memref<10112x128xf32, #tpu.memory_space<vmem_shared>> -> memref<10112x128xf32, #tpu.memory_space<vmem_shared>>
        tpu.enqueue_indirect_dma source(%arg11 : memref<128x128xf32, #tpu.memory_space<vmem>>) target(%dma_start3A_336 : memref<10112x128xf32, #tpu.memory_space<vmem_shared>>) offsets(%dma_start3A_333 : memref<128xi32, #tpu.memory_space<vmem>>) semaphore(%arg16 : memref<!tpu.dma_semaphore, #tpu.memory_space<semaphore_mem>>) {add = true}
        %dma_wait3A_337 = arith.constant 11 : i32
        %dma_wait3A_338 = arith.constant 0 : i32
        %dma_wait3A_339 = tpu.memref_slice %arg9[%dma_wait3A_337, %dma_wait3A_338] : memref<16x128xi32, #tpu.memory_space<vmem>> -> memref<1x128xi32, #tpu.memory_space<vmem>>
        %dma_wait3A_340 = tpu.memref_squeeze %dma_wait3A_339 : memref<1x128xi32, #tpu.memory_space<vmem>> -> memref<128xi32, #tpu.memory_space<vmem>>
        %dma_wait3A_341 = arith.constant 0 : i32
        %dma_wait3A_342 = arith.constant 0 : i32
        %dma_wait3A_343 = tpu.memref_slice %arg13[%dma_wait3A_341, %dma_wait3A_342] : memref<10112x128xf32, #tpu.memory_space<vmem_shared>> -> memref<10112x128xf32, #tpu.memory_space<vmem_shared>>
        tpu.wait_indirect_dma semaphore(%arg17 : memref<!tpu.dma_semaphore, #tpu.memory_space<semaphore_mem>>) src(%arg12 : memref<128x128xf32, #tpu.memory_space<vmem>>) dst(%dma_wait3A_343 : memref<10112x128xf32, #tpu.memory_space<vmem_shared>>)
        %dma_start3A_344 = arith.constant 11 : i32
        %dma_start3A_345 = arith.constant 0 : i32
        %dma_start3A_346 = tpu.memref_slice %arg7[%dma_start3A_344, %dma_start3A_345] : memref<16x128xi32, #tpu.memory_space<vmem>> -> memref<1x128xi32, #tpu.memory_space<vmem>>
        %dma_start3A_347 = tpu.memref_squeeze %dma_start3A_346 : memref<1x128xi32, #tpu.memory_space<vmem>> -> memref<128xi32, #tpu.memory_space<vmem>>
        %dma_start3A_348 = arith.constant 0 : i32
        %dma_start3A_349 = arith.constant 0 : i32
        %dma_start3A_350 = tpu.memref_slice %arg2[%dma_start3A_348, %dma_start3A_349] : memref<10000x128xf32, #tpu.memory_space<hbm>> -> memref<10000x128xf32, #tpu.memory_space<hbm>>
        tpu.enqueue_indirect_dma source(%dma_start3A_350 : memref<10000x128xf32, #tpu.memory_space<hbm>>) target(%arg12 : memref<128x128xf32, #tpu.memory_space<vmem>>) offsets(%dma_start3A_347 : memref<128xi32, #tpu.memory_space<vmem>>) semaphore(%arg15 : memref<!tpu.dma_semaphore, #tpu.memory_space<semaphore_mem>>)
        %dma_wait3A_351 = arith.constant 11 : i32
        %dma_wait3A_352 = arith.constant 0 : i32
        %dma_wait3A_353 = tpu.memref_slice %arg7[%dma_wait3A_351, %dma_wait3A_352] : memref<16x128xi32, #tpu.memory_space<vmem>> -> memref<1x128xi32, #tpu.memory_space<vmem>>
        %dma_wait3A_354 = tpu.memref_squeeze %dma_wait3A_353 : memref<1x128xi32, #tpu.memory_space<vmem>> -> memref<128xi32, #tpu.memory_space<vmem>>
        %dma_wait3A_355 = arith.constant 0 : i32
        %dma_wait3A_356 = arith.constant 0 : i32
        %dma_wait3A_357 = tpu.memref_slice %arg2[%dma_wait3A_355, %dma_wait3A_356] : memref<10000x128xf32, #tpu.memory_space<hbm>> -> memref<10000x128xf32, #tpu.memory_space<hbm>>
        tpu.wait_indirect_dma semaphore(%arg15 : memref<!tpu.dma_semaphore, #tpu.memory_space<semaphore_mem>>) src(%dma_wait3A_357 : memref<10000x128xf32, #tpu.memory_space<hbm>>) dst(%arg12 : memref<128x128xf32, #tpu.memory_space<vmem>>)
        %dma_start3A_358 = arith.constant 11 : i32
        %dma_start3A_359 = arith.constant 0 : i32
        %dma_start3A_360 = tpu.memref_slice %arg9[%dma_start3A_358, %dma_start3A_359] : memref<16x128xi32, #tpu.memory_space<vmem>> -> memref<1x128xi32, #tpu.memory_space<vmem>>
        %dma_start3A_361 = tpu.memref_squeeze %dma_start3A_360 : memref<1x128xi32, #tpu.memory_space<vmem>> -> memref<128xi32, #tpu.memory_space<vmem>>
        %dma_start3A_362 = arith.constant 0 : i32
        %dma_start3A_363 = arith.constant 0 : i32
        %dma_start3A_364 = tpu.memref_slice %arg13[%dma_start3A_362, %dma_start3A_363] : memref<10112x128xf32, #tpu.memory_space<vmem_shared>> -> memref<10112x128xf32, #tpu.memory_space<vmem_shared>>
        tpu.enqueue_indirect_dma source(%arg12 : memref<128x128xf32, #tpu.memory_space<vmem>>) target(%dma_start3A_364 : memref<10112x128xf32, #tpu.memory_space<vmem_shared>>) offsets(%dma_start3A_361 : memref<128xi32, #tpu.memory_space<vmem>>) semaphore(%arg17 : memref<!tpu.dma_semaphore, #tpu.memory_space<semaphore_mem>>) {add = true}
        %dma_wait3A_365 = arith.constant 12 : i32
        %dma_wait3A_366 = arith.constant 0 : i32
        %dma_wait3A_367 = tpu.memref_slice %arg9[%dma_wait3A_365, %dma_wait3A_366] : memref<16x128xi32, #tpu.memory_space<vmem>> -> memref<1x128xi32, #tpu.memory_space<vmem>>
        %dma_wait3A_368 = tpu.memref_squeeze %dma_wait3A_367 : memref<1x128xi32, #tpu.memory_space<vmem>> -> memref<128xi32, #tpu.memory_space<vmem>>
        %dma_wait3A_369 = arith.constant 0 : i32
        %dma_wait3A_370 = arith.constant 0 : i32
        %dma_wait3A_371 = tpu.memref_slice %arg13[%dma_wait3A_369, %dma_wait3A_370] : memref<10112x128xf32, #tpu.memory_space<vmem_shared>> -> memref<10112x128xf32, #tpu.memory_space<vmem_shared>>
        tpu.wait_indirect_dma semaphore(%arg16 : memref<!tpu.dma_semaphore, #tpu.memory_space<semaphore_mem>>) src(%arg11 : memref<128x128xf32, #tpu.memory_space<vmem>>) dst(%dma_wait3A_371 : memref<10112x128xf32, #tpu.memory_space<vmem_shared>>)
        %dma_start3A_372 = arith.constant 12 : i32
        %dma_start3A_373 = arith.constant 0 : i32
        %dma_start3A_374 = tpu.memref_slice %arg7[%dma_start3A_372, %dma_start3A_373] : memref<16x128xi32, #tpu.memory_space<vmem>> -> memref<1x128xi32, #tpu.memory_space<vmem>>
        %dma_start3A_375 = tpu.memref_squeeze %dma_start3A_374 : memref<1x128xi32, #tpu.memory_space<vmem>> -> memref<128xi32, #tpu.memory_space<vmem>>
        %dma_start3A_376 = arith.constant 0 : i32
        %dma_start3A_377 = arith.constant 0 : i32
        %dma_start3A_378 = tpu.memref_slice %arg2[%dma_start3A_376, %dma_start3A_377] : memref<10000x128xf32, #tpu.memory_space<hbm>> -> memref<10000x128xf32, #tpu.memory_space<hbm>>
        tpu.enqueue_indirect_dma source(%dma_start3A_378 : memref<10000x128xf32, #tpu.memory_space<hbm>>) target(%arg11 : memref<128x128xf32, #tpu.memory_space<vmem>>) offsets(%dma_start3A_375 : memref<128xi32, #tpu.memory_space<vmem>>) semaphore(%arg14 : memref<!tpu.dma_semaphore, #tpu.memory_space<semaphore_mem>>)
        %dma_wait3A_379 = arith.constant 12 : i32
        %dma_wait3A_380 = arith.constant 0 : i32
        %dma_wait3A_381 = tpu.memref_slice %arg7[%dma_wait3A_379, %dma_wait3A_380] : memref<16x128xi32, #tpu.memory_space<vmem>> -> memref<1x128xi32, #tpu.memory_space<vmem>>
        %dma_wait3A_382 = tpu.memref_squeeze %dma_wait3A_381 : memref<1x128xi32, #tpu.memory_space<vmem>> -> memref<128xi32, #tpu.memory_space<vmem>>
        %dma_wait3A_383 = arith.constant 0 : i32
        %dma_wait3A_384 = arith.constant 0 : i32
        %dma_wait3A_385 = tpu.memref_slice %arg2[%dma_wait3A_383, %dma_wait3A_384] : memref<10000x128xf32, #tpu.memory_space<hbm>> -> memref<10000x128xf32, #tpu.memory_space<hbm>>
        tpu.wait_indirect_dma semaphore(%arg14 : memref<!tpu.dma_semaphore, #tpu.memory_space<semaphore_mem>>) src(%dma_wait3A_385 : memref<10000x128xf32, #tpu.memory_space<hbm>>) dst(%arg11 : memref<128x128xf32, #tpu.memory_space<vmem>>)
        %dma_start3A_386 = arith.constant 12 : i32
        %dma_start3A_387 = arith.constant 0 : i32
        %dma_start3A_388 = tpu.memref_slice %arg9[%dma_start3A_386, %dma_start3A_387] : memref<16x128xi32, #tpu.memory_space<vmem>> -> memref<1x128xi32, #tpu.memory_space<vmem>>
        %dma_start3A_389 = tpu.memref_squeeze %dma_start3A_388 : memref<1x128xi32, #tpu.memory_space<vmem>> -> memref<128xi32, #tpu.memory_space<vmem>>
        %dma_start3A_390 = arith.constant 0 : i32
        %dma_start3A_391 = arith.constant 0 : i32
        %dma_start3A_392 = tpu.memref_slice %arg13[%dma_start3A_390, %dma_start3A_391] : memref<10112x128xf32, #tpu.memory_space<vmem_shared>> -> memref<10112x128xf32, #tpu.memory_space<vmem_shared>>
        tpu.enqueue_indirect_dma source(%arg11 : memref<128x128xf32, #tpu.memory_space<vmem>>) target(%dma_start3A_392 : memref<10112x128xf32, #tpu.memory_space<vmem_shared>>) offsets(%dma_start3A_389 : memref<128xi32, #tpu.memory_space<vmem>>) semaphore(%arg16 : memref<!tpu.dma_semaphore, #tpu.memory_space<semaphore_mem>>) {add = true}
        %dma_wait3A_393 = arith.constant 13 : i32
        %dma_wait3A_394 = arith.constant 0 : i32
        %dma_wait3A_395 = tpu.memref_slice %arg9[%dma_wait3A_393, %dma_wait3A_394] : memref<16x128xi32, #tpu.memory_space<vmem>> -> memref<1x128xi32, #tpu.memory_space<vmem>>
        %dma_wait3A_396 = tpu.memref_squeeze %dma_wait3A_395 : memref<1x128xi32, #tpu.memory_space<vmem>> -> memref<128xi32, #tpu.memory_space<vmem>>
        %dma_wait3A_397 = arith.constant 0 : i32
        %dma_wait3A_398 = arith.constant 0 : i32
        %dma_wait3A_399 = tpu.memref_slice %arg13[%dma_wait3A_397, %dma_wait3A_398] : memref<10112x128xf32, #tpu.memory_space<vmem_shared>> -> memref<10112x128xf32, #tpu.memory_space<vmem_shared>>
        tpu.wait_indirect_dma semaphore(%arg17 : memref<!tpu.dma_semaphore, #tpu.memory_space<semaphore_mem>>) src(%arg12 : memref<128x128xf32, #tpu.memory_space<vmem>>) dst(%dma_wait3A_399 : memref<10112x128xf32, #tpu.memory_space<vmem_shared>>)
        %dma_start3A_400 = arith.constant 13 : i32
        %dma_start3A_401 = arith.constant 0 : i32
        %dma_start3A_402 = tpu.memref_slice %arg7[%dma_start3A_400, %dma_start3A_401] : memref<16x128xi32, #tpu.memory_space<vmem>> -> memref<1x128xi32, #tpu.memory_space<vmem>>
        %dma_start3A_403 = tpu.memref_squeeze %dma_start3A_402 : memref<1x128xi32, #tpu.memory_space<vmem>> -> memref<128xi32, #tpu.memory_space<vmem>>
        %dma_start3A_404 = arith.constant 0 : i32
        %dma_start3A_405 = arith.constant 0 : i32
        %dma_start3A_406 = tpu.memref_slice %arg2[%dma_start3A_404, %dma_start3A_405] : memref<10000x128xf32, #tpu.memory_space<hbm>> -> memref<10000x128xf32, #tpu.memory_space<hbm>>
        tpu.enqueue_indirect_dma source(%dma_start3A_406 : memref<10000x128xf32, #tpu.memory_space<hbm>>) target(%arg12 : memref<128x128xf32, #tpu.memory_space<vmem>>) offsets(%dma_start3A_403 : memref<128xi32, #tpu.memory_space<vmem>>) semaphore(%arg15 : memref<!tpu.dma_semaphore, #tpu.memory_space<semaphore_mem>>)
        %dma_wait3A_407 = arith.constant 13 : i32
        %dma_wait3A_408 = arith.constant 0 : i32
        %dma_wait3A_409 = tpu.memref_slice %arg7[%dma_wait3A_407, %dma_wait3A_408] : memref<16x128xi32, #tpu.memory_space<vmem>> -> memref<1x128xi32, #tpu.memory_space<vmem>>
        %dma_wait3A_410 = tpu.memref_squeeze %dma_wait3A_409 : memref<1x128xi32, #tpu.memory_space<vmem>> -> memref<128xi32, #tpu.memory_space<vmem>>
        %dma_wait3A_411 = arith.constant 0 : i32
        %dma_wait3A_412 = arith.constant 0 : i32
        %dma_wait3A_413 = tpu.memref_slice %arg2[%dma_wait3A_411, %dma_wait3A_412] : memref<10000x128xf32, #tpu.memory_space<hbm>> -> memref<10000x128xf32, #tpu.memory_space<hbm>>
        tpu.wait_indirect_dma semaphore(%arg15 : memref<!tpu.dma_semaphore, #tpu.memory_space<semaphore_mem>>) src(%dma_wait3A_413 : memref<10000x128xf32, #tpu.memory_space<hbm>>) dst(%arg12 : memref<128x128xf32, #tpu.memory_space<vmem>>)
        %dma_start3A_414 = arith.constant 13 : i32
        %dma_start3A_415 = arith.constant 0 : i32
        %dma_start3A_416 = tpu.memref_slice %arg9[%dma_start3A_414, %dma_start3A_415] : memref<16x128xi32, #tpu.memory_space<vmem>> -> memref<1x128xi32, #tpu.memory_space<vmem>>
        %dma_start3A_417 = tpu.memref_squeeze %dma_start3A_416 : memref<1x128xi32, #tpu.memory_space<vmem>> -> memref<128xi32, #tpu.memory_space<vmem>>
        %dma_start3A_418 = arith.constant 0 : i32
        %dma_start3A_419 = arith.constant 0 : i32
        %dma_start3A_420 = tpu.memref_slice %arg13[%dma_start3A_418, %dma_start3A_419] : memref<10112x128xf32, #tpu.memory_space<vmem_shared>> -> memref<10112x128xf32, #tpu.memory_space<vmem_shared>>
        tpu.enqueue_indirect_dma source(%arg12 : memref<128x128xf32, #tpu.memory_space<vmem>>) target(%dma_start3A_420 : memref<10112x128xf32, #tpu.memory_space<vmem_shared>>) offsets(%dma_start3A_417 : memref<128xi32, #tpu.memory_space<vmem>>) semaphore(%arg17 : memref<!tpu.dma_semaphore, #tpu.memory_space<semaphore_mem>>) {add = true}
        %dma_wait3A_421 = arith.constant 14 : i32
        %dma_wait3A_422 = arith.constant 0 : i32
        %dma_wait3A_423 = tpu.memref_slice %arg9[%dma_wait3A_421, %dma_wait3A_422] : memref<16x128xi32, #tpu.memory_space<vmem>> -> memref<1x128xi32, #tpu.memory_space<vmem>>
        %dma_wait3A_424 = tpu.memref_squeeze %dma_wait3A_423 : memref<1x128xi32, #tpu.memory_space<vmem>> -> memref<128xi32, #tpu.memory_space<vmem>>
        %dma_wait3A_425 = arith.constant 0 : i32
        %dma_wait3A_426 = arith.constant 0 : i32
        %dma_wait3A_427 = tpu.memref_slice %arg13[%dma_wait3A_425, %dma_wait3A_426] : memref<10112x128xf32, #tpu.memory_space<vmem_shared>> -> memref<10112x128xf32, #tpu.memory_space<vmem_shared>>
        tpu.wait_indirect_dma semaphore(%arg16 : memref<!tpu.dma_semaphore, #tpu.memory_space<semaphore_mem>>) src(%arg11 : memref<128x128xf32, #tpu.memory_space<vmem>>) dst(%dma_wait3A_427 : memref<10112x128xf32, #tpu.memory_space<vmem_shared>>)
        %dma_start3A_428 = arith.constant 14 : i32
        %dma_start3A_429 = arith.constant 0 : i32
        %dma_start3A_430 = tpu.memref_slice %arg7[%dma_start3A_428, %dma_start3A_429] : memref<16x128xi32, #tpu.memory_space<vmem>> -> memref<1x128xi32, #tpu.memory_space<vmem>>
        %dma_start3A_431 = tpu.memref_squeeze %dma_start3A_430 : memref<1x128xi32, #tpu.memory_space<vmem>> -> memref<128xi32, #tpu.memory_space<vmem>>
        %dma_start3A_432 = arith.constant 0 : i32
        %dma_start3A_433 = arith.constant 0 : i32
        %dma_start3A_434 = tpu.memref_slice %arg2[%dma_start3A_432, %dma_start3A_433] : memref<10000x128xf32, #tpu.memory_space<hbm>> -> memref<10000x128xf32, #tpu.memory_space<hbm>>
        tpu.enqueue_indirect_dma source(%dma_start3A_434 : memref<10000x128xf32, #tpu.memory_space<hbm>>) target(%arg11 : memref<128x128xf32, #tpu.memory_space<vmem>>) offsets(%dma_start3A_431 : memref<128xi32, #tpu.memory_space<vmem>>) semaphore(%arg14 : memref<!tpu.dma_semaphore, #tpu.memory_space<semaphore_mem>>)
        %dma_wait3A_435 = arith.constant 14 : i32
        %dma_wait3A_436 = arith.constant 0 : i32
        %dma_wait3A_437 = tpu.memref_slice %arg7[%dma_wait3A_435, %dma_wait3A_436] : memref<16x128xi32, #tpu.memory_space<vmem>> -> memref<1x128xi32, #tpu.memory_space<vmem>>
        %dma_wait3A_438 = tpu.memref_squeeze %dma_wait3A_437 : memref<1x128xi32, #tpu.memory_space<vmem>> -> memref<128xi32, #tpu.memory_space<vmem>>
        %dma_wait3A_439 = arith.constant 0 : i32
        %dma_wait3A_440 = arith.constant 0 : i32
        %dma_wait3A_441 = tpu.memref_slice %arg2[%dma_wait3A_439, %dma_wait3A_440] : memref<10000x128xf32, #tpu.memory_space<hbm>> -> memref<10000x128xf32, #tpu.memory_space<hbm>>
        tpu.wait_indirect_dma semaphore(%arg14 : memref<!tpu.dma_semaphore, #tpu.memory_space<semaphore_mem>>) src(%dma_wait3A_441 : memref<10000x128xf32, #tpu.memory_space<hbm>>) dst(%arg11 : memref<128x128xf32, #tpu.memory_space<vmem>>)
        %dma_start3A_442 = arith.constant 14 : i32
        %dma_start3A_443 = arith.constant 0 : i32
        %dma_start3A_444 = tpu.memref_slice %arg9[%dma_start3A_442, %dma_start3A_443] : memref<16x128xi32, #tpu.memory_space<vmem>> -> memref<1x128xi32, #tpu.memory_space<vmem>>
        %dma_start3A_445 = tpu.memref_squeeze %dma_start3A_444 : memref<1x128xi32, #tpu.memory_space<vmem>> -> memref<128xi32, #tpu.memory_space<vmem>>
        %dma_start3A_446 = arith.constant 0 : i32
        %dma_start3A_447 = arith.constant 0 : i32
        %dma_start3A_448 = tpu.memref_slice %arg13[%dma_start3A_446, %dma_start3A_447] : memref<10112x128xf32, #tpu.memory_space<vmem_shared>> -> memref<10112x128xf32, #tpu.memory_space<vmem_shared>>
        tpu.enqueue_indirect_dma source(%arg11 : memref<128x128xf32, #tpu.memory_space<vmem>>) target(%dma_start3A_448 : memref<10112x128xf32, #tpu.memory_space<vmem_shared>>) offsets(%dma_start3A_445 : memref<128xi32, #tpu.memory_space<vmem>>) semaphore(%arg16 : memref<!tpu.dma_semaphore, #tpu.memory_space<semaphore_mem>>) {add = true}
        %dma_wait3A_449 = arith.constant 15 : i32
        %dma_wait3A_450 = arith.constant 0 : i32
        %dma_wait3A_451 = tpu.memref_slice %arg9[%dma_wait3A_449, %dma_wait3A_450] : memref<16x128xi32, #tpu.memory_space<vmem>> -> memref<1x128xi32, #tpu.memory_space<vmem>>
        %dma_wait3A_452 = tpu.memref_squeeze %dma_wait3A_451 : memref<1x128xi32, #tpu.memory_space<vmem>> -> memref<128xi32, #tpu.memory_space<vmem>>
        %dma_wait3A_453 = arith.constant 0 : i32
        %dma_wait3A_454 = arith.constant 0 : i32
        %dma_wait3A_455 = tpu.memref_slice %arg13[%dma_wait3A_453, %dma_wait3A_454] : memref<10112x128xf32, #tpu.memory_space<vmem_shared>> -> memref<10112x128xf32, #tpu.memory_space<vmem_shared>>
        tpu.wait_indirect_dma semaphore(%arg17 : memref<!tpu.dma_semaphore, #tpu.memory_space<semaphore_mem>>) src(%arg12 : memref<128x128xf32, #tpu.memory_space<vmem>>) dst(%dma_wait3A_455 : memref<10112x128xf32, #tpu.memory_space<vmem_shared>>)
        %dma_start3A_456 = arith.constant 15 : i32
        %dma_start3A_457 = arith.constant 0 : i32
        %dma_start3A_458 = tpu.memref_slice %arg7[%dma_start3A_456, %dma_start3A_457] : memref<16x128xi32, #tpu.memory_space<vmem>> -> memref<1x128xi32, #tpu.memory_space<vmem>>
        %dma_start3A_459 = tpu.memref_squeeze %dma_start3A_458 : memref<1x128xi32, #tpu.memory_space<vmem>> -> memref<128xi32, #tpu.memory_space<vmem>>
        %dma_start3A_460 = arith.constant 0 : i32
        %dma_start3A_461 = arith.constant 0 : i32
        %dma_start3A_462 = tpu.memref_slice %arg2[%dma_start3A_460, %dma_start3A_461] : memref<10000x128xf32, #tpu.memory_space<hbm>> -> memref<10000x128xf32, #tpu.memory_space<hbm>>
        tpu.enqueue_indirect_dma source(%dma_start3A_462 : memref<10000x128xf32, #tpu.memory_space<hbm>>) target(%arg12 : memref<128x128xf32, #tpu.memory_space<vmem>>) offsets(%dma_start3A_459 : memref<128xi32, #tpu.memory_space<vmem>>) semaphore(%arg15 : memref<!tpu.dma_semaphore, #tpu.memory_space<semaphore_mem>>)
        %dma_wait3A_463 = arith.constant 15 : i32
        %dma_wait3A_464 = arith.constant 0 : i32
        %dma_wait3A_465 = tpu.memref_slice %arg7[%dma_wait3A_463, %dma_wait3A_464] : memref<16x128xi32, #tpu.memory_space<vmem>> -> memref<1x128xi32, #tpu.memory_space<vmem>>
        %dma_wait3A_466 = tpu.memref_squeeze %dma_wait3A_465 : memref<1x128xi32, #tpu.memory_space<vmem>> -> memref<128xi32, #tpu.memory_space<vmem>>
        %dma_wait3A_467 = arith.constant 0 : i32
        %dma_wait3A_468 = arith.constant 0 : i32
        %dma_wait3A_469 = tpu.memref_slice %arg2[%dma_wait3A_467, %dma_wait3A_468] : memref<10000x128xf32, #tpu.memory_space<hbm>> -> memref<10000x128xf32, #tpu.memory_space<hbm>>
        tpu.wait_indirect_dma semaphore(%arg15 : memref<!tpu.dma_semaphore, #tpu.memory_space<semaphore_mem>>) src(%dma_wait3A_469 : memref<10000x128xf32, #tpu.memory_space<hbm>>) dst(%arg12 : memref<128x128xf32, #tpu.memory_space<vmem>>)
        %dma_start3A_470 = arith.constant 15 : i32
        %dma_start3A_471 = arith.constant 0 : i32
        %dma_start3A_472 = tpu.memref_slice %arg9[%dma_start3A_470, %dma_start3A_471] : memref<16x128xi32, #tpu.memory_space<vmem>> -> memref<1x128xi32, #tpu.memory_space<vmem>>
        %dma_start3A_473 = tpu.memref_squeeze %dma_start3A_472 : memref<1x128xi32, #tpu.memory_space<vmem>> -> memref<128xi32, #tpu.memory_space<vmem>>
        %dma_start3A_474 = arith.constant 0 : i32
        %dma_start3A_475 = arith.constant 0 : i32
        %dma_start3A_476 = tpu.memref_slice %arg13[%dma_start3A_474, %dma_start3A_475] : memref<10112x128xf32, #tpu.memory_space<vmem_shared>> -> memref<10112x128xf32, #tpu.memory_space<vmem_shared>>
        tpu.enqueue_indirect_dma source(%arg12 : memref<128x128xf32, #tpu.memory_space<vmem>>) target(%dma_start3A_476 : memref<10112x128xf32, #tpu.memory_space<vmem_shared>>) offsets(%dma_start3A_473 : memref<128xi32, #tpu.memory_space<vmem>>) semaphore(%arg17 : memref<!tpu.dma_semaphore, #tpu.memory_space<semaphore_mem>>) {add = true}
        %mul3A_477 = arith.constant 160 : i32
        %mul3A_478 = arith.muli %arg1, %mul3A_477 : i32
        %mul3A_479 = arith.constant 2 : i32
        %mul3A_480 = arith.muli %mul3A_479, %scan3A_26 : i32
        %add3A_481 = arith.constant 1 : i32
        %add3A_482 = arith.addi %mul3A_480, %add3A_481 : i32
        %mul3A_483 = arith.constant 16 : i32
        %mul3A_484 = arith.muli %add3A_482, %mul3A_483 : i32
        %add3A_485 = arith.addi %mul3A_478, %mul3A_484 : i32
        "tpu.region"() ({
          %run_scoped3A = tpu.sem_alloc : memref<!tpu.dma_semaphore, #tpu.memory_space<semaphore_mem>>
          %dma_start3A_934 = arith.constant 0 : i32
          %dma_start3A_935 = tpu.memref_slice %arg3[%add3A_485, %dma_start3A_934] : memref<2560x128xi32, #tpu.memory_space<hbm>> -> memref<16x128xi32, #tpu.memory_space<hbm>>
          %dma_start3A_936 = arith.constant 0 : i32
          %dma_start3A_937 = tpu.memref_slice %arg3[%add3A_485, %dma_start3A_936] : memref<2560x128xi32, #tpu.memory_space<hbm>> -> memref<16x128xi32, #tpu.memory_space<hbm>>
          tpu.enqueue_dma source(%dma_start3A_937 : memref<16x128xi32, #tpu.memory_space<hbm>>) target(%arg8 : memref<16x128xi32, #tpu.memory_space<vmem>>) target_semaphore(%run_scoped3A : memref<!tpu.dma_semaphore, #tpu.memory_space<semaphore_mem>>)
          %dma_wait3A_938 = arith.constant 0 : i32
          %dma_wait3A_939 = tpu.memref_slice %arg3[%add3A_485, %dma_wait3A_938] : memref<2560x128xi32, #tpu.memory_space<hbm>> -> memref<16x128xi32, #tpu.memory_space<hbm>>
          %dma_wait3A_940 = arith.constant 0 : i32
          %dma_wait3A_941 = tpu.memref_slice %arg3[%add3A_485, %dma_wait3A_940] : memref<2560x128xi32, #tpu.memory_space<hbm>> -> memref<16x128xi32, #tpu.memory_space<hbm>>
          tpu.wait_dma2 semaphore(%run_scoped3A : memref<!tpu.dma_semaphore, #tpu.memory_space<semaphore_mem>>) src(%dma_wait3A_941 : memref<16x128xi32, #tpu.memory_space<hbm>>) dst(%arg8 : memref<16x128xi32, #tpu.memory_space<vmem>>)
          tpu.yield
        }) : () -> ()
        "tpu.region"() ({
          %run_scoped3A = tpu.sem_alloc : memref<!tpu.dma_semaphore, #tpu.memory_space<semaphore_mem>>
          %dma_start3A_934 = arith.constant 0 : i32
          %dma_start3A_935 = tpu.memref_slice %arg4[%add3A_485, %dma_start3A_934] : memref<2560x128xi32, #tpu.memory_space<hbm>> -> memref<16x128xi32, #tpu.memory_space<hbm>>
          %dma_start3A_936 = arith.constant 0 : i32
          %dma_start3A_937 = tpu.memref_slice %arg4[%add3A_485, %dma_start3A_936] : memref<2560x128xi32, #tpu.memory_space<hbm>> -> memref<16x128xi32, #tpu.memory_space<hbm>>
          tpu.enqueue_dma source(%dma_start3A_937 : memref<16x128xi32, #tpu.memory_space<hbm>>) target(%arg10 : memref<16x128xi32, #tpu.memory_space<vmem>>) target_semaphore(%run_scoped3A : memref<!tpu.dma_semaphore, #tpu.memory_space<semaphore_mem>>)
          %dma_wait3A_938 = arith.constant 0 : i32
          %dma_wait3A_939 = tpu.memref_slice %arg4[%add3A_485, %dma_wait3A_938] : memref<2560x128xi32, #tpu.memory_space<hbm>> -> memref<16x128xi32, #tpu.memory_space<hbm>>
          %dma_wait3A_940 = arith.constant 0 : i32
          %dma_wait3A_941 = tpu.memref_slice %arg4[%add3A_485, %dma_wait3A_940] : memref<2560x128xi32, #tpu.memory_space<hbm>> -> memref<16x128xi32, #tpu.memory_space<hbm>>
          tpu.wait_dma2 semaphore(%run_scoped3A : memref<!tpu.dma_semaphore, #tpu.memory_space<semaphore_mem>>) src(%dma_wait3A_941 : memref<16x128xi32, #tpu.memory_space<hbm>>) dst(%arg10 : memref<16x128xi32, #tpu.memory_space<vmem>>)
          tpu.yield
        }) : () -> ()
        %dma_wait3A_486 = arith.constant 0 : i32
        %dma_wait3A_487 = arith.constant 0 : i32
        %dma_wait3A_488 = tpu.memref_slice %arg10[%dma_wait3A_486, %dma_wait3A_487] : memref<16x128xi32, #tpu.memory_space<vmem>> -> memref<1x128xi32, #tpu.memory_space<vmem>>
        %dma_wait3A_489 = tpu.memref_squeeze %dma_wait3A_488 : memref<1x128xi32, #tpu.memory_space<vmem>> -> memref<128xi32, #tpu.memory_space<vmem>>
        %dma_wait3A_490 = arith.constant 0 : i32
        %dma_wait3A_491 = arith.constant 0 : i32
        %dma_wait3A_492 = tpu.memref_slice %arg13[%dma_wait3A_490, %dma_wait3A_491] : memref<10112x128xf32, #tpu.memory_space<vmem_shared>> -> memref<10112x128xf32, #tpu.memory_space<vmem_shared>>
        tpu.wait_indirect_dma semaphore(%arg16 : memref<!tpu.dma_semaphore, #tpu.memory_space<semaphore_mem>>) src(%arg11 : memref<128x128xf32, #tpu.memory_space<vmem>>) dst(%dma_wait3A_492 : memref<10112x128xf32, #tpu.memory_space<vmem_shared>>)
        %dma_start3A_493 = arith.constant 0 : i32
        %dma_start3A_494 = arith.constant 0 : i32
        %dma_start3A_495 = tpu.memref_slice %arg8[%dma_start3A_493, %dma_start3A_494] : memref<16x128xi32, #tpu.memory_space<vmem>> -> memref<1x128xi32, #tpu.memory_space<vmem>>
        %dma_start3A_496 = tpu.memref_squeeze %dma_start3A_495 : memref<1x128xi32, #tpu.memory_space<vmem>> -> memref<128xi32, #tpu.memory_space<vmem>>
        %dma_start3A_497 = arith.constant 0 : i32
        %dma_start3A_498 = arith.constant 0 : i32
        %dma_start3A_499 = tpu.memref_slice %arg2[%dma_start3A_497, %dma_start3A_498] : memref<10000x128xf32, #tpu.memory_space<hbm>> -> memref<10000x128xf32, #tpu.memory_space<hbm>>
        tpu.enqueue_indirect_dma source(%dma_start3A_499 : memref<10000x128xf32, #tpu.memory_space<hbm>>) target(%arg11 : memref<128x128xf32, #tpu.memory_space<vmem>>) offsets(%dma_start3A_496 : memref<128xi32, #tpu.memory_space<vmem>>) semaphore(%arg14 : memref<!tpu.dma_semaphore, #tpu.memory_space<semaphore_mem>>)
        %dma_wait3A_500 = arith.constant 0 : i32
        %dma_wait3A_501 = arith.constant 0 : i32
        %dma_wait3A_502 = tpu.memref_slice %arg8[%dma_wait3A_500, %dma_wait3A_501] : memref<16x128xi32, #tpu.memory_space<vmem>> -> memref<1x128xi32, #tpu.memory_space<vmem>>
        %dma_wait3A_503 = tpu.memref_squeeze %dma_wait3A_502 : memref<1x128xi32, #tpu.memory_space<vmem>> -> memref<128xi32, #tpu.memory_space<vmem>>
        %dma_wait3A_504 = arith.constant 0 : i32
        %dma_wait3A_505 = arith.constant 0 : i32
        %dma_wait3A_506 = tpu.memref_slice %arg2[%dma_wait3A_504, %dma_wait3A_505] : memref<10000x128xf32, #tpu.memory_space<hbm>> -> memref<10000x128xf32, #tpu.memory_space<hbm>>
        tpu.wait_indirect_dma semaphore(%arg14 : memref<!tpu.dma_semaphore, #tpu.memory_space<semaphore_mem>>) src(%dma_wait3A_506 : memref<10000x128xf32, #tpu.memory_space<hbm>>) dst(%arg11 : memref<128x128xf32, #tpu.memory_space<vmem>>)
        %dma_start3A_507 = arith.constant 0 : i32
        %dma_start3A_508 = arith.constant 0 : i32
        %dma_start3A_509 = tpu.memref_slice %arg10[%dma_start3A_507, %dma_start3A_508] : memref<16x128xi32, #tpu.memory_space<vmem>> -> memref<1x128xi32, #tpu.memory_space<vmem>>
        %dma_start3A_510 = tpu.memref_squeeze %dma_start3A_509 : memref<1x128xi32, #tpu.memory_space<vmem>> -> memref<128xi32, #tpu.memory_space<vmem>>
        %dma_start3A_511 = arith.constant 0 : i32
        %dma_start3A_512 = arith.constant 0 : i32
        %dma_start3A_513 = tpu.memref_slice %arg13[%dma_start3A_511, %dma_start3A_512] : memref<10112x128xf32, #tpu.memory_space<vmem_shared>> -> memref<10112x128xf32, #tpu.memory_space<vmem_shared>>
        tpu.enqueue_indirect_dma source(%arg11 : memref<128x128xf32, #tpu.memory_space<vmem>>) target(%dma_start3A_513 : memref<10112x128xf32, #tpu.memory_space<vmem_shared>>) offsets(%dma_start3A_510 : memref<128xi32, #tpu.memory_space<vmem>>) semaphore(%arg16 : memref<!tpu.dma_semaphore, #tpu.memory_space<semaphore_mem>>) {add = true}
        %dma_wait3A_514 = arith.constant 1 : i32
        %dma_wait3A_515 = arith.constant 0 : i32
        %dma_wait3A_516 = tpu.memref_slice %arg10[%dma_wait3A_514, %dma_wait3A_515] : memref<16x128xi32, #tpu.memory_space<vmem>> -> memref<1x128xi32, #tpu.memory_space<vmem>>
        %dma_wait3A_517 = tpu.memref_squeeze %dma_wait3A_516 : memref<1x128xi32, #tpu.memory_space<vmem>> -> memref<128xi32, #tpu.memory_space<vmem>>
        %dma_wait3A_518 = arith.constant 0 : i32
        %dma_wait3A_519 = arith.constant 0 : i32
        %dma_wait3A_520 = tpu.memref_slice %arg13[%dma_wait3A_518, %dma_wait3A_519] : memref<10112x128xf32, #tpu.memory_space<vmem_shared>> -> memref<10112x128xf32, #tpu.memory_space<vmem_shared>>
        tpu.wait_indirect_dma semaphore(%arg17 : memref<!tpu.dma_semaphore, #tpu.memory_space<semaphore_mem>>) src(%arg12 : memref<128x128xf32, #tpu.memory_space<vmem>>) dst(%dma_wait3A_520 : memref<10112x128xf32, #tpu.memory_space<vmem_shared>>)
        %dma_start3A_521 = arith.constant 1 : i32
        %dma_start3A_522 = arith.constant 0 : i32
        %dma_start3A_523 = tpu.memref_slice %arg8[%dma_start3A_521, %dma_start3A_522] : memref<16x128xi32, #tpu.memory_space<vmem>> -> memref<1x128xi32, #tpu.memory_space<vmem>>
        %dma_start3A_524 = tpu.memref_squeeze %dma_start3A_523 : memref<1x128xi32, #tpu.memory_space<vmem>> -> memref<128xi32, #tpu.memory_space<vmem>>
        %dma_start3A_525 = arith.constant 0 : i32
        %dma_start3A_526 = arith.constant 0 : i32
        %dma_start3A_527 = tpu.memref_slice %arg2[%dma_start3A_525, %dma_start3A_526] : memref<10000x128xf32, #tpu.memory_space<hbm>> -> memref<10000x128xf32, #tpu.memory_space<hbm>>
        tpu.enqueue_indirect_dma source(%dma_start3A_527 : memref<10000x128xf32, #tpu.memory_space<hbm>>) target(%arg12 : memref<128x128xf32, #tpu.memory_space<vmem>>) offsets(%dma_start3A_524 : memref<128xi32, #tpu.memory_space<vmem>>) semaphore(%arg15 : memref<!tpu.dma_semaphore, #tpu.memory_space<semaphore_mem>>)
        %dma_wait3A_528 = arith.constant 1 : i32
        %dma_wait3A_529 = arith.constant 0 : i32
        %dma_wait3A_530 = tpu.memref_slice %arg8[%dma_wait3A_528, %dma_wait3A_529] : memref<16x128xi32, #tpu.memory_space<vmem>> -> memref<1x128xi32, #tpu.memory_space<vmem>>
        %dma_wait3A_531 = tpu.memref_squeeze %dma_wait3A_530 : memref<1x128xi32, #tpu.memory_space<vmem>> -> memref<128xi32, #tpu.memory_space<vmem>>
        %dma_wait3A_532 = arith.constant 0 : i32
        %dma_wait3A_533 = arith.constant 0 : i32
        %dma_wait3A_534 = tpu.memref_slice %arg2[%dma_wait3A_532, %dma_wait3A_533] : memref<10000x128xf32, #tpu.memory_space<hbm>> -> memref<10000x128xf32, #tpu.memory_space<hbm>>
        tpu.wait_indirect_dma semaphore(%arg15 : memref<!tpu.dma_semaphore, #tpu.memory_space<semaphore_mem>>) src(%dma_wait3A_534 : memref<10000x128xf32, #tpu.memory_space<hbm>>) dst(%arg12 : memref<128x128xf32, #tpu.memory_space<vmem>>)
        %dma_start3A_535 = arith.constant 1 : i32
        %dma_start3A_536 = arith.constant 0 : i32
        %dma_start3A_537 = tpu.memref_slice %arg10[%dma_start3A_535, %dma_start3A_536] : memref<16x128xi32, #tpu.memory_space<vmem>> -> memref<1x128xi32, #tpu.memory_space<vmem>>
        %dma_start3A_538 = tpu.memref_squeeze %dma_start3A_537 : memref<1x128xi32, #tpu.memory_space<vmem>> -> memref<128xi32, #tpu.memory_space<vmem>>
        %dma_start3A_539 = arith.constant 0 : i32
        %dma_start3A_540 = arith.constant 0 : i32
        %dma_start3A_541 = tpu.memref_slice %arg13[%dma_start3A_539, %dma_start3A_540] : memref<10112x128xf32, #tpu.memory_space<vmem_shared>> -> memref<10112x128xf32, #tpu.memory_space<vmem_shared>>
        tpu.enqueue_indirect_dma source(%arg12 : memref<128x128xf32, #tpu.memory_space<vmem>>) target(%dma_start3A_541 : memref<10112x128xf32, #tpu.memory_space<vmem_shared>>) offsets(%dma_start3A_538 : memref<128xi32, #tpu.memory_space<vmem>>) semaphore(%arg17 : memref<!tpu.dma_semaphore, #tpu.memory_space<semaphore_mem>>) {add = true}
        %dma_wait3A_542 = arith.constant 2 : i32
        %dma_wait3A_543 = arith.constant 0 : i32
        %dma_wait3A_544 = tpu.memref_slice %arg10[%dma_wait3A_542, %dma_wait3A_543] : memref<16x128xi32, #tpu.memory_space<vmem>> -> memref<1x128xi32, #tpu.memory_space<vmem>>
        %dma_wait3A_545 = tpu.memref_squeeze %dma_wait3A_544 : memref<1x128xi32, #tpu.memory_space<vmem>> -> memref<128xi32, #tpu.memory_space<vmem>>
        %dma_wait3A_546 = arith.constant 0 : i32
        %dma_wait3A_547 = arith.constant 0 : i32
        %dma_wait3A_548 = tpu.memref_slice %arg13[%dma_wait3A_546, %dma_wait3A_547] : memref<10112x128xf32, #tpu.memory_space<vmem_shared>> -> memref<10112x128xf32, #tpu.memory_space<vmem_shared>>
        tpu.wait_indirect_dma semaphore(%arg16 : memref<!tpu.dma_semaphore, #tpu.memory_space<semaphore_mem>>) src(%arg11 : memref<128x128xf32, #tpu.memory_space<vmem>>) dst(%dma_wait3A_548 : memref<10112x128xf32, #tpu.memory_space<vmem_shared>>)
        %dma_start3A_549 = arith.constant 2 : i32
        %dma_start3A_550 = arith.constant 0 : i32
        %dma_start3A_551 = tpu.memref_slice %arg8[%dma_start3A_549, %dma_start3A_550] : memref<16x128xi32, #tpu.memory_space<vmem>> -> memref<1x128xi32, #tpu.memory_space<vmem>>
        %dma_start3A_552 = tpu.memref_squeeze %dma_start3A_551 : memref<1x128xi32, #tpu.memory_space<vmem>> -> memref<128xi32, #tpu.memory_space<vmem>>
        %dma_start3A_553 = arith.constant 0 : i32
        %dma_start3A_554 = arith.constant 0 : i32
        %dma_start3A_555 = tpu.memref_slice %arg2[%dma_start3A_553, %dma_start3A_554] : memref<10000x128xf32, #tpu.memory_space<hbm>> -> memref<10000x128xf32, #tpu.memory_space<hbm>>
        tpu.enqueue_indirect_dma source(%dma_start3A_555 : memref<10000x128xf32, #tpu.memory_space<hbm>>) target(%arg11 : memref<128x128xf32, #tpu.memory_space<vmem>>) offsets(%dma_start3A_552 : memref<128xi32, #tpu.memory_space<vmem>>) semaphore(%arg14 : memref<!tpu.dma_semaphore, #tpu.memory_space<semaphore_mem>>)
        %dma_wait3A_556 = arith.constant 2 : i32
        %dma_wait3A_557 = arith.constant 0 : i32
        %dma_wait3A_558 = tpu.memref_slice %arg8[%dma_wait3A_556, %dma_wait3A_557] : memref<16x128xi32, #tpu.memory_space<vmem>> -> memref<1x128xi32, #tpu.memory_space<vmem>>
        %dma_wait3A_559 = tpu.memref_squeeze %dma_wait3A_558 : memref<1x128xi32, #tpu.memory_space<vmem>> -> memref<128xi32, #tpu.memory_space<vmem>>
        %dma_wait3A_560 = arith.constant 0 : i32
        %dma_wait3A_561 = arith.constant 0 : i32
        %dma_wait3A_562 = tpu.memref_slice %arg2[%dma_wait3A_560, %dma_wait3A_561] : memref<10000x128xf32, #tpu.memory_space<hbm>> -> memref<10000x128xf32, #tpu.memory_space<hbm>>
        tpu.wait_indirect_dma semaphore(%arg14 : memref<!tpu.dma_semaphore, #tpu.memory_space<semaphore_mem>>) src(%dma_wait3A_562 : memref<10000x128xf32, #tpu.memory_space<hbm>>) dst(%arg11 : memref<128x128xf32, #tpu.memory_space<vmem>>)
        %dma_start3A_563 = arith.constant 2 : i32
        %dma_start3A_564 = arith.constant 0 : i32
        %dma_start3A_565 = tpu.memref_slice %arg10[%dma_start3A_563, %dma_start3A_564] : memref<16x128xi32, #tpu.memory_space<vmem>> -> memref<1x128xi32, #tpu.memory_space<vmem>>
        %dma_start3A_566 = tpu.memref_squeeze %dma_start3A_565 : memref<1x128xi32, #tpu.memory_space<vmem>> -> memref<128xi32, #tpu.memory_space<vmem>>
        %dma_start3A_567 = arith.constant 0 : i32
        %dma_start3A_568 = arith.constant 0 : i32
        %dma_start3A_569 = tpu.memref_slice %arg13[%dma_start3A_567, %dma_start3A_568] : memref<10112x128xf32, #tpu.memory_space<vmem_shared>> -> memref<10112x128xf32, #tpu.memory_space<vmem_shared>>
        tpu.enqueue_indirect_dma source(%arg11 : memref<128x128xf32, #tpu.memory_space<vmem>>) target(%dma_start3A_569 : memref<10112x128xf32, #tpu.memory_space<vmem_shared>>) offsets(%dma_start3A_566 : memref<128xi32, #tpu.memory_space<vmem>>) semaphore(%arg16 : memref<!tpu.dma_semaphore, #tpu.memory_space<semaphore_mem>>) {add = true}
        %dma_wait3A_570 = arith.constant 3 : i32
        %dma_wait3A_571 = arith.constant 0 : i32
        %dma_wait3A_572 = tpu.memref_slice %arg10[%dma_wait3A_570, %dma_wait3A_571] : memref<16x128xi32, #tpu.memory_space<vmem>> -> memref<1x128xi32, #tpu.memory_space<vmem>>
        %dma_wait3A_573 = tpu.memref_squeeze %dma_wait3A_572 : memref<1x128xi32, #tpu.memory_space<vmem>> -> memref<128xi32, #tpu.memory_space<vmem>>
        %dma_wait3A_574 = arith.constant 0 : i32
        %dma_wait3A_575 = arith.constant 0 : i32
        %dma_wait3A_576 = tpu.memref_slice %arg13[%dma_wait3A_574, %dma_wait3A_575] : memref<10112x128xf32, #tpu.memory_space<vmem_shared>> -> memref<10112x128xf32, #tpu.memory_space<vmem_shared>>
        tpu.wait_indirect_dma semaphore(%arg17 : memref<!tpu.dma_semaphore, #tpu.memory_space<semaphore_mem>>) src(%arg12 : memref<128x128xf32, #tpu.memory_space<vmem>>) dst(%dma_wait3A_576 : memref<10112x128xf32, #tpu.memory_space<vmem_shared>>)
        %dma_start3A_577 = arith.constant 3 : i32
        %dma_start3A_578 = arith.constant 0 : i32
        %dma_start3A_579 = tpu.memref_slice %arg8[%dma_start3A_577, %dma_start3A_578] : memref<16x128xi32, #tpu.memory_space<vmem>> -> memref<1x128xi32, #tpu.memory_space<vmem>>
        %dma_start3A_580 = tpu.memref_squeeze %dma_start3A_579 : memref<1x128xi32, #tpu.memory_space<vmem>> -> memref<128xi32, #tpu.memory_space<vmem>>
        %dma_start3A_581 = arith.constant 0 : i32
        %dma_start3A_582 = arith.constant 0 : i32
        %dma_start3A_583 = tpu.memref_slice %arg2[%dma_start3A_581, %dma_start3A_582] : memref<10000x128xf32, #tpu.memory_space<hbm>> -> memref<10000x128xf32, #tpu.memory_space<hbm>>
        tpu.enqueue_indirect_dma source(%dma_start3A_583 : memref<10000x128xf32, #tpu.memory_space<hbm>>) target(%arg12 : memref<128x128xf32, #tpu.memory_space<vmem>>) offsets(%dma_start3A_580 : memref<128xi32, #tpu.memory_space<vmem>>) semaphore(%arg15 : memref<!tpu.dma_semaphore, #tpu.memory_space<semaphore_mem>>)
        %dma_wait3A_584 = arith.constant 3 : i32
        %dma_wait3A_585 = arith.constant 0 : i32
        %dma_wait3A_586 = tpu.memref_slice %arg8[%dma_wait3A_584, %dma_wait3A_585] : memref<16x128xi32, #tpu.memory_space<vmem>> -> memref<1x128xi32, #tpu.memory_space<vmem>>
        %dma_wait3A_587 = tpu.memref_squeeze %dma_wait3A_586 : memref<1x128xi32, #tpu.memory_space<vmem>> -> memref<128xi32, #tpu.memory_space<vmem>>
        %dma_wait3A_588 = arith.constant 0 : i32
        %dma_wait3A_589 = arith.constant 0 : i32
        %dma_wait3A_590 = tpu.memref_slice %arg2[%dma_wait3A_588, %dma_wait3A_589] : memref<10000x128xf32, #tpu.memory_space<hbm>> -> memref<10000x128xf32, #tpu.memory_space<hbm>>
        tpu.wait_indirect_dma semaphore(%arg15 : memref<!tpu.dma_semaphore, #tpu.memory_space<semaphore_mem>>) src(%dma_wait3A_590 : memref<10000x128xf32, #tpu.memory_space<hbm>>) dst(%arg12 : memref<128x128xf32, #tpu.memory_space<vmem>>)
        %dma_start3A_591 = arith.constant 3 : i32
        %dma_start3A_592 = arith.constant 0 : i32
        %dma_start3A_593 = tpu.memref_slice %arg10[%dma_start3A_591, %dma_start3A_592] : memref<16x128xi32, #tpu.memory_space<vmem>> -> memref<1x128xi32, #tpu.memory_space<vmem>>
        %dma_start3A_594 = tpu.memref_squeeze %dma_start3A_593 : memref<1x128xi32, #tpu.memory_space<vmem>> -> memref<128xi32, #tpu.memory_space<vmem>>
        %dma_start3A_595 = arith.constant 0 : i32
        %dma_start3A_596 = arith.constant 0 : i32
        %dma_start3A_597 = tpu.memref_slice %arg13[%dma_start3A_595, %dma_start3A_596] : memref<10112x128xf32, #tpu.memory_space<vmem_shared>> -> memref<10112x128xf32, #tpu.memory_space<vmem_shared>>
        tpu.enqueue_indirect_dma source(%arg12 : memref<128x128xf32, #tpu.memory_space<vmem>>) target(%dma_start3A_597 : memref<10112x128xf32, #tpu.memory_space<vmem_shared>>) offsets(%dma_start3A_594 : memref<128xi32, #tpu.memory_space<vmem>>) semaphore(%arg17 : memref<!tpu.dma_semaphore, #tpu.memory_space<semaphore_mem>>) {add = true}
        %dma_wait3A_598 = arith.constant 4 : i32
        %dma_wait3A_599 = arith.constant 0 : i32
        %dma_wait3A_600 = tpu.memref_slice %arg10[%dma_wait3A_598, %dma_wait3A_599] : memref<16x128xi32, #tpu.memory_space<vmem>> -> memref<1x128xi32, #tpu.memory_space<vmem>>
        %dma_wait3A_601 = tpu.memref_squeeze %dma_wait3A_600 : memref<1x128xi32, #tpu.memory_space<vmem>> -> memref<128xi32, #tpu.memory_space<vmem>>
        %dma_wait3A_602 = arith.constant 0 : i32
        %dma_wait3A_603 = arith.constant 0 : i32
        %dma_wait3A_604 = tpu.memref_slice %arg13[%dma_wait3A_602, %dma_wait3A_603] : memref<10112x128xf32, #tpu.memory_space<vmem_shared>> -> memref<10112x128xf32, #tpu.memory_space<vmem_shared>>
        tpu.wait_indirect_dma semaphore(%arg16 : memref<!tpu.dma_semaphore, #tpu.memory_space<semaphore_mem>>) src(%arg11 : memref<128x128xf32, #tpu.memory_space<vmem>>) dst(%dma_wait3A_604 : memref<10112x128xf32, #tpu.memory_space<vmem_shared>>)
        %dma_start3A_605 = arith.constant 4 : i32
        %dma_start3A_606 = arith.constant 0 : i32
        %dma_start3A_607 = tpu.memref_slice %arg8[%dma_start3A_605, %dma_start3A_606] : memref<16x128xi32, #tpu.memory_space<vmem>> -> memref<1x128xi32, #tpu.memory_space<vmem>>
        %dma_start3A_608 = tpu.memref_squeeze %dma_start3A_607 : memref<1x128xi32, #tpu.memory_space<vmem>> -> memref<128xi32, #tpu.memory_space<vmem>>
        %dma_start3A_609 = arith.constant 0 : i32
        %dma_start3A_610 = arith.constant 0 : i32
        %dma_start3A_611 = tpu.memref_slice %arg2[%dma_start3A_609, %dma_start3A_610] : memref<10000x128xf32, #tpu.memory_space<hbm>> -> memref<10000x128xf32, #tpu.memory_space<hbm>>
        tpu.enqueue_indirect_dma source(%dma_start3A_611 : memref<10000x128xf32, #tpu.memory_space<hbm>>) target(%arg11 : memref<128x128xf32, #tpu.memory_space<vmem>>) offsets(%dma_start3A_608 : memref<128xi32, #tpu.memory_space<vmem>>) semaphore(%arg14 : memref<!tpu.dma_semaphore, #tpu.memory_space<semaphore_mem>>)
        %dma_wait3A_612 = arith.constant 4 : i32
        %dma_wait3A_613 = arith.constant 0 : i32
        %dma_wait3A_614 = tpu.memref_slice %arg8[%dma_wait3A_612, %dma_wait3A_613] : memref<16x128xi32, #tpu.memory_space<vmem>> -> memref<1x128xi32, #tpu.memory_space<vmem>>
        %dma_wait3A_615 = tpu.memref_squeeze %dma_wait3A_614 : memref<1x128xi32, #tpu.memory_space<vmem>> -> memref<128xi32, #tpu.memory_space<vmem>>
        %dma_wait3A_616 = arith.constant 0 : i32
        %dma_wait3A_617 = arith.constant 0 : i32
        %dma_wait3A_618 = tpu.memref_slice %arg2[%dma_wait3A_616, %dma_wait3A_617] : memref<10000x128xf32, #tpu.memory_space<hbm>> -> memref<10000x128xf32, #tpu.memory_space<hbm>>
        tpu.wait_indirect_dma semaphore(%arg14 : memref<!tpu.dma_semaphore, #tpu.memory_space<semaphore_mem>>) src(%dma_wait3A_618 : memref<10000x128xf32, #tpu.memory_space<hbm>>) dst(%arg11 : memref<128x128xf32, #tpu.memory_space<vmem>>)
        %dma_start3A_619 = arith.constant 4 : i32
        %dma_start3A_620 = arith.constant 0 : i32
        %dma_start3A_621 = tpu.memref_slice %arg10[%dma_start3A_619, %dma_start3A_620] : memref<16x128xi32, #tpu.memory_space<vmem>> -> memref<1x128xi32, #tpu.memory_space<vmem>>
        %dma_start3A_622 = tpu.memref_squeeze %dma_start3A_621 : memref<1x128xi32, #tpu.memory_space<vmem>> -> memref<128xi32, #tpu.memory_space<vmem>>
        %dma_start3A_623 = arith.constant 0 : i32
        %dma_start3A_624 = arith.constant 0 : i32
        %dma_start3A_625 = tpu.memref_slice %arg13[%dma_start3A_623, %dma_start3A_624] : memref<10112x128xf32, #tpu.memory_space<vmem_shared>> -> memref<10112x128xf32, #tpu.memory_space<vmem_shared>>
        tpu.enqueue_indirect_dma source(%arg11 : memref<128x128xf32, #tpu.memory_space<vmem>>) target(%dma_start3A_625 : memref<10112x128xf32, #tpu.memory_space<vmem_shared>>) offsets(%dma_start3A_622 : memref<128xi32, #tpu.memory_space<vmem>>) semaphore(%arg16 : memref<!tpu.dma_semaphore, #tpu.memory_space<semaphore_mem>>) {add = true}
        %dma_wait3A_626 = arith.constant 5 : i32
        %dma_wait3A_627 = arith.constant 0 : i32
        %dma_wait3A_628 = tpu.memref_slice %arg10[%dma_wait3A_626, %dma_wait3A_627] : memref<16x128xi32, #tpu.memory_space<vmem>> -> memref<1x128xi32, #tpu.memory_space<vmem>>
        %dma_wait3A_629 = tpu.memref_squeeze %dma_wait3A_628 : memref<1x128xi32, #tpu.memory_space<vmem>> -> memref<128xi32, #tpu.memory_space<vmem>>
        %dma_wait3A_630 = arith.constant 0 : i32
        %dma_wait3A_631 = arith.constant 0 : i32
        %dma_wait3A_632 = tpu.memref_slice %arg13[%dma_wait3A_630, %dma_wait3A_631] : memref<10112x128xf32, #tpu.memory_space<vmem_shared>> -> memref<10112x128xf32, #tpu.memory_space<vmem_shared>>
        tpu.wait_indirect_dma semaphore(%arg17 : memref<!tpu.dma_semaphore, #tpu.memory_space<semaphore_mem>>) src(%arg12 : memref<128x128xf32, #tpu.memory_space<vmem>>) dst(%dma_wait3A_632 : memref<10112x128xf32, #tpu.memory_space<vmem_shared>>)
        %dma_start3A_633 = arith.constant 5 : i32
        %dma_start3A_634 = arith.constant 0 : i32
        %dma_start3A_635 = tpu.memref_slice %arg8[%dma_start3A_633, %dma_start3A_634] : memref<16x128xi32, #tpu.memory_space<vmem>> -> memref<1x128xi32, #tpu.memory_space<vmem>>
        %dma_start3A_636 = tpu.memref_squeeze %dma_start3A_635 : memref<1x128xi32, #tpu.memory_space<vmem>> -> memref<128xi32, #tpu.memory_space<vmem>>
        %dma_start3A_637 = arith.constant 0 : i32
        %dma_start3A_638 = arith.constant 0 : i32
        %dma_start3A_639 = tpu.memref_slice %arg2[%dma_start3A_637, %dma_start3A_638] : memref<10000x128xf32, #tpu.memory_space<hbm>> -> memref<10000x128xf32, #tpu.memory_space<hbm>>
        tpu.enqueue_indirect_dma source(%dma_start3A_639 : memref<10000x128xf32, #tpu.memory_space<hbm>>) target(%arg12 : memref<128x128xf32, #tpu.memory_space<vmem>>) offsets(%dma_start3A_636 : memref<128xi32, #tpu.memory_space<vmem>>) semaphore(%arg15 : memref<!tpu.dma_semaphore, #tpu.memory_space<semaphore_mem>>)
        %dma_wait3A_640 = arith.constant 5 : i32
        %dma_wait3A_641 = arith.constant 0 : i32
        %dma_wait3A_642 = tpu.memref_slice %arg8[%dma_wait3A_640, %dma_wait3A_641] : memref<16x128xi32, #tpu.memory_space<vmem>> -> memref<1x128xi32, #tpu.memory_space<vmem>>
        %dma_wait3A_643 = tpu.memref_squeeze %dma_wait3A_642 : memref<1x128xi32, #tpu.memory_space<vmem>> -> memref<128xi32, #tpu.memory_space<vmem>>
        %dma_wait3A_644 = arith.constant 0 : i32
        %dma_wait3A_645 = arith.constant 0 : i32
        %dma_wait3A_646 = tpu.memref_slice %arg2[%dma_wait3A_644, %dma_wait3A_645] : memref<10000x128xf32, #tpu.memory_space<hbm>> -> memref<10000x128xf32, #tpu.memory_space<hbm>>
        tpu.wait_indirect_dma semaphore(%arg15 : memref<!tpu.dma_semaphore, #tpu.memory_space<semaphore_mem>>) src(%dma_wait3A_646 : memref<10000x128xf32, #tpu.memory_space<hbm>>) dst(%arg12 : memref<128x128xf32, #tpu.memory_space<vmem>>)
        %dma_start3A_647 = arith.constant 5 : i32
        %dma_start3A_648 = arith.constant 0 : i32
        %dma_start3A_649 = tpu.memref_slice %arg10[%dma_start3A_647, %dma_start3A_648] : memref<16x128xi32, #tpu.memory_space<vmem>> -> memref<1x128xi32, #tpu.memory_space<vmem>>
        %dma_start3A_650 = tpu.memref_squeeze %dma_start3A_649 : memref<1x128xi32, #tpu.memory_space<vmem>> -> memref<128xi32, #tpu.memory_space<vmem>>
        %dma_start3A_651 = arith.constant 0 : i32
        %dma_start3A_652 = arith.constant 0 : i32
        %dma_start3A_653 = tpu.memref_slice %arg13[%dma_start3A_651, %dma_start3A_652] : memref<10112x128xf32, #tpu.memory_space<vmem_shared>> -> memref<10112x128xf32, #tpu.memory_space<vmem_shared>>
        tpu.enqueue_indirect_dma source(%arg12 : memref<128x128xf32, #tpu.memory_space<vmem>>) target(%dma_start3A_653 : memref<10112x128xf32, #tpu.memory_space<vmem_shared>>) offsets(%dma_start3A_650 : memref<128xi32, #tpu.memory_space<vmem>>) semaphore(%arg17 : memref<!tpu.dma_semaphore, #tpu.memory_space<semaphore_mem>>) {add = true}
        %dma_wait3A_654 = arith.constant 6 : i32
        %dma_wait3A_655 = arith.constant 0 : i32
        %dma_wait3A_656 = tpu.memref_slice %arg10[%dma_wait3A_654, %dma_wait3A_655] : memref<16x128xi32, #tpu.memory_space<vmem>> -> memref<1x128xi32, #tpu.memory_space<vmem>>
        %dma_wait3A_657 = tpu.memref_squeeze %dma_wait3A_656 : memref<1x128xi32, #tpu.memory_space<vmem>> -> memref<128xi32, #tpu.memory_space<vmem>>
        %dma_wait3A_658 = arith.constant 0 : i32
        %dma_wait3A_659 = arith.constant 0 : i32
        %dma_wait3A_660 = tpu.memref_slice %arg13[%dma_wait3A_658, %dma_wait3A_659] : memref<10112x128xf32, #tpu.memory_space<vmem_shared>> -> memref<10112x128xf32, #tpu.memory_space<vmem_shared>>
        tpu.wait_indirect_dma semaphore(%arg16 : memref<!tpu.dma_semaphore, #tpu.memory_space<semaphore_mem>>) src(%arg11 : memref<128x128xf32, #tpu.memory_space<vmem>>) dst(%dma_wait3A_660 : memref<10112x128xf32, #tpu.memory_space<vmem_shared>>)
        %dma_start3A_661 = arith.constant 6 : i32
        %dma_start3A_662 = arith.constant 0 : i32
        %dma_start3A_663 = tpu.memref_slice %arg8[%dma_start3A_661, %dma_start3A_662] : memref<16x128xi32, #tpu.memory_space<vmem>> -> memref<1x128xi32, #tpu.memory_space<vmem>>
        %dma_start3A_664 = tpu.memref_squeeze %dma_start3A_663 : memref<1x128xi32, #tpu.memory_space<vmem>> -> memref<128xi32, #tpu.memory_space<vmem>>
        %dma_start3A_665 = arith.constant 0 : i32
        %dma_start3A_666 = arith.constant 0 : i32
        %dma_start3A_667 = tpu.memref_slice %arg2[%dma_start3A_665, %dma_start3A_666] : memref<10000x128xf32, #tpu.memory_space<hbm>> -> memref<10000x128xf32, #tpu.memory_space<hbm>>
        tpu.enqueue_indirect_dma source(%dma_start3A_667 : memref<10000x128xf32, #tpu.memory_space<hbm>>) target(%arg11 : memref<128x128xf32, #tpu.memory_space<vmem>>) offsets(%dma_start3A_664 : memref<128xi32, #tpu.memory_space<vmem>>) semaphore(%arg14 : memref<!tpu.dma_semaphore, #tpu.memory_space<semaphore_mem>>)
        %dma_wait3A_668 = arith.constant 6 : i32
        %dma_wait3A_669 = arith.constant 0 : i32
        %dma_wait3A_670 = tpu.memref_slice %arg8[%dma_wait3A_668, %dma_wait3A_669] : memref<16x128xi32, #tpu.memory_space<vmem>> -> memref<1x128xi32, #tpu.memory_space<vmem>>
        %dma_wait3A_671 = tpu.memref_squeeze %dma_wait3A_670 : memref<1x128xi32, #tpu.memory_space<vmem>> -> memref<128xi32, #tpu.memory_space<vmem>>
        %dma_wait3A_672 = arith.constant 0 : i32
        %dma_wait3A_673 = arith.constant 0 : i32
        %dma_wait3A_674 = tpu.memref_slice %arg2[%dma_wait3A_672, %dma_wait3A_673] : memref<10000x128xf32, #tpu.memory_space<hbm>> -> memref<10000x128xf32, #tpu.memory_space<hbm>>
        tpu.wait_indirect_dma semaphore(%arg14 : memref<!tpu.dma_semaphore, #tpu.memory_space<semaphore_mem>>) src(%dma_wait3A_674 : memref<10000x128xf32, #tpu.memory_space<hbm>>) dst(%arg11 : memref<128x128xf32, #tpu.memory_space<vmem>>)
        %dma_start3A_675 = arith.constant 6 : i32
        %dma_start3A_676 = arith.constant 0 : i32
        %dma_start3A_677 = tpu.memref_slice %arg10[%dma_start3A_675, %dma_start3A_676] : memref<16x128xi32, #tpu.memory_space<vmem>> -> memref<1x128xi32, #tpu.memory_space<vmem>>
        %dma_start3A_678 = tpu.memref_squeeze %dma_start3A_677 : memref<1x128xi32, #tpu.memory_space<vmem>> -> memref<128xi32, #tpu.memory_space<vmem>>
        %dma_start3A_679 = arith.constant 0 : i32
        %dma_start3A_680 = arith.constant 0 : i32
        %dma_start3A_681 = tpu.memref_slice %arg13[%dma_start3A_679, %dma_start3A_680] : memref<10112x128xf32, #tpu.memory_space<vmem_shared>> -> memref<10112x128xf32, #tpu.memory_space<vmem_shared>>
        tpu.enqueue_indirect_dma source(%arg11 : memref<128x128xf32, #tpu.memory_space<vmem>>) target(%dma_start3A_681 : memref<10112x128xf32, #tpu.memory_space<vmem_shared>>) offsets(%dma_start3A_678 : memref<128xi32, #tpu.memory_space<vmem>>) semaphore(%arg16 : memref<!tpu.dma_semaphore, #tpu.memory_space<semaphore_mem>>) {add = true}
        %dma_wait3A_682 = arith.constant 7 : i32
        %dma_wait3A_683 = arith.constant 0 : i32
        %dma_wait3A_684 = tpu.memref_slice %arg10[%dma_wait3A_682, %dma_wait3A_683] : memref<16x128xi32, #tpu.memory_space<vmem>> -> memref<1x128xi32, #tpu.memory_space<vmem>>
        %dma_wait3A_685 = tpu.memref_squeeze %dma_wait3A_684 : memref<1x128xi32, #tpu.memory_space<vmem>> -> memref<128xi32, #tpu.memory_space<vmem>>
        %dma_wait3A_686 = arith.constant 0 : i32
        %dma_wait3A_687 = arith.constant 0 : i32
        %dma_wait3A_688 = tpu.memref_slice %arg13[%dma_wait3A_686, %dma_wait3A_687] : memref<10112x128xf32, #tpu.memory_space<vmem_shared>> -> memref<10112x128xf32, #tpu.memory_space<vmem_shared>>
        tpu.wait_indirect_dma semaphore(%arg17 : memref<!tpu.dma_semaphore, #tpu.memory_space<semaphore_mem>>) src(%arg12 : memref<128x128xf32, #tpu.memory_space<vmem>>) dst(%dma_wait3A_688 : memref<10112x128xf32, #tpu.memory_space<vmem_shared>>)
        %dma_start3A_689 = arith.constant 7 : i32
        %dma_start3A_690 = arith.constant 0 : i32
        %dma_start3A_691 = tpu.memref_slice %arg8[%dma_start3A_689, %dma_start3A_690] : memref<16x128xi32, #tpu.memory_space<vmem>> -> memref<1x128xi32, #tpu.memory_space<vmem>>
        %dma_start3A_692 = tpu.memref_squeeze %dma_start3A_691 : memref<1x128xi32, #tpu.memory_space<vmem>> -> memref<128xi32, #tpu.memory_space<vmem>>
        %dma_start3A_693 = arith.constant 0 : i32
        %dma_start3A_694 = arith.constant 0 : i32
        %dma_start3A_695 = tpu.memref_slice %arg2[%dma_start3A_693, %dma_start3A_694] : memref<10000x128xf32, #tpu.memory_space<hbm>> -> memref<10000x128xf32, #tpu.memory_space<hbm>>
        tpu.enqueue_indirect_dma source(%dma_start3A_695 : memref<10000x128xf32, #tpu.memory_space<hbm>>) target(%arg12 : memref<128x128xf32, #tpu.memory_space<vmem>>) offsets(%dma_start3A_692 : memref<128xi32, #tpu.memory_space<vmem>>) semaphore(%arg15 : memref<!tpu.dma_semaphore, #tpu.memory_space<semaphore_mem>>)
        %dma_wait3A_696 = arith.constant 7 : i32
        %dma_wait3A_697 = arith.constant 0 : i32
        %dma_wait3A_698 = tpu.memref_slice %arg8[%dma_wait3A_696, %dma_wait3A_697] : memref<16x128xi32, #tpu.memory_space<vmem>> -> memref<1x128xi32, #tpu.memory_space<vmem>>
        %dma_wait3A_699 = tpu.memref_squeeze %dma_wait3A_698 : memref<1x128xi32, #tpu.memory_space<vmem>> -> memref<128xi32, #tpu.memory_space<vmem>>
        %dma_wait3A_700 = arith.constant 0 : i32
        %dma_wait3A_701 = arith.constant 0 : i32
        %dma_wait3A_702 = tpu.memref_slice %arg2[%dma_wait3A_700, %dma_wait3A_701] : memref<10000x128xf32, #tpu.memory_space<hbm>> -> memref<10000x128xf32, #tpu.memory_space<hbm>>
        tpu.wait_indirect_dma semaphore(%arg15 : memref<!tpu.dma_semaphore, #tpu.memory_space<semaphore_mem>>) src(%dma_wait3A_702 : memref<10000x128xf32, #tpu.memory_space<hbm>>) dst(%arg12 : memref<128x128xf32, #tpu.memory_space<vmem>>)
        %dma_start3A_703 = arith.constant 7 : i32
        %dma_start3A_704 = arith.constant 0 : i32
        %dma_start3A_705 = tpu.memref_slice %arg10[%dma_start3A_703, %dma_start3A_704] : memref<16x128xi32, #tpu.memory_space<vmem>> -> memref<1x128xi32, #tpu.memory_space<vmem>>
        %dma_start3A_706 = tpu.memref_squeeze %dma_start3A_705 : memref<1x128xi32, #tpu.memory_space<vmem>> -> memref<128xi32, #tpu.memory_space<vmem>>
        %dma_start3A_707 = arith.constant 0 : i32
        %dma_start3A_708 = arith.constant 0 : i32
        %dma_start3A_709 = tpu.memref_slice %arg13[%dma_start3A_707, %dma_start3A_708] : memref<10112x128xf32, #tpu.memory_space<vmem_shared>> -> memref<10112x128xf32, #tpu.memory_space<vmem_shared>>
        tpu.enqueue_indirect_dma source(%arg12 : memref<128x128xf32, #tpu.memory_space<vmem>>) target(%dma_start3A_709 : memref<10112x128xf32, #tpu.memory_space<vmem_shared>>) offsets(%dma_start3A_706 : memref<128xi32, #tpu.memory_space<vmem>>) semaphore(%arg17 : memref<!tpu.dma_semaphore, #tpu.memory_space<semaphore_mem>>) {add = true}
        %dma_wait3A_710 = arith.constant 8 : i32
        %dma_wait3A_711 = arith.constant 0 : i32
        %dma_wait3A_712 = tpu.memref_slice %arg10[%dma_wait3A_710, %dma_wait3A_711] : memref<16x128xi32, #tpu.memory_space<vmem>> -> memref<1x128xi32, #tpu.memory_space<vmem>>
        %dma_wait3A_713 = tpu.memref_squeeze %dma_wait3A_712 : memref<1x128xi32, #tpu.memory_space<vmem>> -> memref<128xi32, #tpu.memory_space<vmem>>
        %dma_wait3A_714 = arith.constant 0 : i32
        %dma_wait3A_715 = arith.constant 0 : i32
        %dma_wait3A_716 = tpu.memref_slice %arg13[%dma_wait3A_714, %dma_wait3A_715] : memref<10112x128xf32, #tpu.memory_space<vmem_shared>> -> memref<10112x128xf32, #tpu.memory_space<vmem_shared>>
        tpu.wait_indirect_dma semaphore(%arg16 : memref<!tpu.dma_semaphore, #tpu.memory_space<semaphore_mem>>) src(%arg11 : memref<128x128xf32, #tpu.memory_space<vmem>>) dst(%dma_wait3A_716 : memref<10112x128xf32, #tpu.memory_space<vmem_shared>>)
        %dma_start3A_717 = arith.constant 8 : i32
        %dma_start3A_718 = arith.constant 0 : i32
        %dma_start3A_719 = tpu.memref_slice %arg8[%dma_start3A_717, %dma_start3A_718] : memref<16x128xi32, #tpu.memory_space<vmem>> -> memref<1x128xi32, #tpu.memory_space<vmem>>
        %dma_start3A_720 = tpu.memref_squeeze %dma_start3A_719 : memref<1x128xi32, #tpu.memory_space<vmem>> -> memref<128xi32, #tpu.memory_space<vmem>>
        %dma_start3A_721 = arith.constant 0 : i32
        %dma_start3A_722 = arith.constant 0 : i32
        %dma_start3A_723 = tpu.memref_slice %arg2[%dma_start3A_721, %dma_start3A_722] : memref<10000x128xf32, #tpu.memory_space<hbm>> -> memref<10000x128xf32, #tpu.memory_space<hbm>>
        tpu.enqueue_indirect_dma source(%dma_start3A_723 : memref<10000x128xf32, #tpu.memory_space<hbm>>) target(%arg11 : memref<128x128xf32, #tpu.memory_space<vmem>>) offsets(%dma_start3A_720 : memref<128xi32, #tpu.memory_space<vmem>>) semaphore(%arg14 : memref<!tpu.dma_semaphore, #tpu.memory_space<semaphore_mem>>)
        %dma_wait3A_724 = arith.constant 8 : i32
        %dma_wait3A_725 = arith.constant 0 : i32
        %dma_wait3A_726 = tpu.memref_slice %arg8[%dma_wait3A_724, %dma_wait3A_725] : memref<16x128xi32, #tpu.memory_space<vmem>> -> memref<1x128xi32, #tpu.memory_space<vmem>>
        %dma_wait3A_727 = tpu.memref_squeeze %dma_wait3A_726 : memref<1x128xi32, #tpu.memory_space<vmem>> -> memref<128xi32, #tpu.memory_space<vmem>>
        %dma_wait3A_728 = arith.constant 0 : i32
        %dma_wait3A_729 = arith.constant 0 : i32
        %dma_wait3A_730 = tpu.memref_slice %arg2[%dma_wait3A_728, %dma_wait3A_729] : memref<10000x128xf32, #tpu.memory_space<hbm>> -> memref<10000x128xf32, #tpu.memory_space<hbm>>
        tpu.wait_indirect_dma semaphore(%arg14 : memref<!tpu.dma_semaphore, #tpu.memory_space<semaphore_mem>>) src(%dma_wait3A_730 : memref<10000x128xf32, #tpu.memory_space<hbm>>) dst(%arg11 : memref<128x128xf32, #tpu.memory_space<vmem>>)
        %dma_start3A_731 = arith.constant 8 : i32
        %dma_start3A_732 = arith.constant 0 : i32
        %dma_start3A_733 = tpu.memref_slice %arg10[%dma_start3A_731, %dma_start3A_732] : memref<16x128xi32, #tpu.memory_space<vmem>> -> memref<1x128xi32, #tpu.memory_space<vmem>>
        %dma_start3A_734 = tpu.memref_squeeze %dma_start3A_733 : memref<1x128xi32, #tpu.memory_space<vmem>> -> memref<128xi32, #tpu.memory_space<vmem>>
        %dma_start3A_735 = arith.constant 0 : i32
        %dma_start3A_736 = arith.constant 0 : i32
        %dma_start3A_737 = tpu.memref_slice %arg13[%dma_start3A_735, %dma_start3A_736] : memref<10112x128xf32, #tpu.memory_space<vmem_shared>> -> memref<10112x128xf32, #tpu.memory_space<vmem_shared>>
        tpu.enqueue_indirect_dma source(%arg11 : memref<128x128xf32, #tpu.memory_space<vmem>>) target(%dma_start3A_737 : memref<10112x128xf32, #tpu.memory_space<vmem_shared>>) offsets(%dma_start3A_734 : memref<128xi32, #tpu.memory_space<vmem>>) semaphore(%arg16 : memref<!tpu.dma_semaphore, #tpu.memory_space<semaphore_mem>>) {add = true}
        %dma_wait3A_738 = arith.constant 9 : i32
        %dma_wait3A_739 = arith.constant 0 : i32
        %dma_wait3A_740 = tpu.memref_slice %arg10[%dma_wait3A_738, %dma_wait3A_739] : memref<16x128xi32, #tpu.memory_space<vmem>> -> memref<1x128xi32, #tpu.memory_space<vmem>>
        %dma_wait3A_741 = tpu.memref_squeeze %dma_wait3A_740 : memref<1x128xi32, #tpu.memory_space<vmem>> -> memref<128xi32, #tpu.memory_space<vmem>>
        %dma_wait3A_742 = arith.constant 0 : i32
        %dma_wait3A_743 = arith.constant 0 : i32
        %dma_wait3A_744 = tpu.memref_slice %arg13[%dma_wait3A_742, %dma_wait3A_743] : memref<10112x128xf32, #tpu.memory_space<vmem_shared>> -> memref<10112x128xf32, #tpu.memory_space<vmem_shared>>
        tpu.wait_indirect_dma semaphore(%arg17 : memref<!tpu.dma_semaphore, #tpu.memory_space<semaphore_mem>>) src(%arg12 : memref<128x128xf32, #tpu.memory_space<vmem>>) dst(%dma_wait3A_744 : memref<10112x128xf32, #tpu.memory_space<vmem_shared>>)
        %dma_start3A_745 = arith.constant 9 : i32
        %dma_start3A_746 = arith.constant 0 : i32
        %dma_start3A_747 = tpu.memref_slice %arg8[%dma_start3A_745, %dma_start3A_746] : memref<16x128xi32, #tpu.memory_space<vmem>> -> memref<1x128xi32, #tpu.memory_space<vmem>>
        %dma_start3A_748 = tpu.memref_squeeze %dma_start3A_747 : memref<1x128xi32, #tpu.memory_space<vmem>> -> memref<128xi32, #tpu.memory_space<vmem>>
        %dma_start3A_749 = arith.constant 0 : i32
        %dma_start3A_750 = arith.constant 0 : i32
        %dma_start3A_751 = tpu.memref_slice %arg2[%dma_start3A_749, %dma_start3A_750] : memref<10000x128xf32, #tpu.memory_space<hbm>> -> memref<10000x128xf32, #tpu.memory_space<hbm>>
        tpu.enqueue_indirect_dma source(%dma_start3A_751 : memref<10000x128xf32, #tpu.memory_space<hbm>>) target(%arg12 : memref<128x128xf32, #tpu.memory_space<vmem>>) offsets(%dma_start3A_748 : memref<128xi32, #tpu.memory_space<vmem>>) semaphore(%arg15 : memref<!tpu.dma_semaphore, #tpu.memory_space<semaphore_mem>>)
        %dma_wait3A_752 = arith.constant 9 : i32
        %dma_wait3A_753 = arith.constant 0 : i32
        %dma_wait3A_754 = tpu.memref_slice %arg8[%dma_wait3A_752, %dma_wait3A_753] : memref<16x128xi32, #tpu.memory_space<vmem>> -> memref<1x128xi32, #tpu.memory_space<vmem>>
        %dma_wait3A_755 = tpu.memref_squeeze %dma_wait3A_754 : memref<1x128xi32, #tpu.memory_space<vmem>> -> memref<128xi32, #tpu.memory_space<vmem>>
        %dma_wait3A_756 = arith.constant 0 : i32
        %dma_wait3A_757 = arith.constant 0 : i32
        %dma_wait3A_758 = tpu.memref_slice %arg2[%dma_wait3A_756, %dma_wait3A_757] : memref<10000x128xf32, #tpu.memory_space<hbm>> -> memref<10000x128xf32, #tpu.memory_space<hbm>>
        tpu.wait_indirect_dma semaphore(%arg15 : memref<!tpu.dma_semaphore, #tpu.memory_space<semaphore_mem>>) src(%dma_wait3A_758 : memref<10000x128xf32, #tpu.memory_space<hbm>>) dst(%arg12 : memref<128x128xf32, #tpu.memory_space<vmem>>)
        %dma_start3A_759 = arith.constant 9 : i32
        %dma_start3A_760 = arith.constant 0 : i32
        %dma_start3A_761 = tpu.memref_slice %arg10[%dma_start3A_759, %dma_start3A_760] : memref<16x128xi32, #tpu.memory_space<vmem>> -> memref<1x128xi32, #tpu.memory_space<vmem>>
        %dma_start3A_762 = tpu.memref_squeeze %dma_start3A_761 : memref<1x128xi32, #tpu.memory_space<vmem>> -> memref<128xi32, #tpu.memory_space<vmem>>
        %dma_start3A_763 = arith.constant 0 : i32
        %dma_start3A_764 = arith.constant 0 : i32
        %dma_start3A_765 = tpu.memref_slice %arg13[%dma_start3A_763, %dma_start3A_764] : memref<10112x128xf32, #tpu.memory_space<vmem_shared>> -> memref<10112x128xf32, #tpu.memory_space<vmem_shared>>
        tpu.enqueue_indirect_dma source(%arg12 : memref<128x128xf32, #tpu.memory_space<vmem>>) target(%dma_start3A_765 : memref<10112x128xf32, #tpu.memory_space<vmem_shared>>) offsets(%dma_start3A_762 : memref<128xi32, #tpu.memory_space<vmem>>) semaphore(%arg17 : memref<!tpu.dma_semaphore, #tpu.memory_space<semaphore_mem>>) {add = true}
        %dma_wait3A_766 = arith.constant 10 : i32
        %dma_wait3A_767 = arith.constant 0 : i32
        %dma_wait3A_768 = tpu.memref_slice %arg10[%dma_wait3A_766, %dma_wait3A_767] : memref<16x128xi32, #tpu.memory_space<vmem>> -> memref<1x128xi32, #tpu.memory_space<vmem>>
        %dma_wait3A_769 = tpu.memref_squeeze %dma_wait3A_768 : memref<1x128xi32, #tpu.memory_space<vmem>> -> memref<128xi32, #tpu.memory_space<vmem>>
        %dma_wait3A_770 = arith.constant 0 : i32
        %dma_wait3A_771 = arith.constant 0 : i32
        %dma_wait3A_772 = tpu.memref_slice %arg13[%dma_wait3A_770, %dma_wait3A_771] : memref<10112x128xf32, #tpu.memory_space<vmem_shared>> -> memref<10112x128xf32, #tpu.memory_space<vmem_shared>>
        tpu.wait_indirect_dma semaphore(%arg16 : memref<!tpu.dma_semaphore, #tpu.memory_space<semaphore_mem>>) src(%arg11 : memref<128x128xf32, #tpu.memory_space<vmem>>) dst(%dma_wait3A_772 : memref<10112x128xf32, #tpu.memory_space<vmem_shared>>)
        %dma_start3A_773 = arith.constant 10 : i32
        %dma_start3A_774 = arith.constant 0 : i32
        %dma_start3A_775 = tpu.memref_slice %arg8[%dma_start3A_773, %dma_start3A_774] : memref<16x128xi32, #tpu.memory_space<vmem>> -> memref<1x128xi32, #tpu.memory_space<vmem>>
        %dma_start3A_776 = tpu.memref_squeeze %dma_start3A_775 : memref<1x128xi32, #tpu.memory_space<vmem>> -> memref<128xi32, #tpu.memory_space<vmem>>
        %dma_start3A_777 = arith.constant 0 : i32
        %dma_start3A_778 = arith.constant 0 : i32
        %dma_start3A_779 = tpu.memref_slice %arg2[%dma_start3A_777, %dma_start3A_778] : memref<10000x128xf32, #tpu.memory_space<hbm>> -> memref<10000x128xf32, #tpu.memory_space<hbm>>
        tpu.enqueue_indirect_dma source(%dma_start3A_779 : memref<10000x128xf32, #tpu.memory_space<hbm>>) target(%arg11 : memref<128x128xf32, #tpu.memory_space<vmem>>) offsets(%dma_start3A_776 : memref<128xi32, #tpu.memory_space<vmem>>) semaphore(%arg14 : memref<!tpu.dma_semaphore, #tpu.memory_space<semaphore_mem>>)
        %dma_wait3A_780 = arith.constant 10 : i32
        %dma_wait3A_781 = arith.constant 0 : i32
        %dma_wait3A_782 = tpu.memref_slice %arg8[%dma_wait3A_780, %dma_wait3A_781] : memref<16x128xi32, #tpu.memory_space<vmem>> -> memref<1x128xi32, #tpu.memory_space<vmem>>
        %dma_wait3A_783 = tpu.memref_squeeze %dma_wait3A_782 : memref<1x128xi32, #tpu.memory_space<vmem>> -> memref<128xi32, #tpu.memory_space<vmem>>
        %dma_wait3A_784 = arith.constant 0 : i32
        %dma_wait3A_785 = arith.constant 0 : i32
        %dma_wait3A_786 = tpu.memref_slice %arg2[%dma_wait3A_784, %dma_wait3A_785] : memref<10000x128xf32, #tpu.memory_space<hbm>> -> memref<10000x128xf32, #tpu.memory_space<hbm>>
        tpu.wait_indirect_dma semaphore(%arg14 : memref<!tpu.dma_semaphore, #tpu.memory_space<semaphore_mem>>) src(%dma_wait3A_786 : memref<10000x128xf32, #tpu.memory_space<hbm>>) dst(%arg11 : memref<128x128xf32, #tpu.memory_space<vmem>>)
        %dma_start3A_787 = arith.constant 10 : i32
        %dma_start3A_788 = arith.constant 0 : i32
        %dma_start3A_789 = tpu.memref_slice %arg10[%dma_start3A_787, %dma_start3A_788] : memref<16x128xi32, #tpu.memory_space<vmem>> -> memref<1x128xi32, #tpu.memory_space<vmem>>
        %dma_start3A_790 = tpu.memref_squeeze %dma_start3A_789 : memref<1x128xi32, #tpu.memory_space<vmem>> -> memref<128xi32, #tpu.memory_space<vmem>>
        %dma_start3A_791 = arith.constant 0 : i32
        %dma_start3A_792 = arith.constant 0 : i32
        %dma_start3A_793 = tpu.memref_slice %arg13[%dma_start3A_791, %dma_start3A_792] : memref<10112x128xf32, #tpu.memory_space<vmem_shared>> -> memref<10112x128xf32, #tpu.memory_space<vmem_shared>>
        tpu.enqueue_indirect_dma source(%arg11 : memref<128x128xf32, #tpu.memory_space<vmem>>) target(%dma_start3A_793 : memref<10112x128xf32, #tpu.memory_space<vmem_shared>>) offsets(%dma_start3A_790 : memref<128xi32, #tpu.memory_space<vmem>>) semaphore(%arg16 : memref<!tpu.dma_semaphore, #tpu.memory_space<semaphore_mem>>) {add = true}
        %dma_wait3A_794 = arith.constant 11 : i32
        %dma_wait3A_795 = arith.constant 0 : i32
        %dma_wait3A_796 = tpu.memref_slice %arg10[%dma_wait3A_794, %dma_wait3A_795] : memref<16x128xi32, #tpu.memory_space<vmem>> -> memref<1x128xi32, #tpu.memory_space<vmem>>
        %dma_wait3A_797 = tpu.memref_squeeze %dma_wait3A_796 : memref<1x128xi32, #tpu.memory_space<vmem>> -> memref<128xi32, #tpu.memory_space<vmem>>
        %dma_wait3A_798 = arith.constant 0 : i32
        %dma_wait3A_799 = arith.constant 0 : i32
        %dma_wait3A_800 = tpu.memref_slice %arg13[%dma_wait3A_798, %dma_wait3A_799] : memref<10112x128xf32, #tpu.memory_space<vmem_shared>> -> memref<10112x128xf32, #tpu.memory_space<vmem_shared>>
        tpu.wait_indirect_dma semaphore(%arg17 : memref<!tpu.dma_semaphore, #tpu.memory_space<semaphore_mem>>) src(%arg12 : memref<128x128xf32, #tpu.memory_space<vmem>>) dst(%dma_wait3A_800 : memref<10112x128xf32, #tpu.memory_space<vmem_shared>>)
        %dma_start3A_801 = arith.constant 11 : i32
        %dma_start3A_802 = arith.constant 0 : i32
        %dma_start3A_803 = tpu.memref_slice %arg8[%dma_start3A_801, %dma_start3A_802] : memref<16x128xi32, #tpu.memory_space<vmem>> -> memref<1x128xi32, #tpu.memory_space<vmem>>
        %dma_start3A_804 = tpu.memref_squeeze %dma_start3A_803 : memref<1x128xi32, #tpu.memory_space<vmem>> -> memref<128xi32, #tpu.memory_space<vmem>>
        %dma_start3A_805 = arith.constant 0 : i32
        %dma_start3A_806 = arith.constant 0 : i32
        %dma_start3A_807 = tpu.memref_slice %arg2[%dma_start3A_805, %dma_start3A_806] : memref<10000x128xf32, #tpu.memory_space<hbm>> -> memref<10000x128xf32, #tpu.memory_space<hbm>>
        tpu.enqueue_indirect_dma source(%dma_start3A_807 : memref<10000x128xf32, #tpu.memory_space<hbm>>) target(%arg12 : memref<128x128xf32, #tpu.memory_space<vmem>>) offsets(%dma_start3A_804 : memref<128xi32, #tpu.memory_space<vmem>>) semaphore(%arg15 : memref<!tpu.dma_semaphore, #tpu.memory_space<semaphore_mem>>)
        %dma_wait3A_808 = arith.constant 11 : i32
        %dma_wait3A_809 = arith.constant 0 : i32
        %dma_wait3A_810 = tpu.memref_slice %arg8[%dma_wait3A_808, %dma_wait3A_809] : memref<16x128xi32, #tpu.memory_space<vmem>> -> memref<1x128xi32, #tpu.memory_space<vmem>>
        %dma_wait3A_811 = tpu.memref_squeeze %dma_wait3A_810 : memref<1x128xi32, #tpu.memory_space<vmem>> -> memref<128xi32, #tpu.memory_space<vmem>>
        %dma_wait3A_812 = arith.constant 0 : i32
        %dma_wait3A_813 = arith.constant 0 : i32
        %dma_wait3A_814 = tpu.memref_slice %arg2[%dma_wait3A_812, %dma_wait3A_813] : memref<10000x128xf32, #tpu.memory_space<hbm>> -> memref<10000x128xf32, #tpu.memory_space<hbm>>
        tpu.wait_indirect_dma semaphore(%arg15 : memref<!tpu.dma_semaphore, #tpu.memory_space<semaphore_mem>>) src(%dma_wait3A_814 : memref<10000x128xf32, #tpu.memory_space<hbm>>) dst(%arg12 : memref<128x128xf32, #tpu.memory_space<vmem>>)
        %dma_start3A_815 = arith.constant 11 : i32
        %dma_start3A_816 = arith.constant 0 : i32
        %dma_start3A_817 = tpu.memref_slice %arg10[%dma_start3A_815, %dma_start3A_816] : memref<16x128xi32, #tpu.memory_space<vmem>> -> memref<1x128xi32, #tpu.memory_space<vmem>>
        %dma_start3A_818 = tpu.memref_squeeze %dma_start3A_817 : memref<1x128xi32, #tpu.memory_space<vmem>> -> memref<128xi32, #tpu.memory_space<vmem>>
        %dma_start3A_819 = arith.constant 0 : i32
        %dma_start3A_820 = arith.constant 0 : i32
        %dma_start3A_821 = tpu.memref_slice %arg13[%dma_start3A_819, %dma_start3A_820] : memref<10112x128xf32, #tpu.memory_space<vmem_shared>> -> memref<10112x128xf32, #tpu.memory_space<vmem_shared>>
        tpu.enqueue_indirect_dma source(%arg12 : memref<128x128xf32, #tpu.memory_space<vmem>>) target(%dma_start3A_821 : memref<10112x128xf32, #tpu.memory_space<vmem_shared>>) offsets(%dma_start3A_818 : memref<128xi32, #tpu.memory_space<vmem>>) semaphore(%arg17 : memref<!tpu.dma_semaphore, #tpu.memory_space<semaphore_mem>>) {add = true}
        %dma_wait3A_822 = arith.constant 12 : i32
        %dma_wait3A_823 = arith.constant 0 : i32
        %dma_wait3A_824 = tpu.memref_slice %arg10[%dma_wait3A_822, %dma_wait3A_823] : memref<16x128xi32, #tpu.memory_space<vmem>> -> memref<1x128xi32, #tpu.memory_space<vmem>>
        %dma_wait3A_825 = tpu.memref_squeeze %dma_wait3A_824 : memref<1x128xi32, #tpu.memory_space<vmem>> -> memref<128xi32, #tpu.memory_space<vmem>>
        %dma_wait3A_826 = arith.constant 0 : i32
        %dma_wait3A_827 = arith.constant 0 : i32
        %dma_wait3A_828 = tpu.memref_slice %arg13[%dma_wait3A_826, %dma_wait3A_827] : memref<10112x128xf32, #tpu.memory_space<vmem_shared>> -> memref<10112x128xf32, #tpu.memory_space<vmem_shared>>
        tpu.wait_indirect_dma semaphore(%arg16 : memref<!tpu.dma_semaphore, #tpu.memory_space<semaphore_mem>>) src(%arg11 : memref<128x128xf32, #tpu.memory_space<vmem>>) dst(%dma_wait3A_828 : memref<10112x128xf32, #tpu.memory_space<vmem_shared>>)
        %dma_start3A_829 = arith.constant 12 : i32
        %dma_start3A_830 = arith.constant 0 : i32
        %dma_start3A_831 = tpu.memref_slice %arg8[%dma_start3A_829, %dma_start3A_830] : memref<16x128xi32, #tpu.memory_space<vmem>> -> memref<1x128xi32, #tpu.memory_space<vmem>>
        %dma_start3A_832 = tpu.memref_squeeze %dma_start3A_831 : memref<1x128xi32, #tpu.memory_space<vmem>> -> memref<128xi32, #tpu.memory_space<vmem>>
        %dma_start3A_833 = arith.constant 0 : i32
        %dma_start3A_834 = arith.constant 0 : i32
        %dma_start3A_835 = tpu.memref_slice %arg2[%dma_start3A_833, %dma_start3A_834] : memref<10000x128xf32, #tpu.memory_space<hbm>> -> memref<10000x128xf32, #tpu.memory_space<hbm>>
        tpu.enqueue_indirect_dma source(%dma_start3A_835 : memref<10000x128xf32, #tpu.memory_space<hbm>>) target(%arg11 : memref<128x128xf32, #tpu.memory_space<vmem>>) offsets(%dma_start3A_832 : memref<128xi32, #tpu.memory_space<vmem>>) semaphore(%arg14 : memref<!tpu.dma_semaphore, #tpu.memory_space<semaphore_mem>>)
        %dma_wait3A_836 = arith.constant 12 : i32
        %dma_wait3A_837 = arith.constant 0 : i32
        %dma_wait3A_838 = tpu.memref_slice %arg8[%dma_wait3A_836, %dma_wait3A_837] : memref<16x128xi32, #tpu.memory_space<vmem>> -> memref<1x128xi32, #tpu.memory_space<vmem>>
        %dma_wait3A_839 = tpu.memref_squeeze %dma_wait3A_838 : memref<1x128xi32, #tpu.memory_space<vmem>> -> memref<128xi32, #tpu.memory_space<vmem>>
        %dma_wait3A_840 = arith.constant 0 : i32
        %dma_wait3A_841 = arith.constant 0 : i32
        %dma_wait3A_842 = tpu.memref_slice %arg2[%dma_wait3A_840, %dma_wait3A_841] : memref<10000x128xf32, #tpu.memory_space<hbm>> -> memref<10000x128xf32, #tpu.memory_space<hbm>>
        tpu.wait_indirect_dma semaphore(%arg14 : memref<!tpu.dma_semaphore, #tpu.memory_space<semaphore_mem>>) src(%dma_wait3A_842 : memref<10000x128xf32, #tpu.memory_space<hbm>>) dst(%arg11 : memref<128x128xf32, #tpu.memory_space<vmem>>)
        %dma_start3A_843 = arith.constant 12 : i32
        %dma_start3A_844 = arith.constant 0 : i32
        %dma_start3A_845 = tpu.memref_slice %arg10[%dma_start3A_843, %dma_start3A_844] : memref<16x128xi32, #tpu.memory_space<vmem>> -> memref<1x128xi32, #tpu.memory_space<vmem>>
        %dma_start3A_846 = tpu.memref_squeeze %dma_start3A_845 : memref<1x128xi32, #tpu.memory_space<vmem>> -> memref<128xi32, #tpu.memory_space<vmem>>
        %dma_start3A_847 = arith.constant 0 : i32
        %dma_start3A_848 = arith.constant 0 : i32
        %dma_start3A_849 = tpu.memref_slice %arg13[%dma_start3A_847, %dma_start3A_848] : memref<10112x128xf32, #tpu.memory_space<vmem_shared>> -> memref<10112x128xf32, #tpu.memory_space<vmem_shared>>
        tpu.enqueue_indirect_dma source(%arg11 : memref<128x128xf32, #tpu.memory_space<vmem>>) target(%dma_start3A_849 : memref<10112x128xf32, #tpu.memory_space<vmem_shared>>) offsets(%dma_start3A_846 : memref<128xi32, #tpu.memory_space<vmem>>) semaphore(%arg16 : memref<!tpu.dma_semaphore, #tpu.memory_space<semaphore_mem>>) {add = true}
        %dma_wait3A_850 = arith.constant 13 : i32
        %dma_wait3A_851 = arith.constant 0 : i32
        %dma_wait3A_852 = tpu.memref_slice %arg10[%dma_wait3A_850, %dma_wait3A_851] : memref<16x128xi32, #tpu.memory_space<vmem>> -> memref<1x128xi32, #tpu.memory_space<vmem>>
        %dma_wait3A_853 = tpu.memref_squeeze %dma_wait3A_852 : memref<1x128xi32, #tpu.memory_space<vmem>> -> memref<128xi32, #tpu.memory_space<vmem>>
        %dma_wait3A_854 = arith.constant 0 : i32
        %dma_wait3A_855 = arith.constant 0 : i32
        %dma_wait3A_856 = tpu.memref_slice %arg13[%dma_wait3A_854, %dma_wait3A_855] : memref<10112x128xf32, #tpu.memory_space<vmem_shared>> -> memref<10112x128xf32, #tpu.memory_space<vmem_shared>>
        tpu.wait_indirect_dma semaphore(%arg17 : memref<!tpu.dma_semaphore, #tpu.memory_space<semaphore_mem>>) src(%arg12 : memref<128x128xf32, #tpu.memory_space<vmem>>) dst(%dma_wait3A_856 : memref<10112x128xf32, #tpu.memory_space<vmem_shared>>)
        %dma_start3A_857 = arith.constant 13 : i32
        %dma_start3A_858 = arith.constant 0 : i32
        %dma_start3A_859 = tpu.memref_slice %arg8[%dma_start3A_857, %dma_start3A_858] : memref<16x128xi32, #tpu.memory_space<vmem>> -> memref<1x128xi32, #tpu.memory_space<vmem>>
        %dma_start3A_860 = tpu.memref_squeeze %dma_start3A_859 : memref<1x128xi32, #tpu.memory_space<vmem>> -> memref<128xi32, #tpu.memory_space<vmem>>
        %dma_start3A_861 = arith.constant 0 : i32
        %dma_start3A_862 = arith.constant 0 : i32
        %dma_start3A_863 = tpu.memref_slice %arg2[%dma_start3A_861, %dma_start3A_862] : memref<10000x128xf32, #tpu.memory_space<hbm>> -> memref<10000x128xf32, #tpu.memory_space<hbm>>
        tpu.enqueue_indirect_dma source(%dma_start3A_863 : memref<10000x128xf32, #tpu.memory_space<hbm>>) target(%arg12 : memref<128x128xf32, #tpu.memory_space<vmem>>) offsets(%dma_start3A_860 : memref<128xi32, #tpu.memory_space<vmem>>) semaphore(%arg15 : memref<!tpu.dma_semaphore, #tpu.memory_space<semaphore_mem>>)
        %dma_wait3A_864 = arith.constant 13 : i32
        %dma_wait3A_865 = arith.constant 0 : i32
        %dma_wait3A_866 = tpu.memref_slice %arg8[%dma_wait3A_864, %dma_wait3A_865] : memref<16x128xi32, #tpu.memory_space<vmem>> -> memref<1x128xi32, #tpu.memory_space<vmem>>
        %dma_wait3A_867 = tpu.memref_squeeze %dma_wait3A_866 : memref<1x128xi32, #tpu.memory_space<vmem>> -> memref<128xi32, #tpu.memory_space<vmem>>
        %dma_wait3A_868 = arith.constant 0 : i32
        %dma_wait3A_869 = arith.constant 0 : i32
        %dma_wait3A_870 = tpu.memref_slice %arg2[%dma_wait3A_868, %dma_wait3A_869] : memref<10000x128xf32, #tpu.memory_space<hbm>> -> memref<10000x128xf32, #tpu.memory_space<hbm>>
        tpu.wait_indirect_dma semaphore(%arg15 : memref<!tpu.dma_semaphore, #tpu.memory_space<semaphore_mem>>) src(%dma_wait3A_870 : memref<10000x128xf32, #tpu.memory_space<hbm>>) dst(%arg12 : memref<128x128xf32, #tpu.memory_space<vmem>>)
        %dma_start3A_871 = arith.constant 13 : i32
        %dma_start3A_872 = arith.constant 0 : i32
        %dma_start3A_873 = tpu.memref_slice %arg10[%dma_start3A_871, %dma_start3A_872] : memref<16x128xi32, #tpu.memory_space<vmem>> -> memref<1x128xi32, #tpu.memory_space<vmem>>
        %dma_start3A_874 = tpu.memref_squeeze %dma_start3A_873 : memref<1x128xi32, #tpu.memory_space<vmem>> -> memref<128xi32, #tpu.memory_space<vmem>>
        %dma_start3A_875 = arith.constant 0 : i32
        %dma_start3A_876 = arith.constant 0 : i32
        %dma_start3A_877 = tpu.memref_slice %arg13[%dma_start3A_875, %dma_start3A_876] : memref<10112x128xf32, #tpu.memory_space<vmem_shared>> -> memref<10112x128xf32, #tpu.memory_space<vmem_shared>>
        tpu.enqueue_indirect_dma source(%arg12 : memref<128x128xf32, #tpu.memory_space<vmem>>) target(%dma_start3A_877 : memref<10112x128xf32, #tpu.memory_space<vmem_shared>>) offsets(%dma_start3A_874 : memref<128xi32, #tpu.memory_space<vmem>>) semaphore(%arg17 : memref<!tpu.dma_semaphore, #tpu.memory_space<semaphore_mem>>) {add = true}
        %dma_wait3A_878 = arith.constant 14 : i32
        %dma_wait3A_879 = arith.constant 0 : i32
        %dma_wait3A_880 = tpu.memref_slice %arg10[%dma_wait3A_878, %dma_wait3A_879] : memref<16x128xi32, #tpu.memory_space<vmem>> -> memref<1x128xi32, #tpu.memory_space<vmem>>
        %dma_wait3A_881 = tpu.memref_squeeze %dma_wait3A_880 : memref<1x128xi32, #tpu.memory_space<vmem>> -> memref<128xi32, #tpu.memory_space<vmem>>
        %dma_wait3A_882 = arith.constant 0 : i32
        %dma_wait3A_883 = arith.constant 0 : i32
        %dma_wait3A_884 = tpu.memref_slice %arg13[%dma_wait3A_882, %dma_wait3A_883] : memref<10112x128xf32, #tpu.memory_space<vmem_shared>> -> memref<10112x128xf32, #tpu.memory_space<vmem_shared>>
        tpu.wait_indirect_dma semaphore(%arg16 : memref<!tpu.dma_semaphore, #tpu.memory_space<semaphore_mem>>) src(%arg11 : memref<128x128xf32, #tpu.memory_space<vmem>>) dst(%dma_wait3A_884 : memref<10112x128xf32, #tpu.memory_space<vmem_shared>>)
        %dma_start3A_885 = arith.constant 14 : i32
        %dma_start3A_886 = arith.constant 0 : i32
        %dma_start3A_887 = tpu.memref_slice %arg8[%dma_start3A_885, %dma_start3A_886] : memref<16x128xi32, #tpu.memory_space<vmem>> -> memref<1x128xi32, #tpu.memory_space<vmem>>
        %dma_start3A_888 = tpu.memref_squeeze %dma_start3A_887 : memref<1x128xi32, #tpu.memory_space<vmem>> -> memref<128xi32, #tpu.memory_space<vmem>>
        %dma_start3A_889 = arith.constant 0 : i32
        %dma_start3A_890 = arith.constant 0 : i32
        %dma_start3A_891 = tpu.memref_slice %arg2[%dma_start3A_889, %dma_start3A_890] : memref<10000x128xf32, #tpu.memory_space<hbm>> -> memref<10000x128xf32, #tpu.memory_space<hbm>>
        tpu.enqueue_indirect_dma source(%dma_start3A_891 : memref<10000x128xf32, #tpu.memory_space<hbm>>) target(%arg11 : memref<128x128xf32, #tpu.memory_space<vmem>>) offsets(%dma_start3A_888 : memref<128xi32, #tpu.memory_space<vmem>>) semaphore(%arg14 : memref<!tpu.dma_semaphore, #tpu.memory_space<semaphore_mem>>)
        %dma_wait3A_892 = arith.constant 14 : i32
        %dma_wait3A_893 = arith.constant 0 : i32
        %dma_wait3A_894 = tpu.memref_slice %arg8[%dma_wait3A_892, %dma_wait3A_893] : memref<16x128xi32, #tpu.memory_space<vmem>> -> memref<1x128xi32, #tpu.memory_space<vmem>>
        %dma_wait3A_895 = tpu.memref_squeeze %dma_wait3A_894 : memref<1x128xi32, #tpu.memory_space<vmem>> -> memref<128xi32, #tpu.memory_space<vmem>>
        %dma_wait3A_896 = arith.constant 0 : i32
        %dma_wait3A_897 = arith.constant 0 : i32
        %dma_wait3A_898 = tpu.memref_slice %arg2[%dma_wait3A_896, %dma_wait3A_897] : memref<10000x128xf32, #tpu.memory_space<hbm>> -> memref<10000x128xf32, #tpu.memory_space<hbm>>
        tpu.wait_indirect_dma semaphore(%arg14 : memref<!tpu.dma_semaphore, #tpu.memory_space<semaphore_mem>>) src(%dma_wait3A_898 : memref<10000x128xf32, #tpu.memory_space<hbm>>) dst(%arg11 : memref<128x128xf32, #tpu.memory_space<vmem>>)
        %dma_start3A_899 = arith.constant 14 : i32
        %dma_start3A_900 = arith.constant 0 : i32
        %dma_start3A_901 = tpu.memref_slice %arg10[%dma_start3A_899, %dma_start3A_900] : memref<16x128xi32, #tpu.memory_space<vmem>> -> memref<1x128xi32, #tpu.memory_space<vmem>>
        %dma_start3A_902 = tpu.memref_squeeze %dma_start3A_901 : memref<1x128xi32, #tpu.memory_space<vmem>> -> memref<128xi32, #tpu.memory_space<vmem>>
        %dma_start3A_903 = arith.constant 0 : i32
        %dma_start3A_904 = arith.constant 0 : i32
        %dma_start3A_905 = tpu.memref_slice %arg13[%dma_start3A_903, %dma_start3A_904] : memref<10112x128xf32, #tpu.memory_space<vmem_shared>> -> memref<10112x128xf32, #tpu.memory_space<vmem_shared>>
        tpu.enqueue_indirect_dma source(%arg11 : memref<128x128xf32, #tpu.memory_space<vmem>>) target(%dma_start3A_905 : memref<10112x128xf32, #tpu.memory_space<vmem_shared>>) offsets(%dma_start3A_902 : memref<128xi32, #tpu.memory_space<vmem>>) semaphore(%arg16 : memref<!tpu.dma_semaphore, #tpu.memory_space<semaphore_mem>>) {add = true}
        %dma_wait3A_906 = arith.constant 15 : i32
        %dma_wait3A_907 = arith.constant 0 : i32
        %dma_wait3A_908 = tpu.memref_slice %arg10[%dma_wait3A_906, %dma_wait3A_907] : memref<16x128xi32, #tpu.memory_space<vmem>> -> memref<1x128xi32, #tpu.memory_space<vmem>>
        %dma_wait3A_909 = tpu.memref_squeeze %dma_wait3A_908 : memref<1x128xi32, #tpu.memory_space<vmem>> -> memref<128xi32, #tpu.memory_space<vmem>>
        %dma_wait3A_910 = arith.constant 0 : i32
        %dma_wait3A_911 = arith.constant 0 : i32
        %dma_wait3A_912 = tpu.memref_slice %arg13[%dma_wait3A_910, %dma_wait3A_911] : memref<10112x128xf32, #tpu.memory_space<vmem_shared>> -> memref<10112x128xf32, #tpu.memory_space<vmem_shared>>
        tpu.wait_indirect_dma semaphore(%arg17 : memref<!tpu.dma_semaphore, #tpu.memory_space<semaphore_mem>>) src(%arg12 : memref<128x128xf32, #tpu.memory_space<vmem>>) dst(%dma_wait3A_912 : memref<10112x128xf32, #tpu.memory_space<vmem_shared>>)
        %dma_start3A_913 = arith.constant 15 : i32
        %dma_start3A_914 = arith.constant 0 : i32
        %dma_start3A_915 = tpu.memref_slice %arg8[%dma_start3A_913, %dma_start3A_914] : memref<16x128xi32, #tpu.memory_space<vmem>> -> memref<1x128xi32, #tpu.memory_space<vmem>>
        %dma_start3A_916 = tpu.memref_squeeze %dma_start3A_915 : memref<1x128xi32, #tpu.memory_space<vmem>> -> memref<128xi32, #tpu.memory_space<vmem>>
        %dma_start3A_917 = arith.constant 0 : i32
        %dma_start3A_918 = arith.constant 0 : i32
        %dma_start3A_919 = tpu.memref_slice %arg2[%dma_start3A_917, %dma_start3A_918] : memref<10000x128xf32, #tpu.memory_space<hbm>> -> memref<10000x128xf32, #tpu.memory_space<hbm>>
        tpu.enqueue_indirect_dma source(%dma_start3A_919 : memref<10000x128xf32, #tpu.memory_space<hbm>>) target(%arg12 : memref<128x128xf32, #tpu.memory_space<vmem>>) offsets(%dma_start3A_916 : memref<128xi32, #tpu.memory_space<vmem>>) semaphore(%arg15 : memref<!tpu.dma_semaphore, #tpu.memory_space<semaphore_mem>>)
        %dma_wait3A_920 = arith.constant 15 : i32
        %dma_wait3A_921 = arith.constant 0 : i32
        %dma_wait3A_922 = tpu.memref_slice %arg8[%dma_wait3A_920, %dma_wait3A_921] : memref<16x128xi32, #tpu.memory_space<vmem>> -> memref<1x128xi32, #tpu.memory_space<vmem>>
        %dma_wait3A_923 = tpu.memref_squeeze %dma_wait3A_922 : memref<1x128xi32, #tpu.memory_space<vmem>> -> memref<128xi32, #tpu.memory_space<vmem>>
        %dma_wait3A_924 = arith.constant 0 : i32
        %dma_wait3A_925 = arith.constant 0 : i32
        %dma_wait3A_926 = tpu.memref_slice %arg2[%dma_wait3A_924, %dma_wait3A_925] : memref<10000x128xf32, #tpu.memory_space<hbm>> -> memref<10000x128xf32, #tpu.memory_space<hbm>>
        tpu.wait_indirect_dma semaphore(%arg15 : memref<!tpu.dma_semaphore, #tpu.memory_space<semaphore_mem>>) src(%dma_wait3A_926 : memref<10000x128xf32, #tpu.memory_space<hbm>>) dst(%arg12 : memref<128x128xf32, #tpu.memory_space<vmem>>)
        %dma_start3A_927 = arith.constant 15 : i32
        %dma_start3A_928 = arith.constant 0 : i32
        %dma_start3A_929 = tpu.memref_slice %arg10[%dma_start3A_927, %dma_start3A_928] : memref<16x128xi32, #tpu.memory_space<vmem>> -> memref<1x128xi32, #tpu.memory_space<vmem>>
        %dma_start3A_930 = tpu.memref_squeeze %dma_start3A_929 : memref<1x128xi32, #tpu.memory_space<vmem>> -> memref<128xi32, #tpu.memory_space<vmem>>
        %dma_start3A_931 = arith.constant 0 : i32
        %dma_start3A_932 = arith.constant 0 : i32
        %dma_start3A_933 = tpu.memref_slice %arg13[%dma_start3A_931, %dma_start3A_932] : memref<10112x128xf32, #tpu.memory_space<vmem_shared>> -> memref<10112x128xf32, #tpu.memory_space<vmem_shared>>
        tpu.enqueue_indirect_dma source(%arg12 : memref<128x128xf32, #tpu.memory_space<vmem>>) target(%dma_start3A_933 : memref<10112x128xf32, #tpu.memory_space<vmem_shared>>) offsets(%dma_start3A_930 : memref<128xi32, #tpu.memory_space<vmem>>) semaphore(%arg17 : memref<!tpu.dma_semaphore, #tpu.memory_space<semaphore_mem>>) {add = true}
      }
      %scan3A_7 = arith.constant 5 : i32
      %dma_wait3A = arith.constant 0 : i32
      %dma_wait3A_8 = arith.constant 0 : i32
      %dma_wait3A_9 = tpu.memref_slice %arg10[%dma_wait3A, %dma_wait3A_8] : memref<16x128xi32, #tpu.memory_space<vmem>> -> memref<1x128xi32, #tpu.memory_space<vmem>>
      %dma_wait3A_10 = tpu.memref_squeeze %dma_wait3A_9 : memref<1x128xi32, #tpu.memory_space<vmem>> -> memref<128xi32, #tpu.memory_space<vmem>>
      %dma_wait3A_11 = arith.constant 0 : i32
      %dma_wait3A_12 = arith.constant 0 : i32
      %dma_wait3A_13 = tpu.memref_slice %arg13[%dma_wait3A_11, %dma_wait3A_12] : memref<10112x128xf32, #tpu.memory_space<vmem_shared>> -> memref<10112x128xf32, #tpu.memory_space<vmem_shared>>
      tpu.wait_indirect_dma semaphore(%arg16 : memref<!tpu.dma_semaphore, #tpu.memory_space<semaphore_mem>>) src(%arg11 : memref<128x128xf32, #tpu.memory_space<vmem>>) dst(%dma_wait3A_13 : memref<10112x128xf32, #tpu.memory_space<vmem_shared>>)
      %dma_wait3A_14 = arith.constant 1 : i32
      %dma_wait3A_15 = arith.constant 0 : i32
      %dma_wait3A_16 = tpu.memref_slice %arg10[%dma_wait3A_14, %dma_wait3A_15] : memref<16x128xi32, #tpu.memory_space<vmem>> -> memref<1x128xi32, #tpu.memory_space<vmem>>
      %dma_wait3A_17 = tpu.memref_squeeze %dma_wait3A_16 : memref<1x128xi32, #tpu.memory_space<vmem>> -> memref<128xi32, #tpu.memory_space<vmem>>
      %dma_wait3A_18 = arith.constant 0 : i32
      %dma_wait3A_19 = arith.constant 0 : i32
      %dma_wait3A_20 = tpu.memref_slice %arg13[%dma_wait3A_18, %dma_wait3A_19] : memref<10112x128xf32, #tpu.memory_space<vmem_shared>> -> memref<10112x128xf32, #tpu.memory_space<vmem_shared>>
      tpu.wait_indirect_dma semaphore(%arg17 : memref<!tpu.dma_semaphore, #tpu.memory_space<semaphore_mem>>) src(%arg12 : memref<128x128xf32, #tpu.memory_space<vmem>>) dst(%dma_wait3A_20 : memref<10112x128xf32, #tpu.memory_space<vmem_shared>>)
      %barrier3A_21 = arith.constant 0 : index
      tpu.barrier barrier_id(%barrier3A_21)
      %mul3A_22 = arith.constant 632 : i32
      %mul3A_23 = arith.muli %arg1, %mul3A_22 : i32
      %mul3A_24 = arith.constant 632 : i32
      %mul3A_25 = arith.muli %arg1, %mul3A_24 : i32
      "tpu.region"() ({
        %run_scoped3A = tpu.sem_alloc : memref<!tpu.dma_semaphore, #tpu.memory_space<semaphore_mem>>
        %dma_start3A = arith.constant 0 : i32
        %dma_start3A_26 = tpu.memref_slice %arg6[%mul3A_25, %dma_start3A] : memref<10112x128xf32, #tpu.memory_space<hbm>> -> memref<632x128xf32, #tpu.memory_space<hbm>>
        %dma_start3A_27 = arith.constant 0 : i32
        %dma_start3A_28 = tpu.memref_slice %arg13[%mul3A_23, %dma_start3A_27] : memref<10112x128xf32, #tpu.memory_space<vmem_shared>> -> memref<632x128xf32, #tpu.memory_space<vmem_shared>>
        tpu.enqueue_dma source(%dma_start3A_28 : memref<632x128xf32, #tpu.memory_space<vmem_shared>>) target(%dma_start3A_26 : memref<632x128xf32, #tpu.memory_space<hbm>>) target_semaphore(%run_scoped3A : memref<!tpu.dma_semaphore, #tpu.memory_space<semaphore_mem>>)
        %dma_wait3A_29 = arith.constant 0 : i32
        %dma_wait3A_30 = tpu.memref_slice %arg6[%mul3A_25, %dma_wait3A_29] : memref<10112x128xf32, #tpu.memory_space<hbm>> -> memref<632x128xf32, #tpu.memory_space<hbm>>
        %dma_wait3A_31 = arith.constant 0 : i32
        %dma_wait3A_32 = tpu.memref_slice %arg13[%mul3A_23, %dma_wait3A_31] : memref<10112x128xf32, #tpu.memory_space<vmem_shared>> -> memref<632x128xf32, #tpu.memory_space<vmem_shared>>
        tpu.wait_dma2 semaphore(%run_scoped3A : memref<!tpu.dma_semaphore, #tpu.memory_space<semaphore_mem>>) src(%dma_wait3A_32 : memref<632x128xf32, #tpu.memory_space<vmem_shared>>) dst(%dma_wait3A_30 : memref<632x128xf32, #tpu.memory_space<hbm>>)
        tpu.yield
      }) : () -> ()
    } else {
    }
    return
  }
}

module attributes {stable_mosaic.version = 14 : i64} {
  func.func @body(%arg0: i32, %arg1: memref<1000x128xf32, #tpu.memory_space<vmem>>, %arg2: memref<2x1000x1xf32, #tpu.memory_space<vmem>>, %arg3: memref<1000x128xf32, #tpu.memory_space<vmem>>) attributes {dimension_semantics = [#tpu.dimension_semantics<arbitrary>], iteration_bounds = array<i64: 10>, scalar_prefetch = 0 : i64, scratch_operands = 0 : i64, tpu.core_type = #tpu.core_type<tc>, window_params = [{transform_indices = @transform_0, window_bounds = array<i64: 1000, 128>}, {transform_indices = @transform_1, window_bounds = array<i64: 2, 1000, 1>}, {transform_indices = @transform_2, window_bounds = array<i64: 1000, 128>}]} {
    %get3A = arith.constant 0 : index
    %get3A_0 = arith.constant 0 : index
    %get3A_1 = arith.constant 0 : index
    %get3A_2 = vector.load %arg2[%get3A, %get3A_0, %get3A_1] : memref<2x1000x1xf32, #tpu.memory_space<vmem>>, vector<1x1000x1xf32>
    %get3A_3 = vector.shape_cast %get3A_2 : vector<1x1000x1xf32> to vector<1000x1xf32>
    %get3A_4 = arith.constant 1 : index
    %get3A_5 = arith.constant 0 : index
    %get3A_6 = arith.constant 0 : index
    %get3A_7 = vector.load %arg2[%get3A_4, %get3A_5, %get3A_6] : memref<2x1000x1xf32, #tpu.memory_space<vmem>>, vector<1x1000x1xf32>
    %get3A_8 = vector.shape_cast %get3A_7 : vector<1x1000x1xf32> to vector<1000x1xf32>
    %add3A = arith.addf %get3A_3, %get3A_8 : vector<1000x1xf32>
    %add3A_9 = arith.constant 1.000000e+00 : f32
    %add3A_10 = vector.broadcast %add3A_9 : f32 to vector<1000x1xf32>
    %add3A_11 = arith.addf %add3A, %add3A_10 : vector<1000x1xf32>
    %rsqrt3A = math.rsqrt %add3A_11 : vector<1000x1xf32>
    %get3A_12 = arith.constant 0 : index
    %get3A_13 = arith.constant 0 : index
    %get3A_14 = vector.load %arg1[%get3A_12, %get3A_13] : memref<1000x128xf32, #tpu.memory_space<vmem>>, vector<1000x128xf32>
    %mul3A = vector.broadcast %rsqrt3A : vector<1000x1xf32> to vector<1000x128xf32>
    %mul3A_15 = arith.mulf %get3A_14, %mul3A : vector<1000x128xf32>
    %swap3A = arith.constant 0 : index
    %swap3A_16 = arith.constant 0 : index
    %swap3A_17 = vector.load %arg3[%swap3A, %swap3A_16] : memref<1000x128xf32, #tpu.memory_space<vmem>>, vector<1000x128xf32>
    tpu.vector_store %arg3[%swap3A, %swap3A_16], %mul3A_15 {strides = array<i32>} : memref<1000x128xf32, #tpu.memory_space<vmem>>, vector<1000x128xf32>,
    return
  }
  func.func @transform_0(%arg0: i32) -> (i32, i32) {
    %c0_i32 = arith.constant 0 : i32
    %c0_i32_0 = arith.constant 0 : i32
    return %arg0, %c0_i32 : i32, i32
  }
  func.func @transform_1(%arg0: i32) -> (i32, i32, i32) {
    %c0_i32 = arith.constant 0 : i32
    %c0_i32_0 = arith.constant 0 : i32
    %c0_i32_1 = arith.constant 0 : i32
    return %c0_i32, %arg0, %c0_i32_0 : i32, i32, i32
  }
  func.func @transform_2(%arg0: i32) -> (i32, i32) {
    %c0_i32 = arith.constant 0 : i32
    %c0_i32_0 = arith.constant 0 : i32
    return %arg0, %c0_i32 : i32, i32
  }
}

module attributes {stable_mosaic.version = 14 : i64} {
  func.func @body(%arg0: i32, %arg1: memref<1000x128xf32, #tpu.memory_space<vmem>>, %arg2: memref<1000x128xf32, #tpu.memory_space<vmem>>, %arg3: memref<2x1000x1xf32, #tpu.memory_space<vmem>>, %arg4: memref<128x256xf32, #tpu.memory_space<vmem>>, %arg5: memref<1x256xf32, #tpu.memory_space<vmem>>, %arg6: memref<256x128xf32, #tpu.memory_space<vmem>>, %arg7: memref<1000x128xf32, #tpu.memory_space<vmem>>) attributes {dimension_semantics = [#tpu.dimension_semantics<arbitrary>], iteration_bounds = array<i64: 10>, scalar_prefetch = 0 : i64, scratch_operands = 0 : i64, tpu.core_type = #tpu.core_type<tc>, window_params = [{transform_indices = @transform_0, window_bounds = array<i64: 1000, 128>}, {transform_indices = @transform_1, window_bounds = array<i64: 1000, 128>}, {transform_indices = @transform_2, window_bounds = array<i64: 2, 1000, 1>}, {pipeline_mode = #tpu.pipeline_mode<synchronous>, transform_indices = @transform_3, window_bounds = array<i64: 128, 256>}, {pipeline_mode = #tpu.pipeline_mode<synchronous>, transform_indices = @transform_4, window_bounds = array<i64: 1, 256>}, {pipeline_mode = #tpu.pipeline_mode<synchronous>, transform_indices = @transform_5, window_bounds = array<i64: 256, 128>}, {transform_indices = @transform_6, window_bounds = array<i64: 1000, 128>}]} {
    %get3A = arith.constant 0 : index
    %get3A_0 = arith.constant 0 : index
    %get3A_1 = arith.constant 0 : index
    %get3A_2 = vector.load %arg3[%get3A, %get3A_0, %get3A_1] : memref<2x1000x1xf32, #tpu.memory_space<vmem>>, vector<1x1000x1xf32>
    %get3A_3 = vector.shape_cast %get3A_2 : vector<1x1000x1xf32> to vector<1000x1xf32>
    %get3A_4 = arith.constant 1 : index
    %get3A_5 = arith.constant 0 : index
    %get3A_6 = arith.constant 0 : index
    %get3A_7 = vector.load %arg3[%get3A_4, %get3A_5, %get3A_6] : memref<2x1000x1xf32, #tpu.memory_space<vmem>>, vector<1x1000x1xf32>
    %get3A_8 = vector.shape_cast %get3A_7 : vector<1x1000x1xf32> to vector<1000x1xf32>
    %add3A = arith.addf %get3A_3, %get3A_8 : vector<1000x1xf32>
    %add3A_9 = arith.constant 1.000000e+00 : f32
    %add3A_10 = vector.broadcast %add3A_9 : f32 to vector<1000x1xf32>
    %add3A_11 = arith.addf %add3A, %add3A_10 : vector<1000x1xf32>
    %rsqrt3A = math.rsqrt %add3A_11 : vector<1000x1xf32>
    %get3A_12 = arith.constant 0 : index
    %get3A_13 = arith.constant 0 : index
    %get3A_14 = vector.load %arg1[%get3A_12, %get3A_13] : memref<1000x128xf32, #tpu.memory_space<vmem>>, vector<1000x128xf32>
    %get3A_15 = arith.constant 0 : index
    %get3A_16 = arith.constant 0 : index
    %get3A_17 = vector.load %arg2[%get3A_15, %get3A_16] : memref<1000x128xf32, #tpu.memory_space<vmem>>, vector<1000x128xf32>
    %add3A_18 = arith.addf %get3A_14, %get3A_17 : vector<1000x128xf32>
    %mul3A = vector.broadcast %rsqrt3A : vector<1000x1xf32> to vector<1000x128xf32>
    %mul3A_19 = arith.mulf %add3A_18, %mul3A : vector<1000x128xf32>
    %get3A_20 = arith.constant 0 : index
    %get3A_21 = arith.constant 0 : index
    %get3A_22 = vector.load %arg4[%get3A_20, %get3A_21] : memref<128x256xf32, #tpu.memory_space<vmem>>, vector<128x256xf32>
    %dot_general3A = arith.constant dense<0.000000e+00> : vector<1000x256xf32>
    %dot_general3A_23 = tpu.matmul %mul3A_19, %get3A_22, %dot_general3A {dimension_numbers = #tpu.dot_dimension_numbers<[1], [0], [0], [1], [0, 0, 1, 1], [], []>, transpose_lhs_hint = false} : vector<1000x128xf32>, vector<128x256xf32>, vector<1000x256xf32> -> vector<1000x256xf32>
    %get3A_24 = arith.constant 0 : index
    %get3A_25 = arith.constant 0 : index
    %get3A_26 = vector.load %arg5[%get3A_24, %get3A_25] : memref<1x256xf32, #tpu.memory_space<vmem>>, vector<1x256xf32>
    %add3A_27 = vector.broadcast %get3A_26 : vector<1x256xf32> to vector<1000x256xf32>
    %add3A_28 = arith.addf %dot_general3A_23, %add3A_27 : vector<1000x256xf32>
    %ge3A = arith.constant 0.000000e+00 : f32
    %ge3A_29 = vector.broadcast %ge3A : f32 to vector<1000x256xf32>
    %ge3A_30 = arith.cmpf oge, %add3A_28, %ge3A_29 : vector<1000x256xf32>
    %mul3A_31 = arith.constant 0.229166672 : f32
    %mul3A_32 = vector.broadcast %mul3A_31 : f32 to vector<1000x256xf32>
    %mul3A_33 = arith.mulf %mul3A_32, %add3A_28 : vector<1000x256xf32>
    %select_n3A = arith.select %ge3A_30, %add3A_28, %mul3A_33 : vector<1000x256xi1>, vector<1000x256xf32>
    %get3A_34 = arith.constant 0 : index
    %get3A_35 = arith.constant 0 : index
    %get3A_36 = vector.load %arg6[%get3A_34, %get3A_35] : memref<256x128xf32, #tpu.memory_space<vmem>>, vector<256x128xf32>
    %dot_general3A_37 = arith.constant dense<0.000000e+00> : vector<1000x128xf32>
    %dot_general3A_38 = tpu.matmul %select_n3A, %get3A_36, %dot_general3A_37 {dimension_numbers = #tpu.dot_dimension_numbers<[1], [0], [0], [1], [0, 0, 1, 1], [], []>, transpose_lhs_hint = false} : vector<1000x256xf32>, vector<256x128xf32>, vector<1000x128xf32> -> vector<1000x128xf32>
    %mul3A_39 = vector.broadcast %rsqrt3A : vector<1000x1xf32> to vector<1000x128xf32>
    %mul3A_40 = arith.mulf %dot_general3A_38, %mul3A_39 : vector<1000x128xf32>
    %swap3A = arith.constant 0 : index
    %swap3A_41 = arith.constant 0 : index
    %swap3A_42 = vector.load %arg7[%swap3A, %swap3A_41] : memref<1000x128xf32, #tpu.memory_space<vmem>>, vector<1000x128xf32>
    tpu.vector_store %arg7[%swap3A, %swap3A_41], %mul3A_40 {strides = array<i32>} : memref<1000x128xf32, #tpu.memory_space<vmem>>, vector<1000x128xf32>,
    return
  }
  func.func @transform_0(%arg0: i32) -> (i32, i32) {
    %c0_i32 = arith.constant 0 : i32
    %c0_i32_0 = arith.constant 0 : i32
    return %arg0, %c0_i32 : i32, i32
  }
  func.func @transform_1(%arg0: i32) -> (i32, i32) {
    %c0_i32 = arith.constant 0 : i32
    %c0_i32_0 = arith.constant 0 : i32
    return %arg0, %c0_i32 : i32, i32
  }
  func.func @transform_2(%arg0: i32) -> (i32, i32, i32) {
    %c0_i32 = arith.constant 0 : i32
    %c0_i32_0 = arith.constant 0 : i32
    %c0_i32_1 = arith.constant 0 : i32
    return %c0_i32, %arg0, %c0_i32_0 : i32, i32, i32
  }
  func.func @transform_3(%arg0: i32) -> (i32, i32) {
    %c0_i32 = arith.constant 0 : i32
    %c0_i32_0 = arith.constant 0 : i32
    %c0_i32_1 = arith.constant 0 : i32
    return %c0_i32, %c0_i32_0 : i32, i32
  }
  func.func @transform_4(%arg0: i32) -> (i32, i32) {
    %c0_i32 = arith.constant 0 : i32
    %c0_i32_0 = arith.constant 0 : i32
    %c0_i32_1 = arith.constant 0 : i32
    return %c0_i32, %c0_i32_0 : i32, i32
  }
  func.func @transform_5(%arg0: i32) -> (i32, i32) {
    %c0_i32 = arith.constant 0 : i32
    %c0_i32_0 = arith.constant 0 : i32
    %c0_i32_1 = arith.constant 0 : i32
    return %c0_i32, %c0_i32_0 : i32, i32
  }
  func.func @transform_6(%arg0: i32) -> (i32, i32) {
    %c0_i32 = arith.constant 0 : i32
    %c0_i32_0 = arith.constant 0 : i32
    return %arg0, %c0_i32 : i32, i32
  }
}

module attributes {stable_mosaic.version = 14 : i64} {
  func.func @body(%arg0: i32, %arg1: memref<1000x128xf32, #tpu.memory_space<vmem>>, %arg2: memref<1000x128xf32, #tpu.memory_space<vmem>>, %arg3: memref<2x1000x1xf32, #tpu.memory_space<vmem>>, %arg4: memref<1x128xf32, #tpu.memory_space<vmem>>, %arg5: memref<1000x128xf32, #tpu.memory_space<vmem>>) attributes {dimension_semantics = [#tpu.dimension_semantics<arbitrary>], iteration_bounds = array<i64: 10>, scalar_prefetch = 0 : i64, scratch_operands = 0 : i64, tpu.core_type = #tpu.core_type<tc>, window_params = [{transform_indices = @transform_0, window_bounds = array<i64: 1000, 128>}, {transform_indices = @transform_1, window_bounds = array<i64: 1000, 128>}, {transform_indices = @transform_2, window_bounds = array<i64: 2, 1000, 1>}, {pipeline_mode = #tpu.pipeline_mode<synchronous>, transform_indices = @transform_3, window_bounds = array<i64: 1, 128>}, {transform_indices = @transform_4, window_bounds = array<i64: 1000, 128>}]} {
    %get3A = arith.constant 0 : index
    %get3A_0 = arith.constant 0 : index
    %get3A_1 = arith.constant 0 : index
    %get3A_2 = vector.load %arg3[%get3A, %get3A_0, %get3A_1] : memref<2x1000x1xf32, #tpu.memory_space<vmem>>, vector<1x1000x1xf32>
    %get3A_3 = vector.shape_cast %get3A_2 : vector<1x1000x1xf32> to vector<1000x1xf32>
    %get3A_4 = arith.constant 1 : index
    %get3A_5 = arith.constant 0 : index
    %get3A_6 = arith.constant 0 : index
    %get3A_7 = vector.load %arg3[%get3A_4, %get3A_5, %get3A_6] : memref<2x1000x1xf32, #tpu.memory_space<vmem>>, vector<1x1000x1xf32>
    %get3A_8 = vector.shape_cast %get3A_7 : vector<1x1000x1xf32> to vector<1000x1xf32>
    %add3A = arith.addf %get3A_3, %get3A_8 : vector<1000x1xf32>
    %add3A_9 = arith.constant 1.000000e+00 : f32
    %add3A_10 = vector.broadcast %add3A_9 : f32 to vector<1000x1xf32>
    %add3A_11 = arith.addf %add3A, %add3A_10 : vector<1000x1xf32>
    %rsqrt3A = math.rsqrt %add3A_11 : vector<1000x1xf32>
    %get3A_12 = arith.constant 0 : index
    %get3A_13 = arith.constant 0 : index
    %get3A_14 = vector.load %arg1[%get3A_12, %get3A_13] : memref<1000x128xf32, #tpu.memory_space<vmem>>, vector<1000x128xf32>
    %get3A_15 = arith.constant 0 : index
    %get3A_16 = arith.constant 0 : index
    %get3A_17 = vector.load %arg2[%get3A_15, %get3A_16] : memref<1000x128xf32, #tpu.memory_space<vmem>>, vector<1000x128xf32>
    %add3A_18 = arith.addf %get3A_14, %get3A_17 : vector<1000x128xf32>
    %mul3A = vector.broadcast %rsqrt3A : vector<1000x1xf32> to vector<1000x128xf32>
    %mul3A_19 = arith.mulf %add3A_18, %mul3A : vector<1000x128xf32>
    %get3A_20 = arith.constant 0 : index
    %get3A_21 = arith.constant 0 : index
    %get3A_22 = vector.load %arg4[%get3A_20, %get3A_21] : memref<1x128xf32, #tpu.memory_space<vmem>>, vector<1x128xf32>
    %add3A_23 = vector.broadcast %get3A_22 : vector<1x128xf32> to vector<1000x128xf32>
    %add3A_24 = arith.addf %mul3A_19, %add3A_23 : vector<1000x128xf32>
    %swap3A = arith.constant 0 : index
    %swap3A_25 = arith.constant 0 : index
    %swap3A_26 = vector.load %arg5[%swap3A, %swap3A_25] : memref<1000x128xf32, #tpu.memory_space<vmem>>, vector<1000x128xf32>
    tpu.vector_store %arg5[%swap3A, %swap3A_25], %add3A_24 {strides = array<i32>} : memref<1000x128xf32, #tpu.memory_space<vmem>>, vector<1000x128xf32>,
    return
  }
  func.func @transform_0(%arg0: i32) -> (i32, i32) {
    %c0_i32 = arith.constant 0 : i32
    %c0_i32_0 = arith.constant 0 : i32
    return %arg0, %c0_i32 : i32, i32
  }
  func.func @transform_1(%arg0: i32) -> (i32, i32) {
    %c0_i32 = arith.constant 0 : i32
    %c0_i32_0 = arith.constant 0 : i32
    return %arg0, %c0_i32 : i32, i32
  }
  func.func @transform_2(%arg0: i32) -> (i32, i32, i32) {
    %c0_i32 = arith.constant 0 : i32
    %c0_i32_0 = arith.constant 0 : i32
    %c0_i32_1 = arith.constant 0 : i32
    return %c0_i32, %arg0, %c0_i32_0 : i32, i32, i32
  }
  func.func @transform_3(%arg0: i32) -> (i32, i32) {
    %c0_i32 = arith.constant 0 : i32
    %c0_i32_0 = arith.constant 0 : i32
    %c0_i32_1 = arith.constant 0 : i32
    return %c0_i32, %c0_i32_0 : i32, i32
  }
  func.func @transform_4(%arg0: i32) -> (i32, i32) {
    %c0_i32 = arith.constant 0 : i32
    %c0_i32_0 = arith.constant 0 : i32
    return %arg0, %c0_i32 : i32, i32
  }
}

</mosaic_0001>

<sc_bundles>
// kernel: kernel.11.cloned.1.call-start
scs
__scs_entry_jumppad:
0x0: {  	(pc) =	sbr.rel $0x88, $3  }
0x1: {  	(tag) =	ssettag $0x0;
	lr =	simm.s32 $0x1  }
0x2: {  	[smem:$0x3F9B] =	sst lr;
	_ =	strace $0xD0000000  }
0x3: {  	_ = 	snop  }
0x4: {  	_ = 	snop  }
0x5: {  	_ = 	snop  }
0x6: {  	_ = 	snop  }
0x7: {  	_ = 	snop  }
__scs_overlays_trampoline_lowered:
0x8: {  	[smem:$0x3FAA] =	sst s0  }
0x9: {  	[smem:$0x3FAB] =	sst s1  }
0xa: {  	[smem:$0x3FAC] =	sst s2  }
0xb: {  	[smem:$0x3FAD] =	sst s3  }
0xc: {  	[smem:$0x3FAE] =	sst s4  }
0xd: {  	[smem:$0x3FAF] =	sst s5  }
0xe: {  	[smem:$0x3FB0] =	sst s6  }
0xf: {  	[smem:$0x3FB1] =	sst s7  }
0x10: {  	[smem:$0x3FB2] =	sst s8  }
0x11: {  	[smem:$0x3FB3] =	sst s9;
	s0 =	simm.s32 @!p0 $0x0  }
0x12: {  	s1 =	sld [smem:$0x3F99];
	s0 =	simm.s32 @p0 $0x1  }
0x13: {  	[smem:$0x3FB4] =	sst s0;
	s0 =	simm.s32 @!p1 $0x0  }
0x14: {  	s2 =	sld [smem:$0x3F98];
	s0 =	simm.s32 @p1 $0x1  }
0x15: {  	[smem:$0x3FB5] =	sst s0;
	s0 =	simm.s32 @!p2 $0x0  }
0x16: {  	s3 =	sld [smem:$0x3FDB];
	s0 =	simm.s32 @p2 $0x1  }
0x17: {  	s4 =	simm.s32 $0x1BF5;
	[smem:$0x3FB7] =	sst s0  }
0x18: {  	s0 =	sld [smem:$0x3F9A];
	_ =	swait.ge [sflag:s4], $0x0  }
0x19: {  	s7 =	sld [smem:$0x3F9B]  }
0x1a: {  	s8 =	sadd.s32 $0xFFFFE003, lr  }
0x1b: {  	s9 =	sadd.s32 $0xFFFFFEF7, lr;
	s5 =	simm.s32 $0xFFFFFFFF;
	p2 =	slt.u32 s8, $0xFFFFF086  }
0x1c: {  	p1 =	slt.u32 s9, $0xF7A;
	s5 =	simm.s32 @!p2 $0x0  }
0x1d: {  	s5 =	simm.s32 @p1 $0x1;
	p0 =	seq.s32 s7, s2  }
0x1e: {  	s7 =	smul.u32 @!p0 $0xF7A, s2;
	p2 =	seq.s32 @!p0 s5, $0x0  }
0x1f: {  	s9 =	smul.u32 $0xF7A, s1;
	s8 =	simm.s32 @!p0 $0x1BF5;
	p2 =	por !p2, p0  }
0x20: {  	[sflag:s8] =	ssyncset.s32 @!p0 $0xFFFFF086;
	s6 =	sadd.s32 @!p0 s3, s7;
	s7 =	simm.s32 @!p0 $0x108  }
0x21: {  	s3 =	sadd.s32 s3, s9;
	s6 =	sadd.s32 @!p0 $0x88, s6;
	s7 =	simm.s32 @p2 $0x1082  }
0x22: {  	[simem:s7], [sflag:s8] =	dma.local @!p0 [hbm:s6], $0xF7A  }
0x23: {  	s9 =	sor.u32 $0xD0000000, s2;
	s6 =	simm.s32 $0x108;
	_ =	swait.ge @!p0 [sflag:s8], $0x0  }
0x24: {  	s3 =	sadd.s32 $0x88, s3;
	s6 =	simm.s32 @!p1 $0x1082;
	[sflag:s4] =	ssyncset.s32 $0xFFFFF086  }
0x25: {  	[simem:s6], [sflag:s4] =	dma.local [hbm:s3], $0xF7A  }
0x26: {  	[smem:$0x3F9B] =	sst s1;
	(tag) =	ssettag s2;
	_ =	strace s9  }
0x27: {  	s1 =	sld [smem:$0x3FAB]  }
0x28: {  	s2 =	sld [smem:$0x3FAC]  }
0x29: {  	s4 =	sld [smem:$0x3FAE]  }
0x2a: {  	p0 =	seq.s32 s5, $0x0;
	s5 =	sld [smem:$0x3FAF]  }
0x2b: {  	s6 =	sld [smem:$0x3FB0]  }
0x2c: {  	s7 =	sld [smem:$0x3FB1]  }
0x2d: {  	s3 =	simm.s32 $0x108;
	s8 =	sld [smem:$0x3FB2]  }
0x2e: {  	s3 =	simm.s32 @!p0 $0x1082;
	s9 =	sld [smem:$0x3FB3]  }
0x2f: {  	lr =	sadd.s32 s0, s3;
	s0 =	sld [smem:$0x3FAA]  }
0x30: {  	s3 =	sld [smem:$0x3FAD]  }
0x31: {  	[smem:$0x3FB6] =	sst s10  }
0x32: {  	s10 =	sld [smem:$0x3FB4];
	_ =	sdelay $0x3  }
0x33: {  	p0 =	seq.s32 s10, $0x1;
	s10 =	sld [smem:$0x3FB6];
	_ =	sdelay $0x3  }
0x34: {  	[smem:$0x3FB6] =	sst s10  }
0x35: {  	s10 =	sld [smem:$0x3FB5];
	_ =	sdelay $0x3  }
0x36: {  	p1 =	seq.s32 s10, $0x1;
	s10 =	sld [smem:$0x3FB6];
	_ =	sdelay $0x3  }
0x37: {  	[smem:$0x3FB6] =	sst s10  }
0x38: {  	s10 =	sld [smem:$0x3FB7]  }
0x39: {  	_ = 	snop;
	(pc) =	sbr.ind lr, $3  }
0x3a: {  	_ = 	snop  }
0x3b: {  	_ = 	snop  }
0x3c: {  	p2 =	seq.s32 s10, $0x1;
	s10 =	sld [smem:$0x3FB6]  }
0x3d: {  	_ =	shalt  }
0x3e: {  	_ =	shalt  }
0x3f: {  	_ =	shalt  }
0x40: {  	_ =	shalt  }
0x41: {  	_ =	shalt  }
0x42: {  	_ =	shalt  }
0x43: {  	_ =	shalt  }
0x44: {  	_ =	shalt  }
0x45: {  	_ =	shalt  }
0x46: {  	_ =	shalt  }
0x47: {  	_ =	shalt  }
0x48: {  	_ =	shalt  }
0x49: {  	_ =	shalt  }
0x4a: {  	_ =	shalt  }
0x4b: {  	_ =	shalt  }
0x4c: {  	_ =	shalt  }
0x4d: {  	_ =	shalt  }
0x4e: {  	_ =	shalt  }
0x4f: {  	_ =	shalt  }
0x50: {  	_ =	shalt  }
0x51: {  	_ =	shalt  }
0x52: {  	_ =	shalt  }
0x53: {  	_ =	shalt  }
0x54: {  	_ =	shalt  }
0x55: {  	_ =	shalt  }
0x56: {  	_ =	shalt  }
0x57: {  	_ =	shalt  }
0x58: {  	_ =	shalt  }
0x59: {  	_ =	shalt  }
0x5a: {  	_ =	shalt  }
0x5b: {  	_ =	shalt  }
0x5c: {  	_ =	shalt  }
0x5d: {  	_ =	shalt  }
0x5e: {  	_ =	shalt  }
0x5f: {  	_ =	shalt  }
0x60: {  	_ =	shalt  }
0x61: {  	_ =	shalt  }
0x62: {  	_ =	shalt  }
0x63: {  	_ =	shalt  }
0x64: {  	_ =	shalt  }
0x65: {  	_ =	shalt  }
0x66: {  	_ =	shalt  }
0x67: {  	_ =	shalt  }
0x68: {  	_ =	shalt  }
0x69: {  	_ =	shalt  }
0x6a: {  	_ =	shalt  }
0x6b: {  	_ =	shalt  }
0x6c: {  	_ =	shalt  }
0x6d: {  	_ =	shalt  }
0x6e: {  	_ =	shalt  }
0x6f: {  	_ =	shalt  }
0x70: {  	_ =	shalt  }
0x71: {  	_ =	shalt  }
0x72: {  	_ =	shalt  }
0x73: {  	_ =	shalt  }
0x74: {  	_ =	shalt  }
0x75: {  	_ =	shalt  }
0x76: {  	_ =	shalt  }
0x77: {  	_ =	shalt  }
0x78: {  	_ =	shalt  }
0x79: {  	_ =	shalt  }
0x7a: {  	_ =	shalt  }
0x7b: {  	_ =	shalt  }
0x7c: {  	_ =	shalt  }
0x7d: {  	_ =	shalt  }
0x7e: {  	_ =	shalt  }
0x7f: {  	_ =	shalt  }
0x80: {  	_ =	shalt  }
0x81: {  	_ =	shalt  }
0x82: {  	_ =	shalt  }
0x83: {  	_ =	shalt  }
0x84: {  	_ =	shalt  }
0x85: {  	_ =	shalt  }
0x86: {  	_ =	shalt  }
0x87: {  	_ =	shalt  }
.Lfunc_end0:
.L_simem_size_0:
called_computation.1_lowered:
.L_overlay_start_0:
0x88: {  	s2 =	sld [smem:$0x3FD9]  }
0x89: {  	s3 =	sld [smem:$0x3FFE];
	_ =	sdelay $0x1  }
0x8a: {  	s1 =	srdreg.scid  }
0x8b: {  	s0 =	sand.u32 $0x1, s1  }
0x8c: {  	s17 =	sshll.u32 s0, $0xA;
	s2 =	sadd.s32 s3, s2  }
0x8d: {  	s2 =	sadd.s32 s2, s17  }
0x8e: {  	[smem:$0x3FC2] =	sst s2  }
0x8f: {  	_ = 	snop  }
0x90: {  	s2 =	sld [smem:$0x3FD0];
	(tm) =	ssettm $0x1  }
0x91: {  	s18 =	sld [smem:$0x3FFB];
	_ =	sdelay $0x3  }
0x92: {  	_ =	strace s18  }
0x93: {  	s3 =	sld [smem:$0x3FFC];
	_ =	sdelay $0x3  }
0x94: {  	_ =	strace s3  }
0x95: {  	s3 =	sld [smem:$0x3FFD];
	_ =	sdelay $0x3  }
0x96: {  	_ =	strace s3  }
0x97: {  	_ =	strace $0x8FFFFFFF  }
0x98: {  	s19 =	sld [smem:$0x3FDB];
	_ =	sdelay $0x1  }
0x99: {  	s4 =	simm.s32 $_scs_section_size  }
0x9a: {  	s5 =	simm.s32 $_size__tile_overlayer_lowered;
	s6 =	simm.s32 $_tile_overlayer_lowered  }
0x9b: {  	s22 =	simm.s32 $0x1BFF;
	s21 =	sshll.u32 s6, $0x1;
	s3 =	sadd.s32 s4, s19  }
0x9c: {  	s7 =	simm.s32 $0x0;
	s20 =	sshll.u32 s5, $0x1;
	s5 =	sadd.s32 s21, s3  }
0x9d: {  	[timem:s7], [sflag:s22] =	dma.local [hbm:s5], s20  }
0x9e: {  	_ =	swait.ge [sflag:s22], s20  }
0x9f: {  	s4 =	ssub.s32 $0x0, s20;
	[sflag:s22] =	ssyncset.done $0x0  }
0xa0: {  	[sflag:s22] =	ssyncadd.s32 s4;
	_ =	sdelay $0x1  }
0xa1: {  	s23 =	simm.s32 $0x1B8B  }
0xa2: {  	_ =	swait.ge [sflag:s23], $0x1  }
0xa3: {  	[sflag:s23] =	ssyncset.done $0x0  }
0xa4: {  	s25 =	simm.s32 $0x1B8E;
	s24 =	sld [smem:$0x3FFE];
	[sflag:s23] =	ssyncadd.s32 $0xFFFFFFFF  }
0xa5: {  	s26 =	simm.s32 $execute0_lowered;
	[smem:$0x3FD2] =	sst s25  }
0xa6: {  	s5 =	sshll.u32 s26, $0x1;
	_ =	strace $0x80000049;
	[dreg:$0x1] =	wrdreg $0xFFFFFFFF  }
0xa7: {  	s28 =	simm.s32 $_size_execute0_lowered;
	s3 =	sadd.s32 s3, s5;
	[dreg:$0x0] =	wrdreg $0x0  }
0xa8: {  	s5 =	sshll.u32 s28, $0x1;
	[dreg:$0x2] =	wrdreg s3  }
0xa9: {  	[dreg:$0x3] =	wrdreg s5  }
0xaa: {  	[dreg:$0x4] =	wrdreg $0xC0  }
0xab: {  	_ =	task [dreg:s7], $0x5FFFF  }
0xac: {  	[dreg:$0x1] =	wrdreg $0xFFFFFFFF  }
0xad: {  	[dreg:$0x0] =	wrdreg $0x60  }
0xae: {  	[dreg:$0x2] =	wrdreg s2  }
0xaf: {  	[dreg:$0x3] =	wrdreg s24  }
0xb0: {  	[dreg:$0x4] =	wrdreg $0xA0000  }
0xb1: {  	[dreg:$0x5] =	wrdreg $0x9  }
0xb2: {  	_ =	task.clear_ibuf [dreg:s7], $0x6FFFF;
	_ =	strace $0x90000049  }
0xb3: {  	s29 =	simm.s32 $0x9;
	_ =	strace $0x8000004B  }
0xb4: {  	_ =	swait.ge [sflag:s29], $0x1  }
0xb5: {  	[sflag:s29] =	ssyncadd.s32 $0xFFFFFFFF  }
0xb6: {  	_ =	strace $0x9000004B  }
0xb7: {  	_ =	sfence  }
0xb8: {  	s30 =	sld [smem:$0x0];
	_ =	sdelay $0x2  }
0xb9: {  	s31 =	sshll.u32 s1, $0xD;
	s1 =	sshrl.u32 s1, $0x2  }
0xba: {  	s3 =	sand.u32 $0x4000, s31;
	s1 =	sadd.s32 s1, s30  }
0xbb: {  	s0 =	sor.u32 s3, s0;
	s1 =	sshll.u32 s1, $0x11  }
0xbc: {  	s0 =	sor.u32 s1, s0  }
0xbd: {  	s0 =	sadd.s32 $0x8F2B, s0  }
0xbe: {  	[sflag:s0] =	ssyncadd.remote.s32 $0x1  }
0xbf: {  	_ =	sfence.sel $0xFFFF  }
0xc0: {  	[dreg:$0x0] =	wrdreg $0xFFFFFFFF;
	(pc) =	sbr.abs _section_cstart, $3  }
0xc1: {  	[dreg:$0x1] =	wrdreg $0xFFFFFFFF  }
0xc2: {  	_ =	task.clear_ibuf [dreg:s7], $0x2FFFF;
	_ =	strace $0x9FFFFFFF  }
0xc3: {  	(tm) =	ssettm $0x7FFFFFFF  }
tec
execute0_lowered:
.L_overlay_start_1:
0x0: {  	(tag) =	ssettag $0x1  }
0x1: {  	s1 =	srdreg.scid  }
0x2: {  	s1 =	sand.u32 $0x1, s1  }
0x3: {  	p0 =	seq.s32 s1, $0x1  }
.Ltmp0:
0x4: {  	s3 =	rddreg [dreg:$0x0];
	(pc) =	sbr.rel @p0 .LBB2_4-.Ltmp0, $4  }
0x5: {  	s17 =	rddreg [dreg:$0x1]  }
0x6: {  	s2 =	rddreg [dreg:$0x2];
	s6 =	simm.s32 $0x0  }
0x7: {  	[smem:$0x7FF] =	sst s6  }
0x8: {  	s0 =	rddreg [dreg:$0x3];
	_ =	strace $0x8000004A;
	s1 =	stileid.u32  }
0x9: {  	s4 =	smul.u32 $0x4F000, s1;
	_ =	sdelay $0x1  }
0xa: {  	s4 =	sshrl.u32 s4, $0x2  }
0xb: {  	s28 =	sshll.u32 s1, $0x6;
	s5 =	sadd.s32 s4, s2  }
0xc: {  	s7 =	sadd.s32 $0x67600, s17;
	s4 =	sor.u32 $0x1C05, s28;
	s5 =	sshrl.u32 s5, $0x3  }
0xd: {  	[spmem:s5], [sflag:s4] =	dma.local [hbm:s7], $0x2780  }
0xe: {  	s7 =	simm.s32 $0x5  }
0xf: {  	_ =	swait.ge [sflag:s7], $0x2780  }
0x10: {  	s8 =	smul.u32 $0xA00, s1;
	[sflag:s7] =	ssyncset.done $0x0  }
0x11: {  	s9 =	sadd.s32 $0x3600, s17;
	[sflag:s7] =	ssyncadd.s32 $0xFFFFD880  }
0x12: {  	s10 =	sadd.s32 $0xD600, s17;
	s9 =	sadd.s32 s8, s9;
	[bflag:$0x0] =	sbarrier.arrive $0xFFFF  }
0x13: {  	s8 =	sadd.s32 s8, s10;
	[dreg:$0x4] =	wrdreg s9  }
0x14: {  	s29 =	simm.s32 $0x1000;
	[dreg:$0x5] =	wrdreg s8  }
0x15: {  	s30 =	simm.s32 $0x1080;
	[dreg:$0x6] =	wrdreg s29  }
0x16: {  	s31 =	simm.s32 $0x100;
	[dreg:$0x7] =	wrdreg s30  }
0x17: {  	s10 =	simm.s32 $0x180;
	[dreg:$0x8] =	wrdreg s31  }
0x18: {  	s11 =	simm.s32 $0x1180;
	[dreg:$0xa] =	wrdreg s10  }
0x19: {  	s12 =	simm.s32 $0x200;
	[dreg:$0xb] =	wrdreg s11  }
0x1a: {  	s13 =	simm.s32 $0x1200;
	[dreg:$0xc] =	wrdreg s12  }
0x1b: {  	s14 =	simm.s32 $0x280;
	[dreg:$0xd] =	wrdreg s13  }
0x1c: {  	s15 =	simm.s32 $0x1280;
	[dreg:$0xe] =	wrdreg s14  }
0x1d: {  	s16 =	simm.s32 $0x300;
	[dreg:$0xf] =	wrdreg s15  }
0x1e: {  	s18 =	simm.s32 $0x1300;
	[dreg:$0x10] =	wrdreg s16  }
0x1f: {  	s19 =	simm.s32 $0x380;
	[dreg:$0x11] =	wrdreg s18  }
0x20: {  	s20 =	simm.s32 $0x1380;
	[dreg:$0x12] =	wrdreg s19  }
0x21: {  	s21 =	simm.s32 $0x400;
	[dreg:$0x13] =	wrdreg s20  }
0x22: {  	s22 =	simm.s32 $0x1400;
	[dreg:$0x14] =	wrdreg s21  }
0x23: {  	s23 =	simm.s32 $0x480;
	[dreg:$0x15] =	wrdreg s22  }
0x24: {  	s24 =	simm.s32 $0x1480;
	[dreg:$0x16] =	wrdreg s23  }
0x25: {  	s25 =	simm.s32 $0x500;
	[dreg:$0x17] =	wrdreg s24  }
0x26: {  	s26 =	simm.s32 $0x1500;
	[dreg:$0x18] =	wrdreg s25  }
0x27: {  	s28 =	simm.s32 $0x580;
	[dreg:$0x19] =	wrdreg s26  }
0x28: {  	s9 =	simm.s32 $0x1100;
	[dreg:$0x1a] =	wrdreg s28  }
0x29: {  	s29 =	simm.s32 $0x1580;
	[dreg:$0x9] =	wrdreg s9  }
0x2a: {  	s30 =	simm.s32 $0x600;
	[dreg:$0x1b] =	wrdreg s29  }
0x2b: {  	s31 =	simm.s32 $0x1600;
	[dreg:$0x1c] =	wrdreg s30  }
0x2c: {  	s10 =	simm.s32 $0x1680;
	[dreg:$0x1d] =	wrdreg s31  }
0x2d: {  	s11 =	simm.s32 $0x700;
	[dreg:$0x1f] =	wrdreg s10  }
0x2e: {  	s12 =	simm.s32 $0x1700;
	[smem:$0x7DF] =	sst s11  }
0x2f: {  	s13 =	simm.s32 $0x780;
	[smem:$0x7E0] =	sst s12  }
0x30: {  	s14 =	simm.s32 $0x1780;
	[smem:$0x7E1] =	sst s13  }
0x31: {  	s15 =	simm.s32 $0x880;
	[smem:$0x7E2] =	sst s14  }
0x32: {  	s16 =	simm.s32 $0x1880;
	[smem:$0x7E3] =	sst s15  }
0x33: {  	s18 =	simm.s32 $0x900;
	[smem:$0x7E4] =	sst s16  }
0x34: {  	s19 =	simm.s32 $0x1900;
	[smem:$0x7E5] =	sst s18  }
0x35: {  	s20 =	simm.s32 $0x980;
	[smem:$0x7E6] =	sst s19  }
0x36: {  	s21 =	simm.s32 $0x1980;
	[smem:$0x7E7] =	sst s20  }
0x37: {  	s22 =	simm.s32 $0xA00;
	[smem:$0x7E8] =	sst s21  }
0x38: {  	s23 =	simm.s32 $0x1A00;
	[smem:$0x7E9] =	sst s22  }
0x39: {  	s24 =	simm.s32 $0xA80;
	[smem:$0x7EA] =	sst s23  }
0x3a: {  	s25 =	simm.s32 $0x1A80;
	[smem:$0x7EB] =	sst s24  }
0x3b: {  	s26 =	simm.s32 $0xB00;
	[smem:$0x7EC] =	sst s25  }
0x3c: {  	s28 =	simm.s32 $0x1B00;
	[smem:$0x7ED] =	sst s26  }
0x3d: {  	[smem:$0x7EE] =	sst s28  }
0x3e: {  	s9 =	simm.s32 $0x680;
	s20 =	rddreg [dreg:$0x5]  }
0x3f: {  	s29 =	simm.s32 $0xB80;
	[dreg:$0x1e] =	wrdreg s9  }
0x40: {  	s30 =	simm.s32 $0x1B80;
	[smem:$0x7EF] =	sst s29  }
0x41: {  	s31 =	simm.s32 $0xC00;
	[smem:$0x7F0] =	sst s30  }
0x42: {  	s10 =	simm.s32 $0xC80;
	[smem:$0x7F1] =	sst s31  }
0x43: {  	s11 =	simm.s32 $0x1C80;
	[smem:$0x7F3] =	sst s10  }
0x44: {  	s12 =	simm.s32 $0xD00;
	[smem:$0x7F4] =	sst s11  }
0x45: {  	s13 =	simm.s32 $0x1D00;
	[smem:$0x7F5] =	sst s12  }
0x46: {  	s14 =	simm.s32 $0xD80;
	[smem:$0x7F6] =	sst s13  }
0x47: {  	s15 =	simm.s32 $0x1D80;
	[smem:$0x7F7] =	sst s14  }
0x48: {  	s16 =	simm.s32 $0xE00;
	[smem:$0x7F8] =	sst s15  }
0x49: {  	s18 =	simm.s32 $0x1E00;
	[smem:$0x7F9] =	sst s16  }
0x4a: {  	s19 =	simm.s32 $0xE80;
	[smem:$0x7FA] =	sst s18  }
0x4b: {  	s21 =	simm.s32 $0x1E80;
	[smem:$0x7FB] =	sst s19  }
0x4c: {  	s22 =	simm.s32 $0xF00;
	[smem:$0x7FC] =	sst s21  }
0x4d: {  	s9 =	simm.s32 $0x1C00;
	[smem:$0x7FD] =	sst s22  }
0x4e: {  	s16 =	sadd.s32 $0x0, s20;
	[smem:$0x7F2] =	sst s9  }
0x4f: {  	[tilespmem:s6], [sflag:$0x5] =	stream.linear.gather [hbm4b:s16+s6], $0x800, $0x38;
	[tilespmem:$0x1DC00] =	vst v63  }
0x50: {  	_ =	swait.ge [sflag:s7], $0x800  }
0x51: {  	s23 =	rddreg [dreg:$0x4];
	[sflag:s7] =	ssyncset.done $0x0  }
0x52: {  	s24 =	rddreg [dreg:$0x6];
	[sflag:s7] =	ssyncadd.s32 $0xFFFFF800;
	s18 =	sadd.s32 $0x0, s23  }
0x53: {  	[tilespmem:s24], [sflag:$0x5] =	stream.linear.gather [hbm4b:s18+s6], $0x800, $0x38;
	[tilespmem:$0x1DC00] =	vst v63  }
0x54: {  	p0 =	por $0x1, $0x1;
	_ =	swait.ge [sflag:s7], $0x800  }
0x55: {  	s8 =	simm.s32 @p0 $0x80;
	s10 =	simm.s32 @p0 $0x2000;
	[sflag:s7] =	ssyncset.done $0x0  }
0x56: {  	s11 =	simm.s32 @p0 $0x1;
	s9 =	simm.s32 @p0 $0x0;
	[sflag:s7] =	ssyncadd.s32 $0xFFFFF800  }
0x57: {  	[tilespmem:s10], [sflag:$0x1] =	stream.indirect.gather @p0 [hbm4b:s3+s8], $0x80, s9, s8, $0xb8;
	[tilespmem:$0x1DC00] =	vst v63  }
0x58: {  	_ =	swait.ge @p0 [sflag:s11], $0x4000  }
0x59: {  	[sflag:s11] =	ssyncset.done @p0 $0x0  }
0x5a: {  	s9 =	simm.s32 @p0 $0x1000;
	[sflag:s11] =	ssyncadd.s32 @p0 $0xFFFFC000;
	s11 =	simm.s32 @!p0 $0x3  }
0x5b: {  	[spmem:s2] =	stream.indirect.scatter.add.f32 @p0 [tilespmem:s10], [sflag:$0x3], $0x80, s9, s8, $0xb8;
	[tilespmem:$0x1DC00] =	vst v63  }
0x5c: {  	_ =	swait.ge @!p0 [sflag:s11], $0x4000  }
0x5d: {  	s8 =	simm.s32 @!p0 $0x2000;
	s9 =	simm.s32 @!p0 $0x80;
	[sflag:s11] =	ssyncset.done @!p0 $0x0  }
0x5e: {  	s10 =	simm.s32 @!p0 $0x0;
	[sflag:s11] =	ssyncadd.s32 @!p0 $0xFFFFC000;
	s11 =	simm.s32 @!p0 $0x1  }
0x5f: {  	[tilespmem:s8], [sflag:$0x1] =	stream.indirect.gather @!p0 [hbm4b:s3+s9], $0x80, s10, s9, $0xb8;
	[tilespmem:$0x1DC00] =	vst v63  }
0x60: {  	_ =	swait.ge @!p0 [sflag:s11], $0x4000  }
0x61: {  	[sflag:s11] =	ssyncset.done @!p0 $0x0  }
0x62: {  	s10 =	simm.s32 @!p0 $0x1000;
	[sflag:s11] =	ssyncadd.s32 @!p0 $0xFFFFC000;
	s11 =	simm.s32 @!p0 $0x4  }
0x63: {  	[spmem:s2] =	stream.indirect.scatter.add.f32 @!p0 [tilespmem:s8], [sflag:$0x3], $0x80, s10, s9, $0xb8;
	[tilespmem:$0x1DC00] =	vst v63  }
0x64: {  	_ =	swait.ge @!p0 [sflag:s11], $0x4000  }
0x65: {  	s8 =	simm.s32 $0x80;
	[sflag:s11] =	ssyncset.done @!p0 $0x0  }
0x66: {  	s9 =	simm.s32 $0x6000;
	s10 =	simm.s32 $0x2;
	[sflag:s11] =	ssyncadd.s32 @!p0 $0xFFFFC000  }
0x67: {  	[tilespmem:s9], [sflag:$0x2] =	stream.indirect.gather [hbm4b:s3+s8], $0x80, s8, s8, $0xb8;
	[tilespmem:$0x1DC00] =	vst v63  }
0x68: {  	_ =	swait.ge [sflag:s10], $0x4000  }
0x69: {  	[sflag:s10] =	ssyncset.done $0x0  }
0x6a: {  	s11 =	simm.s32 $0x3;
	s12 =	rddreg [dreg:$0x7];
	[sflag:s10] =	ssyncadd.s32 $0xFFFFC000  }
0x6b: {  	[spmem:s2] =	stream.indirect.scatter.add.f32 [tilespmem:s9], [sflag:$0x4], $0x80, s12, s8, $0xb8;
	[tilespmem:$0x1DC00] =	vst v63  }
0x6c: {  	_ =	swait.ge [sflag:s11], $0x4000  }
0x6d: {  	s13 =	simm.s32 $0x1;
	[sflag:s11] =	ssyncset.done $0x0  }
0x6e: {  	s12 =	simm.s32 $0x2000;
	s14 =	rddreg [dreg:$0x8];
	[sflag:s11] =	ssyncadd.s32 $0xFFFFC000  }
0x6f: {  	[tilespmem:s12], [sflag:$0x1] =	stream.indirect.gather [hbm4b:s3+s8], $0x80, s14, s8, $0xb8;
	[tilespmem:$0x1DC00] =	vst v63  }
0x70: {  	_ =	swait.ge [sflag:s13], $0x4000  }
0x71: {  	[sflag:s13] =	ssyncset.done $0x0  }
0x72: {  	s14 =	simm.s32 $0x4;
	s15 =	rddreg [dreg:$0x9];
	[sflag:s13] =	ssyncadd.s32 $0xFFFFC000  }
0x73: {  	[spmem:s2] =	stream.indirect.scatter.add.f32 [tilespmem:s12], [sflag:$0x3], $0x80, s15, s8, $0xb8;
	[tilespmem:$0x1DC00] =	vst v63  }
0x74: {  	_ =	swait.ge [sflag:s14], $0x4000  }
0x75: {  	[sflag:s14] =	ssyncset.done $0x0  }
0x76: {  	s25 =	rddreg [dreg:$0xa];
	[sflag:s14] =	ssyncadd.s32 $0xFFFFC000  }
0x77: {  	[tilespmem:s9], [sflag:$0x2] =	stream.indirect.gather [hbm4b:s3+s8], $0x80, s25, s8, $0xb8;
	[tilespmem:$0x1DC00] =	vst v63  }
0x78: {  	_ =	swait.ge [sflag:s10], $0x4000  }
0x79: {  	[sflag:s10] =	ssyncset.done $0x0  }
0x7a: {  	s26 =	rddreg [dreg:$0xb];
	[sflag:s10] =	ssyncadd.s32 $0xFFFFC000  }
0x7b: {  	[spmem:s2] =	stream.indirect.scatter.add.f32 [tilespmem:s9], [sflag:$0x4], $0x80, s26, s8, $0xb8;
	[tilespmem:$0x1DC00] =	vst v63  }
0x7c: {  	_ =	swait.ge [sflag:s11], $0x4000  }
0x7d: {  	[sflag:s11] =	ssyncset.done $0x0  }
0x7e: {  	s28 =	rddreg [dreg:$0xc];
	[sflag:s11] =	ssyncadd.s32 $0xFFFFC000  }
0x7f: {  	[tilespmem:s12], [sflag:$0x1] =	stream.indirect.gather [hbm4b:s3+s8], $0x80, s28, s8, $0xb8;
	[tilespmem:$0x1DC00] =	vst v63  }
0x80: {  	_ =	swait.ge [sflag:s13], $0x4000  }
0x81: {  	[sflag:s13] =	ssyncset.done $0x0  }
0x82: {  	s29 =	rddreg [dreg:$0xd];
	[sflag:s13] =	ssyncadd.s32 $0xFFFFC000  }
0x83: {  	[spmem:s2] =	stream.indirect.scatter.add.f32 [tilespmem:s12], [sflag:$0x3], $0x80, s29, s8, $0xb8;
	[tilespmem:$0x1DC00] =	vst v63  }
0x84: {  	_ =	swait.ge [sflag:s14], $0x4000  }
0x85: {  	[sflag:s14] =	ssyncset.done $0x0  }
0x86: {  	s30 =	rddreg [dreg:$0xe];
	[sflag:s14] =	ssyncadd.s32 $0xFFFFC000  }
0x87: {  	[tilespmem:s9], [sflag:$0x2] =	stream.indirect.gather [hbm4b:s3+s8], $0x80, s30, s8, $0xb8;
	[tilespmem:$0x1DC00] =	vst v63  }
0x88: {  	_ =	swait.ge [sflag:s10], $0x4000  }
0x89: {  	[sflag:s10] =	ssyncset.done $0x0  }
0x8a: {  	s31 =	rddreg [dreg:$0xf];
	[sflag:s10] =	ssyncadd.s32 $0xFFFFC000  }
0x8b: {  	[spmem:s2] =	stream.indirect.scatter.add.f32 [tilespmem:s9], [sflag:$0x4], $0x80, s31, s8, $0xb8;
	[tilespmem:$0x1DC00] =	vst v63  }
0x8c: {  	_ =	swait.ge [sflag:s11], $0x4000  }
0x8d: {  	[sflag:s11] =	ssyncset.done $0x0  }
0x8e: {  	s19 =	rddreg [dreg:$0x10];
	[sflag:s11] =	ssyncadd.s32 $0xFFFFC000  }
0x8f: {  	[tilespmem:s12], [sflag:$0x1] =	stream.indirect.gather [hbm4b:s3+s8], $0x80, s19, s8, $0xb8;
	[tilespmem:$0x1DC00] =	vst v63  }
0x90: {  	_ =	swait.ge [sflag:s13], $0x4000  }
0x91: {  	[sflag:s13] =	ssyncset.done $0x0  }
0x92: {  	s20 =	rddreg [dreg:$0x11];
	[sflag:s13] =	ssyncadd.s32 $0xFFFFC000  }
0x93: {  	[spmem:s2] =	stream.indirect.scatter.add.f32 [tilespmem:s12], [sflag:$0x3], $0x80, s20, s8, $0xb8;
	[tilespmem:$0x1DC00] =	vst v63  }
0x94: {  	_ =	swait.ge [sflag:s14], $0x4000  }
0x95: {  	[sflag:s14] =	ssyncset.done $0x0  }
0x96: {  	s21 =	rddreg [dreg:$0x12];
	[sflag:s14] =	ssyncadd.s32 $0xFFFFC000  }
0x97: {  	[tilespmem:s9], [sflag:$0x2] =	stream.indirect.gather [hbm4b:s3+s8], $0x80, s21, s8, $0xb8;
	[tilespmem:$0x1DC00] =	vst v63  }
0x98: {  	_ =	swait.ge [sflag:s10], $0x4000  }
0x99: {  	[sflag:s10] =	ssyncset.done $0x0  }
0x9a: {  	s22 =	rddreg [dreg:$0x13];
	[sflag:s10] =	ssyncadd.s32 $0xFFFFC000  }
0x9b: {  	[spmem:s2] =	stream.indirect.scatter.add.f32 [tilespmem:s9], [sflag:$0x4], $0x80, s22, s8, $0xb8;
	[tilespmem:$0x1DC00] =	vst v63  }
0x9c: {  	_ =	swait.ge [sflag:s11], $0x4000  }
0x9d: {  	[sflag:s11] =	ssyncset.done $0x0  }
0x9e: {  	s23 =	rddreg [dreg:$0x14];
	[sflag:s11] =	ssyncadd.s32 $0xFFFFC000  }
0x9f: {  	[tilespmem:s12], [sflag:$0x1] =	stream.indirect.gather [hbm4b:s3+s8], $0x80, s23, s8, $0xb8;
	[tilespmem:$0x1DC00] =	vst v63  }
0xa0: {  	_ =	swait.ge [sflag:s13], $0x4000  }
0xa1: {  	[sflag:s13] =	ssyncset.done $0x0  }
0xa2: {  	s24 =	rddreg [dreg:$0x15];
	[sflag:s13] =	ssyncadd.s32 $0xFFFFC000  }
0xa3: {  	[spmem:s2] =	stream.indirect.scatter.add.f32 [tilespmem:s12], [sflag:$0x3], $0x80, s24, s8, $0xb8;
	[tilespmem:$0x1DC00] =	vst v63  }
0xa4: {  	_ =	swait.ge [sflag:s14], $0x4000  }
0xa5: {  	[sflag:s14] =	ssyncset.done $0x0  }
0xa6: {  	s25 =	rddreg [dreg:$0x16];
	[sflag:s14] =	ssyncadd.s32 $0xFFFFC000  }
0xa7: {  	[tilespmem:s9], [sflag:$0x2] =	stream.indirect.gather [hbm4b:s3+s8], $0x80, s25, s8, $0xb8;
	[tilespmem:$0x1DC00] =	vst v63  }
0xa8: {  	_ =	swait.ge [sflag:s10], $0x4000  }
0xa9: {  	[sflag:s10] =	ssyncset.done $0x0  }
0xaa: {  	s26 =	rddreg [dreg:$0x17];
	[sflag:s10] =	ssyncadd.s32 $0xFFFFC000  }
0xab: {  	[spmem:s2] =	stream.indirect.scatter.add.f32 [tilespmem:s9], [sflag:$0x4], $0x80, s26, s8, $0xb8;
	[tilespmem:$0x1DC00] =	vst v63  }
0xac: {  	_ =	swait.ge [sflag:s11], $0x4000  }
0xad: {  	[sflag:s11] =	ssyncset.done $0x0  }
0xae: {  	s28 =	rddreg [dreg:$0x18];
	[sflag:s11] =	ssyncadd.s32 $0xFFFFC000  }
0xaf: {  	[tilespmem:s12], [sflag:$0x1] =	stream.indirect.gather [hbm4b:s3+s8], $0x80, s28, s8, $0xb8;
	[tilespmem:$0x1DC00] =	vst v63  }
0xb0: {  	_ =	swait.ge [sflag:s13], $0x4000  }
0xb1: {  	[sflag:s13] =	ssyncset.done $0x0  }
0xb2: {  	s29 =	rddreg [dreg:$0x19];
	[sflag:s13] =	ssyncadd.s32 $0xFFFFC000  }
0xb3: {  	[spmem:s2] =	stream.indirect.scatter.add.f32 [tilespmem:s12], [sflag:$0x3], $0x80, s29, s8, $0xb8;
	[tilespmem:$0x1DC00] =	vst v63  }
0xb4: {  	_ =	swait.ge [sflag:s14], $0x4000  }
0xb5: {  	[sflag:s14] =	ssyncset.done $0x0  }
0xb6: {  	s30 =	rddreg [dreg:$0x1a];
	[sflag:s14] =	ssyncadd.s32 $0xFFFFC000  }
0xb7: {  	[tilespmem:s9], [sflag:$0x2] =	stream.indirect.gather [hbm4b:s3+s8], $0x80, s30, s8, $0xb8;
	[tilespmem:$0x1DC00] =	vst v63  }
0xb8: {  	_ =	swait.ge [sflag:s10], $0x4000  }
0xb9: {  	[sflag:s10] =	ssyncset.done $0x0  }
0xba: {  	s31 =	rddreg [dreg:$0x1b];
	[sflag:s10] =	ssyncadd.s32 $0xFFFFC000  }
0xbb: {  	[spmem:s2] =	stream.indirect.scatter.add.f32 [tilespmem:s9], [sflag:$0x4], $0x80, s31, s8, $0xb8;
	[tilespmem:$0x1DC00] =	vst v63  }
0xbc: {  	_ =	swait.ge [sflag:s11], $0x4000  }
0xbd: {  	[sflag:s11] =	ssyncset.done $0x0  }
0xbe: {  	s19 =	rddreg [dreg:$0x1c];
	[sflag:s11] =	ssyncadd.s32 $0xFFFFC000  }
0xbf: {  	[tilespmem:s12], [sflag:$0x1] =	stream.indirect.gather [hbm4b:s3+s8], $0x80, s19, s8, $0xb8;
	[tilespmem:$0x1DC00] =	vst v63  }
0xc0: {  	_ =	swait.ge [sflag:s13], $0x4000  }
0xc1: {  	[sflag:s13] =	ssyncset.done $0x0  }
0xc2: {  	s20 =	rddreg [dreg:$0x1d];
	[sflag:s13] =	ssyncadd.s32 $0xFFFFC000  }
0xc3: {  	[spmem:s2] =	stream.indirect.scatter.add.f32 [tilespmem:s12], [sflag:$0x3], $0x80, s20, s8, $0xb8;
	[tilespmem:$0x1DC00] =	vst v63  }
0xc4: {  	_ =	swait.ge [sflag:s14], $0x4000  }
0xc5: {  	[sflag:s14] =	ssyncset.done $0x0  }
0xc6: {  	s21 =	rddreg [dreg:$0x1e];
	[sflag:s14] =	ssyncadd.s32 $0xFFFFC000  }
0xc7: {  	[tilespmem:s9], [sflag:$0x2] =	stream.indirect.gather [hbm4b:s3+s8], $0x80, s21, s8, $0xb8;
	[tilespmem:$0x1DC00] =	vst v63  }
0xc8: {  	_ =	swait.ge [sflag:s10], $0x4000  }
0xc9: {  	[sflag:s10] =	ssyncset.done $0x0  }
0xca: {  	s22 =	rddreg [dreg:$0x1f];
	[sflag:s10] =	ssyncadd.s32 $0xFFFFC000  }
0xcb: {  	[spmem:s2] =	stream.indirect.scatter.add.f32 [tilespmem:s9], [sflag:$0x4], $0x80, s22, s8, $0xb8;
	[tilespmem:$0x1DC00] =	vst v63  }
0xcc: {  	_ =	swait.ge [sflag:s11], $0x4000  }
0xcd: {  	s23 =	sld [smem:$0x7DF]  }
0xce: {  	[sflag:s11] =	ssyncset.done $0x0  }
0xcf: {  	[sflag:s11] =	ssyncadd.s32 $0xFFFFC000  }
0xd0: {  	[tilespmem:s12], [sflag:$0x1] =	stream.indirect.gather [hbm4b:s3+s8], $0x80, s23, s8, $0xb8;
	[tilespmem:$0x1DC00] =	vst v63  }
0xd1: {  	_ =	swait.ge [sflag:s13], $0x4000  }
0xd2: {  	s24 =	sld [smem:$0x7E0]  }
0xd3: {  	[sflag:s13] =	ssyncset.done $0x0  }
0xd4: {  	[sflag:s13] =	ssyncadd.s32 $0xFFFFC000  }
0xd5: {  	[spmem:s2] =	stream.indirect.scatter.add.f32 [tilespmem:s12], [sflag:$0x3], $0x80, s24, s8, $0xb8;
	[tilespmem:$0x1DC00] =	vst v63  }
0xd6: {  	_ =	swait.ge [sflag:s14], $0x4000  }
0xd7: {  	s25 =	sld [smem:$0x7E1]  }
0xd8: {  	[sflag:s14] =	ssyncset.done $0x0  }
0xd9: {  	[sflag:s14] =	ssyncadd.s32 $0xFFFFC000  }
0xda: {  	[tilespmem:s9], [sflag:$0x2] =	stream.indirect.gather [hbm4b:s3+s8], $0x80, s25, s8, $0xb8;
	[tilespmem:$0x1DC00] =	vst v63  }
0xdb: {  	_ =	swait.ge [sflag:s10], $0x4000  }
0xdc: {  	s26 =	sld [smem:$0x7E2]  }
0xdd: {  	[sflag:s10] =	ssyncset.done $0x0  }
0xde: {  	[sflag:s10] =	ssyncadd.s32 $0xFFFFC000  }
0xdf: {  	[spmem:s2] =	stream.indirect.scatter.add.f32 [tilespmem:s9], [sflag:$0x4], $0x80, s26, s8, $0xb8;
	[tilespmem:$0x1DC00] =	vst v63  }
0xe0: {  	s16 =	sadd.s32 $0x100, s16;
	s15 =	simm.s32 $0x800  }
0xe1: {  	[tilespmem:s15], [sflag:$0x5] =	stream.linear.gather [hbm4b:s16+s6], $0x800, $0x38;
	[tilespmem:$0x1DC00] =	vst v63  }
0xe2: {  	_ =	swait.ge [sflag:s7], $0x800  }
0xe3: {  	[sflag:s7] =	ssyncset.done $0x0  }
0xe4: {  	s18 =	sadd.s32 $0x100, s18;
	s16 =	simm.s32 $0x1800;
	[sflag:s7] =	ssyncadd.s32 $0xFFFFF800  }
0xe5: {  	[tilespmem:s16], [sflag:$0x5] =	stream.linear.gather [hbm4b:s18+s6], $0x800, $0x38;
	[tilespmem:$0x1DC00] =	vst v63  }
0xe6: {  	_ =	swait.ge [sflag:s7], $0x800  }
0xe7: {  	[sflag:s7] =	ssyncset.done $0x0  }
0xe8: {  	[sflag:s7] =	ssyncadd.s32 $0xFFFFF800  }
0xe9: {  	_ =	swait.ge [sflag:s11], $0x4000  }
0xea: {  	[sflag:s11] =	ssyncset.done $0x0  }
0xeb: {  	[sflag:s11] =	ssyncadd.s32 $0xFFFFC000  }
0xec: {  	[tilespmem:s12], [sflag:$0x1] =	stream.indirect.gather [hbm4b:s3+s8], $0x80, s15, s8, $0xb8;
	[tilespmem:$0x1DC00] =	vst v63  }
0xed: {  	_ =	swait.ge [sflag:s13], $0x4000  }
0xee: {  	[sflag:s13] =	ssyncset.done $0x0  }
0xef: {  	[sflag:s13] =	ssyncadd.s32 $0xFFFFC000  }
0xf0: {  	[spmem:s2] =	stream.indirect.scatter.add.f32 [tilespmem:s12], [sflag:$0x3], $0x80, s16, s8, $0xb8;
	[tilespmem:$0x1DC00] =	vst v63  }
0xf1: {  	_ =	swait.ge [sflag:s14], $0x4000  }
0xf2: {  	s28 =	sld [smem:$0x7E3]  }
0xf3: {  	[sflag:s14] =	ssyncset.done $0x0  }
0xf4: {  	[sflag:s14] =	ssyncadd.s32 $0xFFFFC000  }
0xf5: {  	[tilespmem:s9], [sflag:$0x2] =	stream.indirect.gather [hbm4b:s3+s8], $0x80, s28, s8, $0xb8;
	[tilespmem:$0x1DC00] =	vst v63  }
0xf6: {  	_ =	swait.ge [sflag:s10], $0x4000  }
0xf7: {  	s29 =	sld [smem:$0x7E4]  }
0xf8: {  	[sflag:s10] =	ssyncset.done $0x0  }
0xf9: {  	[sflag:s10] =	ssyncadd.s32 $0xFFFFC000  }
0xfa: {  	[spmem:s2] =	stream.indirect.scatter.add.f32 [tilespmem:s9], [sflag:$0x4], $0x80, s29, s8, $0xb8;
	[tilespmem:$0x1DC00] =	vst v63  }
0xfb: {  	_ =	swait.ge [sflag:s11], $0x4000  }
0xfc: {  	s30 =	sld [smem:$0x7E5]  }
0xfd: {  	[sflag:s11] =	ssyncset.done $0x0  }
0xfe: {  	[sflag:s11] =	ssyncadd.s32 $0xFFFFC000  }
0xff: {  	[tilespmem:s12], [sflag:$0x1] =	stream.indirect.gather [hbm4b:s3+s8], $0x80, s30, s8, $0xb8;
	[tilespmem:$0x1DC00] =	vst v63  }
0x100: {  	_ =	swait.ge [sflag:s13], $0x4000  }
0x101: {  	s31 =	sld [smem:$0x7E6]  }
0x102: {  	[sflag:s13] =	ssyncset.done $0x0  }
0x103: {  	[sflag:s13] =	ssyncadd.s32 $0xFFFFC000  }
0x104: {  	[spmem:s2] =	stream.indirect.scatter.add.f32 [tilespmem:s12], [sflag:$0x3], $0x80, s31, s8, $0xb8;
	[tilespmem:$0x1DC00] =	vst v63  }
0x105: {  	_ =	swait.ge [sflag:s14], $0x4000  }
0x106: {  	s19 =	sld [smem:$0x7E7]  }
0x107: {  	[sflag:s14] =	ssyncset.done $0x0  }
0x108: {  	[sflag:s14] =	ssyncadd.s32 $0xFFFFC000  }
0x109: {  	[tilespmem:s9], [sflag:$0x2] =	stream.indirect.gather [hbm4b:s3+s8], $0x80, s19, s8, $0xb8;
	[tilespmem:$0x1DC00] =	vst v63  }
0x10a: {  	_ =	swait.ge [sflag:s10], $0x4000  }
0x10b: {  	s20 =	sld [smem:$0x7E8]  }
0x10c: {  	[sflag:s10] =	ssyncset.done $0x0  }
0x10d: {  	[sflag:s10] =	ssyncadd.s32 $0xFFFFC000  }
0x10e: {  	[spmem:s2] =	stream.indirect.scatter.add.f32 [tilespmem:s9], [sflag:$0x4], $0x80, s20, s8, $0xb8;
	[tilespmem:$0x1DC00] =	vst v63  }
0x10f: {  	_ =	swait.ge [sflag:s11], $0x4000  }
0x110: {  	s21 =	sld [smem:$0x7E9]  }
0x111: {  	[sflag:s11] =	ssyncset.done $0x0  }
0x112: {  	[sflag:s11] =	ssyncadd.s32 $0xFFFFC000  }
0x113: {  	[tilespmem:s12], [sflag:$0x1] =	stream.indirect.gather [hbm4b:s3+s8], $0x80, s21, s8, $0xb8;
	[tilespmem:$0x1DC00] =	vst v63  }
0x114: {  	_ =	swait.ge [sflag:s13], $0x4000  }
0x115: {  	s22 =	sld [smem:$0x7EA]  }
0x116: {  	[sflag:s13] =	ssyncset.done $0x0  }
0x117: {  	[sflag:s13] =	ssyncadd.s32 $0xFFFFC000  }
0x118: {  	[spmem:s2] =	stream.indirect.scatter.add.f32 [tilespmem:s12], [sflag:$0x3], $0x80, s22, s8, $0xb8;
	[tilespmem:$0x1DC00] =	vst v63  }
0x119: {  	_ =	swait.ge [sflag:s14], $0x4000  }
0x11a: {  	s23 =	sld [smem:$0x7EB]  }
0x11b: {  	[sflag:s14] =	ssyncset.done $0x0  }
0x11c: {  	[sflag:s14] =	ssyncadd.s32 $0xFFFFC000  }
0x11d: {  	[tilespmem:s9], [sflag:$0x2] =	stream.indirect.gather [hbm4b:s3+s8], $0x80, s23, s8, $0xb8;
	[tilespmem:$0x1DC00] =	vst v63  }
0x11e: {  	_ =	swait.ge [sflag:s10], $0x4000  }
0x11f: {  	s24 =	sld [smem:$0x7EC]  }
0x120: {  	[sflag:s10] =	ssyncset.done $0x0  }
0x121: {  	[sflag:s10] =	ssyncadd.s32 $0xFFFFC000  }
0x122: {  	[spmem:s2] =	stream.indirect.scatter.add.f32 [tilespmem:s9], [sflag:$0x4], $0x80, s24, s8, $0xb8;
	[tilespmem:$0x1DC00] =	vst v63  }
0x123: {  	_ =	swait.ge [sflag:s11], $0x4000  }
0x124: {  	s25 =	sld [smem:$0x7ED]  }
0x125: {  	[sflag:s11] =	ssyncset.done $0x0  }
0x126: {  	[sflag:s11] =	ssyncadd.s32 $0xFFFFC000  }
0x127: {  	[tilespmem:s12], [sflag:$0x1] =	stream.indirect.gather [hbm4b:s3+s8], $0x80, s25, s8, $0xb8;
	[tilespmem:$0x1DC00] =	vst v63  }
0x128: {  	_ =	swait.ge [sflag:s13], $0x4000  }
0x129: {  	s26 =	sld [smem:$0x7EE]  }
0x12a: {  	[sflag:s13] =	ssyncset.done $0x0  }
0x12b: {  	[sflag:s13] =	ssyncadd.s32 $0xFFFFC000  }
0x12c: {  	[spmem:s2] =	stream.indirect.scatter.add.f32 [tilespmem:s12], [sflag:$0x3], $0x80, s26, s8, $0xb8;
	[tilespmem:$0x1DC00] =	vst v63  }
0x12d: {  	_ =	swait.ge [sflag:s14], $0x4000  }
0x12e: {  	s28 =	sld [smem:$0x7EF]  }
0x12f: {  	[sflag:s14] =	ssyncset.done $0x0  }
0x130: {  	[sflag:s14] =	ssyncadd.s32 $0xFFFFC000  }
0x131: {  	[tilespmem:s9], [sflag:$0x2] =	stream.indirect.gather [hbm4b:s3+s8], $0x80, s28, s8, $0xb8;
	[tilespmem:$0x1DC00] =	vst v63  }
0x132: {  	_ =	swait.ge [sflag:s10], $0x4000  }
0x133: {  	s29 =	sld [smem:$0x7F0]  }
0x134: {  	[sflag:s10] =	ssyncset.done $0x0  }
0x135: {  	[sflag:s10] =	ssyncadd.s32 $0xFFFFC000  }
0x136: {  	[spmem:s2] =	stream.indirect.scatter.add.f32 [tilespmem:s9], [sflag:$0x4], $0x80, s29, s8, $0xb8;
	[tilespmem:$0x1DC00] =	vst v63  }
0x137: {  	_ =	swait.ge [sflag:s11], $0x4000  }
0x138: {  	s30 =	sld [smem:$0x7F1]  }
0x139: {  	[sflag:s11] =	ssyncset.done $0x0  }
0x13a: {  	[sflag:s11] =	ssyncadd.s32 $0xFFFFC000  }
0x13b: {  	[tilespmem:s12], [sflag:$0x1] =	stream.indirect.gather [hbm4b:s3+s8], $0x80, s30, s8, $0xb8;
	[tilespmem:$0x1DC00] =	vst v63  }
0x13c: {  	_ =	swait.ge [sflag:s13], $0x4000  }
0x13d: {  	s31 =	sld [smem:$0x7F2]  }
0x13e: {  	[sflag:s13] =	ssyncset.done $0x0  }
0x13f: {  	[sflag:s13] =	ssyncadd.s32 $0xFFFFC000  }
0x140: {  	[spmem:s2] =	stream.indirect.scatter.add.f32 [tilespmem:s12], [sflag:$0x3], $0x80, s31, s8, $0xb8;
	[tilespmem:$0x1DC00] =	vst v63  }
0x141: {  	_ =	swait.ge [sflag:s14], $0x4000  }
0x142: {  	s19 =	sld [smem:$0x7F3]  }
0x143: {  	[sflag:s14] =	ssyncset.done $0x0  }
0x144: {  	[sflag:s14] =	ssyncadd.s32 $0xFFFFC000  }
0x145: {  	[tilespmem:s9], [sflag:$0x2] =	stream.indirect.gather [hbm4b:s3+s8], $0x80, s19, s8, $0xb8;
	[tilespmem:$0x1DC00] =	vst v63  }
0x146: {  	_ =	swait.ge [sflag:s10], $0x4000  }
0x147: {  	s20 =	sld [smem:$0x7F4]  }
0x148: {  	[sflag:s10] =	ssyncset.done $0x0  }
0x149: {  	[sflag:s10] =	ssyncadd.s32 $0xFFFFC000  }
0x14a: {  	[spmem:s2] =	stream.indirect.scatter.add.f32 [tilespmem:s9], [sflag:$0x4], $0x80, s20, s8, $0xb8;
	[tilespmem:$0x1DC00] =	vst v63  }
0x14b: {  	_ =	swait.ge [sflag:s11], $0x4000  }
0x14c: {  	s21 =	sld [smem:$0x7F5]  }
0x14d: {  	[sflag:s11] =	ssyncset.done $0x0  }
0x14e: {  	[sflag:s11] =	ssyncadd.s32 $0xFFFFC000  }
0x14f: {  	[tilespmem:s12], [sflag:$0x1] =	stream.indirect.gather [hbm4b:s3+s8], $0x80, s21, s8, $0xb8;
	[tilespmem:$0x1DC00] =	vst v63  }
0x150: {  	_ =	swait.ge [sflag:s13], $0x4000  }
0x151: {  	s22 =	sld [smem:$0x7F6]  }
0x152: {  	[sflag:s13] =	ssyncset.done $0x0  }
0x153: {  	[sflag:s13] =	ssyncadd.s32 $0xFFFFC000  }
0x154: {  	[spmem:s2] =	stream.indirect.scatter.add.f32 [tilespmem:s12], [sflag:$0x3], $0x80, s22, s8, $0xb8;
	[tilespmem:$0x1DC00] =	vst v63  }
0x155: {  	_ =	swait.ge [sflag:s14], $0x4000  }
0x156: {  	s23 =	sld [smem:$0x7F7]  }
0x157: {  	[sflag:s14] =	ssyncset.done $0x0  }
0x158: {  	[sflag:s14] =	ssyncadd.s32 $0xFFFFC000  }
0x159: {  	[tilespmem:s9], [sflag:$0x2] =	stream.indirect.gather [hbm4b:s3+s8], $0x80, s23, s8, $0xb8;
	[tilespmem:$0x1DC00] =	vst v63  }
0x15a: {  	_ =	swait.ge [sflag:s10], $0x4000  }
0x15b: {  	s24 =	sld [smem:$0x7F8]  }
0x15c: {  	[sflag:s10] =	ssyncset.done $0x0  }
0x15d: {  	[sflag:s10] =	ssyncadd.s32 $0xFFFFC000  }
0x15e: {  	[spmem:s2] =	stream.indirect.scatter.add.f32 [tilespmem:s9], [sflag:$0x4], $0x80, s24, s8, $0xb8;
	[tilespmem:$0x1DC00] =	vst v63  }
0x15f: {  	_ =	swait.ge [sflag:s11], $0x4000  }
0x160: {  	s25 =	sld [smem:$0x7F9]  }
0x161: {  	[sflag:s11] =	ssyncset.done $0x0  }
0x162: {  	[sflag:s11] =	ssyncadd.s32 $0xFFFFC000  }
0x163: {  	[tilespmem:s12], [sflag:$0x1] =	stream.indirect.gather [hbm4b:s3+s8], $0x80, s25, s8, $0xb8;
	[tilespmem:$0x1DC00] =	vst v63  }
0x164: {  	_ =	swait.ge [sflag:s13], $0x4000  }
0x165: {  	s26 =	sld [smem:$0x7FA]  }
0x166: {  	[sflag:s13] =	ssyncset.done $0x0  }
0x167: {  	[sflag:s13] =	ssyncadd.s32 $0xFFFFC000  }
0x168: {  	[spmem:s2] =	stream.indirect.scatter.add.f32 [tilespmem:s12], [sflag:$0x3], $0x80, s26, s8, $0xb8;
	[tilespmem:$0x1DC00] =	vst v63  }
0x169: {  	_ =	swait.ge [sflag:s14], $0x4000  }
0x16a: {  	s28 =	sld [smem:$0x7FB]  }
0x16b: {  	[sflag:s14] =	ssyncset.done $0x0  }
0x16c: {  	[sflag:s14] =	ssyncadd.s32 $0xFFFFC000  }
0x16d: {  	[tilespmem:s9], [sflag:$0x2] =	stream.indirect.gather [hbm4b:s3+s8], $0x80, s28, s8, $0xb8;
	[tilespmem:$0x1DC00] =	vst v63  }
0x16e: {  	_ =	swait.ge [sflag:s10], $0x4000  }
0x16f: {  	s29 =	sld [smem:$0x7FC]  }
0x170: {  	[sflag:s10] =	ssyncset.done $0x0  }
0x171: {  	[sflag:s10] =	ssyncadd.s32 $0xFFFFC000  }
0x172: {  	[spmem:s2] =	stream.indirect.scatter.add.f32 [tilespmem:s9], [sflag:$0x4], $0x80, s29, s8, $0xb8;
	[tilespmem:$0x1DC00] =	vst v63  }
0x173: {  	_ =	swait.ge [sflag:s11], $0x4000  }
0x174: {  	s30 =	sld [smem:$0x7FD]  }
0x175: {  	[sflag:s11] =	ssyncset.done $0x0  }
0x176: {  	[sflag:s11] =	ssyncadd.s32 $0xFFFFC000  }
0x177: {  	[tilespmem:s12], [sflag:$0x1] =	stream.indirect.gather [hbm4b:s3+s8], $0x80, s30, s8, $0xb8;
	[tilespmem:$0x1DC00] =	vst v63  }
0x178: {  	_ =	swait.ge [sflag:s13], $0x4000  }
0x179: {  	[sflag:s13] =	ssyncset.done $0x0  }
0x17a: {  	s18 =	simm.s32 $0x1F00;
	s19 =	smul.u32 $0x2780, s1;
	[sflag:s13] =	ssyncadd.s32 $0xFFFFC000  }
0x17b: {  	[spmem:s2] =	stream.indirect.scatter.add.f32 [tilespmem:s12], [sflag:$0x3], $0x80, s18, s8, $0xb8;
	[tilespmem:$0x1DC00] =	vst v63  }
0x17c: {  	_ =	swait.ge [sflag:s14], $0x4000  }
0x17d: {  	s31 =	sadd.s32 s19, s17;
	[sflag:s14] =	ssyncset.done $0x0  }
0x17e: {  	s19 =	simm.s32 $0x1F80;
	s20 =	simm.s32 $0xF80;
	[sflag:s14] =	ssyncadd.s32 $0xFFFFC000  }
0x17f: {  	[tilespmem:s9], [sflag:$0x2] =	stream.indirect.gather [hbm4b:s3+s8], $0x80, s20, s8, $0xb8;
	[tilespmem:$0x1DC00] =	vst v63  }
0x180: {  	s17 =	sadd.s32 $0x69E00, s31;
	s21 =	simm.s32 $0x200;
	_ =	swait.ge [sflag:s10], $0x4000  }
0x181: {  	s22 =	simm.s32 $0x400;
	s23 =	rddreg [dreg:$0x5];
	[sflag:s10] =	ssyncset.done $0x0  }
.LBB2_2:
0x182: {  	[sflag:s10] =	ssyncadd.s32 $0xFFFFC000  }
0x183: {  	[spmem:s2] =	stream.indirect.scatter.add.f32 [tilespmem:s9], [sflag:$0x4], $0x80, s19, s8, $0xb8;
	[tilespmem:$0x1DC00] =	vst v63  }
0x184: {  	s23 =	sadd.s32 s21, s23  }
0x185: {  	[tilespmem:s6], [sflag:$0x5] =	stream.linear.gather [hbm4b:s23+s6], $0x800, $0x38;
	[tilespmem:$0x1DC00] =	vst v63  }
0x186: {  	_ =	swait.ge [sflag:s7], $0x800  }
0x187: {  	p1 =	seq.s32 s21, $0x0;
	s24 =	rddreg [dreg:$0x4];
	[sflag:s7] =	ssyncset.done $0x0  }
0x188: {  	s26 =	rddreg [dreg:$0x6];
	[sflag:s7] =	ssyncadd.s32 $0xFFFFF800;
	s24 =	sadd.s32 s21, s24  }
0x189: {  	[tilespmem:s26], [sflag:$0x5] =	stream.linear.gather [hbm4b:s24+s6], $0x800, $0x38;
	[tilespmem:$0x1DC00] =	vst v63  }
0x18a: {  	s25 =	smov.u32 s22;
	s28 =	simm.s32 @p1 $0x2000;
	_ =	swait.ge [sflag:s7], $0x800  }
0x18b: {  	s29 =	simm.s32 @p1 $0x1;
	s21 =	smov.u32 s25;
	[sflag:s7] =	ssyncset.done $0x0  }
0x18c: {  	s25 =	simm.s32 @p1 $0x80;
	s26 =	simm.s32 @p1 $0x0;
	[sflag:s7] =	ssyncadd.s32 $0xFFFFF800  }
0x18d: {  	[tilespmem:s28], [sflag:$0x1] =	stream.indirect.gather @p1 [hbm4b:s3+s25], $0x80, s26, s25, $0xb8;
	[tilespmem:$0x1DC00] =	vst v63  }
0x18e: {  	_ =	swait.ge @p1 [sflag:s29], $0x4000  }
0x18f: {  	[sflag:s29] =	ssyncset.done @p1 $0x0  }
0x190: {  	s26 =	simm.s32 @p1 $0x1000;
	[sflag:s29] =	ssyncadd.s32 @p1 $0xFFFFC000;
	s29 =	simm.s32 @!p1 $0x3  }
0x191: {  	[spmem:s2] =	stream.indirect.scatter.add.f32 @p1 [tilespmem:s28], [sflag:$0x3], $0x80, s26, s25, $0xb8;
	[tilespmem:$0x1DC00] =	vst v63  }
0x192: {  	_ =	swait.ge @!p1 [sflag:s29], $0x4000  }
0x193: {  	s25 =	simm.s32 @!p1 $0x2000;
	s26 =	simm.s32 @!p1 $0x80;
	[sflag:s29] =	ssyncset.done @!p1 $0x0  }
0x194: {  	s28 =	simm.s32 @!p1 $0x0;
	[sflag:s29] =	ssyncadd.s32 @!p1 $0xFFFFC000;
	s29 =	simm.s32 @!p1 $0x1  }
0x195: {  	[tilespmem:s25], [sflag:$0x1] =	stream.indirect.gather @!p1 [hbm4b:s3+s26], $0x80, s28, s26, $0xb8;
	[tilespmem:$0x1DC00] =	vst v63  }
0x196: {  	_ =	swait.ge @!p1 [sflag:s29], $0x4000  }
0x197: {  	[sflag:s29] =	ssyncset.done @!p1 $0x0  }
0x198: {  	s28 =	simm.s32 @!p1 $0x1000;
	[sflag:s29] =	ssyncadd.s32 @!p1 $0xFFFFC000;
	s29 =	simm.s32 @!p1 $0x4  }
0x199: {  	[spmem:s2] =	stream.indirect.scatter.add.f32 @!p1 [tilespmem:s25], [sflag:$0x3], $0x80, s28, s26, $0xb8;
	[tilespmem:$0x1DC00] =	vst v63  }
0x19a: {  	_ =	swait.ge @!p1 [sflag:s29], $0x4000  }
0x19b: {  	[sflag:s29] =	ssyncset.done @!p1 $0x0  }
0x19c: {  	[sflag:s29] =	ssyncadd.s32 @!p1 $0xFFFFC000  }
0x19d: {  	[tilespmem:s9], [sflag:$0x2] =	stream.indirect.gather [hbm4b:s3+s8], $0x80, s8, s8, $0xb8;
	[tilespmem:$0x1DC00] =	vst v63  }
0x19e: {  	_ =	swait.ge [sflag:s10], $0x4000  }
0x19f: {  	[sflag:s10] =	ssyncset.done $0x0  }
0x1a0: {  	s28 =	rddreg [dreg:$0x7];
	[sflag:s10] =	ssyncadd.s32 $0xFFFFC000  }
0x1a1: {  	[spmem:s2] =	stream.indirect.scatter.add.f32 [tilespmem:s9], [sflag:$0x4], $0x80, s28, s8, $0xb8;
	[tilespmem:$0x1DC00] =	vst v63  }
0x1a2: {  	_ =	swait.ge [sflag:s11], $0x4000  }
0x1a3: {  	[sflag:s11] =	ssyncset.done $0x0  }
0x1a4: {  	s29 =	rddreg [dreg:$0x8];
	[sflag:s11] =	ssyncadd.s32 $0xFFFFC000  }
0x1a5: {  	[tilespmem:s12], [sflag:$0x1] =	stream.indirect.gather [hbm4b:s3+s8], $0x80, s29, s8, $0xb8;
	[tilespmem:$0x1DC00] =	vst v63  }
0x1a6: {  	_ =	swait.ge [sflag:s13], $0x4000  }
0x1a7: {  	[sflag:s13] =	ssyncset.done $0x0  }
0x1a8: {  	s30 =	rddreg [dreg:$0x9];
	[sflag:s13] =	ssyncadd.s32 $0xFFFFC000  }
0x1a9: {  	[spmem:s2] =	stream.indirect.scatter.add.f32 [tilespmem:s12], [sflag:$0x3], $0x80, s30, s8, $0xb8;
	[tilespmem:$0x1DC00] =	vst v63  }
0x1aa: {  	_ =	swait.ge [sflag:s14], $0x4000  }
0x1ab: {  	[sflag:s14] =	ssyncset.done $0x0  }
0x1ac: {  	s31 =	rddreg [dreg:$0xa];
	[sflag:s14] =	ssyncadd.s32 $0xFFFFC000  }
0x1ad: {  	[tilespmem:s9], [sflag:$0x2] =	stream.indirect.gather [hbm4b:s3+s8], $0x80, s31, s8, $0xb8;
	[tilespmem:$0x1DC00] =	vst v63  }
0x1ae: {  	_ =	swait.ge [sflag:s10], $0x4000  }
0x1af: {  	[sflag:s10] =	ssyncset.done $0x0  }
0x1b0: {  	s26 =	rddreg [dreg:$0xb];
	[sflag:s10] =	ssyncadd.s32 $0xFFFFC000  }
0x1b1: {  	[spmem:s2] =	stream.indirect.scatter.add.f32 [tilespmem:s9], [sflag:$0x4], $0x80, s26, s8, $0xb8;
	[tilespmem:$0x1DC00] =	vst v63  }
0x1b2: {  	_ =	swait.ge [sflag:s11], $0x4000  }
0x1b3: {  	[sflag:s11] =	ssyncset.done $0x0  }
0x1b4: {  	s28 =	rddreg [dreg:$0xc];
	[sflag:s11] =	ssyncadd.s32 $0xFFFFC000  }
0x1b5: {  	[tilespmem:s12], [sflag:$0x1] =	stream.indirect.gather [hbm4b:s3+s8], $0x80, s28, s8, $0xb8;
	[tilespmem:$0x1DC00] =	vst v63  }
0x1b6: {  	_ =	swait.ge [sflag:s13], $0x4000  }
0x1b7: {  	[sflag:s13] =	ssyncset.done $0x0  }
0x1b8: {  	s29 =	rddreg [dreg:$0xd];
	[sflag:s13] =	ssyncadd.s32 $0xFFFFC000  }
0x1b9: {  	[spmem:s2] =	stream.indirect.scatter.add.f32 [tilespmem:s12], [sflag:$0x3], $0x80, s29, s8, $0xb8;
	[tilespmem:$0x1DC00] =	vst v63  }
0x1ba: {  	_ =	swait.ge [sflag:s14], $0x4000  }
0x1bb: {  	[sflag:s14] =	ssyncset.done $0x0  }
0x1bc: {  	s30 =	rddreg [dreg:$0xe];
	[sflag:s14] =	ssyncadd.s32 $0xFFFFC000  }
0x1bd: {  	[tilespmem:s9], [sflag:$0x2] =	stream.indirect.gather [hbm4b:s3+s8], $0x80, s30, s8, $0xb8;
	[tilespmem:$0x1DC00] =	vst v63  }
0x1be: {  	_ =	swait.ge [sflag:s10], $0x4000  }
0x1bf: {  	[sflag:s10] =	ssyncset.done $0x0  }
0x1c0: {  	s31 =	rddreg [dreg:$0xf];
	[sflag:s10] =	ssyncadd.s32 $0xFFFFC000  }
0x1c1: {  	[spmem:s2] =	stream.indirect.scatter.add.f32 [tilespmem:s9], [sflag:$0x4], $0x80, s31, s8, $0xb8;
	[tilespmem:$0x1DC00] =	vst v63  }
0x1c2: {  	_ =	swait.ge [sflag:s11], $0x4000  }
0x1c3: {  	[sflag:s11] =	ssyncset.done $0x0  }
0x1c4: {  	s26 =	rddreg [dreg:$0x10];
	[sflag:s11] =	ssyncadd.s32 $0xFFFFC000  }
0x1c5: {  	[tilespmem:s12], [sflag:$0x1] =	stream.indirect.gather [hbm4b:s3+s8], $0x80, s26, s8, $0xb8;
	[tilespmem:$0x1DC00] =	vst v63  }
0x1c6: {  	_ =	swait.ge [sflag:s13], $0x4000  }
0x1c7: {  	[sflag:s13] =	ssyncset.done $0x0  }
0x1c8: {  	s28 =	rddreg [dreg:$0x11];
	[sflag:s13] =	ssyncadd.s32 $0xFFFFC000  }
0x1c9: {  	[spmem:s2] =	stream.indirect.scatter.add.f32 [tilespmem:s12], [sflag:$0x3], $0x80, s28, s8, $0xb8;
	[tilespmem:$0x1DC00] =	vst v63  }
0x1ca: {  	_ =	swait.ge [sflag:s14], $0x4000  }
0x1cb: {  	[sflag:s14] =	ssyncset.done $0x0  }
0x1cc: {  	s29 =	rddreg [dreg:$0x12];
	[sflag:s14] =	ssyncadd.s32 $0xFFFFC000  }
0x1cd: {  	[tilespmem:s9], [sflag:$0x2] =	stream.indirect.gather [hbm4b:s3+s8], $0x80, s29, s8, $0xb8;
	[tilespmem:$0x1DC00] =	vst v63  }
0x1ce: {  	_ =	swait.ge [sflag:s10], $0x4000  }
0x1cf: {  	[sflag:s10] =	ssyncset.done $0x0  }
0x1d0: {  	s30 =	rddreg [dreg:$0x13];
	[sflag:s10] =	ssyncadd.s32 $0xFFFFC000  }
0x1d1: {  	[spmem:s2] =	stream.indirect.scatter.add.f32 [tilespmem:s9], [sflag:$0x4], $0x80, s30, s8, $0xb8;
	[tilespmem:$0x1DC00] =	vst v63  }
0x1d2: {  	_ =	swait.ge [sflag:s11], $0x4000  }
0x1d3: {  	[sflag:s11] =	ssyncset.done $0x0  }
0x1d4: {  	s31 =	rddreg [dreg:$0x14];
	[sflag:s11] =	ssyncadd.s32 $0xFFFFC000  }
0x1d5: {  	[tilespmem:s12], [sflag:$0x1] =	stream.indirect.gather [hbm4b:s3+s8], $0x80, s31, s8, $0xb8;
	[tilespmem:$0x1DC00] =	vst v63  }
0x1d6: {  	_ =	swait.ge [sflag:s13], $0x4000  }
0x1d7: {  	[sflag:s13] =	ssyncset.done $0x0  }
0x1d8: {  	s26 =	rddreg [dreg:$0x15];
	[sflag:s13] =	ssyncadd.s32 $0xFFFFC000  }
0x1d9: {  	[spmem:s2] =	stream.indirect.scatter.add.f32 [tilespmem:s12], [sflag:$0x3], $0x80, s26, s8, $0xb8;
	[tilespmem:$0x1DC00] =	vst v63  }
0x1da: {  	_ =	swait.ge [sflag:s14], $0x4000  }
0x1db: {  	[sflag:s14] =	ssyncset.done $0x0  }
0x1dc: {  	s28 =	rddreg [dreg:$0x16];
	[sflag:s14] =	ssyncadd.s32 $0xFFFFC000  }
0x1dd: {  	[tilespmem:s9], [sflag:$0x2] =	stream.indirect.gather [hbm4b:s3+s8], $0x80, s28, s8, $0xb8;
	[tilespmem:$0x1DC00] =	vst v63  }
0x1de: {  	_ =	swait.ge [sflag:s10], $0x4000  }
0x1df: {  	[sflag:s10] =	ssyncset.done $0x0  }
0x1e0: {  	s29 =	rddreg [dreg:$0x17];
	[sflag:s10] =	ssyncadd.s32 $0xFFFFC000  }
0x1e1: {  	[spmem:s2] =	stream.indirect.scatter.add.f32 [tilespmem:s9], [sflag:$0x4], $0x80, s29, s8, $0xb8;
	[tilespmem:$0x1DC00] =	vst v63  }
0x1e2: {  	_ =	swait.ge [sflag:s11], $0x4000  }
0x1e3: {  	[sflag:s11] =	ssyncset.done $0x0  }
0x1e4: {  	s30 =	rddreg [dreg:$0x18];
	[sflag:s11] =	ssyncadd.s32 $0xFFFFC000  }
0x1e5: {  	[tilespmem:s12], [sflag:$0x1] =	stream.indirect.gather [hbm4b:s3+s8], $0x80, s30, s8, $0xb8;
	[tilespmem:$0x1DC00] =	vst v63  }
0x1e6: {  	_ =	swait.ge [sflag:s13], $0x4000  }
0x1e7: {  	[sflag:s13] =	ssyncset.done $0x0  }
0x1e8: {  	s31 =	rddreg [dreg:$0x19];
	[sflag:s13] =	ssyncadd.s32 $0xFFFFC000  }
0x1e9: {  	[spmem:s2] =	stream.indirect.scatter.add.f32 [tilespmem:s12], [sflag:$0x3], $0x80, s31, s8, $0xb8;
	[tilespmem:$0x1DC00] =	vst v63  }
0x1ea: {  	_ =	swait.ge [sflag:s14], $0x4000  }
0x1eb: {  	[sflag:s14] =	ssyncset.done $0x0  }
0x1ec: {  	s26 =	rddreg [dreg:$0x1a];
	[sflag:s14] =	ssyncadd.s32 $0xFFFFC000  }
0x1ed: {  	[tilespmem:s9], [sflag:$0x2] =	stream.indirect.gather [hbm4b:s3+s8], $0x80, s26, s8, $0xb8;
	[tilespmem:$0x1DC00] =	vst v63  }
0x1ee: {  	_ =	swait.ge [sflag:s10], $0x4000  }
0x1ef: {  	[sflag:s10] =	ssyncset.done $0x0  }
0x1f0: {  	s28 =	rddreg [dreg:$0x1b];
	[sflag:s10] =	ssyncadd.s32 $0xFFFFC000  }
0x1f1: {  	[spmem:s2] =	stream.indirect.scatter.add.f32 [tilespmem:s9], [sflag:$0x4], $0x80, s28, s8, $0xb8;
	[tilespmem:$0x1DC00] =	vst v63  }
0x1f2: {  	_ =	swait.ge [sflag:s11], $0x4000  }
0x1f3: {  	[sflag:s11] =	ssyncset.done $0x0  }
0x1f4: {  	s29 =	rddreg [dreg:$0x1c];
	[sflag:s11] =	ssyncadd.s32 $0xFFFFC000  }
0x1f5: {  	[tilespmem:s12], [sflag:$0x1] =	stream.indirect.gather [hbm4b:s3+s8], $0x80, s29, s8, $0xb8;
	[tilespmem:$0x1DC00] =	vst v63  }
0x1f6: {  	_ =	swait.ge [sflag:s13], $0x4000  }
0x1f7: {  	[sflag:s13] =	ssyncset.done $0x0  }
0x1f8: {  	s30 =	rddreg [dreg:$0x1d];
	[sflag:s13] =	ssyncadd.s32 $0xFFFFC000  }
0x1f9: {  	[spmem:s2] =	stream.indirect.scatter.add.f32 [tilespmem:s12], [sflag:$0x3], $0x80, s30, s8, $0xb8;
	[tilespmem:$0x1DC00] =	vst v63  }
0x1fa: {  	_ =	swait.ge [sflag:s14], $0x4000  }
0x1fb: {  	[sflag:s14] =	ssyncset.done $0x0  }
0x1fc: {  	s31 =	rddreg [dreg:$0x1e];
	[sflag:s14] =	ssyncadd.s32 $0xFFFFC000  }
0x1fd: {  	[tilespmem:s9], [sflag:$0x2] =	stream.indirect.gather [hbm4b:s3+s8], $0x80, s31, s8, $0xb8;
	[tilespmem:$0x1DC00] =	vst v63  }
0x1fe: {  	_ =	swait.ge [sflag:s10], $0x4000  }
0x1ff: {  	[sflag:s10] =	ssyncset.done $0x0  }
0x200: {  	s26 =	rddreg [dreg:$0x1f];
	[sflag:s10] =	ssyncadd.s32 $0xFFFFC000  }
0x201: {  	[spmem:s2] =	stream.indirect.scatter.add.f32 [tilespmem:s9], [sflag:$0x4], $0x80, s26, s8, $0xb8;
	[tilespmem:$0x1DC00] =	vst v63  }
0x202: {  	_ =	swait.ge [sflag:s11], $0x4000  }
0x203: {  	s28 =	sld [smem:$0x7DF]  }
0x204: {  	[sflag:s11] =	ssyncset.done $0x0  }
0x205: {  	[sflag:s11] =	ssyncadd.s32 $0xFFFFC000  }
0x206: {  	[tilespmem:s12], [sflag:$0x1] =	stream.indirect.gather [hbm4b:s3+s8], $0x80, s28, s8, $0xb8;
	[tilespmem:$0x1DC00] =	vst v63  }
0x207: {  	_ =	swait.ge [sflag:s13], $0x4000  }
0x208: {  	s29 =	sld [smem:$0x7E0]  }
0x209: {  	[sflag:s13] =	ssyncset.done $0x0  }
0x20a: {  	[sflag:s13] =	ssyncadd.s32 $0xFFFFC000  }
0x20b: {  	[spmem:s2] =	stream.indirect.scatter.add.f32 [tilespmem:s12], [sflag:$0x3], $0x80, s29, s8, $0xb8;
	[tilespmem:$0x1DC00] =	vst v63  }
0x20c: {  	_ =	swait.ge [sflag:s14], $0x4000  }
0x20d: {  	s30 =	sld [smem:$0x7E1]  }
0x20e: {  	[sflag:s14] =	ssyncset.done $0x0  }
0x20f: {  	[sflag:s14] =	ssyncadd.s32 $0xFFFFC000  }
0x210: {  	[tilespmem:s9], [sflag:$0x2] =	stream.indirect.gather [hbm4b:s3+s8], $0x80, s30, s8, $0xb8;
	[tilespmem:$0x1DC00] =	vst v63  }
0x211: {  	_ =	swait.ge [sflag:s10], $0x4000  }
0x212: {  	s31 =	sld [smem:$0x7E2]  }
0x213: {  	[sflag:s10] =	ssyncset.done $0x0  }
0x214: {  	[sflag:s10] =	ssyncadd.s32 $0xFFFFC000  }
0x215: {  	[spmem:s2] =	stream.indirect.scatter.add.f32 [tilespmem:s9], [sflag:$0x4], $0x80, s31, s8, $0xb8;
	[tilespmem:$0x1DC00] =	vst v63  }
0x216: {  	s23 =	sadd.s32 $0x100, s23  }
0x217: {  	[tilespmem:s15], [sflag:$0x5] =	stream.linear.gather [hbm4b:s23+s6], $0x800, $0x38;
	[tilespmem:$0x1DC00] =	vst v63  }
0x218: {  	_ =	swait.ge [sflag:s7], $0x800  }
0x219: {  	[sflag:s7] =	ssyncset.done $0x0  }
0x21a: {  	s24 =	sadd.s32 $0x100, s24;
	[sflag:s7] =	ssyncadd.s32 $0xFFFFF800  }
0x21b: {  	[tilespmem:s16], [sflag:$0x5] =	stream.linear.gather [hbm4b:s24+s6], $0x800, $0x38;
	[tilespmem:$0x1DC00] =	vst v63  }
0x21c: {  	_ =	swait.ge [sflag:s7], $0x800  }
0x21d: {  	[sflag:s7] =	ssyncset.done $0x0  }
0x21e: {  	[sflag:s7] =	ssyncadd.s32 $0xFFFFF800  }
0x21f: {  	_ =	swait.ge [sflag:s11], $0x4000  }
0x220: {  	[sflag:s11] =	ssyncset.done $0x0  }
0x221: {  	[sflag:s11] =	ssyncadd.s32 $0xFFFFC000  }
0x222: {  	[tilespmem:s12], [sflag:$0x1] =	stream.indirect.gather [hbm4b:s3+s8], $0x80, s15, s8, $0xb8;
	[tilespmem:$0x1DC00] =	vst v63  }
0x223: {  	_ =	swait.ge [sflag:s13], $0x4000  }
0x224: {  	[sflag:s13] =	ssyncset.done $0x0  }
0x225: {  	[sflag:s13] =	ssyncadd.s32 $0xFFFFC000  }
0x226: {  	[spmem:s2] =	stream.indirect.scatter.add.f32 [tilespmem:s12], [sflag:$0x3], $0x80, s16, s8, $0xb8;
	[tilespmem:$0x1DC00] =	vst v63  }
0x227: {  	_ =	swait.ge [sflag:s14], $0x4000  }
0x228: {  	s25 =	sld [smem:$0x7E3]  }
0x229: {  	[sflag:s14] =	ssyncset.done $0x0  }
0x22a: {  	[sflag:s14] =	ssyncadd.s32 $0xFFFFC000  }
0x22b: {  	[tilespmem:s9], [sflag:$0x2] =	stream.indirect.gather [hbm4b:s3+s8], $0x80, s25, s8, $0xb8;
	[tilespmem:$0x1DC00] =	vst v63  }
0x22c: {  	_ =	swait.ge [sflag:s10], $0x4000  }
0x22d: {  	s26 =	sld [smem:$0x7E4]  }
0x22e: {  	[sflag:s10] =	ssyncset.done $0x0  }
0x22f: {  	[sflag:s10] =	ssyncadd.s32 $0xFFFFC000  }
0x230: {  	[spmem:s2] =	stream.indirect.scatter.add.f32 [tilespmem:s9], [sflag:$0x4], $0x80, s26, s8, $0xb8;
	[tilespmem:$0x1DC00] =	vst v63  }
0x231: {  	_ =	swait.ge [sflag:s11], $0x4000  }
0x232: {  	s28 =	sld [smem:$0x7E5]  }
0x233: {  	[sflag:s11] =	ssyncset.done $0x0  }
0x234: {  	[sflag:s11] =	ssyncadd.s32 $0xFFFFC000  }
0x235: {  	[tilespmem:s12], [sflag:$0x1] =	stream.indirect.gather [hbm4b:s3+s8], $0x80, s28, s8, $0xb8;
	[tilespmem:$0x1DC00] =	vst v63  }
0x236: {  	_ =	swait.ge [sflag:s13], $0x4000  }
0x237: {  	s29 =	sld [smem:$0x7E6]  }
0x238: {  	[sflag:s13] =	ssyncset.done $0x0  }
0x239: {  	[sflag:s13] =	ssyncadd.s32 $0xFFFFC000  }
0x23a: {  	[spmem:s2] =	stream.indirect.scatter.add.f32 [tilespmem:s12], [sflag:$0x3], $0x80, s29, s8, $0xb8;
	[tilespmem:$0x1DC00] =	vst v63  }
0x23b: {  	_ =	swait.ge [sflag:s14], $0x4000  }
0x23c: {  	s30 =	sld [smem:$0x7E7]  }
0x23d: {  	[sflag:s14] =	ssyncset.done $0x0  }
0x23e: {  	[sflag:s14] =	ssyncadd.s32 $0xFFFFC000  }
0x23f: {  	[tilespmem:s9], [sflag:$0x2] =	stream.indirect.gather [hbm4b:s3+s8], $0x80, s30, s8, $0xb8;
	[tilespmem:$0x1DC00] =	vst v63  }
0x240: {  	_ =	swait.ge [sflag:s10], $0x4000  }
0x241: {  	s31 =	sld [smem:$0x7E8]  }
0x242: {  	[sflag:s10] =	ssyncset.done $0x0  }
0x243: {  	[sflag:s10] =	ssyncadd.s32 $0xFFFFC000  }
0x244: {  	[spmem:s2] =	stream.indirect.scatter.add.f32 [tilespmem:s9], [sflag:$0x4], $0x80, s31, s8, $0xb8;
	[tilespmem:$0x1DC00] =	vst v63  }
0x245: {  	_ =	swait.ge [sflag:s11], $0x4000  }
0x246: {  	s24 =	sld [smem:$0x7E9]  }
0x247: {  	[sflag:s11] =	ssyncset.done $0x0  }
0x248: {  	[sflag:s11] =	ssyncadd.s32 $0xFFFFC000  }
0x249: {  	[tilespmem:s12], [sflag:$0x1] =	stream.indirect.gather [hbm4b:s3+s8], $0x80, s24, s8, $0xb8;
	[tilespmem:$0x1DC00] =	vst v63  }
0x24a: {  	_ =	swait.ge [sflag:s13], $0x4000  }
0x24b: {  	s25 =	sld [smem:$0x7EA]  }
0x24c: {  	[sflag:s13] =	ssyncset.done $0x0  }
0x24d: {  	[sflag:s13] =	ssyncadd.s32 $0xFFFFC000  }
0x24e: {  	[spmem:s2] =	stream.indirect.scatter.add.f32 [tilespmem:s12], [sflag:$0x3], $0x80, s25, s8, $0xb8;
	[tilespmem:$0x1DC00] =	vst v63  }
0x24f: {  	_ =	swait.ge [sflag:s14], $0x4000  }
0x250: {  	s26 =	sld [smem:$0x7EB]  }
0x251: {  	[sflag:s14] =	ssyncset.done $0x0  }
0x252: {  	[sflag:s14] =	ssyncadd.s32 $0xFFFFC000  }
0x253: {  	[tilespmem:s9], [sflag:$0x2] =	stream.indirect.gather [hbm4b:s3+s8], $0x80, s26, s8, $0xb8;
	[tilespmem:$0x1DC00] =	vst v63  }
0x254: {  	_ =	swait.ge [sflag:s10], $0x4000  }
0x255: {  	s28 =	sld [smem:$0x7EC]  }
0x256: {  	[sflag:s10] =	ssyncset.done $0x0  }
0x257: {  	[sflag:s10] =	ssyncadd.s32 $0xFFFFC000  }
0x258: {  	[spmem:s2] =	stream.indirect.scatter.add.f32 [tilespmem:s9], [sflag:$0x4], $0x80, s28, s8, $0xb8;
	[tilespmem:$0x1DC00] =	vst v63  }
0x259: {  	_ =	swait.ge [sflag:s11], $0x4000  }
0x25a: {  	s29 =	sld [smem:$0x7ED]  }
0x25b: {  	[sflag:s11] =	ssyncset.done $0x0  }
0x25c: {  	[sflag:s11] =	ssyncadd.s32 $0xFFFFC000  }
0x25d: {  	[tilespmem:s12], [sflag:$0x1] =	stream.indirect.gather [hbm4b:s3+s8], $0x80, s29, s8, $0xb8;
	[tilespmem:$0x1DC00] =	vst v63  }
0x25e: {  	_ =	swait.ge [sflag:s13], $0x4000  }
0x25f: {  	s30 =	sld [smem:$0x7EE]  }
0x260: {  	[sflag:s13] =	ssyncset.done $0x0  }
0x261: {  	[sflag:s13] =	ssyncadd.s32 $0xFFFFC000  }
0x262: {  	[spmem:s2] =	stream.indirect.scatter.add.f32 [tilespmem:s12], [sflag:$0x3], $0x80, s30, s8, $0xb8;
	[tilespmem:$0x1DC00] =	vst v63  }
0x263: {  	_ =	swait.ge [sflag:s14], $0x4000  }
0x264: {  	s31 =	sld [smem:$0x7EF]  }
0x265: {  	[sflag:s14] =	ssyncset.done $0x0  }
0x266: {  	[sflag:s14] =	ssyncadd.s32 $0xFFFFC000  }
0x267: {  	[tilespmem:s9], [sflag:$0x2] =	stream.indirect.gather [hbm4b:s3+s8], $0x80, s31, s8, $0xb8;
	[tilespmem:$0x1DC00] =	vst v63  }
0x268: {  	_ =	swait.ge [sflag:s10], $0x4000  }
0x269: {  	s24 =	sld [smem:$0x7F0]  }
0x26a: {  	[sflag:s10] =	ssyncset.done $0x0  }
0x26b: {  	[sflag:s10] =	ssyncadd.s32 $0xFFFFC000  }
0x26c: {  	[spmem:s2] =	stream.indirect.scatter.add.f32 [tilespmem:s9], [sflag:$0x4], $0x80, s24, s8, $0xb8;
	[tilespmem:$0x1DC00] =	vst v63  }
0x26d: {  	_ =	swait.ge [sflag:s11], $0x4000  }
0x26e: {  	s25 =	sld [smem:$0x7F1]  }
0x26f: {  	[sflag:s11] =	ssyncset.done $0x0  }
0x270: {  	[sflag:s11] =	ssyncadd.s32 $0xFFFFC000  }
0x271: {  	[tilespmem:s12], [sflag:$0x1] =	stream.indirect.gather [hbm4b:s3+s8], $0x80, s25, s8, $0xb8;
	[tilespmem:$0x1DC00] =	vst v63  }
0x272: {  	_ =	swait.ge [sflag:s13], $0x4000  }
0x273: {  	s26 =	sld [smem:$0x7F2]  }
0x274: {  	[sflag:s13] =	ssyncset.done $0x0  }
0x275: {  	[sflag:s13] =	ssyncadd.s32 $0xFFFFC000  }
0x276: {  	[spmem:s2] =	stream.indirect.scatter.add.f32 [tilespmem:s12], [sflag:$0x3], $0x80, s26, s8, $0xb8;
	[tilespmem:$0x1DC00] =	vst v63  }
0x277: {  	_ =	swait.ge [sflag:s14], $0x4000  }
0x278: {  	s28 =	sld [smem:$0x7F3]  }
0x279: {  	[sflag:s14] =	ssyncset.done $0x0  }
0x27a: {  	[sflag:s14] =	ssyncadd.s32 $0xFFFFC000  }
0x27b: {  	[tilespmem:s9], [sflag:$0x2] =	stream.indirect.gather [hbm4b:s3+s8], $0x80, s28, s8, $0xb8;
	[tilespmem:$0x1DC00] =	vst v63  }
0x27c: {  	_ =	swait.ge [sflag:s10], $0x4000  }
0x27d: {  	s29 =	sld [smem:$0x7F4]  }
0x27e: {  	[sflag:s10] =	ssyncset.done $0x0  }
0x27f: {  	[sflag:s10] =	ssyncadd.s32 $0xFFFFC000  }
0x280: {  	[spmem:s2] =	stream.indirect.scatter.add.f32 [tilespmem:s9], [sflag:$0x4], $0x80, s29, s8, $0xb8;
	[tilespmem:$0x1DC00] =	vst v63  }
0x281: {  	_ =	swait.ge [sflag:s11], $0x4000  }
0x282: {  	s30 =	sld [smem:$0x7F5]  }
0x283: {  	[sflag:s11] =	ssyncset.done $0x0  }
0x284: {  	[sflag:s11] =	ssyncadd.s32 $0xFFFFC000  }
0x285: {  	[tilespmem:s12], [sflag:$0x1] =	stream.indirect.gather [hbm4b:s3+s8], $0x80, s30, s8, $0xb8;
	[tilespmem:$0x1DC00] =	vst v63  }
0x286: {  	_ =	swait.ge [sflag:s13], $0x4000  }
0x287: {  	s31 =	sld [smem:$0x7F6]  }
0x288: {  	[sflag:s13] =	ssyncset.done $0x0  }
0x289: {  	[sflag:s13] =	ssyncadd.s32 $0xFFFFC000  }
0x28a: {  	[spmem:s2] =	stream.indirect.scatter.add.f32 [tilespmem:s12], [sflag:$0x3], $0x80, s31, s8, $0xb8;
	[tilespmem:$0x1DC00] =	vst v63  }
0x28b: {  	_ =	swait.ge [sflag:s14], $0x4000  }
0x28c: {  	s24 =	sld [smem:$0x7F7]  }
0x28d: {  	[sflag:s14] =	ssyncset.done $0x0  }
0x28e: {  	[sflag:s14] =	ssyncadd.s32 $0xFFFFC000  }
0x28f: {  	[tilespmem:s9], [sflag:$0x2] =	stream.indirect.gather [hbm4b:s3+s8], $0x80, s24, s8, $0xb8;
	[tilespmem:$0x1DC00] =	vst v63  }
0x290: {  	_ =	swait.ge [sflag:s10], $0x4000  }
0x291: {  	s25 =	sld [smem:$0x7F8]  }
0x292: {  	[sflag:s10] =	ssyncset.done $0x0  }
0x293: {  	[sflag:s10] =	ssyncadd.s32 $0xFFFFC000  }
0x294: {  	[spmem:s2] =	stream.indirect.scatter.add.f32 [tilespmem:s9], [sflag:$0x4], $0x80, s25, s8, $0xb8;
	[tilespmem:$0x1DC00] =	vst v63  }
0x295: {  	_ =	swait.ge [sflag:s11], $0x4000  }
0x296: {  	s26 =	sld [smem:$0x7F9]  }
0x297: {  	[sflag:s11] =	ssyncset.done $0x0  }
0x298: {  	[sflag:s11] =	ssyncadd.s32 $0xFFFFC000  }
0x299: {  	[tilespmem:s12], [sflag:$0x1] =	stream.indirect.gather [hbm4b:s3+s8], $0x80, s26, s8, $0xb8;
	[tilespmem:$0x1DC00] =	vst v63  }
0x29a: {  	_ =	swait.ge [sflag:s13], $0x4000  }
0x29b: {  	s28 =	sld [smem:$0x7FA]  }
0x29c: {  	[sflag:s13] =	ssyncset.done $0x0  }
0x29d: {  	[sflag:s13] =	ssyncadd.s32 $0xFFFFC000  }
0x29e: {  	[spmem:s2] =	stream.indirect.scatter.add.f32 [tilespmem:s12], [sflag:$0x3], $0x80, s28, s8, $0xb8;
	[tilespmem:$0x1DC00] =	vst v63  }
0x29f: {  	_ =	swait.ge [sflag:s14], $0x4000  }
0x2a0: {  	s29 =	sld [smem:$0x7FB]  }
0x2a1: {  	[sflag:s14] =	ssyncset.done $0x0  }
0x2a2: {  	[sflag:s14] =	ssyncadd.s32 $0xFFFFC000  }
0x2a3: {  	[tilespmem:s9], [sflag:$0x2] =	stream.indirect.gather [hbm4b:s3+s8], $0x80, s29, s8, $0xb8;
	[tilespmem:$0x1DC00] =	vst v63  }
0x2a4: {  	_ =	swait.ge [sflag:s10], $0x4000  }
0x2a5: {  	s30 =	sld [smem:$0x7FC]  }
0x2a6: {  	[sflag:s10] =	ssyncset.done $0x0  }
0x2a7: {  	[sflag:s10] =	ssyncadd.s32 $0xFFFFC000  }
0x2a8: {  	[spmem:s2] =	stream.indirect.scatter.add.f32 [tilespmem:s9], [sflag:$0x4], $0x80, s30, s8, $0xb8;
	[tilespmem:$0x1DC00] =	vst v63  }
0x2a9: {  	_ =	swait.ge [sflag:s11], $0x4000  }
0x2aa: {  	s31 =	sld [smem:$0x7FD]  }
0x2ab: {  	[sflag:s11] =	ssyncset.done $0x0  }
0x2ac: {  	[sflag:s11] =	ssyncadd.s32 $0xFFFFC000  }
0x2ad: {  	[tilespmem:s12], [sflag:$0x1] =	stream.indirect.gather [hbm4b:s3+s8], $0x80, s31, s8, $0xb8;
	[tilespmem:$0x1DC00] =	vst v63  }
0x2ae: {  	_ =	swait.ge [sflag:s13], $0x4000  }
0x2af: {  	[sflag:s13] =	ssyncset.done $0x0  }
0x2b0: {  	s22 =	sadd.s32 $0x200, s22;
	[sflag:s13] =	ssyncadd.s32 $0xFFFFC000  }
0x2b1: {  	[spmem:s2] =	stream.indirect.scatter.add.f32 [tilespmem:s12], [sflag:$0x3], $0x80, s18, s8, $0xb8;
	[tilespmem:$0x1DC00] =	vst v63  }
0x2b2: {  	p0 =	sne.s32 s22, $0xA00;
	_ =	swait.ge [sflag:s14], $0x4000  }
.Ltmp1:
0x2b3: {  	[sflag:s14] =	ssyncset.done $0x0;
	(pc) =	sbr.rel @p0 .LBB2_2-.Ltmp1, $4  }
0x2b4: {  	[sflag:s14] =	ssyncadd.s32 $0xFFFFC000  }
0x2b5: {  	[tilespmem:s9], [sflag:$0x2] =	stream.indirect.gather [hbm4b:s3+s8], $0x80, s20, s8, $0xb8;
	[tilespmem:$0x1DC00] =	vst v63  }
0x2b6: {  	_ =	swait.ge [sflag:s10], $0x4000  }
0x2b7: {  	s23 =	rddreg [dreg:$0x5];
	[sflag:s10] =	ssyncset.done $0x0  }
0x2b8: {  	[sflag:s10] =	ssyncadd.s32 $0xFFFFC000  }
0x2b9: {  	[spmem:s2] =	stream.indirect.scatter.add.f32 [tilespmem:s9], [sflag:$0x4], $0x80, s19, s8, $0xb8;
	[tilespmem:$0x1DC00] =	vst v63  }
0x2ba: {  	s22 =	sadd.s32 s21, s23  }
0x2bb: {  	[tilespmem:s6], [sflag:$0x5] =	stream.linear.gather [hbm4b:s22+s6], $0x800, $0x38;
	[tilespmem:$0x1DC00] =	vst v63  }
0x2bc: {  	_ =	swait.ge [sflag:s7], $0x800  }
0x2bd: {  	s31 =	rddreg [dreg:$0x4];
	[sflag:s7] =	ssyncset.done $0x0  }
0x2be: {  	s24 =	rddreg [dreg:$0x6];
	[sflag:s7] =	ssyncadd.s32 $0xFFFFF800;
	s23 =	sadd.s32 s21, s31  }
0x2bf: {  	[tilespmem:s24], [sflag:$0x5] =	stream.linear.gather [hbm4b:s23+s6], $0x800, $0x38;
	[tilespmem:$0x1DC00] =	vst v63  }
0x2c0: {  	p0 =	seq.s32 s21, $0x0;
	_ =	swait.ge [sflag:s7], $0x800  }
0x2c1: {  	s25 =	simm.s32 @p0 $0x2000;
	s26 =	simm.s32 @p0 $0x1;
	[sflag:s7] =	ssyncset.done $0x0  }
0x2c2: {  	s21 =	simm.s32 @p0 $0x80;
	s24 =	simm.s32 @p0 $0x0;
	[sflag:s7] =	ssyncadd.s32 $0xFFFFF800  }
0x2c3: {  	[tilespmem:s25], [sflag:$0x1] =	stream.indirect.gather @p0 [hbm4b:s3+s21], $0x80, s24, s21, $0xb8;
	[tilespmem:$0x1DC00] =	vst v63  }
0x2c4: {  	_ =	swait.ge @p0 [sflag:s26], $0x4000  }
0x2c5: {  	[sflag:s26] =	ssyncset.done @p0 $0x0  }
0x2c6: {  	s24 =	simm.s32 @p0 $0x1000;
	[sflag:s26] =	ssyncadd.s32 @p0 $0xFFFFC000;
	s26 =	simm.s32 @!p0 $0x3  }
0x2c7: {  	[spmem:s2] =	stream.indirect.scatter.add.f32 @p0 [tilespmem:s25], [sflag:$0x3], $0x80, s24, s21, $0xb8;
	[tilespmem:$0x1DC00] =	vst v63  }
0x2c8: {  	_ =	swait.ge @!p0 [sflag:s26], $0x4000  }
0x2c9: {  	s21 =	simm.s32 @!p0 $0x2000;
	s24 =	simm.s32 @!p0 $0x80;
	[sflag:s26] =	ssyncset.done @!p0 $0x0  }
0x2ca: {  	s25 =	simm.s32 @!p0 $0x0;
	[sflag:s26] =	ssyncadd.s32 @!p0 $0xFFFFC000;
	s26 =	simm.s32 @!p0 $0x1  }
0x2cb: {  	[tilespmem:s21], [sflag:$0x1] =	stream.indirect.gather @!p0 [hbm4b:s3+s24], $0x80, s25, s24, $0xb8;
	[tilespmem:$0x1DC00] =	vst v63  }
0x2cc: {  	_ =	swait.ge @!p0 [sflag:s26], $0x4000  }
0x2cd: {  	[sflag:s26] =	ssyncset.done @!p0 $0x0  }
0x2ce: {  	s25 =	simm.s32 @!p0 $0x1000;
	[sflag:s26] =	ssyncadd.s32 @!p0 $0xFFFFC000;
	s26 =	simm.s32 @!p0 $0x4  }
0x2cf: {  	[spmem:s2] =	stream.indirect.scatter.add.f32 @!p0 [tilespmem:s21], [sflag:$0x3], $0x80, s25, s24, $0xb8;
	[tilespmem:$0x1DC00] =	vst v63  }
0x2d0: {  	_ =	swait.ge @!p0 [sflag:s26], $0x4000  }
0x2d1: {  	[sflag:s26] =	ssyncset.done @!p0 $0x0  }
0x2d2: {  	[sflag:s26] =	ssyncadd.s32 @!p0 $0xFFFFC000  }
0x2d3: {  	[tilespmem:s9], [sflag:$0x2] =	stream.indirect.gather [hbm4b:s3+s8], $0x80, s8, s8, $0xb8;
	[tilespmem:$0x1DC00] =	vst v63  }
0x2d4: {  	_ =	swait.ge [sflag:s10], $0x4000  }
0x2d5: {  	[sflag:s10] =	ssyncset.done $0x0  }
0x2d6: {  	s24 =	rddreg [dreg:$0x7];
	[sflag:s10] =	ssyncadd.s32 $0xFFFFC000  }
0x2d7: {  	[spmem:s2] =	stream.indirect.scatter.add.f32 [tilespmem:s9], [sflag:$0x4], $0x80, s24, s8, $0xb8;
	[tilespmem:$0x1DC00] =	vst v63  }
0x2d8: {  	_ =	swait.ge [sflag:s11], $0x4000  }
0x2d9: {  	[sflag:s11] =	ssyncset.done $0x0  }
0x2da: {  	s25 =	rddreg [dreg:$0x8];
	[sflag:s11] =	ssyncadd.s32 $0xFFFFC000  }
0x2db: {  	[tilespmem:s12], [sflag:$0x1] =	stream.indirect.gather [hbm4b:s3+s8], $0x80, s25, s8, $0xb8;
	[tilespmem:$0x1DC00] =	vst v63  }
0x2dc: {  	_ =	swait.ge [sflag:s13], $0x4000  }
0x2dd: {  	[sflag:s13] =	ssyncset.done $0x0  }
0x2de: {  	s26 =	rddreg [dreg:$0x9];
	[sflag:s13] =	ssyncadd.s32 $0xFFFFC000  }
0x2df: {  	[spmem:s2] =	stream.indirect.scatter.add.f32 [tilespmem:s12], [sflag:$0x3], $0x80, s26, s8, $0xb8;
	[tilespmem:$0x1DC00] =	vst v63  }
0x2e0: {  	_ =	swait.ge [sflag:s14], $0x4000  }
0x2e1: {  	[sflag:s14] =	ssyncset.done $0x0  }
0x2e2: {  	s28 =	rddreg [dreg:$0xa];
	[sflag:s14] =	ssyncadd.s32 $0xFFFFC000  }
0x2e3: {  	[tilespmem:s9], [sflag:$0x2] =	stream.indirect.gather [hbm4b:s3+s8], $0x80, s28, s8, $0xb8;
	[tilespmem:$0x1DC00] =	vst v63  }
0x2e4: {  	_ =	swait.ge [sflag:s10], $0x4000  }
0x2e5: {  	[sflag:s10] =	ssyncset.done $0x0  }
0x2e6: {  	s29 =	rddreg [dreg:$0xb];
	[sflag:s10] =	ssyncadd.s32 $0xFFFFC000  }
0x2e7: {  	[spmem:s2] =	stream.indirect.scatter.add.f32 [tilespmem:s9], [sflag:$0x4], $0x80, s29, s8, $0xb8;
	[tilespmem:$0x1DC00] =	vst v63  }
0x2e8: {  	_ =	swait.ge [sflag:s11], $0x4000  }
0x2e9: {  	[sflag:s11] =	ssyncset.done $0x0  }
0x2ea: {  	s30 =	rddreg [dreg:$0xc];
	[sflag:s11] =	ssyncadd.s32 $0xFFFFC000  }
0x2eb: {  	[tilespmem:s12], [sflag:$0x1] =	stream.indirect.gather [hbm4b:s3+s8], $0x80, s30, s8, $0xb8;
	[tilespmem:$0x1DC00] =	vst v63  }
0x2ec: {  	_ =	swait.ge [sflag:s13], $0x4000  }
0x2ed: {  	[sflag:s13] =	ssyncset.done $0x0  }
0x2ee: {  	s31 =	rddreg [dreg:$0xd];
	[sflag:s13] =	ssyncadd.s32 $0xFFFFC000  }
0x2ef: {  	[spmem:s2] =	stream.indirect.scatter.add.f32 [tilespmem:s12], [sflag:$0x3], $0x80, s31, s8, $0xb8;
	[tilespmem:$0x1DC00] =	vst v63  }
0x2f0: {  	_ =	swait.ge [sflag:s14], $0x4000  }
0x2f1: {  	[sflag:s14] =	ssyncset.done $0x0  }
0x2f2: {  	s24 =	rddreg [dreg:$0xe];
	[sflag:s14] =	ssyncadd.s32 $0xFFFFC000  }
0x2f3: {  	[tilespmem:s9], [sflag:$0x2] =	stream.indirect.gather [hbm4b:s3+s8], $0x80, s24, s8, $0xb8;
	[tilespmem:$0x1DC00] =	vst v63  }
0x2f4: {  	_ =	swait.ge [sflag:s10], $0x4000  }
0x2f5: {  	[sflag:s10] =	ssyncset.done $0x0  }
0x2f6: {  	s25 =	rddreg [dreg:$0xf];
	[sflag:s10] =	ssyncadd.s32 $0xFFFFC000  }
0x2f7: {  	[spmem:s2] =	stream.indirect.scatter.add.f32 [tilespmem:s9], [sflag:$0x4], $0x80, s25, s8, $0xb8;
	[tilespmem:$0x1DC00] =	vst v63  }
0x2f8: {  	_ =	swait.ge [sflag:s11], $0x4000  }
0x2f9: {  	[sflag:s11] =	ssyncset.done $0x0  }
0x2fa: {  	s26 =	rddreg [dreg:$0x10];
	[sflag:s11] =	ssyncadd.s32 $0xFFFFC000  }
0x2fb: {  	[tilespmem:s12], [sflag:$0x1] =	stream.indirect.gather [hbm4b:s3+s8], $0x80, s26, s8, $0xb8;
	[tilespmem:$0x1DC00] =	vst v63  }
0x2fc: {  	_ =	swait.ge [sflag:s13], $0x4000  }
0x2fd: {  	[sflag:s13] =	ssyncset.done $0x0  }
0x2fe: {  	s28 =	rddreg [dreg:$0x11];
	[sflag:s13] =	ssyncadd.s32 $0xFFFFC000  }
0x2ff: {  	[spmem:s2] =	stream.indirect.scatter.add.f32 [tilespmem:s12], [sflag:$0x3], $0x80, s28, s8, $0xb8;
	[tilespmem:$0x1DC00] =	vst v63  }
0x300: {  	_ =	swait.ge [sflag:s14], $0x4000  }
0x301: {  	[sflag:s14] =	ssyncset.done $0x0  }
0x302: {  	s29 =	rddreg [dreg:$0x12];
	[sflag:s14] =	ssyncadd.s32 $0xFFFFC000  }
0x303: {  	[tilespmem:s9], [sflag:$0x2] =	stream.indirect.gather [hbm4b:s3+s8], $0x80, s29, s8, $0xb8;
	[tilespmem:$0x1DC00] =	vst v63  }
0x304: {  	_ =	swait.ge [sflag:s10], $0x4000  }
0x305: {  	[sflag:s10] =	ssyncset.done $0x0  }
0x306: {  	s30 =	rddreg [dreg:$0x13];
	[sflag:s10] =	ssyncadd.s32 $0xFFFFC000  }
0x307: {  	[spmem:s2] =	stream.indirect.scatter.add.f32 [tilespmem:s9], [sflag:$0x4], $0x80, s30, s8, $0xb8;
	[tilespmem:$0x1DC00] =	vst v63  }
0x308: {  	_ =	swait.ge [sflag:s11], $0x4000  }
0x309: {  	[sflag:s11] =	ssyncset.done $0x0  }
0x30a: {  	s31 =	rddreg [dreg:$0x14];
	[sflag:s11] =	ssyncadd.s32 $0xFFFFC000  }
0x30b: {  	[tilespmem:s12], [sflag:$0x1] =	stream.indirect.gather [hbm4b:s3+s8], $0x80, s31, s8, $0xb8;
	[tilespmem:$0x1DC00] =	vst v63  }
0x30c: {  	_ =	swait.ge [sflag:s13], $0x4000  }
0x30d: {  	[sflag:s13] =	ssyncset.done $0x0  }
0x30e: {  	s24 =	rddreg [dreg:$0x15];
	[sflag:s13] =	ssyncadd.s32 $0xFFFFC000  }
0x30f: {  	[spmem:s2] =	stream.indirect.scatter.add.f32 [tilespmem:s12], [sflag:$0x3], $0x80, s24, s8, $0xb8;
	[tilespmem:$0x1DC00] =	vst v63  }
0x310: {  	_ =	swait.ge [sflag:s14], $0x4000  }
0x311: {  	[sflag:s14] =	ssyncset.done $0x0  }
0x312: {  	s25 =	rddreg [dreg:$0x16];
	[sflag:s14] =	ssyncadd.s32 $0xFFFFC000  }
0x313: {  	[tilespmem:s9], [sflag:$0x2] =	stream.indirect.gather [hbm4b:s3+s8], $0x80, s25, s8, $0xb8;
	[tilespmem:$0x1DC00] =	vst v63  }
0x314: {  	_ =	swait.ge [sflag:s10], $0x4000  }
0x315: {  	[sflag:s10] =	ssyncset.done $0x0  }
0x316: {  	s26 =	rddreg [dreg:$0x17];
	[sflag:s10] =	ssyncadd.s32 $0xFFFFC000  }
0x317: {  	[spmem:s2] =	stream.indirect.scatter.add.f32 [tilespmem:s9], [sflag:$0x4], $0x80, s26, s8, $0xb8;
	[tilespmem:$0x1DC00] =	vst v63  }
0x318: {  	_ =	swait.ge [sflag:s11], $0x4000  }
0x319: {  	[sflag:s11] =	ssyncset.done $0x0  }
0x31a: {  	s28 =	rddreg [dreg:$0x18];
	[sflag:s11] =	ssyncadd.s32 $0xFFFFC000  }
0x31b: {  	[tilespmem:s12], [sflag:$0x1] =	stream.indirect.gather [hbm4b:s3+s8], $0x80, s28, s8, $0xb8;
	[tilespmem:$0x1DC00] =	vst v63  }
0x31c: {  	_ =	swait.ge [sflag:s13], $0x4000  }
0x31d: {  	[sflag:s13] =	ssyncset.done $0x0  }
0x31e: {  	s29 =	rddreg [dreg:$0x19];
	[sflag:s13] =	ssyncadd.s32 $0xFFFFC000  }
0x31f: {  	[spmem:s2] =	stream.indirect.scatter.add.f32 [tilespmem:s12], [sflag:$0x3], $0x80, s29, s8, $0xb8;
	[tilespmem:$0x1DC00] =	vst v63  }
0x320: {  	_ =	swait.ge [sflag:s14], $0x4000  }
0x321: {  	[sflag:s14] =	ssyncset.done $0x0  }
0x322: {  	s30 =	rddreg [dreg:$0x1a];
	[sflag:s14] =	ssyncadd.s32 $0xFFFFC000  }
0x323: {  	[tilespmem:s9], [sflag:$0x2] =	stream.indirect.gather [hbm4b:s3+s8], $0x80, s30, s8, $0xb8;
	[tilespmem:$0x1DC00] =	vst v63  }
0x324: {  	_ =	swait.ge [sflag:s10], $0x4000  }
0x325: {  	[sflag:s10] =	ssyncset.done $0x0  }
0x326: {  	s31 =	rddreg [dreg:$0x1b];
	[sflag:s10] =	ssyncadd.s32 $0xFFFFC000  }
0x327: {  	[spmem:s2] =	stream.indirect.scatter.add.f32 [tilespmem:s9], [sflag:$0x4], $0x80, s31, s8, $0xb8;
	[tilespmem:$0x1DC00] =	vst v63  }
0x328: {  	_ =	swait.ge [sflag:s11], $0x4000  }
0x329: {  	[sflag:s11] =	ssyncset.done $0x0  }
0x32a: {  	s24 =	rddreg [dreg:$0x1c];
	[sflag:s11] =	ssyncadd.s32 $0xFFFFC000  }
0x32b: {  	[tilespmem:s12], [sflag:$0x1] =	stream.indirect.gather [hbm4b:s3+s8], $0x80, s24, s8, $0xb8;
	[tilespmem:$0x1DC00] =	vst v63  }
0x32c: {  	_ =	swait.ge [sflag:s13], $0x4000  }
0x32d: {  	[sflag:s13] =	ssyncset.done $0x0  }
0x32e: {  	s25 =	rddreg [dreg:$0x1d];
	[sflag:s13] =	ssyncadd.s32 $0xFFFFC000  }
0x32f: {  	[spmem:s2] =	stream.indirect.scatter.add.f32 [tilespmem:s12], [sflag:$0x3], $0x80, s25, s8, $0xb8;
	[tilespmem:$0x1DC00] =	vst v63  }
0x330: {  	_ =	swait.ge [sflag:s14], $0x4000  }
0x331: {  	[sflag:s14] =	ssyncset.done $0x0  }
0x332: {  	s26 =	rddreg [dreg:$0x1e];
	[sflag:s14] =	ssyncadd.s32 $0xFFFFC000  }
0x333: {  	[tilespmem:s9], [sflag:$0x2] =	stream.indirect.gather [hbm4b:s3+s8], $0x80, s26, s8, $0xb8;
	[tilespmem:$0x1DC00] =	vst v63  }
0x334: {  	_ =	swait.ge [sflag:s10], $0x4000  }
0x335: {  	[sflag:s10] =	ssyncset.done $0x0  }
0x336: {  	s28 =	rddreg [dreg:$0x1f];
	[sflag:s10] =	ssyncadd.s32 $0xFFFFC000  }
0x337: {  	[spmem:s2] =	stream.indirect.scatter.add.f32 [tilespmem:s9], [sflag:$0x4], $0x80, s28, s8, $0xb8;
	[tilespmem:$0x1DC00] =	vst v63  }
0x338: {  	_ =	swait.ge [sflag:s11], $0x4000  }
0x339: {  	s29 =	sld [smem:$0x7DF]  }
0x33a: {  	[sflag:s11] =	ssyncset.done $0x0  }
0x33b: {  	[sflag:s11] =	ssyncadd.s32 $0xFFFFC000  }
0x33c: {  	[tilespmem:s12], [sflag:$0x1] =	stream.indirect.gather [hbm4b:s3+s8], $0x80, s29, s8, $0xb8;
	[tilespmem:$0x1DC00] =	vst v63  }
0x33d: {  	_ =	swait.ge [sflag:s13], $0x4000  }
0x33e: {  	s30 =	sld [smem:$0x7E0]  }
0x33f: {  	[sflag:s13] =	ssyncset.done $0x0  }
0x340: {  	[sflag:s13] =	ssyncadd.s32 $0xFFFFC000  }
0x341: {  	[spmem:s2] =	stream.indirect.scatter.add.f32 [tilespmem:s12], [sflag:$0x3], $0x80, s30, s8, $0xb8;
	[tilespmem:$0x1DC00] =	vst v63  }
0x342: {  	_ =	swait.ge [sflag:s14], $0x4000  }
0x343: {  	s31 =	sld [smem:$0x7E1]  }
0x344: {  	[sflag:s14] =	ssyncset.done $0x0  }
0x345: {  	[sflag:s14] =	ssyncadd.s32 $0xFFFFC000  }
0x346: {  	[tilespmem:s9], [sflag:$0x2] =	stream.indirect.gather [hbm4b:s3+s8], $0x80, s31, s8, $0xb8;
	[tilespmem:$0x1DC00] =	vst v63  }
0x347: {  	_ =	swait.ge [sflag:s10], $0x4000  }
0x348: {  	s24 =	sld [smem:$0x7E2]  }
0x349: {  	[sflag:s10] =	ssyncset.done $0x0  }
0x34a: {  	[sflag:s10] =	ssyncadd.s32 $0xFFFFC000  }
0x34b: {  	[spmem:s2] =	stream.indirect.scatter.add.f32 [tilespmem:s9], [sflag:$0x4], $0x80, s24, s8, $0xb8;
	[tilespmem:$0x1DC00] =	vst v63  }
0x34c: {  	s25 =	sadd.s32 $0x100, s22  }
0x34d: {  	[tilespmem:s15], [sflag:$0x5] =	stream.linear.gather [hbm4b:s25+s6], $0x800, $0x38;
	[tilespmem:$0x1DC00] =	vst v63  }
0x34e: {  	_ =	swait.ge [sflag:s7], $0x800  }
0x34f: {  	[sflag:s7] =	ssyncset.done $0x0  }
0x350: {  	s26 =	sadd.s32 $0x100, s23;
	[sflag:s7] =	ssyncadd.s32 $0xFFFFF800  }
0x351: {  	[tilespmem:s16], [sflag:$0x5] =	stream.linear.gather [hbm4b:s26+s6], $0x800, $0x38;
	[tilespmem:$0x1DC00] =	vst v63  }
0x352: {  	_ =	swait.ge [sflag:s7], $0x800  }
0x353: {  	[sflag:s7] =	ssyncset.done $0x0  }
0x354: {  	[sflag:s7] =	ssyncadd.s32 $0xFFFFF800  }
0x355: {  	_ =	swait.ge [sflag:s11], $0x4000  }
0x356: {  	[sflag:s11] =	ssyncset.done $0x0  }
0x357: {  	[sflag:s11] =	ssyncadd.s32 $0xFFFFC000  }
0x358: {  	[tilespmem:s12], [sflag:$0x1] =	stream.indirect.gather [hbm4b:s3+s8], $0x80, s15, s8, $0xb8;
	[tilespmem:$0x1DC00] =	vst v63  }
0x359: {  	_ =	swait.ge [sflag:s13], $0x4000  }
0x35a: {  	[sflag:s13] =	ssyncset.done $0x0  }
0x35b: {  	[sflag:s13] =	ssyncadd.s32 $0xFFFFC000  }
0x35c: {  	[spmem:s2] =	stream.indirect.scatter.add.f32 [tilespmem:s12], [sflag:$0x3], $0x80, s16, s8, $0xb8;
	[tilespmem:$0x1DC00] =	vst v63  }
0x35d: {  	_ =	swait.ge [sflag:s14], $0x4000  }
0x35e: {  	s28 =	sld [smem:$0x7E3]  }
0x35f: {  	[sflag:s14] =	ssyncset.done $0x0  }
0x360: {  	[sflag:s14] =	ssyncadd.s32 $0xFFFFC000  }
0x361: {  	[tilespmem:s9], [sflag:$0x2] =	stream.indirect.gather [hbm4b:s3+s8], $0x80, s28, s8, $0xb8;
	[tilespmem:$0x1DC00] =	vst v63  }
0x362: {  	_ =	swait.ge [sflag:s10], $0x4000  }
0x363: {  	s29 =	sld [smem:$0x7E4]  }
0x364: {  	[sflag:s10] =	ssyncset.done $0x0  }
0x365: {  	[sflag:s10] =	ssyncadd.s32 $0xFFFFC000  }
0x366: {  	[spmem:s2] =	stream.indirect.scatter.add.f32 [tilespmem:s9], [sflag:$0x4], $0x80, s29, s8, $0xb8;
	[tilespmem:$0x1DC00] =	vst v63  }
0x367: {  	_ =	swait.ge [sflag:s11], $0x4000  }
0x368: {  	s30 =	sld [smem:$0x7E5]  }
0x369: {  	[sflag:s11] =	ssyncset.done $0x0  }
0x36a: {  	[sflag:s11] =	ssyncadd.s32 $0xFFFFC000  }
0x36b: {  	[tilespmem:s12], [sflag:$0x1] =	stream.indirect.gather [hbm4b:s3+s8], $0x80, s30, s8, $0xb8;
	[tilespmem:$0x1DC00] =	vst v63  }
0x36c: {  	_ =	swait.ge [sflag:s13], $0x4000  }
0x36d: {  	s31 =	sld [smem:$0x7E6]  }
0x36e: {  	[sflag:s13] =	ssyncset.done $0x0  }
0x36f: {  	[sflag:s13] =	ssyncadd.s32 $0xFFFFC000  }
0x370: {  	[spmem:s2] =	stream.indirect.scatter.add.f32 [tilespmem:s12], [sflag:$0x3], $0x80, s31, s8, $0xb8;
	[tilespmem:$0x1DC00] =	vst v63  }
0x371: {  	_ =	swait.ge [sflag:s14], $0x4000  }
0x372: {  	s7 =	sld [smem:$0x7E7]  }
0x373: {  	[sflag:s14] =	ssyncset.done $0x0  }
0x374: {  	[sflag:s14] =	ssyncadd.s32 $0xFFFFC000  }
0x375: {  	[tilespmem:s9], [sflag:$0x2] =	stream.indirect.gather [hbm4b:s3+s8], $0x80, s7, s8, $0xb8;
	[tilespmem:$0x1DC00] =	vst v63  }
0x376: {  	_ =	swait.ge [sflag:s10], $0x4000  }
0x377: {  	s15 =	sld [smem:$0x7E8]  }
0x378: {  	[sflag:s10] =	ssyncset.done $0x0  }
0x379: {  	[sflag:s10] =	ssyncadd.s32 $0xFFFFC000  }
0x37a: {  	[spmem:s2] =	stream.indirect.scatter.add.f32 [tilespmem:s9], [sflag:$0x4], $0x80, s15, s8, $0xb8;
	[tilespmem:$0x1DC00] =	vst v63  }
0x37b: {  	_ =	swait.ge [sflag:s11], $0x4000  }
0x37c: {  	s16 =	sld [smem:$0x7E9]  }
0x37d: {  	[sflag:s11] =	ssyncset.done $0x0  }
0x37e: {  	[sflag:s11] =	ssyncadd.s32 $0xFFFFC000  }
0x37f: {  	[tilespmem:s12], [sflag:$0x1] =	stream.indirect.gather [hbm4b:s3+s8], $0x80, s16, s8, $0xb8;
	[tilespmem:$0x1DC00] =	vst v63  }
0x380: {  	_ =	swait.ge [sflag:s13], $0x4000  }
0x381: {  	s21 =	sld [smem:$0x7EA]  }
0x382: {  	[sflag:s13] =	ssyncset.done $0x0  }
0x383: {  	[sflag:s13] =	ssyncadd.s32 $0xFFFFC000  }
0x384: {  	[spmem:s2] =	stream.indirect.scatter.add.f32 [tilespmem:s12], [sflag:$0x3], $0x80, s21, s8, $0xb8;
	[tilespmem:$0x1DC00] =	vst v63  }
0x385: {  	_ =	swait.ge [sflag:s14], $0x4000  }
0x386: {  	s22 =	sld [smem:$0x7EB]  }
0x387: {  	[sflag:s14] =	ssyncset.done $0x0  }
0x388: {  	[sflag:s14] =	ssyncadd.s32 $0xFFFFC000  }
0x389: {  	[tilespmem:s9], [sflag:$0x2] =	stream.indirect.gather [hbm4b:s3+s8], $0x80, s22, s8, $0xb8;
	[tilespmem:$0x1DC00] =	vst v63  }
0x38a: {  	_ =	swait.ge [sflag:s10], $0x4000  }
0x38b: {  	s23 =	sld [smem:$0x7EC]  }
0x38c: {  	[sflag:s10] =	ssyncset.done $0x0  }
0x38d: {  	[sflag:s10] =	ssyncadd.s32 $0xFFFFC000  }
0x38e: {  	[spmem:s2] =	stream.indirect.scatter.add.f32 [tilespmem:s9], [sflag:$0x4], $0x80, s23, s8, $0xb8;
	[tilespmem:$0x1DC00] =	vst v63  }
0x38f: {  	_ =	swait.ge [sflag:s11], $0x4000  }
0x390: {  	s24 =	sld [smem:$0x7ED]  }
0x391: {  	[sflag:s11] =	ssyncset.done $0x0  }
0x392: {  	[sflag:s11] =	ssyncadd.s32 $0xFFFFC000  }
0x393: {  	[tilespmem:s12], [sflag:$0x1] =	stream.indirect.gather [hbm4b:s3+s8], $0x80, s24, s8, $0xb8;
	[tilespmem:$0x1DC00] =	vst v63  }
0x394: {  	_ =	swait.ge [sflag:s13], $0x4000  }
0x395: {  	s25 =	sld [smem:$0x7EE]  }
0x396: {  	[sflag:s13] =	ssyncset.done $0x0  }
0x397: {  	[sflag:s13] =	ssyncadd.s32 $0xFFFFC000  }
0x398: {  	[spmem:s2] =	stream.indirect.scatter.add.f32 [tilespmem:s12], [sflag:$0x3], $0x80, s25, s8, $0xb8;
	[tilespmem:$0x1DC00] =	vst v63  }
0x399: {  	_ =	swait.ge [sflag:s14], $0x4000  }
0x39a: {  	s26 =	sld [smem:$0x7EF]  }
0x39b: {  	[sflag:s14] =	ssyncset.done $0x0  }
0x39c: {  	[sflag:s14] =	ssyncadd.s32 $0xFFFFC000  }
0x39d: {  	[tilespmem:s9], [sflag:$0x2] =	stream.indirect.gather [hbm4b:s3+s8], $0x80, s26, s8, $0xb8;
	[tilespmem:$0x1DC00] =	vst v63  }
0x39e: {  	_ =	swait.ge [sflag:s10], $0x4000  }
0x39f: {  	s28 =	sld [smem:$0x7F0]  }
0x3a0: {  	[sflag:s10] =	ssyncset.done $0x0  }
0x3a1: {  	[sflag:s10] =	ssyncadd.s32 $0xFFFFC000  }
0x3a2: {  	[spmem:s2] =	stream.indirect.scatter.add.f32 [tilespmem:s9], [sflag:$0x4], $0x80, s28, s8, $0xb8;
	[tilespmem:$0x1DC00] =	vst v63  }
0x3a3: {  	_ =	swait.ge [sflag:s11], $0x4000  }
0x3a4: {  	s29 =	sld [smem:$0x7F1]  }
0x3a5: {  	[sflag:s11] =	ssyncset.done $0x0  }
0x3a6: {  	[sflag:s11] =	ssyncadd.s32 $0xFFFFC000  }
0x3a7: {  	[tilespmem:s12], [sflag:$0x1] =	stream.indirect.gather [hbm4b:s3+s8], $0x80, s29, s8, $0xb8;
	[tilespmem:$0x1DC00] =	vst v63  }
0x3a8: {  	_ =	swait.ge [sflag:s13], $0x4000  }
0x3a9: {  	s30 =	sld [smem:$0x7F2]  }
0x3aa: {  	[sflag:s13] =	ssyncset.done $0x0  }
0x3ab: {  	[sflag:s13] =	ssyncadd.s32 $0xFFFFC000  }
0x3ac: {  	[spmem:s2] =	stream.indirect.scatter.add.f32 [tilespmem:s12], [sflag:$0x3], $0x80, s30, s8, $0xb8;
	[tilespmem:$0x1DC00] =	vst v63  }
0x3ad: {  	_ =	swait.ge [sflag:s14], $0x4000  }
0x3ae: {  	s31 =	sld [smem:$0x7F3]  }
0x3af: {  	[sflag:s14] =	ssyncset.done $0x0  }
0x3b0: {  	[sflag:s14] =	ssyncadd.s32 $0xFFFFC000  }
0x3b1: {  	[tilespmem:s9], [sflag:$0x2] =	stream.indirect.gather [hbm4b:s3+s8], $0x80, s31, s8, $0xb8;
	[tilespmem:$0x1DC00] =	vst v63  }
0x3b2: {  	_ =	swait.ge [sflag:s10], $0x4000  }
0x3b3: {  	s7 =	sld [smem:$0x7F4]  }
0x3b4: {  	[sflag:s10] =	ssyncset.done $0x0  }
0x3b5: {  	[sflag:s10] =	ssyncadd.s32 $0xFFFFC000  }
0x3b6: {  	[spmem:s2] =	stream.indirect.scatter.add.f32 [tilespmem:s9], [sflag:$0x4], $0x80, s7, s8, $0xb8;
	[tilespmem:$0x1DC00] =	vst v63  }
0x3b7: {  	_ =	swait.ge [sflag:s11], $0x4000  }
0x3b8: {  	s15 =	sld [smem:$0x7F5]  }
0x3b9: {  	[sflag:s11] =	ssyncset.done $0x0  }
0x3ba: {  	[sflag:s11] =	ssyncadd.s32 $0xFFFFC000  }
0x3bb: {  	[tilespmem:s12], [sflag:$0x1] =	stream.indirect.gather [hbm4b:s3+s8], $0x80, s15, s8, $0xb8;
	[tilespmem:$0x1DC00] =	vst v63  }
0x3bc: {  	_ =	swait.ge [sflag:s13], $0x4000  }
0x3bd: {  	s16 =	sld [smem:$0x7F6]  }
0x3be: {  	[sflag:s13] =	ssyncset.done $0x0  }
0x3bf: {  	[sflag:s13] =	ssyncadd.s32 $0xFFFFC000  }
0x3c0: {  	[spmem:s2] =	stream.indirect.scatter.add.f32 [tilespmem:s12], [sflag:$0x3], $0x80, s16, s8, $0xb8;
	[tilespmem:$0x1DC00] =	vst v63  }
0x3c1: {  	_ =	swait.ge [sflag:s14], $0x4000  }
0x3c2: {  	s21 =	sld [smem:$0x7F7]  }
0x3c3: {  	[sflag:s14] =	ssyncset.done $0x0  }
0x3c4: {  	[sflag:s14] =	ssyncadd.s32 $0xFFFFC000  }
0x3c5: {  	[tilespmem:s9], [sflag:$0x2] =	stream.indirect.gather [hbm4b:s3+s8], $0x80, s21, s8, $0xb8;
	[tilespmem:$0x1DC00] =	vst v63  }
0x3c6: {  	_ =	swait.ge [sflag:s10], $0x4000  }
0x3c7: {  	s22 =	sld [smem:$0x7F8]  }
0x3c8: {  	[sflag:s10] =	ssyncset.done $0x0  }
0x3c9: {  	[sflag:s10] =	ssyncadd.s32 $0xFFFFC000  }
0x3ca: {  	[spmem:s2] =	stream.indirect.scatter.add.f32 [tilespmem:s9], [sflag:$0x4], $0x80, s22, s8, $0xb8;
	[tilespmem:$0x1DC00] =	vst v63  }
0x3cb: {  	_ =	swait.ge [sflag:s11], $0x4000  }
0x3cc: {  	s23 =	sld [smem:$0x7F9]  }
0x3cd: {  	[sflag:s11] =	ssyncset.done $0x0  }
0x3ce: {  	[sflag:s11] =	ssyncadd.s32 $0xFFFFC000  }
0x3cf: {  	[tilespmem:s12], [sflag:$0x1] =	stream.indirect.gather [hbm4b:s3+s8], $0x80, s23, s8, $0xb8;
	[tilespmem:$0x1DC00] =	vst v63  }
0x3d0: {  	_ =	swait.ge [sflag:s13], $0x4000  }
0x3d1: {  	s24 =	sld [smem:$0x7FA]  }
0x3d2: {  	[sflag:s13] =	ssyncset.done $0x0  }
0x3d3: {  	[sflag:s13] =	ssyncadd.s32 $0xFFFFC000  }
0x3d4: {  	[spmem:s2] =	stream.indirect.scatter.add.f32 [tilespmem:s12], [sflag:$0x3], $0x80, s24, s8, $0xb8;
	[tilespmem:$0x1DC00] =	vst v63  }
0x3d5: {  	_ =	swait.ge [sflag:s14], $0x4000  }
0x3d6: {  	s25 =	sld [smem:$0x7FB]  }
0x3d7: {  	[sflag:s14] =	ssyncset.done $0x0  }
0x3d8: {  	[sflag:s14] =	ssyncadd.s32 $0xFFFFC000  }
0x3d9: {  	[tilespmem:s9], [sflag:$0x2] =	stream.indirect.gather [hbm4b:s3+s8], $0x80, s25, s8, $0xb8;
	[tilespmem:$0x1DC00] =	vst v63  }
0x3da: {  	_ =	swait.ge [sflag:s10], $0x4000  }
0x3db: {  	s26 =	sld [smem:$0x7FC]  }
0x3dc: {  	[sflag:s10] =	ssyncset.done $0x0  }
0x3dd: {  	[sflag:s10] =	ssyncadd.s32 $0xFFFFC000  }
0x3de: {  	[spmem:s2] =	stream.indirect.scatter.add.f32 [tilespmem:s9], [sflag:$0x4], $0x80, s26, s8, $0xb8;
	[tilespmem:$0x1DC00] =	vst v63  }
0x3df: {  	_ =	swait.ge [sflag:s11], $0x4000  }
0x3e0: {  	s28 =	sld [smem:$0x7FD]  }
0x3e1: {  	[sflag:s11] =	ssyncset.done $0x0  }
0x3e2: {  	[sflag:s11] =	ssyncadd.s32 $0xFFFFC000  }
0x3e3: {  	[tilespmem:s12], [sflag:$0x1] =	stream.indirect.gather [hbm4b:s3+s8], $0x80, s28, s8, $0xb8;
	[tilespmem:$0x1DC00] =	vst v63  }
0x3e4: {  	_ =	swait.ge [sflag:s13], $0x4000  }
0x3e5: {  	[sflag:s13] =	ssyncset.done $0x0  }
0x3e6: {  	[sflag:s13] =	ssyncadd.s32 $0xFFFFC000  }
0x3e7: {  	[spmem:s2] =	stream.indirect.scatter.add.f32 [tilespmem:s12], [sflag:$0x3], $0x80, s18, s8, $0xb8;
	[tilespmem:$0x1DC00] =	vst v63  }
0x3e8: {  	_ =	swait.ge [sflag:s14], $0x4000  }
0x3e9: {  	[sflag:s14] =	ssyncset.done $0x0  }
0x3ea: {  	[sflag:s14] =	ssyncadd.s32 $0xFFFFC000  }
0x3eb: {  	[tilespmem:s9], [sflag:$0x2] =	stream.indirect.gather [hbm4b:s3+s8], $0x80, s20, s8, $0xb8;
	[tilespmem:$0x1DC00] =	vst v63  }
0x3ec: {  	_ =	swait.ge [sflag:s10], $0x4000  }
0x3ed: {  	[sflag:s10] =	ssyncset.done $0x0  }
0x3ee: {  	s29 =	simm.s32 $0x3;
	[sflag:s10] =	ssyncadd.s32 $0xFFFFC000  }
0x3ef: {  	[spmem:s2] =	stream.indirect.scatter.add.f32 [tilespmem:s9], [sflag:$0x4], $0x80, s19, s8, $0xb8;
	[tilespmem:$0x1DC00] =	vst v63  }
0x3f0: {  	_ =	swait.ge [sflag:s29], $0x4000  }
0x3f1: {  	[sflag:s29] =	ssyncset.done $0x0  }
0x3f2: {  	s30 =	simm.s32 $0x4;
	[sflag:s29] =	ssyncadd.s32 $0xFFFFC000  }
0x3f3: {  	_ =	swait.ge [sflag:s30], $0x4000  }
0x3f4: {  	[sflag:s30] =	ssyncset.done $0x0  }
0x3f5: {  	[sflag:s30] =	ssyncadd.s32 $0xFFFFC000  }
0x3f6: {  	s31 =	simm.s32 $0x5;
	[bflag:$0x0] =	sbarrier.arrive $0xFFFF  }
0x3f7: {  	[hbm:s17], [sflag:s4] =	dma.local [spmem:s5], $0x2780  }
0x3f8: {  	_ =	swait.ge [sflag:s31], $0x2780  }
0x3f9: {  	[sflag:s31] =	ssyncset.done $0x0  }
0x3fa: {  	[sflag:s31] =	ssyncadd.s32 $0xFFFFD880  }
.LBB2_4:
0x3fb: {  	_ =	sfence.sel $0x180000  }
0x3fc: {  	[bflag:$0x0] =	sbarrier.arrive $0xFFFF  }
0x3fd: {  	p0 =	sne.s32 s1, $0x0;
	_ =	strace $0x9000004A  }
0x3fe: {  	s0 =	sadd.s32 @!p0 $0x100000, s0;
	[bflag:$0x2] =	sbarrier.arrive $0xFFFF  }
0x3ff: {  	[sflag:s0] =	ssyncadd.tile.s32 @!p0 $0x1;
	_ =	shalt  }
.Lfunc_end2:
_tile_overlayer_lowered:
.L_overlay_start_2:
0x400: {  	(tag) =	ssettag $0x2  }
0x401: {  	s0 =	rddreg [dreg:$0x0];
	s2 =	stileid.u32  }
0x402: {  	s1 =	rddreg [dreg:$0x1];
	p0 =	sne.s32 s2, $0x0  }
0x403: {  	s3 =	rddreg [dreg:$0x2];
	[bflag:$0x3] =	sbarrier.arrive $0xFFFF;
	s2 =	simm.s32 @!p0 $0x1C05  }
0x404: {  	[timem:s3], [sflag:s2] =	dma.local @!p0 [hbm:s0], s1  }
0x405: {  	s0 =	simm.s32 @!p0 $0x5  }
0x406: {  	_ =	swait.ge @!p0 [sflag:s0], s1  }
0x407: {  	s1 =	ssub.s32 @!p0 $0x0, s1;
	[sflag:s0] =	ssyncset.done @!p0 $0x0  }
0x408: {  	[sflag:s0] =	ssyncadd.s32 @!p0 s1  }
0x409: {  	[bflag:$0x3] =	sbarrier.arrive $0xFFFF  }
0x40a: {  	_ =	shalt  }

// kernel: kernel.14.cloned.1.call-start
scs
__scs_entry_jumppad:
0x0: {  	(pc) =	sbr.rel $0x88, $3  }
0x1: {  	(tag) =	ssettag $0x0;
	lr =	simm.s32 $0x1  }
0x2: {  	[smem:$0x3F9B] =	sst lr;
	_ =	strace $0xD0000000  }
0x3: {  	_ = 	snop  }
0x4: {  	_ = 	snop  }
0x5: {  	_ = 	snop  }
0x6: {  	_ = 	snop  }
0x7: {  	_ = 	snop  }
__scs_overlays_trampoline_lowered:
0x8: {  	[smem:$0x3FAA] =	sst s0  }
0x9: {  	[smem:$0x3FAB] =	sst s1  }
0xa: {  	[smem:$0x3FAC] =	sst s2  }
0xb: {  	[smem:$0x3FAD] =	sst s3  }
0xc: {  	[smem:$0x3FAE] =	sst s4  }
0xd: {  	[smem:$0x3FAF] =	sst s5  }
0xe: {  	[smem:$0x3FB0] =	sst s6  }
0xf: {  	[smem:$0x3FB1] =	sst s7  }
0x10: {  	[smem:$0x3FB2] =	sst s8  }
0x11: {  	[smem:$0x3FB3] =	sst s9;
	s0 =	simm.s32 @!p0 $0x0  }
0x12: {  	s1 =	sld [smem:$0x3F99];
	s0 =	simm.s32 @p0 $0x1  }
0x13: {  	[smem:$0x3FB4] =	sst s0;
	s0 =	simm.s32 @!p1 $0x0  }
0x14: {  	s2 =	sld [smem:$0x3F98];
	s0 =	simm.s32 @p1 $0x1  }
0x15: {  	[smem:$0x3FB5] =	sst s0;
	s0 =	simm.s32 @!p2 $0x0  }
0x16: {  	s3 =	sld [smem:$0x3FDB];
	s0 =	simm.s32 @p2 $0x1  }
0x17: {  	s4 =	simm.s32 $0x1BF5;
	[smem:$0x3FB7] =	sst s0  }
0x18: {  	s0 =	sld [smem:$0x3F9A];
	_ =	swait.ge [sflag:s4], $0x0  }
0x19: {  	s7 =	sld [smem:$0x3F9B]  }
0x1a: {  	s8 =	sadd.s32 $0xFFFFE003, lr  }
0x1b: {  	s9 =	sadd.s32 $0xFFFFFEF7, lr;
	s5 =	simm.s32 $0xFFFFFFFF;
	p2 =	slt.u32 s8, $0xFFFFF086  }
0x1c: {  	p1 =	slt.u32 s9, $0xF7A;
	s5 =	simm.s32 @!p2 $0x0  }
0x1d: {  	s5 =	simm.s32 @p1 $0x1;
	p0 =	seq.s32 s7, s2  }
0x1e: {  	s7 =	smul.u32 @!p0 $0xF7A, s2;
	p2 =	seq.s32 @!p0 s5, $0x0  }
0x1f: {  	s9 =	smul.u32 $0xF7A, s1;
	s8 =	simm.s32 @!p0 $0x1BF5;
	p2 =	por !p2, p0  }
0x20: {  	[sflag:s8] =	ssyncset.s32 @!p0 $0xFFFFF086;
	s6 =	sadd.s32 @!p0 s3, s7;
	s7 =	simm.s32 @!p0 $0x108  }
0x21: {  	s3 =	sadd.s32 s3, s9;
	s6 =	sadd.s32 @!p0 $0x88, s6;
	s7 =	simm.s32 @p2 $0x1082  }
0x22: {  	[simem:s7], [sflag:s8] =	dma.local @!p0 [hbm:s6], $0xF7A  }
0x23: {  	s9 =	sor.u32 $0xD0000000, s2;
	s6 =	simm.s32 $0x108;
	_ =	swait.ge @!p0 [sflag:s8], $0x0  }
0x24: {  	s3 =	sadd.s32 $0x88, s3;
	s6 =	simm.s32 @!p1 $0x1082;
	[sflag:s4] =	ssyncset.s32 $0xFFFFF086  }
0x25: {  	[simem:s6], [sflag:s4] =	dma.local [hbm:s3], $0xF7A  }
0x26: {  	[smem:$0x3F9B] =	sst s1;
	(tag) =	ssettag s2;
	_ =	strace s9  }
0x27: {  	s1 =	sld [smem:$0x3FAB]  }
0x28: {  	s2 =	sld [smem:$0x3FAC]  }
0x29: {  	s4 =	sld [smem:$0x3FAE]  }
0x2a: {  	p0 =	seq.s32 s5, $0x0;
	s5 =	sld [smem:$0x3FAF]  }
0x2b: {  	s6 =	sld [smem:$0x3FB0]  }
0x2c: {  	s7 =	sld [smem:$0x3FB1]  }
0x2d: {  	s3 =	simm.s32 $0x108;
	s8 =	sld [smem:$0x3FB2]  }
0x2e: {  	s3 =	simm.s32 @!p0 $0x1082;
	s9 =	sld [smem:$0x3FB3]  }
0x2f: {  	lr =	sadd.s32 s0, s3;
	s0 =	sld [smem:$0x3FAA]  }
0x30: {  	s3 =	sld [smem:$0x3FAD]  }
0x31: {  	[smem:$0x3FB6] =	sst s10  }
0x32: {  	s10 =	sld [smem:$0x3FB4];
	_ =	sdelay $0x3  }
0x33: {  	p0 =	seq.s32 s10, $0x1;
	s10 =	sld [smem:$0x3FB6];
	_ =	sdelay $0x3  }
0x34: {  	[smem:$0x3FB6] =	sst s10  }
0x35: {  	s10 =	sld [smem:$0x3FB5];
	_ =	sdelay $0x3  }
0x36: {  	p1 =	seq.s32 s10, $0x1;
	s10 =	sld [smem:$0x3FB6];
	_ =	sdelay $0x3  }
0x37: {  	[smem:$0x3FB6] =	sst s10  }
0x38: {  	s10 =	sld [smem:$0x3FB7]  }
0x39: {  	_ = 	snop;
	(pc) =	sbr.ind lr, $3  }
0x3a: {  	_ = 	snop  }
0x3b: {  	_ = 	snop  }
0x3c: {  	p2 =	seq.s32 s10, $0x1;
	s10 =	sld [smem:$0x3FB6]  }
0x3d: {  	_ =	shalt  }
0x3e: {  	_ =	shalt  }
0x3f: {  	_ =	shalt  }
0x40: {  	_ =	shalt  }
0x41: {  	_ =	shalt  }
0x42: {  	_ =	shalt  }
0x43: {  	_ =	shalt  }
0x44: {  	_ =	shalt  }
0x45: {  	_ =	shalt  }
0x46: {  	_ =	shalt  }
0x47: {  	_ =	shalt  }
0x48: {  	_ =	shalt  }
0x49: {  	_ =	shalt  }
0x4a: {  	_ =	shalt  }
0x4b: {  	_ =	shalt  }
0x4c: {  	_ =	shalt  }
0x4d: {  	_ =	shalt  }
0x4e: {  	_ =	shalt  }
0x4f: {  	_ =	shalt  }
0x50: {  	_ =	shalt  }
0x51: {  	_ =	shalt  }
0x52: {  	_ =	shalt  }
0x53: {  	_ =	shalt  }
0x54: {  	_ =	shalt  }
0x55: {  	_ =	shalt  }
0x56: {  	_ =	shalt  }
0x57: {  	_ =	shalt  }
0x58: {  	_ =	shalt  }
0x59: {  	_ =	shalt  }
0x5a: {  	_ =	shalt  }
0x5b: {  	_ =	shalt  }
0x5c: {  	_ =	shalt  }
0x5d: {  	_ =	shalt  }
0x5e: {  	_ =	shalt  }
0x5f: {  	_ =	shalt  }
0x60: {  	_ =	shalt  }
0x61: {  	_ =	shalt  }
0x62: {  	_ =	shalt  }
0x63: {  	_ =	shalt  }
0x64: {  	_ =	shalt  }
0x65: {  	_ =	shalt  }
0x66: {  	_ =	shalt  }
0x67: {  	_ =	shalt  }
0x68: {  	_ =	shalt  }
0x69: {  	_ =	shalt  }
0x6a: {  	_ =	shalt  }
0x6b: {  	_ =	shalt  }
0x6c: {  	_ =	shalt  }
0x6d: {  	_ =	shalt  }
0x6e: {  	_ =	shalt  }
0x6f: {  	_ =	shalt  }
0x70: {  	_ =	shalt  }
0x71: {  	_ =	shalt  }
0x72: {  	_ =	shalt  }
0x73: {  	_ =	shalt  }
0x74: {  	_ =	shalt  }
0x75: {  	_ =	shalt  }
0x76: {  	_ =	shalt  }
0x77: {  	_ =	shalt  }
0x78: {  	_ =	shalt  }
0x79: {  	_ =	shalt  }
0x7a: {  	_ =	shalt  }
0x7b: {  	_ =	shalt  }
0x7c: {  	_ =	shalt  }
0x7d: {  	_ =	shalt  }
0x7e: {  	_ =	shalt  }
0x7f: {  	_ =	shalt  }
0x80: {  	_ =	shalt  }
0x81: {  	_ =	shalt  }
0x82: {  	_ =	shalt  }
0x83: {  	_ =	shalt  }
0x84: {  	_ =	shalt  }
0x85: {  	_ =	shalt  }
0x86: {  	_ =	shalt  }
0x87: {  	_ =	shalt  }
.Lfunc_end0:
.L_simem_size_0:
called_computation.2_lowered:
.L_overlay_start_0:
0x88: {  	s2 =	sld [smem:$0x3FD9]  }
0x89: {  	s3 =	sld [smem:$0x3FFE];
	_ =	sdelay $0x1  }
0x8a: {  	s1 =	srdreg.scid  }
0x8b: {  	s0 =	sand.u32 $0x1, s1  }
0x8c: {  	s17 =	sshll.u32 s0, $0xA;
	s2 =	sadd.s32 s3, s2  }
0x8d: {  	s2 =	sadd.s32 s2, s17  }
0x8e: {  	[smem:$0x3FC2] =	sst s2  }
0x8f: {  	_ = 	snop  }
0x90: {  	s2 =	sld [smem:$0x3FD0];
	(tm) =	ssettm $0x1  }
0x91: {  	s18 =	sld [smem:$0x3FFB];
	_ =	sdelay $0x3  }
0x92: {  	_ =	strace s18  }
0x93: {  	s3 =	sld [smem:$0x3FFC];
	_ =	sdelay $0x3  }
0x94: {  	_ =	strace s3  }
0x95: {  	s3 =	sld [smem:$0x3FFD];
	_ =	sdelay $0x3  }
0x96: {  	_ =	strace s3  }
0x97: {  	_ =	strace $0x8FFFFFFF  }
0x98: {  	s19 =	sld [smem:$0x3FDB];
	_ =	sdelay $0x1  }
0x99: {  	s4 =	simm.s32 $_scs_section_size  }
0x9a: {  	s5 =	simm.s32 $_size__tile_overlayer_lowered;
	s6 =	simm.s32 $_tile_overlayer_lowered  }
0x9b: {  	s22 =	simm.s32 $0x1BFF;
	s21 =	sshll.u32 s6, $0x1;
	s3 =	sadd.s32 s4, s19  }
0x9c: {  	s7 =	simm.s32 $0x0;
	s20 =	sshll.u32 s5, $0x1;
	s5 =	sadd.s32 s21, s3  }
0x9d: {  	[timem:s7], [sflag:s22] =	dma.local [hbm:s5], s20  }
0x9e: {  	_ =	swait.ge [sflag:s22], s20  }
0x9f: {  	s4 =	ssub.s32 $0x0, s20;
	[sflag:s22] =	ssyncset.done $0x0  }
0xa0: {  	[sflag:s22] =	ssyncadd.s32 s4;
	_ =	sdelay $0x1  }
0xa1: {  	s23 =	simm.s32 $0x1B8B  }
0xa2: {  	_ =	swait.ge [sflag:s23], $0x1  }
0xa3: {  	[sflag:s23] =	ssyncset.done $0x0  }
0xa4: {  	s25 =	simm.s32 $0x1B8E;
	s24 =	sld [smem:$0x3FFE];
	[sflag:s23] =	ssyncadd.s32 $0xFFFFFFFF  }
0xa5: {  	s26 =	simm.s32 $execute0_lowered;
	[smem:$0x3FD2] =	sst s25  }
0xa6: {  	s5 =	sshll.u32 s26, $0x1;
	_ =	strace $0x8000004C;
	[dreg:$0x1] =	wrdreg $0xFFFFFFFF  }
0xa7: {  	s28 =	simm.s32 $_size_execute0_lowered;
	s3 =	sadd.s32 s3, s5;
	[dreg:$0x0] =	wrdreg $0x0  }
0xa8: {  	s5 =	sshll.u32 s28, $0x1;
	[dreg:$0x2] =	wrdreg s3  }
0xa9: {  	[dreg:$0x3] =	wrdreg s5  }
0xaa: {  	[dreg:$0x4] =	wrdreg $0xC0  }
0xab: {  	_ =	task [dreg:s7], $0x5FFFF  }
0xac: {  	[dreg:$0x1] =	wrdreg $0xFFFFFFFF  }
0xad: {  	[dreg:$0x0] =	wrdreg $0x60  }
0xae: {  	[dreg:$0x2] =	wrdreg s2  }
0xaf: {  	[dreg:$0x3] =	wrdreg s24  }
0xb0: {  	[dreg:$0x4] =	wrdreg $0xA0000  }
0xb1: {  	[dreg:$0x5] =	wrdreg $0x9  }
0xb2: {  	_ =	task.clear_ibuf [dreg:s7], $0x6FFFF;
	_ =	strace $0x9000004C  }
0xb3: {  	s29 =	simm.s32 $0x9;
	_ =	strace $0x8000004E  }
0xb4: {  	_ =	swait.ge [sflag:s29], $0x1  }
0xb5: {  	[sflag:s29] =	ssyncadd.s32 $0xFFFFFFFF  }
0xb6: {  	_ =	strace $0x9000004E  }
0xb7: {  	_ =	sfence  }
0xb8: {  	s30 =	sld [smem:$0x0];
	_ =	sdelay $0x2  }
0xb9: {  	s31 =	sshll.u32 s1, $0xD;
	s1 =	sshrl.u32 s1, $0x2  }
0xba: {  	s3 =	sand.u32 $0x4000, s31;
	s1 =	sadd.s32 s1, s30  }
0xbb: {  	s0 =	sor.u32 s3, s0;
	s1 =	sshll.u32 s1, $0x11  }
0xbc: {  	s0 =	sor.u32 s1, s0  }
0xbd: {  	s0 =	sadd.s32 $0x8F2B, s0  }
0xbe: {  	[sflag:s0] =	ssyncadd.remote.s32 $0x1  }
0xbf: {  	_ =	sfence.sel $0xFFFF  }
0xc0: {  	[dreg:$0x0] =	wrdreg $0xFFFFFFFF;
	(pc) =	sbr.abs _section_cstart, $3  }
0xc1: {  	[dreg:$0x1] =	wrdreg $0xFFFFFFFF  }
0xc2: {  	_ =	task.clear_ibuf [dreg:s7], $0x2FFFF;
	_ =	strace $0x9FFFFFFF  }
0xc3: {  	(tm) =	ssettm $0x7FFFFFFF  }
tec
execute0_lowered:
.L_overlay_start_1:
0x0: {  	(tag) =	ssettag $0x1  }
0x1: {  	s1 =	srdreg.scid  }
0x2: {  	s1 =	sand.u32 $0x1, s1  }
0x3: {  	p0 =	seq.s32 s1, $0x1  }
.Ltmp0:
0x4: {  	s3 =	rddreg [dreg:$0x0];
	(pc) =	sbr.rel @p0 .LBB2_4-.Ltmp0, $4  }
0x5: {  	s17 =	rddreg [dreg:$0x1]  }
0x6: {  	s2 =	rddreg [dreg:$0x2];
	s6 =	simm.s32 $0x0  }
0x7: {  	[smem:$0x7FF] =	sst s6  }
0x8: {  	s0 =	rddreg [dreg:$0x3];
	_ =	strace $0x8000004D;
	s1 =	stileid.u32  }
0x9: {  	s4 =	smul.u32 $0x4F000, s1;
	_ =	sdelay $0x1  }
0xa: {  	s4 =	sshrl.u32 s4, $0x2  }
0xb: {  	s28 =	sshll.u32 s1, $0x6;
	s5 =	sadd.s32 s4, s2  }
0xc: {  	s7 =	sadd.s32 $0x67600, s17;
	s4 =	sor.u32 $0x1C05, s28;
	s5 =	sshrl.u32 s5, $0x3  }
0xd: {  	[spmem:s5], [sflag:s4] =	dma.local [hbm:s7], $0x2780  }
0xe: {  	s7 =	simm.s32 $0x5  }
0xf: {  	_ =	swait.ge [sflag:s7], $0x2780  }
0x10: {  	s8 =	smul.u32 $0xA00, s1;
	[sflag:s7] =	ssyncset.done $0x0  }
0x11: {  	s9 =	sadd.s32 $0x3600, s17;
	[sflag:s7] =	ssyncadd.s32 $0xFFFFD880  }
0x12: {  	s10 =	sadd.s32 $0xD600, s17;
	s9 =	sadd.s32 s8, s9;
	[bflag:$0x0] =	sbarrier.arrive $0xFFFF  }
0x13: {  	s8 =	sadd.s32 s8, s10;
	[dreg:$0x4] =	wrdreg s9  }
0x14: {  	s29 =	simm.s32 $0x1000;
	[dreg:$0x5] =	wrdreg s8  }
0x15: {  	s30 =	simm.s32 $0x1080;
	[dreg:$0x6] =	wrdreg s29  }
0x16: {  	s31 =	simm.s32 $0x100;
	[dreg:$0x7] =	wrdreg s30  }
0x17: {  	s10 =	simm.s32 $0x180;
	[dreg:$0x8] =	wrdreg s31  }
0x18: {  	s11 =	simm.s32 $0x1180;
	[dreg:$0xa] =	wrdreg s10  }
0x19: {  	s12 =	simm.s32 $0x200;
	[dreg:$0xb] =	wrdreg s11  }
0x1a: {  	s13 =	simm.s32 $0x1200;
	[dreg:$0xc] =	wrdreg s12  }
0x1b: {  	s14 =	simm.s32 $0x280;
	[dreg:$0xd] =	wrdreg s13  }
0x1c: {  	s15 =	simm.s32 $0x1280;
	[dreg:$0xe] =	wrdreg s14  }
0x1d: {  	s16 =	simm.s32 $0x300;
	[dreg:$0xf] =	wrdreg s15  }
0x1e: {  	s18 =	simm.s32 $0x1300;
	[dreg:$0x10] =	wrdreg s16  }
0x1f: {  	s19 =	simm.s32 $0x380;
	[dreg:$0x11] =	wrdreg s18  }
0x20: {  	s20 =	simm.s32 $0x1380;
	[dreg:$0x12] =	wrdreg s19  }
0x21: {  	s21 =	simm.s32 $0x400;
	[dreg:$0x13] =	wrdreg s20  }
0x22: {  	s22 =	simm.s32 $0x1400;
	[dreg:$0x14] =	wrdreg s21  }
0x23: {  	s23 =	simm.s32 $0x480;
	[dreg:$0x15] =	wrdreg s22  }
0x24: {  	s24 =	simm.s32 $0x1480;
	[dreg:$0x16] =	wrdreg s23  }
0x25: {  	s25 =	simm.s32 $0x500;
	[dreg:$0x17] =	wrdreg s24  }
0x26: {  	s26 =	simm.s32 $0x1500;
	[dreg:$0x18] =	wrdreg s25  }
0x27: {  	s28 =	simm.s32 $0x580;
	[dreg:$0x19] =	wrdreg s26  }
0x28: {  	s9 =	simm.s32 $0x1100;
	[dreg:$0x1a] =	wrdreg s28  }
0x29: {  	s29 =	simm.s32 $0x1580;
	[dreg:$0x9] =	wrdreg s9  }
0x2a: {  	s30 =	simm.s32 $0x600;
	[dreg:$0x1b] =	wrdreg s29  }
0x2b: {  	s31 =	simm.s32 $0x1600;
	[dreg:$0x1c] =	wrdreg s30  }
0x2c: {  	s10 =	simm.s32 $0x1680;
	[dreg:$0x1d] =	wrdreg s31  }
0x2d: {  	s11 =	simm.s32 $0x700;
	[dreg:$0x1f] =	wrdreg s10  }
0x2e: {  	s12 =	simm.s32 $0x1700;
	[smem:$0x7DF] =	sst s11  }
0x2f: {  	s13 =	simm.s32 $0x780;
	[smem:$0x7E0] =	sst s12  }
0x30: {  	s14 =	simm.s32 $0x1780;
	[smem:$0x7E1] =	sst s13  }
0x31: {  	s15 =	simm.s32 $0x880;
	[smem:$0x7E2] =	sst s14  }
0x32: {  	s16 =	simm.s32 $0x1880;
	[smem:$0x7E3] =	sst s15  }
0x33: {  	s18 =	simm.s32 $0x900;
	[smem:$0x7E4] =	sst s16  }
0x34: {  	s19 =	simm.s32 $0x1900;
	[smem:$0x7E5] =	sst s18  }
0x35: {  	s20 =	simm.s32 $0x980;
	[smem:$0x7E6] =	sst s19  }
0x36: {  	s21 =	simm.s32 $0x1980;
	[smem:$0x7E7] =	sst s20  }
0x37: {  	s22 =	simm.s32 $0xA00;
	[smem:$0x7E8] =	sst s21  }
0x38: {  	s23 =	simm.s32 $0x1A00;
	[smem:$0x7E9] =	sst s22  }
0x39: {  	s24 =	simm.s32 $0xA80;
	[smem:$0x7EA] =	sst s23  }
0x3a: {  	s25 =	simm.s32 $0x1A80;
	[smem:$0x7EB] =	sst s24  }
0x3b: {  	s26 =	simm.s32 $0xB00;
	[smem:$0x7EC] =	sst s25  }
0x3c: {  	s28 =	simm.s32 $0x1B00;
	[smem:$0x7ED] =	sst s26  }
0x3d: {  	[smem:$0x7EE] =	sst s28  }
0x3e: {  	s9 =	simm.s32 $0x680;
	s20 =	rddreg [dreg:$0x5]  }
0x3f: {  	s29 =	simm.s32 $0xB80;
	[dreg:$0x1e] =	wrdreg s9  }
0x40: {  	s30 =	simm.s32 $0x1B80;
	[smem:$0x7EF] =	sst s29  }
0x41: {  	s31 =	simm.s32 $0xC00;
	[smem:$0x7F0] =	sst s30  }
0x42: {  	s10 =	simm.s32 $0xC80;
	[smem:$0x7F1] =	sst s31  }
0x43: {  	s11 =	simm.s32 $0x1C80;
	[smem:$0x7F3] =	sst s10  }
0x44: {  	s12 =	simm.s32 $0xD00;
	[smem:$0x7F4] =	sst s11  }
0x45: {  	s13 =	simm.s32 $0x1D00;
	[smem:$0x7F5] =	sst s12  }
0x46: {  	s14 =	simm.s32 $0xD80;
	[smem:$0x7F6] =	sst s13  }
0x47: {  	s15 =	simm.s32 $0x1D80;
	[smem:$0x7F7] =	sst s14  }
0x48: {  	s16 =	simm.s32 $0xE00;
	[smem:$0x7F8] =	sst s15  }
0x49: {  	s18 =	simm.s32 $0x1E00;
	[smem:$0x7F9] =	sst s16  }
0x4a: {  	s19 =	simm.s32 $0xE80;
	[smem:$0x7FA] =	sst s18  }
0x4b: {  	s21 =	simm.s32 $0x1E80;
	[smem:$0x7FB] =	sst s19  }
0x4c: {  	s22 =	simm.s32 $0xF00;
	[smem:$0x7FC] =	sst s21  }
0x4d: {  	s9 =	simm.s32 $0x1C00;
	[smem:$0x7FD] =	sst s22  }
0x4e: {  	s16 =	sadd.s32 $0x0, s20;
	[smem:$0x7F2] =	sst s9  }
0x4f: {  	[tilespmem:s6], [sflag:$0x5] =	stream.linear.gather [hbm4b:s16+s6], $0x800, $0x38;
	[tilespmem:$0x1DC00] =	vst v63  }
0x50: {  	_ =	swait.ge [sflag:s7], $0x800  }
0x51: {  	s23 =	rddreg [dreg:$0x4];
	[sflag:s7] =	ssyncset.done $0x0  }
0x52: {  	s24 =	rddreg [dreg:$0x6];
	[sflag:s7] =	ssyncadd.s32 $0xFFFFF800;
	s18 =	sadd.s32 $0x0, s23  }
0x53: {  	[tilespmem:s24], [sflag:$0x5] =	stream.linear.gather [hbm4b:s18+s6], $0x800, $0x38;
	[tilespmem:$0x1DC00] =	vst v63  }
0x54: {  	p0 =	por $0x1, $0x1;
	_ =	swait.ge [sflag:s7], $0x800  }
0x55: {  	s8 =	simm.s32 @p0 $0x80;
	s10 =	simm.s32 @p0 $0x2000;
	[sflag:s7] =	ssyncset.done $0x0  }
0x56: {  	s11 =	simm.s32 @p0 $0x1;
	s9 =	simm.s32 @p0 $0x0;
	[sflag:s7] =	ssyncadd.s32 $0xFFFFF800  }
0x57: {  	[tilespmem:s10], [sflag:$0x1] =	stream.indirect.gather @p0 [hbm4b:s3+s8], $0x80, s9, s8, $0xb8;
	[tilespmem:$0x1DC00] =	vst v63  }
0x58: {  	_ =	swait.ge @p0 [sflag:s11], $0x4000  }
0x59: {  	[sflag:s11] =	ssyncset.done @p0 $0x0  }
0x5a: {  	s9 =	simm.s32 @p0 $0x1000;
	[sflag:s11] =	ssyncadd.s32 @p0 $0xFFFFC000;
	s11 =	simm.s32 @!p0 $0x3  }
0x5b: {  	[spmem:s2] =	stream.indirect.scatter.add.f32 @p0 [tilespmem:s10], [sflag:$0x3], $0x80, s9, s8, $0xb8;
	[tilespmem:$0x1DC00] =	vst v63  }
0x5c: {  	_ =	swait.ge @!p0 [sflag:s11], $0x4000  }
0x5d: {  	s8 =	simm.s32 @!p0 $0x2000;
	s9 =	simm.s32 @!p0 $0x80;
	[sflag:s11] =	ssyncset.done @!p0 $0x0  }
0x5e: {  	s10 =	simm.s32 @!p0 $0x0;
	[sflag:s11] =	ssyncadd.s32 @!p0 $0xFFFFC000;
	s11 =	simm.s32 @!p0 $0x1  }
0x5f: {  	[tilespmem:s8], [sflag:$0x1] =	stream.indirect.gather @!p0 [hbm4b:s3+s9], $0x80, s10, s9, $0xb8;
	[tilespmem:$0x1DC00] =	vst v63  }
0x60: {  	_ =	swait.ge @!p0 [sflag:s11], $0x4000  }
0x61: {  	[sflag:s11] =	ssyncset.done @!p0 $0x0  }
0x62: {  	s10 =	simm.s32 @!p0 $0x1000;
	[sflag:s11] =	ssyncadd.s32 @!p0 $0xFFFFC000;
	s11 =	simm.s32 @!p0 $0x4  }
0x63: {  	[spmem:s2] =	stream.indirect.scatter.add.f32 @!p0 [tilespmem:s8], [sflag:$0x3], $0x80, s10, s9, $0xb8;
	[tilespmem:$0x1DC00] =	vst v63  }
0x64: {  	_ =	swait.ge @!p0 [sflag:s11], $0x4000  }
0x65: {  	s8 =	simm.s32 $0x80;
	[sflag:s11] =	ssyncset.done @!p0 $0x0  }
0x66: {  	s9 =	simm.s32 $0x6000;
	s10 =	simm.s32 $0x2;
	[sflag:s11] =	ssyncadd.s32 @!p0 $0xFFFFC000  }
0x67: {  	[tilespmem:s9], [sflag:$0x2] =	stream.indirect.gather [hbm4b:s3+s8], $0x80, s8, s8, $0xb8;
	[tilespmem:$0x1DC00] =	vst v63  }
0x68: {  	_ =	swait.ge [sflag:s10], $0x4000  }
0x69: {  	[sflag:s10] =	ssyncset.done $0x0  }
0x6a: {  	s11 =	simm.s32 $0x3;
	s12 =	rddreg [dreg:$0x7];
	[sflag:s10] =	ssyncadd.s32 $0xFFFFC000  }
0x6b: {  	[spmem:s2] =	stream.indirect.scatter.add.f32 [tilespmem:s9], [sflag:$0x4], $0x80, s12, s8, $0xb8;
	[tilespmem:$0x1DC00] =	vst v63  }
0x6c: {  	_ =	swait.ge [sflag:s11], $0x4000  }
0x6d: {  	s13 =	simm.s32 $0x1;
	[sflag:s11] =	ssyncset.done $0x0  }
0x6e: {  	s12 =	simm.s32 $0x2000;
	s14 =	rddreg [dreg:$0x8];
	[sflag:s11] =	ssyncadd.s32 $0xFFFFC000  }
0x6f: {  	[tilespmem:s12], [sflag:$0x1] =	stream.indirect.gather [hbm4b:s3+s8], $0x80, s14, s8, $0xb8;
	[tilespmem:$0x1DC00] =	vst v63  }
0x70: {  	_ =	swait.ge [sflag:s13], $0x4000  }
0x71: {  	[sflag:s13] =	ssyncset.done $0x0  }
0x72: {  	s14 =	simm.s32 $0x4;
	s15 =	rddreg [dreg:$0x9];
	[sflag:s13] =	ssyncadd.s32 $0xFFFFC000  }
0x73: {  	[spmem:s2] =	stream.indirect.scatter.add.f32 [tilespmem:s12], [sflag:$0x3], $0x80, s15, s8, $0xb8;
	[tilespmem:$0x1DC00] =	vst v63  }
0x74: {  	_ =	swait.ge [sflag:s14], $0x4000  }
0x75: {  	[sflag:s14] =	ssyncset.done $0x0  }
0x76: {  	s25 =	rddreg [dreg:$0xa];
	[sflag:s14] =	ssyncadd.s32 $0xFFFFC000  }
0x77: {  	[tilespmem:s9], [sflag:$0x2] =	stream.indirect.gather [hbm4b:s3+s8], $0x80, s25, s8, $0xb8;
	[tilespmem:$0x1DC00] =	vst v63  }
0x78: {  	_ =	swait.ge [sflag:s10], $0x4000  }
0x79: {  	[sflag:s10] =	ssyncset.done $0x0  }
0x7a: {  	s26 =	rddreg [dreg:$0xb];
	[sflag:s10] =	ssyncadd.s32 $0xFFFFC000  }
0x7b: {  	[spmem:s2] =	stream.indirect.scatter.add.f32 [tilespmem:s9], [sflag:$0x4], $0x80, s26, s8, $0xb8;
	[tilespmem:$0x1DC00] =	vst v63  }
0x7c: {  	_ =	swait.ge [sflag:s11], $0x4000  }
0x7d: {  	[sflag:s11] =	ssyncset.done $0x0  }
0x7e: {  	s28 =	rddreg [dreg:$0xc];
	[sflag:s11] =	ssyncadd.s32 $0xFFFFC000  }
0x7f: {  	[tilespmem:s12], [sflag:$0x1] =	stream.indirect.gather [hbm4b:s3+s8], $0x80, s28, s8, $0xb8;
	[tilespmem:$0x1DC00] =	vst v63  }
0x80: {  	_ =	swait.ge [sflag:s13], $0x4000  }
0x81: {  	[sflag:s13] =	ssyncset.done $0x0  }
0x82: {  	s29 =	rddreg [dreg:$0xd];
	[sflag:s13] =	ssyncadd.s32 $0xFFFFC000  }
0x83: {  	[spmem:s2] =	stream.indirect.scatter.add.f32 [tilespmem:s12], [sflag:$0x3], $0x80, s29, s8, $0xb8;
	[tilespmem:$0x1DC00] =	vst v63  }
0x84: {  	_ =	swait.ge [sflag:s14], $0x4000  }
0x85: {  	[sflag:s14] =	ssyncset.done $0x0  }
0x86: {  	s30 =	rddreg [dreg:$0xe];
	[sflag:s14] =	ssyncadd.s32 $0xFFFFC000  }
0x87: {  	[tilespmem:s9], [sflag:$0x2] =	stream.indirect.gather [hbm4b:s3+s8], $0x80, s30, s8, $0xb8;
	[tilespmem:$0x1DC00] =	vst v63  }
0x88: {  	_ =	swait.ge [sflag:s10], $0x4000  }
0x89: {  	[sflag:s10] =	ssyncset.done $0x0  }
0x8a: {  	s31 =	rddreg [dreg:$0xf];
	[sflag:s10] =	ssyncadd.s32 $0xFFFFC000  }
0x8b: {  	[spmem:s2] =	stream.indirect.scatter.add.f32 [tilespmem:s9], [sflag:$0x4], $0x80, s31, s8, $0xb8;
	[tilespmem:$0x1DC00] =	vst v63  }
0x8c: {  	_ =	swait.ge [sflag:s11], $0x4000  }
0x8d: {  	[sflag:s11] =	ssyncset.done $0x0  }
0x8e: {  	s19 =	rddreg [dreg:$0x10];
	[sflag:s11] =	ssyncadd.s32 $0xFFFFC000  }
0x8f: {  	[tilespmem:s12], [sflag:$0x1] =	stream.indirect.gather [hbm4b:s3+s8], $0x80, s19, s8, $0xb8;
	[tilespmem:$0x1DC00] =	vst v63  }
0x90: {  	_ =	swait.ge [sflag:s13], $0x4000  }
0x91: {  	[sflag:s13] =	ssyncset.done $0x0  }
0x92: {  	s20 =	rddreg [dreg:$0x11];
	[sflag:s13] =	ssyncadd.s32 $0xFFFFC000  }
0x93: {  	[spmem:s2] =	stream.indirect.scatter.add.f32 [tilespmem:s12], [sflag:$0x3], $0x80, s20, s8, $0xb8;
	[tilespmem:$0x1DC00] =	vst v63  }
0x94: {  	_ =	swait.ge [sflag:s14], $0x4000  }
0x95: {  	[sflag:s14] =	ssyncset.done $0x0  }
0x96: {  	s21 =	rddreg [dreg:$0x12];
	[sflag:s14] =	ssyncadd.s32 $0xFFFFC000  }
0x97: {  	[tilespmem:s9], [sflag:$0x2] =	stream.indirect.gather [hbm4b:s3+s8], $0x80, s21, s8, $0xb8;
	[tilespmem:$0x1DC00] =	vst v63  }
0x98: {  	_ =	swait.ge [sflag:s10], $0x4000  }
0x99: {  	[sflag:s10] =	ssyncset.done $0x0  }
0x9a: {  	s22 =	rddreg [dreg:$0x13];
	[sflag:s10] =	ssyncadd.s32 $0xFFFFC000  }
0x9b: {  	[spmem:s2] =	stream.indirect.scatter.add.f32 [tilespmem:s9], [sflag:$0x4], $0x80, s22, s8, $0xb8;
	[tilespmem:$0x1DC00] =	vst v63  }
0x9c: {  	_ =	swait.ge [sflag:s11], $0x4000  }
0x9d: {  	[sflag:s11] =	ssyncset.done $0x0  }
0x9e: {  	s23 =	rddreg [dreg:$0x14];
	[sflag:s11] =	ssyncadd.s32 $0xFFFFC000  }
0x9f: {  	[tilespmem:s12], [sflag:$0x1] =	stream.indirect.gather [hbm4b:s3+s8], $0x80, s23, s8, $0xb8;
	[tilespmem:$0x1DC00] =	vst v63  }
0xa0: {  	_ =	swait.ge [sflag:s13], $0x4000  }
0xa1: {  	[sflag:s13] =	ssyncset.done $0x0  }
0xa2: {  	s24 =	rddreg [dreg:$0x15];
	[sflag:s13] =	ssyncadd.s32 $0xFFFFC000  }
0xa3: {  	[spmem:s2] =	stream.indirect.scatter.add.f32 [tilespmem:s12], [sflag:$0x3], $0x80, s24, s8, $0xb8;
	[tilespmem:$0x1DC00] =	vst v63  }
0xa4: {  	_ =	swait.ge [sflag:s14], $0x4000  }
0xa5: {  	[sflag:s14] =	ssyncset.done $0x0  }
0xa6: {  	s25 =	rddreg [dreg:$0x16];
	[sflag:s14] =	ssyncadd.s32 $0xFFFFC000  }
0xa7: {  	[tilespmem:s9], [sflag:$0x2] =	stream.indirect.gather [hbm4b:s3+s8], $0x80, s25, s8, $0xb8;
	[tilespmem:$0x1DC00] =	vst v63  }
0xa8: {  	_ =	swait.ge [sflag:s10], $0x4000  }
0xa9: {  	[sflag:s10] =	ssyncset.done $0x0  }
0xaa: {  	s26 =	rddreg [dreg:$0x17];
	[sflag:s10] =	ssyncadd.s32 $0xFFFFC000  }
0xab: {  	[spmem:s2] =	stream.indirect.scatter.add.f32 [tilespmem:s9], [sflag:$0x4], $0x80, s26, s8, $0xb8;
	[tilespmem:$0x1DC00] =	vst v63  }
0xac: {  	_ =	swait.ge [sflag:s11], $0x4000  }
0xad: {  	[sflag:s11] =	ssyncset.done $0x0  }
0xae: {  	s28 =	rddreg [dreg:$0x18];
	[sflag:s11] =	ssyncadd.s32 $0xFFFFC000  }
0xaf: {  	[tilespmem:s12], [sflag:$0x1] =	stream.indirect.gather [hbm4b:s3+s8], $0x80, s28, s8, $0xb8;
	[tilespmem:$0x1DC00] =	vst v63  }
0xb0: {  	_ =	swait.ge [sflag:s13], $0x4000  }
0xb1: {  	[sflag:s13] =	ssyncset.done $0x0  }
0xb2: {  	s29 =	rddreg [dreg:$0x19];
	[sflag:s13] =	ssyncadd.s32 $0xFFFFC000  }
0xb3: {  	[spmem:s2] =	stream.indirect.scatter.add.f32 [tilespmem:s12], [sflag:$0x3], $0x80, s29, s8, $0xb8;
	[tilespmem:$0x1DC00] =	vst v63  }
0xb4: {  	_ =	swait.ge [sflag:s14], $0x4000  }
0xb5: {  	[sflag:s14] =	ssyncset.done $0x0  }
0xb6: {  	s30 =	rddreg [dreg:$0x1a];
	[sflag:s14] =	ssyncadd.s32 $0xFFFFC000  }
0xb7: {  	[tilespmem:s9], [sflag:$0x2] =	stream.indirect.gather [hbm4b:s3+s8], $0x80, s30, s8, $0xb8;
	[tilespmem:$0x1DC00] =	vst v63  }
0xb8: {  	_ =	swait.ge [sflag:s10], $0x4000  }
0xb9: {  	[sflag:s10] =	ssyncset.done $0x0  }
0xba: {  	s31 =	rddreg [dreg:$0x1b];
	[sflag:s10] =	ssyncadd.s32 $0xFFFFC000  }
0xbb: {  	[spmem:s2] =	stream.indirect.scatter.add.f32 [tilespmem:s9], [sflag:$0x4], $0x80, s31, s8, $0xb8;
	[tilespmem:$0x1DC00] =	vst v63  }
0xbc: {  	_ =	swait.ge [sflag:s11], $0x4000  }
0xbd: {  	[sflag:s11] =	ssyncset.done $0x0  }
0xbe: {  	s19 =	rddreg [dreg:$0x1c];
	[sflag:s11] =	ssyncadd.s32 $0xFFFFC000  }
0xbf: {  	[tilespmem:s12], [sflag:$0x1] =	stream.indirect.gather [hbm4b:s3+s8], $0x80, s19, s8, $0xb8;
	[tilespmem:$0x1DC00] =	vst v63  }
0xc0: {  	_ =	swait.ge [sflag:s13], $0x4000  }
0xc1: {  	[sflag:s13] =	ssyncset.done $0x0  }
0xc2: {  	s20 =	rddreg [dreg:$0x1d];
	[sflag:s13] =	ssyncadd.s32 $0xFFFFC000  }
0xc3: {  	[spmem:s2] =	stream.indirect.scatter.add.f32 [tilespmem:s12], [sflag:$0x3], $0x80, s20, s8, $0xb8;
	[tilespmem:$0x1DC00] =	vst v63  }
0xc4: {  	_ =	swait.ge [sflag:s14], $0x4000  }
0xc5: {  	[sflag:s14] =	ssyncset.done $0x0  }
0xc6: {  	s21 =	rddreg [dreg:$0x1e];
	[sflag:s14] =	ssyncadd.s32 $0xFFFFC000  }
0xc7: {  	[tilespmem:s9], [sflag:$0x2] =	stream.indirect.gather [hbm4b:s3+s8], $0x80, s21, s8, $0xb8;
	[tilespmem:$0x1DC00] =	vst v63  }
0xc8: {  	_ =	swait.ge [sflag:s10], $0x4000  }
0xc9: {  	[sflag:s10] =	ssyncset.done $0x0  }
0xca: {  	s22 =	rddreg [dreg:$0x1f];
	[sflag:s10] =	ssyncadd.s32 $0xFFFFC000  }
0xcb: {  	[spmem:s2] =	stream.indirect.scatter.add.f32 [tilespmem:s9], [sflag:$0x4], $0x80, s22, s8, $0xb8;
	[tilespmem:$0x1DC00] =	vst v63  }
0xcc: {  	_ =	swait.ge [sflag:s11], $0x4000  }
0xcd: {  	s23 =	sld [smem:$0x7DF]  }
0xce: {  	[sflag:s11] =	ssyncset.done $0x0  }
0xcf: {  	[sflag:s11] =	ssyncadd.s32 $0xFFFFC000  }
0xd0: {  	[tilespmem:s12], [sflag:$0x1] =	stream.indirect.gather [hbm4b:s3+s8], $0x80, s23, s8, $0xb8;
	[tilespmem:$0x1DC00] =	vst v63  }
0xd1: {  	_ =	swait.ge [sflag:s13], $0x4000  }
0xd2: {  	s24 =	sld [smem:$0x7E0]  }
0xd3: {  	[sflag:s13] =	ssyncset.done $0x0  }
0xd4: {  	[sflag:s13] =	ssyncadd.s32 $0xFFFFC000  }
0xd5: {  	[spmem:s2] =	stream.indirect.scatter.add.f32 [tilespmem:s12], [sflag:$0x3], $0x80, s24, s8, $0xb8;
	[tilespmem:$0x1DC00] =	vst v63  }
0xd6: {  	_ =	swait.ge [sflag:s14], $0x4000  }
0xd7: {  	s25 =	sld [smem:$0x7E1]  }
0xd8: {  	[sflag:s14] =	ssyncset.done $0x0  }
0xd9: {  	[sflag:s14] =	ssyncadd.s32 $0xFFFFC000  }
0xda: {  	[tilespmem:s9], [sflag:$0x2] =	stream.indirect.gather [hbm4b:s3+s8], $0x80, s25, s8, $0xb8;
	[tilespmem:$0x1DC00] =	vst v63  }
0xdb: {  	_ =	swait.ge [sflag:s10], $0x4000  }
0xdc: {  	s26 =	sld [smem:$0x7E2]  }
0xdd: {  	[sflag:s10] =	ssyncset.done $0x0  }
0xde: {  	[sflag:s10] =	ssyncadd.s32 $0xFFFFC000  }
0xdf: {  	[spmem:s2] =	stream.indirect.scatter.add.f32 [tilespmem:s9], [sflag:$0x4], $0x80, s26, s8, $0xb8;
	[tilespmem:$0x1DC00] =	vst v63  }
0xe0: {  	s16 =	sadd.s32 $0x100, s16;
	s15 =	simm.s32 $0x800  }
0xe1: {  	[tilespmem:s15], [sflag:$0x5] =	stream.linear.gather [hbm4b:s16+s6], $0x800, $0x38;
	[tilespmem:$0x1DC00] =	vst v63  }
0xe2: {  	_ =	swait.ge [sflag:s7], $0x800  }
0xe3: {  	[sflag:s7] =	ssyncset.done $0x0  }
0xe4: {  	s18 =	sadd.s32 $0x100, s18;
	s16 =	simm.s32 $0x1800;
	[sflag:s7] =	ssyncadd.s32 $0xFFFFF800  }
0xe5: {  	[tilespmem:s16], [sflag:$0x5] =	stream.linear.gather [hbm4b:s18+s6], $0x800, $0x38;
	[tilespmem:$0x1DC00] =	vst v63  }
0xe6: {  	_ =	swait.ge [sflag:s7], $0x800  }
0xe7: {  	[sflag:s7] =	ssyncset.done $0x0  }
0xe8: {  	[sflag:s7] =	ssyncadd.s32 $0xFFFFF800  }
0xe9: {  	_ =	swait.ge [sflag:s11], $0x4000  }
0xea: {  	[sflag:s11] =	ssyncset.done $0x0  }
0xeb: {  	[sflag:s11] =	ssyncadd.s32 $0xFFFFC000  }
0xec: {  	[tilespmem:s12], [sflag:$0x1] =	stream.indirect.gather [hbm4b:s3+s8], $0x80, s15, s8, $0xb8;
	[tilespmem:$0x1DC00] =	vst v63  }
0xed: {  	_ =	swait.ge [sflag:s13], $0x4000  }
0xee: {  	[sflag:s13] =	ssyncset.done $0x0  }
0xef: {  	[sflag:s13] =	ssyncadd.s32 $0xFFFFC000  }
0xf0: {  	[spmem:s2] =	stream.indirect.scatter.add.f32 [tilespmem:s12], [sflag:$0x3], $0x80, s16, s8, $0xb8;
	[tilespmem:$0x1DC00] =	vst v63  }
0xf1: {  	_ =	swait.ge [sflag:s14], $0x4000  }
0xf2: {  	s28 =	sld [smem:$0x7E3]  }
0xf3: {  	[sflag:s14] =	ssyncset.done $0x0  }
0xf4: {  	[sflag:s14] =	ssyncadd.s32 $0xFFFFC000  }
0xf5: {  	[tilespmem:s9], [sflag:$0x2] =	stream.indirect.gather [hbm4b:s3+s8], $0x80, s28, s8, $0xb8;
	[tilespmem:$0x1DC00] =	vst v63  }
0xf6: {  	_ =	swait.ge [sflag:s10], $0x4000  }
0xf7: {  	s29 =	sld [smem:$0x7E4]  }
0xf8: {  	[sflag:s10] =	ssyncset.done $0x0  }
0xf9: {  	[sflag:s10] =	ssyncadd.s32 $0xFFFFC000  }
0xfa: {  	[spmem:s2] =	stream.indirect.scatter.add.f32 [tilespmem:s9], [sflag:$0x4], $0x80, s29, s8, $0xb8;
	[tilespmem:$0x1DC00] =	vst v63  }
0xfb: {  	_ =	swait.ge [sflag:s11], $0x4000  }
0xfc: {  	s30 =	sld [smem:$0x7E5]  }
0xfd: {  	[sflag:s11] =	ssyncset.done $0x0  }
0xfe: {  	[sflag:s11] =	ssyncadd.s32 $0xFFFFC000  }
0xff: {  	[tilespmem:s12], [sflag:$0x1] =	stream.indirect.gather [hbm4b:s3+s8], $0x80, s30, s8, $0xb8;
	[tilespmem:$0x1DC00] =	vst v63  }
0x100: {  	_ =	swait.ge [sflag:s13], $0x4000  }
0x101: {  	s31 =	sld [smem:$0x7E6]  }
0x102: {  	[sflag:s13] =	ssyncset.done $0x0  }
0x103: {  	[sflag:s13] =	ssyncadd.s32 $0xFFFFC000  }
0x104: {  	[spmem:s2] =	stream.indirect.scatter.add.f32 [tilespmem:s12], [sflag:$0x3], $0x80, s31, s8, $0xb8;
	[tilespmem:$0x1DC00] =	vst v63  }
0x105: {  	_ =	swait.ge [sflag:s14], $0x4000  }
0x106: {  	s19 =	sld [smem:$0x7E7]  }
0x107: {  	[sflag:s14] =	ssyncset.done $0x0  }
0x108: {  	[sflag:s14] =	ssyncadd.s32 $0xFFFFC000  }
0x109: {  	[tilespmem:s9], [sflag:$0x2] =	stream.indirect.gather [hbm4b:s3+s8], $0x80, s19, s8, $0xb8;
	[tilespmem:$0x1DC00] =	vst v63  }
0x10a: {  	_ =	swait.ge [sflag:s10], $0x4000  }
0x10b: {  	s20 =	sld [smem:$0x7E8]  }
0x10c: {  	[sflag:s10] =	ssyncset.done $0x0  }
0x10d: {  	[sflag:s10] =	ssyncadd.s32 $0xFFFFC000  }
0x10e: {  	[spmem:s2] =	stream.indirect.scatter.add.f32 [tilespmem:s9], [sflag:$0x4], $0x80, s20, s8, $0xb8;
	[tilespmem:$0x1DC00] =	vst v63  }
0x10f: {  	_ =	swait.ge [sflag:s11], $0x4000  }
0x110: {  	s21 =	sld [smem:$0x7E9]  }
0x111: {  	[sflag:s11] =	ssyncset.done $0x0  }
0x112: {  	[sflag:s11] =	ssyncadd.s32 $0xFFFFC000  }
0x113: {  	[tilespmem:s12], [sflag:$0x1] =	stream.indirect.gather [hbm4b:s3+s8], $0x80, s21, s8, $0xb8;
	[tilespmem:$0x1DC00] =	vst v63  }
0x114: {  	_ =	swait.ge [sflag:s13], $0x4000  }
0x115: {  	s22 =	sld [smem:$0x7EA]  }
0x116: {  	[sflag:s13] =	ssyncset.done $0x0  }
0x117: {  	[sflag:s13] =	ssyncadd.s32 $0xFFFFC000  }
0x118: {  	[spmem:s2] =	stream.indirect.scatter.add.f32 [tilespmem:s12], [sflag:$0x3], $0x80, s22, s8, $0xb8;
	[tilespmem:$0x1DC00] =	vst v63  }
0x119: {  	_ =	swait.ge [sflag:s14], $0x4000  }
0x11a: {  	s23 =	sld [smem:$0x7EB]  }
0x11b: {  	[sflag:s14] =	ssyncset.done $0x0  }
0x11c: {  	[sflag:s14] =	ssyncadd.s32 $0xFFFFC000  }
0x11d: {  	[tilespmem:s9], [sflag:$0x2] =	stream.indirect.gather [hbm4b:s3+s8], $0x80, s23, s8, $0xb8;
	[tilespmem:$0x1DC00] =	vst v63  }
0x11e: {  	_ =	swait.ge [sflag:s10], $0x4000  }
0x11f: {  	s24 =	sld [smem:$0x7EC]  }
0x120: {  	[sflag:s10] =	ssyncset.done $0x0  }
0x121: {  	[sflag:s10] =	ssyncadd.s32 $0xFFFFC000  }
0x122: {  	[spmem:s2] =	stream.indirect.scatter.add.f32 [tilespmem:s9], [sflag:$0x4], $0x80, s24, s8, $0xb8;
	[tilespmem:$0x1DC00] =	vst v63  }
0x123: {  	_ =	swait.ge [sflag:s11], $0x4000  }
0x124: {  	s25 =	sld [smem:$0x7ED]  }
0x125: {  	[sflag:s11] =	ssyncset.done $0x0  }
0x126: {  	[sflag:s11] =	ssyncadd.s32 $0xFFFFC000  }
0x127: {  	[tilespmem:s12], [sflag:$0x1] =	stream.indirect.gather [hbm4b:s3+s8], $0x80, s25, s8, $0xb8;
	[tilespmem:$0x1DC00] =	vst v63  }
0x128: {  	_ =	swait.ge [sflag:s13], $0x4000  }
0x129: {  	s26 =	sld [smem:$0x7EE]  }
0x12a: {  	[sflag:s13] =	ssyncset.done $0x0  }
0x12b: {  	[sflag:s13] =	ssyncadd.s32 $0xFFFFC000  }
0x12c: {  	[spmem:s2] =	stream.indirect.scatter.add.f32 [tilespmem:s12], [sflag:$0x3], $0x80, s26, s8, $0xb8;
	[tilespmem:$0x1DC00] =	vst v63  }
0x12d: {  	_ =	swait.ge [sflag:s14], $0x4000  }
0x12e: {  	s28 =	sld [smem:$0x7EF]  }
0x12f: {  	[sflag:s14] =	ssyncset.done $0x0  }
0x130: {  	[sflag:s14] =	ssyncadd.s32 $0xFFFFC000  }
0x131: {  	[tilespmem:s9], [sflag:$0x2] =	stream.indirect.gather [hbm4b:s3+s8], $0x80, s28, s8, $0xb8;
	[tilespmem:$0x1DC00] =	vst v63  }
0x132: {  	_ =	swait.ge [sflag:s10], $0x4000  }
0x133: {  	s29 =	sld [smem:$0x7F0]  }
0x134: {  	[sflag:s10] =	ssyncset.done $0x0  }
0x135: {  	[sflag:s10] =	ssyncadd.s32 $0xFFFFC000  }
0x136: {  	[spmem:s2] =	stream.indirect.scatter.add.f32 [tilespmem:s9], [sflag:$0x4], $0x80, s29, s8, $0xb8;
	[tilespmem:$0x1DC00] =	vst v63  }
0x137: {  	_ =	swait.ge [sflag:s11], $0x4000  }
0x138: {  	s30 =	sld [smem:$0x7F1]  }
0x139: {  	[sflag:s11] =	ssyncset.done $0x0  }
0x13a: {  	[sflag:s11] =	ssyncadd.s32 $0xFFFFC000  }
0x13b: {  	[tilespmem:s12], [sflag:$0x1] =	stream.indirect.gather [hbm4b:s3+s8], $0x80, s30, s8, $0xb8;
	[tilespmem:$0x1DC00] =	vst v63  }
0x13c: {  	_ =	swait.ge [sflag:s13], $0x4000  }
0x13d: {  	s31 =	sld [smem:$0x7F2]  }
0x13e: {  	[sflag:s13] =	ssyncset.done $0x0  }
0x13f: {  	[sflag:s13] =	ssyncadd.s32 $0xFFFFC000  }
0x140: {  	[spmem:s2] =	stream.indirect.scatter.add.f32 [tilespmem:s12], [sflag:$0x3], $0x80, s31, s8, $0xb8;
	[tilespmem:$0x1DC00] =	vst v63  }
0x141: {  	_ =	swait.ge [sflag:s14], $0x4000  }
0x142: {  	s19 =	sld [smem:$0x7F3]  }
0x143: {  	[sflag:s14] =	ssyncset.done $0x0  }
0x144: {  	[sflag:s14] =	ssyncadd.s32 $0xFFFFC000  }
0x145: {  	[tilespmem:s9], [sflag:$0x2] =	stream.indirect.gather [hbm4b:s3+s8], $0x80, s19, s8, $0xb8;
	[tilespmem:$0x1DC00] =	vst v63  }
0x146: {  	_ =	swait.ge [sflag:s10], $0x4000  }
0x147: {  	s20 =	sld [smem:$0x7F4]  }
0x148: {  	[sflag:s10] =	ssyncset.done $0x0  }
0x149: {  	[sflag:s10] =	ssyncadd.s32 $0xFFFFC000  }
0x14a: {  	[spmem:s2] =	stream.indirect.scatter.add.f32 [tilespmem:s9], [sflag:$0x4], $0x80, s20, s8, $0xb8;
	[tilespmem:$0x1DC00] =	vst v63  }
0x14b: {  	_ =	swait.ge [sflag:s11], $0x4000  }
0x14c: {  	s21 =	sld [smem:$0x7F5]  }
0x14d: {  	[sflag:s11] =	ssyncset.done $0x0  }
0x14e: {  	[sflag:s11] =	ssyncadd.s32 $0xFFFFC000  }
0x14f: {  	[tilespmem:s12], [sflag:$0x1] =	stream.indirect.gather [hbm4b:s3+s8], $0x80, s21, s8, $0xb8;
	[tilespmem:$0x1DC00] =	vst v63  }
0x150: {  	_ =	swait.ge [sflag:s13], $0x4000  }
0x151: {  	s22 =	sld [smem:$0x7F6]  }
0x152: {  	[sflag:s13] =	ssyncset.done $0x0  }
0x153: {  	[sflag:s13] =	ssyncadd.s32 $0xFFFFC000  }
0x154: {  	[spmem:s2] =	stream.indirect.scatter.add.f32 [tilespmem:s12], [sflag:$0x3], $0x80, s22, s8, $0xb8;
	[tilespmem:$0x1DC00] =	vst v63  }
0x155: {  	_ =	swait.ge [sflag:s14], $0x4000  }
0x156: {  	s23 =	sld [smem:$0x7F7]  }
0x157: {  	[sflag:s14] =	ssyncset.done $0x0  }
0x158: {  	[sflag:s14] =	ssyncadd.s32 $0xFFFFC000  }
0x159: {  	[tilespmem:s9], [sflag:$0x2] =	stream.indirect.gather [hbm4b:s3+s8], $0x80, s23, s8, $0xb8;
	[tilespmem:$0x1DC00] =	vst v63  }
0x15a: {  	_ =	swait.ge [sflag:s10], $0x4000  }
0x15b: {  	s24 =	sld [smem:$0x7F8]  }
0x15c: {  	[sflag:s10] =	ssyncset.done $0x0  }
0x15d: {  	[sflag:s10] =	ssyncadd.s32 $0xFFFFC000  }
0x15e: {  	[spmem:s2] =	stream.indirect.scatter.add.f32 [tilespmem:s9], [sflag:$0x4], $0x80, s24, s8, $0xb8;
	[tilespmem:$0x1DC00] =	vst v63  }
0x15f: {  	_ =	swait.ge [sflag:s11], $0x4000  }
0x160: {  	s25 =	sld [smem:$0x7F9]  }
0x161: {  	[sflag:s11] =	ssyncset.done $0x0  }
0x162: {  	[sflag:s11] =	ssyncadd.s32 $0xFFFFC000  }
0x163: {  	[tilespmem:s12], [sflag:$0x1] =	stream.indirect.gather [hbm4b:s3+s8], $0x80, s25, s8, $0xb8;
	[tilespmem:$0x1DC00] =	vst v63  }
0x164: {  	_ =	swait.ge [sflag:s13], $0x4000  }
0x165: {  	s26 =	sld [smem:$0x7FA]  }
0x166: {  	[sflag:s13] =	ssyncset.done $0x0  }
0x167: {  	[sflag:s13] =	ssyncadd.s32 $0xFFFFC000  }
0x168: {  	[spmem:s2] =	stream.indirect.scatter.add.f32 [tilespmem:s12], [sflag:$0x3], $0x80, s26, s8, $0xb8;
	[tilespmem:$0x1DC00] =	vst v63  }
0x169: {  	_ =	swait.ge [sflag:s14], $0x4000  }
0x16a: {  	s28 =	sld [smem:$0x7FB]  }
0x16b: {  	[sflag:s14] =	ssyncset.done $0x0  }
0x16c: {  	[sflag:s14] =	ssyncadd.s32 $0xFFFFC000  }
0x16d: {  	[tilespmem:s9], [sflag:$0x2] =	stream.indirect.gather [hbm4b:s3+s8], $0x80, s28, s8, $0xb8;
	[tilespmem:$0x1DC00] =	vst v63  }
0x16e: {  	_ =	swait.ge [sflag:s10], $0x4000  }
0x16f: {  	s29 =	sld [smem:$0x7FC]  }
0x170: {  	[sflag:s10] =	ssyncset.done $0x0  }
0x171: {  	[sflag:s10] =	ssyncadd.s32 $0xFFFFC000  }
0x172: {  	[spmem:s2] =	stream.indirect.scatter.add.f32 [tilespmem:s9], [sflag:$0x4], $0x80, s29, s8, $0xb8;
	[tilespmem:$0x1DC00] =	vst v63  }
0x173: {  	_ =	swait.ge [sflag:s11], $0x4000  }
0x174: {  	s30 =	sld [smem:$0x7FD]  }
0x175: {  	[sflag:s11] =	ssyncset.done $0x0  }
0x176: {  	[sflag:s11] =	ssyncadd.s32 $0xFFFFC000  }
0x177: {  	[tilespmem:s12], [sflag:$0x1] =	stream.indirect.gather [hbm4b:s3+s8], $0x80, s30, s8, $0xb8;
	[tilespmem:$0x1DC00] =	vst v63  }
0x178: {  	_ =	swait.ge [sflag:s13], $0x4000  }
0x179: {  	[sflag:s13] =	ssyncset.done $0x0  }
0x17a: {  	s18 =	simm.s32 $0x1F00;
	s19 =	smul.u32 $0x2780, s1;
	[sflag:s13] =	ssyncadd.s32 $0xFFFFC000  }
0x17b: {  	[spmem:s2] =	stream.indirect.scatter.add.f32 [tilespmem:s12], [sflag:$0x3], $0x80, s18, s8, $0xb8;
	[tilespmem:$0x1DC00] =	vst v63  }
0x17c: {  	_ =	swait.ge [sflag:s14], $0x4000  }
0x17d: {  	s31 =	sadd.s32 s19, s17;
	[sflag:s14] =	ssyncset.done $0x0  }
0x17e: {  	s19 =	simm.s32 $0x1F80;
	s20 =	simm.s32 $0xF80;
	[sflag:s14] =	ssyncadd.s32 $0xFFFFC000  }
0x17f: {  	[tilespmem:s9], [sflag:$0x2] =	stream.indirect.gather [hbm4b:s3+s8], $0x80, s20, s8, $0xb8;
	[tilespmem:$0x1DC00] =	vst v63  }
0x180: {  	s17 =	sadd.s32 $0x69E00, s31;
	s21 =	simm.s32 $0x200;
	_ =	swait.ge [sflag:s10], $0x4000  }
0x181: {  	s22 =	simm.s32 $0x400;
	s23 =	rddreg [dreg:$0x5];
	[sflag:s10] =	ssyncset.done $0x0  }
.LBB2_2:
0x182: {  	[sflag:s10] =	ssyncadd.s32 $0xFFFFC000  }
0x183: {  	[spmem:s2] =	stream.indirect.scatter.add.f32 [tilespmem:s9], [sflag:$0x4], $0x80, s19, s8, $0xb8;
	[tilespmem:$0x1DC00] =	vst v63  }
0x184: {  	s23 =	sadd.s32 s21, s23  }
0x185: {  	[tilespmem:s6], [sflag:$0x5] =	stream.linear.gather [hbm4b:s23+s6], $0x800, $0x38;
	[tilespmem:$0x1DC00] =	vst v63  }
0x186: {  	_ =	swait.ge [sflag:s7], $0x800  }
0x187: {  	p1 =	seq.s32 s21, $0x0;
	s24 =	rddreg [dreg:$0x4];
	[sflag:s7] =	ssyncset.done $0x0  }
0x188: {  	s26 =	rddreg [dreg:$0x6];
	[sflag:s7] =	ssyncadd.s32 $0xFFFFF800;
	s24 =	sadd.s32 s21, s24  }
0x189: {  	[tilespmem:s26], [sflag:$0x5] =	stream.linear.gather [hbm4b:s24+s6], $0x800, $0x38;
	[tilespmem:$0x1DC00] =	vst v63  }
0x18a: {  	s25 =	smov.u32 s22;
	s28 =	simm.s32 @p1 $0x2000;
	_ =	swait.ge [sflag:s7], $0x800  }
0x18b: {  	s29 =	simm.s32 @p1 $0x1;
	s21 =	smov.u32 s25;
	[sflag:s7] =	ssyncset.done $0x0  }
0x18c: {  	s25 =	simm.s32 @p1 $0x80;
	s26 =	simm.s32 @p1 $0x0;
	[sflag:s7] =	ssyncadd.s32 $0xFFFFF800  }
0x18d: {  	[tilespmem:s28], [sflag:$0x1] =	stream.indirect.gather @p1 [hbm4b:s3+s25], $0x80, s26, s25, $0xb8;
	[tilespmem:$0x1DC00] =	vst v63  }
0x18e: {  	_ =	swait.ge @p1 [sflag:s29], $0x4000  }
0x18f: {  	[sflag:s29] =	ssyncset.done @p1 $0x0  }
0x190: {  	s26 =	simm.s32 @p1 $0x1000;
	[sflag:s29] =	ssyncadd.s32 @p1 $0xFFFFC000;
	s29 =	simm.s32 @!p1 $0x3  }
0x191: {  	[spmem:s2] =	stream.indirect.scatter.add.f32 @p1 [tilespmem:s28], [sflag:$0x3], $0x80, s26, s25, $0xb8;
	[tilespmem:$0x1DC00] =	vst v63  }
0x192: {  	_ =	swait.ge @!p1 [sflag:s29], $0x4000  }
0x193: {  	s25 =	simm.s32 @!p1 $0x2000;
	s26 =	simm.s32 @!p1 $0x80;
	[sflag:s29] =	ssyncset.done @!p1 $0x0  }
0x194: {  	s28 =	simm.s32 @!p1 $0x0;
	[sflag:s29] =	ssyncadd.s32 @!p1 $0xFFFFC000;
	s29 =	simm.s32 @!p1 $0x1  }
0x195: {  	[tilespmem:s25], [sflag:$0x1] =	stream.indirect.gather @!p1 [hbm4b:s3+s26], $0x80, s28, s26, $0xb8;
	[tilespmem:$0x1DC00] =	vst v63  }
0x196: {  	_ =	swait.ge @!p1 [sflag:s29], $0x4000  }
0x197: {  	[sflag:s29] =	ssyncset.done @!p1 $0x0  }
0x198: {  	s28 =	simm.s32 @!p1 $0x1000;
	[sflag:s29] =	ssyncadd.s32 @!p1 $0xFFFFC000;
	s29 =	simm.s32 @!p1 $0x4  }
0x199: {  	[spmem:s2] =	stream.indirect.scatter.add.f32 @!p1 [tilespmem:s25], [sflag:$0x3], $0x80, s28, s26, $0xb8;
	[tilespmem:$0x1DC00] =	vst v63  }
0x19a: {  	_ =	swait.ge @!p1 [sflag:s29], $0x4000  }
0x19b: {  	[sflag:s29] =	ssyncset.done @!p1 $0x0  }
0x19c: {  	[sflag:s29] =	ssyncadd.s32 @!p1 $0xFFFFC000  }
0x19d: {  	[tilespmem:s9], [sflag:$0x2] =	stream.indirect.gather [hbm4b:s3+s8], $0x80, s8, s8, $0xb8;
	[tilespmem:$0x1DC00] =	vst v63  }
0x19e: {  	_ =	swait.ge [sflag:s10], $0x4000  }
0x19f: {  	[sflag:s10] =	ssyncset.done $0x0  }
0x1a0: {  	s28 =	rddreg [dreg:$0x7];
	[sflag:s10] =	ssyncadd.s32 $0xFFFFC000  }
0x1a1: {  	[spmem:s2] =	stream.indirect.scatter.add.f32 [tilespmem:s9], [sflag:$0x4], $0x80, s28, s8, $0xb8;
	[tilespmem:$0x1DC00] =	vst v63  }
0x1a2: {  	_ =	swait.ge [sflag:s11], $0x4000  }
0x1a3: {  	[sflag:s11] =	ssyncset.done $0x0  }
0x1a4: {  	s29 =	rddreg [dreg:$0x8];
	[sflag:s11] =	ssyncadd.s32 $0xFFFFC000  }
0x1a5: {  	[tilespmem:s12], [sflag:$0x1] =	stream.indirect.gather [hbm4b:s3+s8], $0x80, s29, s8, $0xb8;
	[tilespmem:$0x1DC00] =	vst v63  }
0x1a6: {  	_ =	swait.ge [sflag:s13], $0x4000  }
0x1a7: {  	[sflag:s13] =	ssyncset.done $0x0  }
0x1a8: {  	s30 =	rddreg [dreg:$0x9];
	[sflag:s13] =	ssyncadd.s32 $0xFFFFC000  }
0x1a9: {  	[spmem:s2] =	stream.indirect.scatter.add.f32 [tilespmem:s12], [sflag:$0x3], $0x80, s30, s8, $0xb8;
	[tilespmem:$0x1DC00] =	vst v63  }
0x1aa: {  	_ =	swait.ge [sflag:s14], $0x4000  }
0x1ab: {  	[sflag:s14] =	ssyncset.done $0x0  }
0x1ac: {  	s31 =	rddreg [dreg:$0xa];
	[sflag:s14] =	ssyncadd.s32 $0xFFFFC000  }
0x1ad: {  	[tilespmem:s9], [sflag:$0x2] =	stream.indirect.gather [hbm4b:s3+s8], $0x80, s31, s8, $0xb8;
	[tilespmem:$0x1DC00] =	vst v63  }
0x1ae: {  	_ =	swait.ge [sflag:s10], $0x4000  }
0x1af: {  	[sflag:s10] =	ssyncset.done $0x0  }
0x1b0: {  	s26 =	rddreg [dreg:$0xb];
	[sflag:s10] =	ssyncadd.s32 $0xFFFFC000  }
0x1b1: {  	[spmem:s2] =	stream.indirect.scatter.add.f32 [tilespmem:s9], [sflag:$0x4], $0x80, s26, s8, $0xb8;
	[tilespmem:$0x1DC00] =	vst v63  }
0x1b2: {  	_ =	swait.ge [sflag:s11], $0x4000  }
0x1b3: {  	[sflag:s11] =	ssyncset.done $0x0  }
0x1b4: {  	s28 =	rddreg [dreg:$0xc];
	[sflag:s11] =	ssyncadd.s32 $0xFFFFC000  }
0x1b5: {  	[tilespmem:s12], [sflag:$0x1] =	stream.indirect.gather [hbm4b:s3+s8], $0x80, s28, s8, $0xb8;
	[tilespmem:$0x1DC00] =	vst v63  }
0x1b6: {  	_ =	swait.ge [sflag:s13], $0x4000  }
0x1b7: {  	[sflag:s13] =	ssyncset.done $0x0  }
0x1b8: {  	s29 =	rddreg [dreg:$0xd];
	[sflag:s13] =	ssyncadd.s32 $0xFFFFC000  }
0x1b9: {  	[spmem:s2] =	stream.indirect.scatter.add.f32 [tilespmem:s12], [sflag:$0x3], $0x80, s29, s8, $0xb8;
	[tilespmem:$0x1DC00] =	vst v63  }
0x1ba: {  	_ =	swait.ge [sflag:s14], $0x4000  }
0x1bb: {  	[sflag:s14] =	ssyncset.done $0x0  }
0x1bc: {  	s30 =	rddreg [dreg:$0xe];
	[sflag:s14] =	ssyncadd.s32 $0xFFFFC000  }
0x1bd: {  	[tilespmem:s9], [sflag:$0x2] =	stream.indirect.gather [hbm4b:s3+s8], $0x80, s30, s8, $0xb8;
	[tilespmem:$0x1DC00] =	vst v63  }
0x1be: {  	_ =	swait.ge [sflag:s10], $0x4000  }
0x1bf: {  	[sflag:s10] =	ssyncset.done $0x0  }
0x1c0: {  	s31 =	rddreg [dreg:$0xf];
	[sflag:s10] =	ssyncadd.s32 $0xFFFFC000  }
0x1c1: {  	[spmem:s2] =	stream.indirect.scatter.add.f32 [tilespmem:s9], [sflag:$0x4], $0x80, s31, s8, $0xb8;
	[tilespmem:$0x1DC00] =	vst v63  }
0x1c2: {  	_ =	swait.ge [sflag:s11], $0x4000  }
0x1c3: {  	[sflag:s11] =	ssyncset.done $0x0  }
0x1c4: {  	s26 =	rddreg [dreg:$0x10];
	[sflag:s11] =	ssyncadd.s32 $0xFFFFC000  }
0x1c5: {  	[tilespmem:s12], [sflag:$0x1] =	stream.indirect.gather [hbm4b:s3+s8], $0x80, s26, s8, $0xb8;
	[tilespmem:$0x1DC00] =	vst v63  }
0x1c6: {  	_ =	swait.ge [sflag:s13], $0x4000  }
0x1c7: {  	[sflag:s13] =	ssyncset.done $0x0  }
0x1c8: {  	s28 =	rddreg [dreg:$0x11];
	[sflag:s13] =	ssyncadd.s32 $0xFFFFC000  }
0x1c9: {  	[spmem:s2] =	stream.indirect.scatter.add.f32 [tilespmem:s12], [sflag:$0x3], $0x80, s28, s8, $0xb8;
	[tilespmem:$0x1DC00] =	vst v63  }
0x1ca: {  	_ =	swait.ge [sflag:s14], $0x4000  }
0x1cb: {  	[sflag:s14] =	ssyncset.done $0x0  }
0x1cc: {  	s29 =	rddreg [dreg:$0x12];
	[sflag:s14] =	ssyncadd.s32 $0xFFFFC000  }
0x1cd: {  	[tilespmem:s9], [sflag:$0x2] =	stream.indirect.gather [hbm4b:s3+s8], $0x80, s29, s8, $0xb8;
	[tilespmem:$0x1DC00] =	vst v63  }
0x1ce: {  	_ =	swait.ge [sflag:s10], $0x4000  }
0x1cf: {  	[sflag:s10] =	ssyncset.done $0x0  }
0x1d0: {  	s30 =	rddreg [dreg:$0x13];
	[sflag:s10] =	ssyncadd.s32 $0xFFFFC000  }
0x1d1: {  	[spmem:s2] =	stream.indirect.scatter.add.f32 [tilespmem:s9], [sflag:$0x4], $0x80, s30, s8, $0xb8;
	[tilespmem:$0x1DC00] =	vst v63  }
0x1d2: {  	_ =	swait.ge [sflag:s11], $0x4000  }
0x1d3: {  	[sflag:s11] =	ssyncset.done $0x0  }
0x1d4: {  	s31 =	rddreg [dreg:$0x14];
	[sflag:s11] =	ssyncadd.s32 $0xFFFFC000  }
0x1d5: {  	[tilespmem:s12], [sflag:$0x1] =	stream.indirect.gather [hbm4b:s3+s8], $0x80, s31, s8, $0xb8;
	[tilespmem:$0x1DC00] =	vst v63  }
0x1d6: {  	_ =	swait.ge [sflag:s13], $0x4000  }
0x1d7: {  	[sflag:s13] =	ssyncset.done $0x0  }
0x1d8: {  	s26 =	rddreg [dreg:$0x15];
	[sflag:s13] =	ssyncadd.s32 $0xFFFFC000  }
0x1d9: {  	[spmem:s2] =	stream.indirect.scatter.add.f32 [tilespmem:s12], [sflag:$0x3], $0x80, s26, s8, $0xb8;
	[tilespmem:$0x1DC00] =	vst v63  }
0x1da: {  	_ =	swait.ge [sflag:s14], $0x4000  }
0x1db: {  	[sflag:s14] =	ssyncset.done $0x0  }
0x1dc: {  	s28 =	rddreg [dreg:$0x16];
	[sflag:s14] =	ssyncadd.s32 $0xFFFFC000  }
0x1dd: {  	[tilespmem:s9], [sflag:$0x2] =	stream.indirect.gather [hbm4b:s3+s8], $0x80, s28, s8, $0xb8;
	[tilespmem:$0x1DC00] =	vst v63  }
0x1de: {  	_ =	swait.ge [sflag:s10], $0x4000  }
0x1df: {  	[sflag:s10] =	ssyncset.done $0x0  }
0x1e0: {  	s29 =	rddreg [dreg:$0x17];
	[sflag:s10] =	ssyncadd.s32 $0xFFFFC000  }
0x1e1: {  	[spmem:s2] =	stream.indirect.scatter.add.f32 [tilespmem:s9], [sflag:$0x4], $0x80, s29, s8, $0xb8;
	[tilespmem:$0x1DC00] =	vst v63  }
0x1e2: {  	_ =	swait.ge [sflag:s11], $0x4000  }
0x1e3: {  	[sflag:s11] =	ssyncset.done $0x0  }
0x1e4: {  	s30 =	rddreg [dreg:$0x18];
	[sflag:s11] =	ssyncadd.s32 $0xFFFFC000  }
0x1e5: {  	[tilespmem:s12], [sflag:$0x1] =	stream.indirect.gather [hbm4b:s3+s8], $0x80, s30, s8, $0xb8;
	[tilespmem:$0x1DC00] =	vst v63  }
0x1e6: {  	_ =	swait.ge [sflag:s13], $0x4000  }
0x1e7: {  	[sflag:s13] =	ssyncset.done $0x0  }
0x1e8: {  	s31 =	rddreg [dreg:$0x19];
	[sflag:s13] =	ssyncadd.s32 $0xFFFFC000  }
0x1e9: {  	[spmem:s2] =	stream.indirect.scatter.add.f32 [tilespmem:s12], [sflag:$0x3], $0x80, s31, s8, $0xb8;
	[tilespmem:$0x1DC00] =	vst v63  }
0x1ea: {  	_ =	swait.ge [sflag:s14], $0x4000  }
0x1eb: {  	[sflag:s14] =	ssyncset.done $0x0  }
0x1ec: {  	s26 =	rddreg [dreg:$0x1a];
	[sflag:s14] =	ssyncadd.s32 $0xFFFFC000  }
0x1ed: {  	[tilespmem:s9], [sflag:$0x2] =	stream.indirect.gather [hbm4b:s3+s8], $0x80, s26, s8, $0xb8;
	[tilespmem:$0x1DC00] =	vst v63  }
0x1ee: {  	_ =	swait.ge [sflag:s10], $0x4000  }
0x1ef: {  	[sflag:s10] =	ssyncset.done $0x0  }
0x1f0: {  	s28 =	rddreg [dreg:$0x1b];
	[sflag:s10] =	ssyncadd.s32 $0xFFFFC000  }
0x1f1: {  	[spmem:s2] =	stream.indirect.scatter.add.f32 [tilespmem:s9], [sflag:$0x4], $0x80, s28, s8, $0xb8;
	[tilespmem:$0x1DC00] =	vst v63  }
0x1f2: {  	_ =	swait.ge [sflag:s11], $0x4000  }
0x1f3: {  	[sflag:s11] =	ssyncset.done $0x0  }
0x1f4: {  	s29 =	rddreg [dreg:$0x1c];
	[sflag:s11] =	ssyncadd.s32 $0xFFFFC000  }
0x1f5: {  	[tilespmem:s12], [sflag:$0x1] =	stream.indirect.gather [hbm4b:s3+s8], $0x80, s29, s8, $0xb8;
	[tilespmem:$0x1DC00] =	vst v63  }
0x1f6: {  	_ =	swait.ge [sflag:s13], $0x4000  }
0x1f7: {  	[sflag:s13] =	ssyncset.done $0x0  }
0x1f8: {  	s30 =	rddreg [dreg:$0x1d];
	[sflag:s13] =	ssyncadd.s32 $0xFFFFC000  }
0x1f9: {  	[spmem:s2] =	stream.indirect.scatter.add.f32 [tilespmem:s12], [sflag:$0x3], $0x80, s30, s8, $0xb8;
	[tilespmem:$0x1DC00] =	vst v63  }
0x1fa: {  	_ =	swait.ge [sflag:s14], $0x4000  }
0x1fb: {  	[sflag:s14] =	ssyncset.done $0x0  }
0x1fc: {  	s31 =	rddreg [dreg:$0x1e];
	[sflag:s14] =	ssyncadd.s32 $0xFFFFC000  }
0x1fd: {  	[tilespmem:s9], [sflag:$0x2] =	stream.indirect.gather [hbm4b:s3+s8], $0x80, s31, s8, $0xb8;
	[tilespmem:$0x1DC00] =	vst v63  }
0x1fe: {  	_ =	swait.ge [sflag:s10], $0x4000  }
0x1ff: {  	[sflag:s10] =	ssyncset.done $0x0  }
0x200: {  	s26 =	rddreg [dreg:$0x1f];
	[sflag:s10] =	ssyncadd.s32 $0xFFFFC000  }
0x201: {  	[spmem:s2] =	stream.indirect.scatter.add.f32 [tilespmem:s9], [sflag:$0x4], $0x80, s26, s8, $0xb8;
	[tilespmem:$0x1DC00] =	vst v63  }
0x202: {  	_ =	swait.ge [sflag:s11], $0x4000  }
0x203: {  	s28 =	sld [smem:$0x7DF]  }
0x204: {  	[sflag:s11] =	ssyncset.done $0x0  }
0x205: {  	[sflag:s11] =	ssyncadd.s32 $0xFFFFC000  }
0x206: {  	[tilespmem:s12], [sflag:$0x1] =	stream.indirect.gather [hbm4b:s3+s8], $0x80, s28, s8, $0xb8;
	[tilespmem:$0x1DC00] =	vst v63  }
0x207: {  	_ =	swait.ge [sflag:s13], $0x4000  }
0x208: {  	s29 =	sld [smem:$0x7E0]  }
0x209: {  	[sflag:s13] =	ssyncset.done $0x0  }
0x20a: {  	[sflag:s13] =	ssyncadd.s32 $0xFFFFC000  }
0x20b: {  	[spmem:s2] =	stream.indirect.scatter.add.f32 [tilespmem:s12], [sflag:$0x3], $0x80, s29, s8, $0xb8;
	[tilespmem:$0x1DC00] =	vst v63  }
0x20c: {  	_ =	swait.ge [sflag:s14], $0x4000  }
0x20d: {  	s30 =	sld [smem:$0x7E1]  }
0x20e: {  	[sflag:s14] =	ssyncset.done $0x0  }
0x20f: {  	[sflag:s14] =	ssyncadd.s32 $0xFFFFC000  }
0x210: {  	[tilespmem:s9], [sflag:$0x2] =	stream.indirect.gather [hbm4b:s3+s8], $0x80, s30, s8, $0xb8;
	[tilespmem:$0x1DC00] =	vst v63  }
0x211: {  	_ =	swait.ge [sflag:s10], $0x4000  }
0x212: {  	s31 =	sld [smem:$0x7E2]  }
0x213: {  	[sflag:s10] =	ssyncset.done $0x0  }
0x214: {  	[sflag:s10] =	ssyncadd.s32 $0xFFFFC000  }
0x215: {  	[spmem:s2] =	stream.indirect.scatter.add.f32 [tilespmem:s9], [sflag:$0x4], $0x80, s31, s8, $0xb8;
	[tilespmem:$0x1DC00] =	vst v63  }
0x216: {  	s23 =	sadd.s32 $0x100, s23  }
0x217: {  	[tilespmem:s15], [sflag:$0x5] =	stream.linear.gather [hbm4b:s23+s6], $0x800, $0x38;
	[tilespmem:$0x1DC00] =	vst v63  }
0x218: {  	_ =	swait.ge [sflag:s7], $0x800  }
0x219: {  	[sflag:s7] =	ssyncset.done $0x0  }
0x21a: {  	s24 =	sadd.s32 $0x100, s24;
	[sflag:s7] =	ssyncadd.s32 $0xFFFFF800  }
0x21b: {  	[tilespmem:s16], [sflag:$0x5] =	stream.linear.gather [hbm4b:s24+s6], $0x800, $0x38;
	[tilespmem:$0x1DC00] =	vst v63  }
0x21c: {  	_ =	swait.ge [sflag:s7], $0x800  }
0x21d: {  	[sflag:s7] =	ssyncset.done $0x0  }
0x21e: {  	[sflag:s7] =	ssyncadd.s32 $0xFFFFF800  }
0x21f: {  	_ =	swait.ge [sflag:s11], $0x4000  }
0x220: {  	[sflag:s11] =	ssyncset.done $0x0  }
0x221: {  	[sflag:s11] =	ssyncadd.s32 $0xFFFFC000  }
0x222: {  	[tilespmem:s12], [sflag:$0x1] =	stream.indirect.gather [hbm4b:s3+s8], $0x80, s15, s8, $0xb8;
	[tilespmem:$0x1DC00] =	vst v63  }
0x223: {  	_ =	swait.ge [sflag:s13], $0x4000  }
0x224: {  	[sflag:s13] =	ssyncset.done $0x0  }
0x225: {  	[sflag:s13] =	ssyncadd.s32 $0xFFFFC000  }
0x226: {  	[spmem:s2] =	stream.indirect.scatter.add.f32 [tilespmem:s12], [sflag:$0x3], $0x80, s16, s8, $0xb8;
	[tilespmem:$0x1DC00] =	vst v63  }
0x227: {  	_ =	swait.ge [sflag:s14], $0x4000  }
0x228: {  	s25 =	sld [smem:$0x7E3]  }
0x229: {  	[sflag:s14] =	ssyncset.done $0x0  }
0x22a: {  	[sflag:s14] =	ssyncadd.s32 $0xFFFFC000  }
0x22b: {  	[tilespmem:s9], [sflag:$0x2] =	stream.indirect.gather [hbm4b:s3+s8], $0x80, s25, s8, $0xb8;
	[tilespmem:$0x1DC00] =	vst v63  }
0x22c: {  	_ =	swait.ge [sflag:s10], $0x4000  }
0x22d: {  	s26 =	sld [smem:$0x7E4]  }
0x22e: {  	[sflag:s10] =	ssyncset.done $0x0  }
0x22f: {  	[sflag:s10] =	ssyncadd.s32 $0xFFFFC000  }
0x230: {  	[spmem:s2] =	stream.indirect.scatter.add.f32 [tilespmem:s9], [sflag:$0x4], $0x80, s26, s8, $0xb8;
	[tilespmem:$0x1DC00] =	vst v63  }
0x231: {  	_ =	swait.ge [sflag:s11], $0x4000  }
0x232: {  	s28 =	sld [smem:$0x7E5]  }
0x233: {  	[sflag:s11] =	ssyncset.done $0x0  }
0x234: {  	[sflag:s11] =	ssyncadd.s32 $0xFFFFC000  }
0x235: {  	[tilespmem:s12], [sflag:$0x1] =	stream.indirect.gather [hbm4b:s3+s8], $0x80, s28, s8, $0xb8;
	[tilespmem:$0x1DC00] =	vst v63  }
0x236: {  	_ =	swait.ge [sflag:s13], $0x4000  }
0x237: {  	s29 =	sld [smem:$0x7E6]  }
0x238: {  	[sflag:s13] =	ssyncset.done $0x0  }
0x239: {  	[sflag:s13] =	ssyncadd.s32 $0xFFFFC000  }
0x23a: {  	[spmem:s2] =	stream.indirect.scatter.add.f32 [tilespmem:s12], [sflag:$0x3], $0x80, s29, s8, $0xb8;
	[tilespmem:$0x1DC00] =	vst v63  }
0x23b: {  	_ =	swait.ge [sflag:s14], $0x4000  }
0x23c: {  	s30 =	sld [smem:$0x7E7]  }
0x23d: {  	[sflag:s14] =	ssyncset.done $0x0  }
0x23e: {  	[sflag:s14] =	ssyncadd.s32 $0xFFFFC000  }
0x23f: {  	[tilespmem:s9], [sflag:$0x2] =	stream.indirect.gather [hbm4b:s3+s8], $0x80, s30, s8, $0xb8;
	[tilespmem:$0x1DC00] =	vst v63  }
0x240: {  	_ =	swait.ge [sflag:s10], $0x4000  }
0x241: {  	s31 =	sld [smem:$0x7E8]  }
0x242: {  	[sflag:s10] =	ssyncset.done $0x0  }
0x243: {  	[sflag:s10] =	ssyncadd.s32 $0xFFFFC000  }
0x244: {  	[spmem:s2] =	stream.indirect.scatter.add.f32 [tilespmem:s9], [sflag:$0x4], $0x80, s31, s8, $0xb8;
	[tilespmem:$0x1DC00] =	vst v63  }
0x245: {  	_ =	swait.ge [sflag:s11], $0x4000  }
0x246: {  	s24 =	sld [smem:$0x7E9]  }
0x247: {  	[sflag:s11] =	ssyncset.done $0x0  }
0x248: {  	[sflag:s11] =	ssyncadd.s32 $0xFFFFC000  }
0x249: {  	[tilespmem:s12], [sflag:$0x1] =	stream.indirect.gather [hbm4b:s3+s8], $0x80, s24, s8, $0xb8;
	[tilespmem:$0x1DC00] =	vst v63  }
0x24a: {  	_ =	swait.ge [sflag:s13], $0x4000  }
0x24b: {  	s25 =	sld [smem:$0x7EA]  }
0x24c: {  	[sflag:s13] =	ssyncset.done $0x0  }
0x24d: {  	[sflag:s13] =	ssyncadd.s32 $0xFFFFC000  }
0x24e: {  	[spmem:s2] =	stream.indirect.scatter.add.f32 [tilespmem:s12], [sflag:$0x3], $0x80, s25, s8, $0xb8;
	[tilespmem:$0x1DC00] =	vst v63  }
0x24f: {  	_ =	swait.ge [sflag:s14], $0x4000  }
0x250: {  	s26 =	sld [smem:$0x7EB]  }
0x251: {  	[sflag:s14] =	ssyncset.done $0x0  }
0x252: {  	[sflag:s14] =	ssyncadd.s32 $0xFFFFC000  }
0x253: {  	[tilespmem:s9], [sflag:$0x2] =	stream.indirect.gather [hbm4b:s3+s8], $0x80, s26, s8, $0xb8;
	[tilespmem:$0x1DC00] =	vst v63  }
0x254: {  	_ =	swait.ge [sflag:s10], $0x4000  }
0x255: {  	s28 =	sld [smem:$0x7EC]  }
0x256: {  	[sflag:s10] =	ssyncset.done $0x0  }
0x257: {  	[sflag:s10] =	ssyncadd.s32 $0xFFFFC000  }
0x258: {  	[spmem:s2] =	stream.indirect.scatter.add.f32 [tilespmem:s9], [sflag:$0x4], $0x80, s28, s8, $0xb8;
	[tilespmem:$0x1DC00] =	vst v63  }
0x259: {  	_ =	swait.ge [sflag:s11], $0x4000  }
0x25a: {  	s29 =	sld [smem:$0x7ED]  }
0x25b: {  	[sflag:s11] =	ssyncset.done $0x0  }
0x25c: {  	[sflag:s11] =	ssyncadd.s32 $0xFFFFC000  }
0x25d: {  	[tilespmem:s12], [sflag:$0x1] =	stream.indirect.gather [hbm4b:s3+s8], $0x80, s29, s8, $0xb8;
	[tilespmem:$0x1DC00] =	vst v63  }
0x25e: {  	_ =	swait.ge [sflag:s13], $0x4000  }
0x25f: {  	s30 =	sld [smem:$0x7EE]  }
0x260: {  	[sflag:s13] =	ssyncset.done $0x0  }
0x261: {  	[sflag:s13] =	ssyncadd.s32 $0xFFFFC000  }
0x262: {  	[spmem:s2] =	stream.indirect.scatter.add.f32 [tilespmem:s12], [sflag:$0x3], $0x80, s30, s8, $0xb8;
	[tilespmem:$0x1DC00] =	vst v63  }
0x263: {  	_ =	swait.ge [sflag:s14], $0x4000  }
0x264: {  	s31 =	sld [smem:$0x7EF]  }
0x265: {  	[sflag:s14] =	ssyncset.done $0x0  }
0x266: {  	[sflag:s14] =	ssyncadd.s32 $0xFFFFC000  }
0x267: {  	[tilespmem:s9], [sflag:$0x2] =	stream.indirect.gather [hbm4b:s3+s8], $0x80, s31, s8, $0xb8;
	[tilespmem:$0x1DC00] =	vst v63  }
0x268: {  	_ =	swait.ge [sflag:s10], $0x4000  }
0x269: {  	s24 =	sld [smem:$0x7F0]  }
0x26a: {  	[sflag:s10] =	ssyncset.done $0x0  }
0x26b: {  	[sflag:s10] =	ssyncadd.s32 $0xFFFFC000  }
0x26c: {  	[spmem:s2] =	stream.indirect.scatter.add.f32 [tilespmem:s9], [sflag:$0x4], $0x80, s24, s8, $0xb8;
	[tilespmem:$0x1DC00] =	vst v63  }
0x26d: {  	_ =	swait.ge [sflag:s11], $0x4000  }
0x26e: {  	s25 =	sld [smem:$0x7F1]  }
0x26f: {  	[sflag:s11] =	ssyncset.done $0x0  }
0x270: {  	[sflag:s11] =	ssyncadd.s32 $0xFFFFC000  }
0x271: {  	[tilespmem:s12], [sflag:$0x1] =	stream.indirect.gather [hbm4b:s3+s8], $0x80, s25, s8, $0xb8;
	[tilespmem:$0x1DC00] =	vst v63  }
0x272: {  	_ =	swait.ge [sflag:s13], $0x4000  }
0x273: {  	s26 =	sld [smem:$0x7F2]  }
0x274: {  	[sflag:s13] =	ssyncset.done $0x0  }
0x275: {  	[sflag:s13] =	ssyncadd.s32 $0xFFFFC000  }
0x276: {  	[spmem:s2] =	stream.indirect.scatter.add.f32 [tilespmem:s12], [sflag:$0x3], $0x80, s26, s8, $0xb8;
	[tilespmem:$0x1DC00] =	vst v63  }
0x277: {  	_ =	swait.ge [sflag:s14], $0x4000  }
0x278: {  	s28 =	sld [smem:$0x7F3]  }
0x279: {  	[sflag:s14] =	ssyncset.done $0x0  }
0x27a: {  	[sflag:s14] =	ssyncadd.s32 $0xFFFFC000  }
0x27b: {  	[tilespmem:s9], [sflag:$0x2] =	stream.indirect.gather [hbm4b:s3+s8], $0x80, s28, s8, $0xb8;
	[tilespmem:$0x1DC00] =	vst v63  }
0x27c: {  	_ =	swait.ge [sflag:s10], $0x4000  }
0x27d: {  	s29 =	sld [smem:$0x7F4]  }
0x27e: {  	[sflag:s10] =	ssyncset.done $0x0  }
0x27f: {  	[sflag:s10] =	ssyncadd.s32 $0xFFFFC000  }
0x280: {  	[spmem:s2] =	stream.indirect.scatter.add.f32 [tilespmem:s9], [sflag:$0x4], $0x80, s29, s8, $0xb8;
	[tilespmem:$0x1DC00] =	vst v63  }
0x281: {  	_ =	swait.ge [sflag:s11], $0x4000  }
0x282: {  	s30 =	sld [smem:$0x7F5]  }
0x283: {  	[sflag:s11] =	ssyncset.done $0x0  }
0x284: {  	[sflag:s11] =	ssyncadd.s32 $0xFFFFC000  }
0x285: {  	[tilespmem:s12], [sflag:$0x1] =	stream.indirect.gather [hbm4b:s3+s8], $0x80, s30, s8, $0xb8;
	[tilespmem:$0x1DC00] =	vst v63  }
0x286: {  	_ =	swait.ge [sflag:s13], $0x4000  }
0x287: {  	s31 =	sld [smem:$0x7F6]  }
0x288: {  	[sflag:s13] =	ssyncset.done $0x0  }
0x289: {  	[sflag:s13] =	ssyncadd.s32 $0xFFFFC000  }
0x28a: {  	[spmem:s2] =	stream.indirect.scatter.add.f32 [tilespmem:s12], [sflag:$0x3], $0x80, s31, s8, $0xb8;
	[tilespmem:$0x1DC00] =	vst v63  }
0x28b: {  	_ =	swait.ge [sflag:s14], $0x4000  }
0x28c: {  	s24 =	sld [smem:$0x7F7]  }
0x28d: {  	[sflag:s14] =	ssyncset.done $0x0  }
0x28e: {  	[sflag:s14] =	ssyncadd.s32 $0xFFFFC000  }
0x28f: {  	[tilespmem:s9], [sflag:$0x2] =	stream.indirect.gather [hbm4b:s3+s8], $0x80, s24, s8, $0xb8;
	[tilespmem:$0x1DC00] =	vst v63  }
0x290: {  	_ =	swait.ge [sflag:s10], $0x4000  }
0x291: {  	s25 =	sld [smem:$0x7F8]  }
0x292: {  	[sflag:s10] =	ssyncset.done $0x0  }
0x293: {  	[sflag:s10] =	ssyncadd.s32 $0xFFFFC000  }
0x294: {  	[spmem:s2] =	stream.indirect.scatter.add.f32 [tilespmem:s9], [sflag:$0x4], $0x80, s25, s8, $0xb8;
	[tilespmem:$0x1DC00] =	vst v63  }
0x295: {  	_ =	swait.ge [sflag:s11], $0x4000  }
0x296: {  	s26 =	sld [smem:$0x7F9]  }
0x297: {  	[sflag:s11] =	ssyncset.done $0x0  }
0x298: {  	[sflag:s11] =	ssyncadd.s32 $0xFFFFC000  }
0x299: {  	[tilespmem:s12], [sflag:$0x1] =	stream.indirect.gather [hbm4b:s3+s8], $0x80, s26, s8, $0xb8;
	[tilespmem:$0x1DC00] =	vst v63  }
0x29a: {  	_ =	swait.ge [sflag:s13], $0x4000  }
0x29b: {  	s28 =	sld [smem:$0x7FA]  }
0x29c: {  	[sflag:s13] =	ssyncset.done $0x0  }
0x29d: {  	[sflag:s13] =	ssyncadd.s32 $0xFFFFC000  }
0x29e: {  	[spmem:s2] =	stream.indirect.scatter.add.f32 [tilespmem:s12], [sflag:$0x3], $0x80, s28, s8, $0xb8;
	[tilespmem:$0x1DC00] =	vst v63  }
0x29f: {  	_ =	swait.ge [sflag:s14], $0x4000  }
0x2a0: {  	s29 =	sld [smem:$0x7FB]  }
0x2a1: {  	[sflag:s14] =	ssyncset.done $0x0  }
0x2a2: {  	[sflag:s14] =	ssyncadd.s32 $0xFFFFC000  }
0x2a3: {  	[tilespmem:s9], [sflag:$0x2] =	stream.indirect.gather [hbm4b:s3+s8], $0x80, s29, s8, $0xb8;
	[tilespmem:$0x1DC00] =	vst v63  }
0x2a4: {  	_ =	swait.ge [sflag:s10], $0x4000  }
0x2a5: {  	s30 =	sld [smem:$0x7FC]  }
0x2a6: {  	[sflag:s10] =	ssyncset.done $0x0  }
0x2a7: {  	[sflag:s10] =	ssyncadd.s32 $0xFFFFC000  }
0x2a8: {  	[spmem:s2] =	stream.indirect.scatter.add.f32 [tilespmem:s9], [sflag:$0x4], $0x80, s30, s8, $0xb8;
	[tilespmem:$0x1DC00] =	vst v63  }
0x2a9: {  	_ =	swait.ge [sflag:s11], $0x4000  }
0x2aa: {  	s31 =	sld [smem:$0x7FD]  }
0x2ab: {  	[sflag:s11] =	ssyncset.done $0x0  }
0x2ac: {  	[sflag:s11] =	ssyncadd.s32 $0xFFFFC000  }
0x2ad: {  	[tilespmem:s12], [sflag:$0x1] =	stream.indirect.gather [hbm4b:s3+s8], $0x80, s31, s8, $0xb8;
	[tilespmem:$0x1DC00] =	vst v63  }
0x2ae: {  	_ =	swait.ge [sflag:s13], $0x4000  }
0x2af: {  	[sflag:s13] =	ssyncset.done $0x0  }
0x2b0: {  	s22 =	sadd.s32 $0x200, s22;
	[sflag:s13] =	ssyncadd.s32 $0xFFFFC000  }
0x2b1: {  	[spmem:s2] =	stream.indirect.scatter.add.f32 [tilespmem:s12], [sflag:$0x3], $0x80, s18, s8, $0xb8;
	[tilespmem:$0x1DC00] =	vst v63  }
0x2b2: {  	p0 =	sne.s32 s22, $0xA00;
	_ =	swait.ge [sflag:s14], $0x4000  }
.Ltmp1:
0x2b3: {  	[sflag:s14] =	ssyncset.done $0x0;
	(pc) =	sbr.rel @p0 .LBB2_2-.Ltmp1, $4  }
0x2b4: {  	[sflag:s14] =	ssyncadd.s32 $0xFFFFC000  }
0x2b5: {  	[tilespmem:s9], [sflag:$0x2] =	stream.indirect.gather [hbm4b:s3+s8], $0x80, s20, s8, $0xb8;
	[tilespmem:$0x1DC00] =	vst v63  }
0x2b6: {  	_ =	swait.ge [sflag:s10], $0x4000  }
0x2b7: {  	s23 =	rddreg [dreg:$0x5];
	[sflag:s10] =	ssyncset.done $0x0  }
0x2b8: {  	[sflag:s10] =	ssyncadd.s32 $0xFFFFC000  }
0x2b9: {  	[spmem:s2] =	stream.indirect.scatter.add.f32 [tilespmem:s9], [sflag:$0x4], $0x80, s19, s8, $0xb8;
	[tilespmem:$0x1DC00] =	vst v63  }
0x2ba: {  	s22 =	sadd.s32 s21, s23  }
0x2bb: {  	[tilespmem:s6], [sflag:$0x5] =	stream.linear.gather [hbm4b:s22+s6], $0x800, $0x38;
	[tilespmem:$0x1DC00] =	vst v63  }
0x2bc: {  	_ =	swait.ge [sflag:s7], $0x800  }
0x2bd: {  	s31 =	rddreg [dreg:$0x4];
	[sflag:s7] =	ssyncset.done $0x0  }
0x2be: {  	s24 =	rddreg [dreg:$0x6];
	[sflag:s7] =	ssyncadd.s32 $0xFFFFF800;
	s23 =	sadd.s32 s21, s31  }
0x2bf: {  	[tilespmem:s24], [sflag:$0x5] =	stream.linear.gather [hbm4b:s23+s6], $0x800, $0x38;
	[tilespmem:$0x1DC00] =	vst v63  }
0x2c0: {  	p0 =	seq.s32 s21, $0x0;
	_ =	swait.ge [sflag:s7], $0x800  }
0x2c1: {  	s25 =	simm.s32 @p0 $0x2000;
	s26 =	simm.s32 @p0 $0x1;
	[sflag:s7] =	ssyncset.done $0x0  }
0x2c2: {  	s21 =	simm.s32 @p0 $0x80;
	s24 =	simm.s32 @p0 $0x0;
	[sflag:s7] =	ssyncadd.s32 $0xFFFFF800  }
0x2c3: {  	[tilespmem:s25], [sflag:$0x1] =	stream.indirect.gather @p0 [hbm4b:s3+s21], $0x80, s24, s21, $0xb8;
	[tilespmem:$0x1DC00] =	vst v63  }
0x2c4: {  	_ =	swait.ge @p0 [sflag:s26], $0x4000  }
0x2c5: {  	[sflag:s26] =	ssyncset.done @p0 $0x0  }
0x2c6: {  	s24 =	simm.s32 @p0 $0x1000;
	[sflag:s26] =	ssyncadd.s32 @p0 $0xFFFFC000;
	s26 =	simm.s32 @!p0 $0x3  }
0x2c7: {  	[spmem:s2] =	stream.indirect.scatter.add.f32 @p0 [tilespmem:s25], [sflag:$0x3], $0x80, s24, s21, $0xb8;
	[tilespmem:$0x1DC00] =	vst v63  }
0x2c8: {  	_ =	swait.ge @!p0 [sflag:s26], $0x4000  }
0x2c9: {  	s21 =	simm.s32 @!p0 $0x2000;
	s24 =	simm.s32 @!p0 $0x80;
	[sflag:s26] =	ssyncset.done @!p0 $0x0  }
0x2ca: {  	s25 =	simm.s32 @!p0 $0x0;
	[sflag:s26] =	ssyncadd.s32 @!p0 $0xFFFFC000;
	s26 =	simm.s32 @!p0 $0x1  }
0x2cb: {  	[tilespmem:s21], [sflag:$0x1] =	stream.indirect.gather @!p0 [hbm4b:s3+s24], $0x80, s25, s24, $0xb8;
	[tilespmem:$0x1DC00] =	vst v63  }
0x2cc: {  	_ =	swait.ge @!p0 [sflag:s26], $0x4000  }
0x2cd: {  	[sflag:s26] =	ssyncset.done @!p0 $0x0  }
0x2ce: {  	s25 =	simm.s32 @!p0 $0x1000;
	[sflag:s26] =	ssyncadd.s32 @!p0 $0xFFFFC000;
	s26 =	simm.s32 @!p0 $0x4  }
0x2cf: {  	[spmem:s2] =	stream.indirect.scatter.add.f32 @!p0 [tilespmem:s21], [sflag:$0x3], $0x80, s25, s24, $0xb8;
	[tilespmem:$0x1DC00] =	vst v63  }
0x2d0: {  	_ =	swait.ge @!p0 [sflag:s26], $0x4000  }
0x2d1: {  	[sflag:s26] =	ssyncset.done @!p0 $0x0  }
0x2d2: {  	[sflag:s26] =	ssyncadd.s32 @!p0 $0xFFFFC000  }
0x2d3: {  	[tilespmem:s9], [sflag:$0x2] =	stream.indirect.gather [hbm4b:s3+s8], $0x80, s8, s8, $0xb8;
	[tilespmem:$0x1DC00] =	vst v63  }
0x2d4: {  	_ =	swait.ge [sflag:s10], $0x4000  }
0x2d5: {  	[sflag:s10] =	ssyncset.done $0x0  }
0x2d6: {  	s24 =	rddreg [dreg:$0x7];
	[sflag:s10] =	ssyncadd.s32 $0xFFFFC000  }
0x2d7: {  	[spmem:s2] =	stream.indirect.scatter.add.f32 [tilespmem:s9], [sflag:$0x4], $0x80, s24, s8, $0xb8;
	[tilespmem:$0x1DC00] =	vst v63  }
0x2d8: {  	_ =	swait.ge [sflag:s11], $0x4000  }
0x2d9: {  	[sflag:s11] =	ssyncset.done $0x0  }
0x2da: {  	s25 =	rddreg [dreg:$0x8];
	[sflag:s11] =	ssyncadd.s32 $0xFFFFC000  }
0x2db: {  	[tilespmem:s12], [sflag:$0x1] =	stream.indirect.gather [hbm4b:s3+s8], $0x80, s25, s8, $0xb8;
	[tilespmem:$0x1DC00] =	vst v63  }
0x2dc: {  	_ =	swait.ge [sflag:s13], $0x4000  }
0x2dd: {  	[sflag:s13] =	ssyncset.done $0x0  }
0x2de: {  	s26 =	rddreg [dreg:$0x9];
	[sflag:s13] =	ssyncadd.s32 $0xFFFFC000  }
0x2df: {  	[spmem:s2] =	stream.indirect.scatter.add.f32 [tilespmem:s12], [sflag:$0x3], $0x80, s26, s8, $0xb8;
	[tilespmem:$0x1DC00] =	vst v63  }
0x2e0: {  	_ =	swait.ge [sflag:s14], $0x4000  }
0x2e1: {  	[sflag:s14] =	ssyncset.done $0x0  }
0x2e2: {  	s28 =	rddreg [dreg:$0xa];
	[sflag:s14] =	ssyncadd.s32 $0xFFFFC000  }
0x2e3: {  	[tilespmem:s9], [sflag:$0x2] =	stream.indirect.gather [hbm4b:s3+s8], $0x80, s28, s8, $0xb8;
	[tilespmem:$0x1DC00] =	vst v63  }
0x2e4: {  	_ =	swait.ge [sflag:s10], $0x4000  }
0x2e5: {  	[sflag:s10] =	ssyncset.done $0x0  }
0x2e6: {  	s29 =	rddreg [dreg:$0xb];
	[sflag:s10] =	ssyncadd.s32 $0xFFFFC000  }
0x2e7: {  	[spmem:s2] =	stream.indirect.scatter.add.f32 [tilespmem:s9], [sflag:$0x4], $0x80, s29, s8, $0xb8;
	[tilespmem:$0x1DC00] =	vst v63  }
0x2e8: {  	_ =	swait.ge [sflag:s11], $0x4000  }
0x2e9: {  	[sflag:s11] =	ssyncset.done $0x0  }
0x2ea: {  	s30 =	rddreg [dreg:$0xc];
	[sflag:s11] =	ssyncadd.s32 $0xFFFFC000  }
0x2eb: {  	[tilespmem:s12], [sflag:$0x1] =	stream.indirect.gather [hbm4b:s3+s8], $0x80, s30, s8, $0xb8;
	[tilespmem:$0x1DC00] =	vst v63  }
0x2ec: {  	_ =	swait.ge [sflag:s13], $0x4000  }
0x2ed: {  	[sflag:s13] =	ssyncset.done $0x0  }
0x2ee: {  	s31 =	rddreg [dreg:$0xd];
	[sflag:s13] =	ssyncadd.s32 $0xFFFFC000  }
0x2ef: {  	[spmem:s2] =	stream.indirect.scatter.add.f32 [tilespmem:s12], [sflag:$0x3], $0x80, s31, s8, $0xb8;
	[tilespmem:$0x1DC00] =	vst v63  }
0x2f0: {  	_ =	swait.ge [sflag:s14], $0x4000  }
0x2f1: {  	[sflag:s14] =	ssyncset.done $0x0  }
0x2f2: {  	s24 =	rddreg [dreg:$0xe];
	[sflag:s14] =	ssyncadd.s32 $0xFFFFC000  }
0x2f3: {  	[tilespmem:s9], [sflag:$0x2] =	stream.indirect.gather [hbm4b:s3+s8], $0x80, s24, s8, $0xb8;
	[tilespmem:$0x1DC00] =	vst v63  }
0x2f4: {  	_ =	swait.ge [sflag:s10], $0x4000  }
0x2f5: {  	[sflag:s10] =	ssyncset.done $0x0  }
0x2f6: {  	s25 =	rddreg [dreg:$0xf];
	[sflag:s10] =	ssyncadd.s32 $0xFFFFC000  }
0x2f7: {  	[spmem:s2] =	stream.indirect.scatter.add.f32 [tilespmem:s9], [sflag:$0x4], $0x80, s25, s8, $0xb8;
	[tilespmem:$0x1DC00] =	vst v63  }
0x2f8: {  	_ =	swait.ge [sflag:s11], $0x4000  }
0x2f9: {  	[sflag:s11] =	ssyncset.done $0x0  }
0x2fa: {  	s26 =	rddreg [dreg:$0x10];
	[sflag:s11] =	ssyncadd.s32 $0xFFFFC000  }
0x2fb: {  	[tilespmem:s12], [sflag:$0x1] =	stream.indirect.gather [hbm4b:s3+s8], $0x80, s26, s8, $0xb8;
	[tilespmem:$0x1DC00] =	vst v63  }
0x2fc: {  	_ =	swait.ge [sflag:s13], $0x4000  }
0x2fd: {  	[sflag:s13] =	ssyncset.done $0x0  }
0x2fe: {  	s28 =	rddreg [dreg:$0x11];
	[sflag:s13] =	ssyncadd.s32 $0xFFFFC000  }
0x2ff: {  	[spmem:s2] =	stream.indirect.scatter.add.f32 [tilespmem:s12], [sflag:$0x3], $0x80, s28, s8, $0xb8;
	[tilespmem:$0x1DC00] =	vst v63  }
0x300: {  	_ =	swait.ge [sflag:s14], $0x4000  }
0x301: {  	[sflag:s14] =	ssyncset.done $0x0  }
0x302: {  	s29 =	rddreg [dreg:$0x12];
	[sflag:s14] =	ssyncadd.s32 $0xFFFFC000  }
0x303: {  	[tilespmem:s9], [sflag:$0x2] =	stream.indirect.gather [hbm4b:s3+s8], $0x80, s29, s8, $0xb8;
	[tilespmem:$0x1DC00] =	vst v63  }
0x304: {  	_ =	swait.ge [sflag:s10], $0x4000  }
0x305: {  	[sflag:s10] =	ssyncset.done $0x0  }
0x306: {  	s30 =	rddreg [dreg:$0x13];
	[sflag:s10] =	ssyncadd.s32 $0xFFFFC000  }
0x307: {  	[spmem:s2] =	stream.indirect.scatter.add.f32 [tilespmem:s9], [sflag:$0x4], $0x80, s30, s8, $0xb8;
	[tilespmem:$0x1DC00] =	vst v63  }
0x308: {  	_ =	swait.ge [sflag:s11], $0x4000  }
0x309: {  	[sflag:s11] =	ssyncset.done $0x0  }
0x30a: {  	s31 =	rddreg [dreg:$0x14];
	[sflag:s11] =	ssyncadd.s32 $0xFFFFC000  }
0x30b: {  	[tilespmem:s12], [sflag:$0x1] =	stream.indirect.gather [hbm4b:s3+s8], $0x80, s31, s8, $0xb8;
	[tilespmem:$0x1DC00] =	vst v63  }
0x30c: {  	_ =	swait.ge [sflag:s13], $0x4000  }
0x30d: {  	[sflag:s13] =	ssyncset.done $0x0  }
0x30e: {  	s24 =	rddreg [dreg:$0x15];
	[sflag:s13] =	ssyncadd.s32 $0xFFFFC000  }
0x30f: {  	[spmem:s2] =	stream.indirect.scatter.add.f32 [tilespmem:s12], [sflag:$0x3], $0x80, s24, s8, $0xb8;
	[tilespmem:$0x1DC00] =	vst v63  }
0x310: {  	_ =	swait.ge [sflag:s14], $0x4000  }
0x311: {  	[sflag:s14] =	ssyncset.done $0x0  }
0x312: {  	s25 =	rddreg [dreg:$0x16];
	[sflag:s14] =	ssyncadd.s32 $0xFFFFC000  }
0x313: {  	[tilespmem:s9], [sflag:$0x2] =	stream.indirect.gather [hbm4b:s3+s8], $0x80, s25, s8, $0xb8;
	[tilespmem:$0x1DC00] =	vst v63  }
0x314: {  	_ =	swait.ge [sflag:s10], $0x4000  }
0x315: {  	[sflag:s10] =	ssyncset.done $0x0  }
0x316: {  	s26 =	rddreg [dreg:$0x17];
	[sflag:s10] =	ssyncadd.s32 $0xFFFFC000  }
0x317: {  	[spmem:s2] =	stream.indirect.scatter.add.f32 [tilespmem:s9], [sflag:$0x4], $0x80, s26, s8, $0xb8;
	[tilespmem:$0x1DC00] =	vst v63  }
0x318: {  	_ =	swait.ge [sflag:s11], $0x4000  }
0x319: {  	[sflag:s11] =	ssyncset.done $0x0  }
0x31a: {  	s28 =	rddreg [dreg:$0x18];
	[sflag:s11] =	ssyncadd.s32 $0xFFFFC000  }
0x31b: {  	[tilespmem:s12], [sflag:$0x1] =	stream.indirect.gather [hbm4b:s3+s8], $0x80, s28, s8, $0xb8;
	[tilespmem:$0x1DC00] =	vst v63  }
0x31c: {  	_ =	swait.ge [sflag:s13], $0x4000  }
0x31d: {  	[sflag:s13] =	ssyncset.done $0x0  }
0x31e: {  	s29 =	rddreg [dreg:$0x19];
	[sflag:s13] =	ssyncadd.s32 $0xFFFFC000  }
0x31f: {  	[spmem:s2] =	stream.indirect.scatter.add.f32 [tilespmem:s12], [sflag:$0x3], $0x80, s29, s8, $0xb8;
	[tilespmem:$0x1DC00] =	vst v63  }
0x320: {  	_ =	swait.ge [sflag:s14], $0x4000  }
0x321: {  	[sflag:s14] =	ssyncset.done $0x0  }
0x322: {  	s30 =	rddreg [dreg:$0x1a];
	[sflag:s14] =	ssyncadd.s32 $0xFFFFC000  }
0x323: {  	[tilespmem:s9], [sflag:$0x2] =	stream.indirect.gather [hbm4b:s3+s8], $0x80, s30, s8, $0xb8;
	[tilespmem:$0x1DC00] =	vst v63  }
0x324: {  	_ =	swait.ge [sflag:s10], $0x4000  }
0x325: {  	[sflag:s10] =	ssyncset.done $0x0  }
0x326: {  	s31 =	rddreg [dreg:$0x1b];
	[sflag:s10] =	ssyncadd.s32 $0xFFFFC000  }
0x327: {  	[spmem:s2] =	stream.indirect.scatter.add.f32 [tilespmem:s9], [sflag:$0x4], $0x80, s31, s8, $0xb8;
	[tilespmem:$0x1DC00] =	vst v63  }
0x328: {  	_ =	swait.ge [sflag:s11], $0x4000  }
0x329: {  	[sflag:s11] =	ssyncset.done $0x0  }
0x32a: {  	s24 =	rddreg [dreg:$0x1c];
	[sflag:s11] =	ssyncadd.s32 $0xFFFFC000  }
0x32b: {  	[tilespmem:s12], [sflag:$0x1] =	stream.indirect.gather [hbm4b:s3+s8], $0x80, s24, s8, $0xb8;
	[tilespmem:$0x1DC00] =	vst v63  }
0x32c: {  	_ =	swait.ge [sflag:s13], $0x4000  }
0x32d: {  	[sflag:s13] =	ssyncset.done $0x0  }
0x32e: {  	s25 =	rddreg [dreg:$0x1d];
	[sflag:s13] =	ssyncadd.s32 $0xFFFFC000  }
0x32f: {  	[spmem:s2] =	stream.indirect.scatter.add.f32 [tilespmem:s12], [sflag:$0x3], $0x80, s25, s8, $0xb8;
	[tilespmem:$0x1DC00] =	vst v63  }
0x330: {  	_ =	swait.ge [sflag:s14], $0x4000  }
0x331: {  	[sflag:s14] =	ssyncset.done $0x0  }
0x332: {  	s26 =	rddreg [dreg:$0x1e];
	[sflag:s14] =	ssyncadd.s32 $0xFFFFC000  }
0x333: {  	[tilespmem:s9], [sflag:$0x2] =	stream.indirect.gather [hbm4b:s3+s8], $0x80, s26, s8, $0xb8;
	[tilespmem:$0x1DC00] =	vst v63  }
0x334: {  	_ =	swait.ge [sflag:s10], $0x4000  }
0x335: {  	[sflag:s10] =	ssyncset.done $0x0  }
0x336: {  	s28 =	rddreg [dreg:$0x1f];
	[sflag:s10] =	ssyncadd.s32 $0xFFFFC000  }
0x337: {  	[spmem:s2] =	stream.indirect.scatter.add.f32 [tilespmem:s9], [sflag:$0x4], $0x80, s28, s8, $0xb8;
	[tilespmem:$0x1DC00] =	vst v63  }
0x338: {  	_ =	swait.ge [sflag:s11], $0x4000  }
0x339: {  	s29 =	sld [smem:$0x7DF]  }
0x33a: {  	[sflag:s11] =	ssyncset.done $0x0  }
0x33b: {  	[sflag:s11] =	ssyncadd.s32 $0xFFFFC000  }
0x33c: {  	[tilespmem:s12], [sflag:$0x1] =	stream.indirect.gather [hbm4b:s3+s8], $0x80, s29, s8, $0xb8;
	[tilespmem:$0x1DC00] =	vst v63  }
0x33d: {  	_ =	swait.ge [sflag:s13], $0x4000  }
0x33e: {  	s30 =	sld [smem:$0x7E0]  }
0x33f: {  	[sflag:s13] =	ssyncset.done $0x0  }
0x340: {  	[sflag:s13] =	ssyncadd.s32 $0xFFFFC000  }
0x341: {  	[spmem:s2] =	stream.indirect.scatter.add.f32 [tilespmem:s12], [sflag:$0x3], $0x80, s30, s8, $0xb8;
	[tilespmem:$0x1DC00] =	vst v63  }
0x342: {  	_ =	swait.ge [sflag:s14], $0x4000  }
0x343: {  	s31 =	sld [smem:$0x7E1]  }
0x344: {  	[sflag:s14] =	ssyncset.done $0x0  }
0x345: {  	[sflag:s14] =	ssyncadd.s32 $0xFFFFC000  }
0x346: {  	[tilespmem:s9], [sflag:$0x2] =	stream.indirect.gather [hbm4b:s3+s8], $0x80, s31, s8, $0xb8;
	[tilespmem:$0x1DC00] =	vst v63  }
0x347: {  	_ =	swait.ge [sflag:s10], $0x4000  }
0x348: {  	s24 =	sld [smem:$0x7E2]  }
0x349: {  	[sflag:s10] =	ssyncset.done $0x0  }
0x34a: {  	[sflag:s10] =	ssyncadd.s32 $0xFFFFC000  }
0x34b: {  	[spmem:s2] =	stream.indirect.scatter.add.f32 [tilespmem:s9], [sflag:$0x4], $0x80, s24, s8, $0xb8;
	[tilespmem:$0x1DC00] =	vst v63  }
0x34c: {  	s25 =	sadd.s32 $0x100, s22  }
0x34d: {  	[tilespmem:s15], [sflag:$0x5] =	stream.linear.gather [hbm4b:s25+s6], $0x800, $0x38;
	[tilespmem:$0x1DC00] =	vst v63  }
0x34e: {  	_ =	swait.ge [sflag:s7], $0x800  }
0x34f: {  	[sflag:s7] =	ssyncset.done $0x0  }
0x350: {  	s26 =	sadd.s32 $0x100, s23;
	[sflag:s7] =	ssyncadd.s32 $0xFFFFF800  }
0x351: {  	[tilespmem:s16], [sflag:$0x5] =	stream.linear.gather [hbm4b:s26+s6], $0x800, $0x38;
	[tilespmem:$0x1DC00] =	vst v63  }
0x352: {  	_ =	swait.ge [sflag:s7], $0x800  }
0x353: {  	[sflag:s7] =	ssyncset.done $0x0  }
0x354: {  	[sflag:s7] =	ssyncadd.s32 $0xFFFFF800  }
0x355: {  	_ =	swait.ge [sflag:s11], $0x4000  }
0x356: {  	[sflag:s11] =	ssyncset.done $0x0  }
0x357: {  	[sflag:s11] =	ssyncadd.s32 $0xFFFFC000  }
0x358: {  	[tilespmem:s12], [sflag:$0x1] =	stream.indirect.gather [hbm4b:s3+s8], $0x80, s15, s8, $0xb8;
	[tilespmem:$0x1DC00] =	vst v63  }
0x359: {  	_ =	swait.ge [sflag:s13], $0x4000  }
0x35a: {  	[sflag:s13] =	ssyncset.done $0x0  }
0x35b: {  	[sflag:s13] =	ssyncadd.s32 $0xFFFFC000  }
0x35c: {  	[spmem:s2] =	stream.indirect.scatter.add.f32 [tilespmem:s12], [sflag:$0x3], $0x80, s16, s8, $0xb8;
	[tilespmem:$0x1DC00] =	vst v63  }
0x35d: {  	_ =	swait.ge [sflag:s14], $0x4000  }
0x35e: {  	s28 =	sld [smem:$0x7E3]  }
0x35f: {  	[sflag:s14] =	ssyncset.done $0x0  }
0x360: {  	[sflag:s14] =	ssyncadd.s32 $0xFFFFC000  }
0x361: {  	[tilespmem:s9], [sflag:$0x2] =	stream.indirect.gather [hbm4b:s3+s8], $0x80, s28, s8, $0xb8;
	[tilespmem:$0x1DC00] =	vst v63  }
0x362: {  	_ =	swait.ge [sflag:s10], $0x4000  }
0x363: {  	s29 =	sld [smem:$0x7E4]  }
0x364: {  	[sflag:s10] =	ssyncset.done $0x0  }
0x365: {  	[sflag:s10] =	ssyncadd.s32 $0xFFFFC000  }
0x366: {  	[spmem:s2] =	stream.indirect.scatter.add.f32 [tilespmem:s9], [sflag:$0x4], $0x80, s29, s8, $0xb8;
	[tilespmem:$0x1DC00] =	vst v63  }
0x367: {  	_ =	swait.ge [sflag:s11], $0x4000  }
0x368: {  	s30 =	sld [smem:$0x7E5]  }
0x369: {  	[sflag:s11] =	ssyncset.done $0x0  }
0x36a: {  	[sflag:s11] =	ssyncadd.s32 $0xFFFFC000  }
0x36b: {  	[tilespmem:s12], [sflag:$0x1] =	stream.indirect.gather [hbm4b:s3+s8], $0x80, s30, s8, $0xb8;
	[tilespmem:$0x1DC00] =	vst v63  }
0x36c: {  	_ =	swait.ge [sflag:s13], $0x4000  }
0x36d: {  	s31 =	sld [smem:$0x7E6]  }
0x36e: {  	[sflag:s13] =	ssyncset.done $0x0  }
0x36f: {  	[sflag:s13] =	ssyncadd.s32 $0xFFFFC000  }
0x370: {  	[spmem:s2] =	stream.indirect.scatter.add.f32 [tilespmem:s12], [sflag:$0x3], $0x80, s31, s8, $0xb8;
	[tilespmem:$0x1DC00] =	vst v63  }
0x371: {  	_ =	swait.ge [sflag:s14], $0x4000  }
0x372: {  	s7 =	sld [smem:$0x7E7]  }
0x373: {  	[sflag:s14] =	ssyncset.done $0x0  }
0x374: {  	[sflag:s14] =	ssyncadd.s32 $0xFFFFC000  }
0x375: {  	[tilespmem:s9], [sflag:$0x2] =	stream.indirect.gather [hbm4b:s3+s8], $0x80, s7, s8, $0xb8;
	[tilespmem:$0x1DC00] =	vst v63  }
0x376: {  	_ =	swait.ge [sflag:s10], $0x4000  }
0x377: {  	s15 =	sld [smem:$0x7E8]  }
0x378: {  	[sflag:s10] =	ssyncset.done $0x0  }
0x379: {  	[sflag:s10] =	ssyncadd.s32 $0xFFFFC000  }
0x37a: {  	[spmem:s2] =	stream.indirect.scatter.add.f32 [tilespmem:s9], [sflag:$0x4], $0x80, s15, s8, $0xb8;
	[tilespmem:$0x1DC00] =	vst v63  }
0x37b: {  	_ =	swait.ge [sflag:s11], $0x4000  }
0x37c: {  	s16 =	sld [smem:$0x7E9]  }
0x37d: {  	[sflag:s11] =	ssyncset.done $0x0  }
0x37e: {  	[sflag:s11] =	ssyncadd.s32 $0xFFFFC000  }
0x37f: {  	[tilespmem:s12], [sflag:$0x1] =	stream.indirect.gather [hbm4b:s3+s8], $0x80, s16, s8, $0xb8;
	[tilespmem:$0x1DC00] =	vst v63  }
0x380: {  	_ =	swait.ge [sflag:s13], $0x4000  }
0x381: {  	s21 =	sld [smem:$0x7EA]  }
0x382: {  	[sflag:s13] =	ssyncset.done $0x0  }
0x383: {  	[sflag:s13] =	ssyncadd.s32 $0xFFFFC000  }
0x384: {  	[spmem:s2] =	stream.indirect.scatter.add.f32 [tilespmem:s12], [sflag:$0x3], $0x80, s21, s8, $0xb8;
	[tilespmem:$0x1DC00] =	vst v63  }
0x385: {  	_ =	swait.ge [sflag:s14], $0x4000  }
0x386: {  	s22 =	sld [smem:$0x7EB]  }
0x387: {  	[sflag:s14] =	ssyncset.done $0x0  }
0x388: {  	[sflag:s14] =	ssyncadd.s32 $0xFFFFC000  }
0x389: {  	[tilespmem:s9], [sflag:$0x2] =	stream.indirect.gather [hbm4b:s3+s8], $0x80, s22, s8, $0xb8;
	[tilespmem:$0x1DC00] =	vst v63  }
0x38a: {  	_ =	swait.ge [sflag:s10], $0x4000  }
0x38b: {  	s23 =	sld [smem:$0x7EC]  }
0x38c: {  	[sflag:s10] =	ssyncset.done $0x0  }
0x38d: {  	[sflag:s10] =	ssyncadd.s32 $0xFFFFC000  }
0x38e: {  	[spmem:s2] =	stream.indirect.scatter.add.f32 [tilespmem:s9], [sflag:$0x4], $0x80, s23, s8, $0xb8;
	[tilespmem:$0x1DC00] =	vst v63  }
0x38f: {  	_ =	swait.ge [sflag:s11], $0x4000  }
0x390: {  	s24 =	sld [smem:$0x7ED]  }
0x391: {  	[sflag:s11] =	ssyncset.done $0x0  }
0x392: {  	[sflag:s11] =	ssyncadd.s32 $0xFFFFC000  }
0x393: {  	[tilespmem:s12], [sflag:$0x1] =	stream.indirect.gather [hbm4b:s3+s8], $0x80, s24, s8, $0xb8;
	[tilespmem:$0x1DC00] =	vst v63  }
0x394: {  	_ =	swait.ge [sflag:s13], $0x4000  }
0x395: {  	s25 =	sld [smem:$0x7EE]  }
0x396: {  	[sflag:s13] =	ssyncset.done $0x0  }
0x397: {  	[sflag:s13] =	ssyncadd.s32 $0xFFFFC000  }
0x398: {  	[spmem:s2] =	stream.indirect.scatter.add.f32 [tilespmem:s12], [sflag:$0x3], $0x80, s25, s8, $0xb8;
	[tilespmem:$0x1DC00] =	vst v63  }
0x399: {  	_ =	swait.ge [sflag:s14], $0x4000  }
0x39a: {  	s26 =	sld [smem:$0x7EF]  }
0x39b: {  	[sflag:s14] =	ssyncset.done $0x0  }
0x39c: {  	[sflag:s14] =	ssyncadd.s32 $0xFFFFC000  }
0x39d: {  	[tilespmem:s9], [sflag:$0x2] =	stream.indirect.gather [hbm4b:s3+s8], $0x80, s26, s8, $0xb8;
	[tilespmem:$0x1DC00] =	vst v63  }
0x39e: {  	_ =	swait.ge [sflag:s10], $0x4000  }
0x39f: {  	s28 =	sld [smem:$0x7F0]  }
0x3a0: {  	[sflag:s10] =	ssyncset.done $0x0  }
0x3a1: {  	[sflag:s10] =	ssyncadd.s32 $0xFFFFC000  }
0x3a2: {  	[spmem:s2] =	stream.indirect.scatter.add.f32 [tilespmem:s9], [sflag:$0x4], $0x80, s28, s8, $0xb8;
	[tilespmem:$0x1DC00] =	vst v63  }
0x3a3: {  	_ =	swait.ge [sflag:s11], $0x4000  }
0x3a4: {  	s29 =	sld [smem:$0x7F1]  }
0x3a5: {  	[sflag:s11] =	ssyncset.done $0x0  }
0x3a6: {  	[sflag:s11] =	ssyncadd.s32 $0xFFFFC000  }
0x3a7: {  	[tilespmem:s12], [sflag:$0x1] =	stream.indirect.gather [hbm4b:s3+s8], $0x80, s29, s8, $0xb8;
	[tilespmem:$0x1DC00] =	vst v63  }
0x3a8: {  	_ =	swait.ge [sflag:s13], $0x4000  }
0x3a9: {  	s30 =	sld [smem:$0x7F2]  }
0x3aa: {  	[sflag:s13] =	ssyncset.done $0x0  }
0x3ab: {  	[sflag:s13] =	ssyncadd.s32 $0xFFFFC000  }
0x3ac: {  	[spmem:s2] =	stream.indirect.scatter.add.f32 [tilespmem:s12], [sflag:$0x3], $0x80, s30, s8, $0xb8;
	[tilespmem:$0x1DC00] =	vst v63  }
0x3ad: {  	_ =	swait.ge [sflag:s14], $0x4000  }
0x3ae: {  	s31 =	sld [smem:$0x7F3]  }
0x3af: {  	[sflag:s14] =	ssyncset.done $0x0  }
0x3b0: {  	[sflag:s14] =	ssyncadd.s32 $0xFFFFC000  }
0x3b1: {  	[tilespmem:s9], [sflag:$0x2] =	stream.indirect.gather [hbm4b:s3+s8], $0x80, s31, s8, $0xb8;
	[tilespmem:$0x1DC00] =	vst v63  }
0x3b2: {  	_ =	swait.ge [sflag:s10], $0x4000  }
0x3b3: {  	s7 =	sld [smem:$0x7F4]  }
0x3b4: {  	[sflag:s10] =	ssyncset.done $0x0  }
0x3b5: {  	[sflag:s10] =	ssyncadd.s32 $0xFFFFC000  }
0x3b6: {  	[spmem:s2] =	stream.indirect.scatter.add.f32 [tilespmem:s9], [sflag:$0x4], $0x80, s7, s8, $0xb8;
	[tilespmem:$0x1DC00] =	vst v63  }
0x3b7: {  	_ =	swait.ge [sflag:s11], $0x4000  }
0x3b8: {  	s15 =	sld [smem:$0x7F5]  }
0x3b9: {  	[sflag:s11] =	ssyncset.done $0x0  }
0x3ba: {  	[sflag:s11] =	ssyncadd.s32 $0xFFFFC000  }
0x3bb: {  	[tilespmem:s12], [sflag:$0x1] =	stream.indirect.gather [hbm4b:s3+s8], $0x80, s15, s8, $0xb8;
	[tilespmem:$0x1DC00] =	vst v63  }
0x3bc: {  	_ =	swait.ge [sflag:s13], $0x4000  }
0x3bd: {  	s16 =	sld [smem:$0x7F6]  }
0x3be: {  	[sflag:s13] =	ssyncset.done $0x0  }
0x3bf: {  	[sflag:s13] =	ssyncadd.s32 $0xFFFFC000  }
0x3c0: {  	[spmem:s2] =	stream.indirect.scatter.add.f32 [tilespmem:s12], [sflag:$0x3], $0x80, s16, s8, $0xb8;
	[tilespmem:$0x1DC00] =	vst v63  }
0x3c1: {  	_ =	swait.ge [sflag:s14], $0x4000  }
0x3c2: {  	s21 =	sld [smem:$0x7F7]  }
0x3c3: {  	[sflag:s14] =	ssyncset.done $0x0  }
0x3c4: {  	[sflag:s14] =	ssyncadd.s32 $0xFFFFC000  }
0x3c5: {  	[tilespmem:s9], [sflag:$0x2] =	stream.indirect.gather [hbm4b:s3+s8], $0x80, s21, s8, $0xb8;
	[tilespmem:$0x1DC00] =	vst v63  }
0x3c6: {  	_ =	swait.ge [sflag:s10], $0x4000  }
0x3c7: {  	s22 =	sld [smem:$0x7F8]  }
0x3c8: {  	[sflag:s10] =	ssyncset.done $0x0  }
0x3c9: {  	[sflag:s10] =	ssyncadd.s32 $0xFFFFC000  }
0x3ca: {  	[spmem:s2] =	stream.indirect.scatter.add.f32 [tilespmem:s9], [sflag:$0x4], $0x80, s22, s8, $0xb8;
	[tilespmem:$0x1DC00] =	vst v63  }
0x3cb: {  	_ =	swait.ge [sflag:s11], $0x4000  }
0x3cc: {  	s23 =	sld [smem:$0x7F9]  }
0x3cd: {  	[sflag:s11] =	ssyncset.done $0x0  }
0x3ce: {  	[sflag:s11] =	ssyncadd.s32 $0xFFFFC000  }
0x3cf: {  	[tilespmem:s12], [sflag:$0x1] =	stream.indirect.gather [hbm4b:s3+s8], $0x80, s23, s8, $0xb8;
	[tilespmem:$0x1DC00] =	vst v63  }
0x3d0: {  	_ =	swait.ge [sflag:s13], $0x4000  }
0x3d1: {  	s24 =	sld [smem:$0x7FA]  }
0x3d2: {  	[sflag:s13] =	ssyncset.done $0x0  }
0x3d3: {  	[sflag:s13] =	ssyncadd.s32 $0xFFFFC000  }
0x3d4: {  	[spmem:s2] =	stream.indirect.scatter.add.f32 [tilespmem:s12], [sflag:$0x3], $0x80, s24, s8, $0xb8;
	[tilespmem:$0x1DC00] =	vst v63  }
0x3d5: {  	_ =	swait.ge [sflag:s14], $0x4000  }
0x3d6: {  	s25 =	sld [smem:$0x7FB]  }
0x3d7: {  	[sflag:s14] =	ssyncset.done $0x0  }
0x3d8: {  	[sflag:s14] =	ssyncadd.s32 $0xFFFFC000  }
0x3d9: {  	[tilespmem:s9], [sflag:$0x2] =	stream.indirect.gather [hbm4b:s3+s8], $0x80, s25, s8, $0xb8;
	[tilespmem:$0x1DC00] =	vst v63  }
0x3da: {  	_ =	swait.ge [sflag:s10], $0x4000  }
0x3db: {  	s26 =	sld [smem:$0x7FC]  }
0x3dc: {  	[sflag:s10] =	ssyncset.done $0x0  }
0x3dd: {  	[sflag:s10] =	ssyncadd.s32 $0xFFFFC000  }
0x3de: {  	[spmem:s2] =	stream.indirect.scatter.add.f32 [tilespmem:s9], [sflag:$0x4], $0x80, s26, s8, $0xb8;
	[tilespmem:$0x1DC00] =	vst v63  }
0x3df: {  	_ =	swait.ge [sflag:s11], $0x4000  }
0x3e0: {  	s28 =	sld [smem:$0x7FD]  }
0x3e1: {  	[sflag:s11] =	ssyncset.done $0x0  }
0x3e2: {  	[sflag:s11] =	ssyncadd.s32 $0xFFFFC000  }
0x3e3: {  	[tilespmem:s12], [sflag:$0x1] =	stream.indirect.gather [hbm4b:s3+s8], $0x80, s28, s8, $0xb8;
	[tilespmem:$0x1DC00] =	vst v63  }
0x3e4: {  	_ =	swait.ge [sflag:s13], $0x4000  }
0x3e5: {  	[sflag:s13] =	ssyncset.done $0x0  }
0x3e6: {  	[sflag:s13] =	ssyncadd.s32 $0xFFFFC000  }
0x3e7: {  	[spmem:s2] =	stream.indirect.scatter.add.f32 [tilespmem:s12], [sflag:$0x3], $0x80, s18, s8, $0xb8;
	[tilespmem:$0x1DC00] =	vst v63  }
0x3e8: {  	_ =	swait.ge [sflag:s14], $0x4000  }
0x3e9: {  	[sflag:s14] =	ssyncset.done $0x0  }
0x3ea: {  	[sflag:s14] =	ssyncadd.s32 $0xFFFFC000  }
0x3eb: {  	[tilespmem:s9], [sflag:$0x2] =	stream.indirect.gather [hbm4b:s3+s8], $0x80, s20, s8, $0xb8;
	[tilespmem:$0x1DC00] =	vst v63  }
0x3ec: {  	_ =	swait.ge [sflag:s10], $0x4000  }
0x3ed: {  	[sflag:s10] =	ssyncset.done $0x0  }
0x3ee: {  	s29 =	simm.s32 $0x3;
	[sflag:s10] =	ssyncadd.s32 $0xFFFFC000  }
0x3ef: {  	[spmem:s2] =	stream.indirect.scatter.add.f32 [tilespmem:s9], [sflag:$0x4], $0x80, s19, s8, $0xb8;
	[tilespmem:$0x1DC00] =	vst v63  }
0x3f0: {  	_ =	swait.ge [sflag:s29], $0x4000  }
0x3f1: {  	[sflag:s29] =	ssyncset.done $0x0  }
0x3f2: {  	s30 =	simm.s32 $0x4;
	[sflag:s29] =	ssyncadd.s32 $0xFFFFC000  }
0x3f3: {  	_ =	swait.ge [sflag:s30], $0x4000  }
0x3f4: {  	[sflag:s30] =	ssyncset.done $0x0  }
0x3f5: {  	[sflag:s30] =	ssyncadd.s32 $0xFFFFC000  }
0x3f6: {  	s31 =	simm.s32 $0x5;
	[bflag:$0x0] =	sbarrier.arrive $0xFFFF  }
0x3f7: {  	[hbm:s17], [sflag:s4] =	dma.local [spmem:s5], $0x2780  }
0x3f8: {  	_ =	swait.ge [sflag:s31], $0x2780  }
0x3f9: {  	[sflag:s31] =	ssyncset.done $0x0  }
0x3fa: {  	[sflag:s31] =	ssyncadd.s32 $0xFFFFD880  }
.LBB2_4:
0x3fb: {  	_ =	sfence.sel $0x180000  }
0x3fc: {  	[bflag:$0x0] =	sbarrier.arrive $0xFFFF  }
0x3fd: {  	p0 =	sne.s32 s1, $0x0;
	_ =	strace $0x9000004D  }
0x3fe: {  	s0 =	sadd.s32 @!p0 $0x100000, s0;
	[bflag:$0x2] =	sbarrier.arrive $0xFFFF  }
0x3ff: {  	[sflag:s0] =	ssyncadd.tile.s32 @!p0 $0x1;
	_ =	shalt  }
.Lfunc_end2:
_tile_overlayer_lowered:
.L_overlay_start_2:
0x400: {  	(tag) =	ssettag $0x2  }
0x401: {  	s0 =	rddreg [dreg:$0x0];
	s2 =	stileid.u32  }
0x402: {  	s1 =	rddreg [dreg:$0x1];
	p0 =	sne.s32 s2, $0x0  }
0x403: {  	s3 =	rddreg [dreg:$0x2];
	[bflag:$0x3] =	sbarrier.arrive $0xFFFF;
	s2 =	simm.s32 @!p0 $0x1C05  }
0x404: {  	[timem:s3], [sflag:s2] =	dma.local @!p0 [hbm:s0], s1  }
0x405: {  	s0 =	simm.s32 @!p0 $0x5  }
0x406: {  	_ =	swait.ge @!p0 [sflag:s0], s1  }
0x407: {  	s1 =	ssub.s32 @!p0 $0x0, s1;
	[sflag:s0] =	ssyncset.done @!p0 $0x0  }
0x408: {  	[sflag:s0] =	ssyncadd.s32 @!p0 s1  }
0x409: {  	[bflag:$0x3] =	sbarrier.arrive $0xFFFF  }
0x40a: {  	_ =	shalt  }

// kernel: kernel.8.cloned.1.call-start
scs
__scs_entry_jumppad:
0x0: {  	(pc) =	sbr.rel $0x88, $3  }
0x1: {  	(tag) =	ssettag $0x0;
	lr =	simm.s32 $0x1  }
0x2: {  	[smem:$0x3F9B] =	sst lr;
	_ =	strace $0xD0000000  }
0x3: {  	_ = 	snop  }
0x4: {  	_ = 	snop  }
0x5: {  	_ = 	snop  }
0x6: {  	_ = 	snop  }
0x7: {  	_ = 	snop  }
__scs_overlays_trampoline_lowered:
0x8: {  	[smem:$0x3FAA] =	sst s0  }
0x9: {  	[smem:$0x3FAB] =	sst s1  }
0xa: {  	[smem:$0x3FAC] =	sst s2  }
0xb: {  	[smem:$0x3FAD] =	sst s3  }
0xc: {  	[smem:$0x3FAE] =	sst s4  }
0xd: {  	[smem:$0x3FAF] =	sst s5  }
0xe: {  	[smem:$0x3FB0] =	sst s6  }
0xf: {  	[smem:$0x3FB1] =	sst s7  }
0x10: {  	[smem:$0x3FB2] =	sst s8  }
0x11: {  	[smem:$0x3FB3] =	sst s9;
	s0 =	simm.s32 @!p0 $0x0  }
0x12: {  	s1 =	sld [smem:$0x3F99];
	s0 =	simm.s32 @p0 $0x1  }
0x13: {  	[smem:$0x3FB4] =	sst s0;
	s0 =	simm.s32 @!p1 $0x0  }
0x14: {  	s2 =	sld [smem:$0x3F98];
	s0 =	simm.s32 @p1 $0x1  }
0x15: {  	[smem:$0x3FB5] =	sst s0;
	s0 =	simm.s32 @!p2 $0x0  }
0x16: {  	s3 =	sld [smem:$0x3FDB];
	s0 =	simm.s32 @p2 $0x1  }
0x17: {  	s4 =	simm.s32 $0x1BF5;
	[smem:$0x3FB7] =	sst s0  }
0x18: {  	s0 =	sld [smem:$0x3F9A];
	_ =	swait.ge [sflag:s4], $0x0  }
0x19: {  	s7 =	sld [smem:$0x3F9B]  }
0x1a: {  	s8 =	sadd.s32 $0xFFFFE003, lr  }
0x1b: {  	s9 =	sadd.s32 $0xFFFFFEF7, lr;
	s5 =	simm.s32 $0xFFFFFFFF;
	p2 =	slt.u32 s8, $0xFFFFF086  }
0x1c: {  	p1 =	slt.u32 s9, $0xF7A;
	s5 =	simm.s32 @!p2 $0x0  }
0x1d: {  	s5 =	simm.s32 @p1 $0x1;
	p0 =	seq.s32 s7, s2  }
0x1e: {  	s7 =	smul.u32 @!p0 $0xF7A, s2;
	p2 =	seq.s32 @!p0 s5, $0x0  }
0x1f: {  	s9 =	smul.u32 $0xF7A, s1;
	s8 =	simm.s32 @!p0 $0x1BF5;
	p2 =	por !p2, p0  }
0x20: {  	[sflag:s8] =	ssyncset.s32 @!p0 $0xFFFFF086;
	s6 =	sadd.s32 @!p0 s3, s7;
	s7 =	simm.s32 @!p0 $0x108  }
0x21: {  	s3 =	sadd.s32 s3, s9;
	s6 =	sadd.s32 @!p0 $0x88, s6;
	s7 =	simm.s32 @p2 $0x1082  }
0x22: {  	[simem:s7], [sflag:s8] =	dma.local @!p0 [hbm:s6], $0xF7A  }
0x23: {  	s9 =	sor.u32 $0xD0000000, s2;
	s6 =	simm.s32 $0x108;
	_ =	swait.ge @!p0 [sflag:s8], $0x0  }
0x24: {  	s3 =	sadd.s32 $0x88, s3;
	s6 =	simm.s32 @!p1 $0x1082;
	[sflag:s4] =	ssyncset.s32 $0xFFFFF086  }
0x25: {  	[simem:s6], [sflag:s4] =	dma.local [hbm:s3], $0xF7A  }
0x26: {  	[smem:$0x3F9B] =	sst s1;
	(tag) =	ssettag s2;
	_ =	strace s9  }
0x27: {  	s1 =	sld [smem:$0x3FAB]  }
0x28: {  	s2 =	sld [smem:$0x3FAC]  }
0x29: {  	s4 =	sld [smem:$0x3FAE]  }
0x2a: {  	p0 =	seq.s32 s5, $0x0;
	s5 =	sld [smem:$0x3FAF]  }
0x2b: {  	s6 =	sld [smem:$0x3FB0]  }
0x2c: {  	s7 =	sld [smem:$0x3FB1]  }
0x2d: {  	s3 =	simm.s32 $0x108;
	s8 =	sld [smem:$0x3FB2]  }
0x2e: {  	s3 =	simm.s32 @!p0 $0x1082;
	s9 =	sld [smem:$0x3FB3]  }
0x2f: {  	lr =	sadd.s32 s0, s3;
	s0 =	sld [smem:$0x3FAA]  }
0x30: {  	s3 =	sld [smem:$0x3FAD]  }
0x31: {  	[smem:$0x3FB6] =	sst s10  }
0x32: {  	s10 =	sld [smem:$0x3FB4];
	_ =	sdelay $0x3  }
0x33: {  	p0 =	seq.s32 s10, $0x1;
	s10 =	sld [smem:$0x3FB6];
	_ =	sdelay $0x3  }
0x34: {  	[smem:$0x3FB6] =	sst s10  }
0x35: {  	s10 =	sld [smem:$0x3FB5];
	_ =	sdelay $0x3  }
0x36: {  	p1 =	seq.s32 s10, $0x1;
	s10 =	sld [smem:$0x3FB6];
	_ =	sdelay $0x3  }
0x37: {  	[smem:$0x3FB6] =	sst s10  }
0x38: {  	s10 =	sld [smem:$0x3FB7]  }
0x39: {  	_ = 	snop;
	(pc) =	sbr.ind lr, $3  }
0x3a: {  	_ = 	snop  }
0x3b: {  	_ = 	snop  }
0x3c: {  	p2 =	seq.s32 s10, $0x1;
	s10 =	sld [smem:$0x3FB6]  }
0x3d: {  	_ =	shalt  }
0x3e: {  	_ =	shalt  }
0x3f: {  	_ =	shalt  }
0x40: {  	_ =	shalt  }
0x41: {  	_ =	shalt  }
0x42: {  	_ =	shalt  }
0x43: {  	_ =	shalt  }
0x44: {  	_ =	shalt  }
0x45: {  	_ =	shalt  }
0x46: {  	_ =	shalt  }
0x47: {  	_ =	shalt  }
0x48: {  	_ =	shalt  }
0x49: {  	_ =	shalt  }
0x4a: {  	_ =	shalt  }
0x4b: {  	_ =	shalt  }
0x4c: {  	_ =	shalt  }
0x4d: {  	_ =	shalt  }
0x4e: {  	_ =	shalt  }
0x4f: {  	_ =	shalt  }
0x50: {  	_ =	shalt  }
0x51: {  	_ =	shalt  }
0x52: {  	_ =	shalt  }
0x53: {  	_ =	shalt  }
0x54: {  	_ =	shalt  }
0x55: {  	_ =	shalt  }
0x56: {  	_ =	shalt  }
0x57: {  	_ =	shalt  }
0x58: {  	_ =	shalt  }
0x59: {  	_ =	shalt  }
0x5a: {  	_ =	shalt  }
0x5b: {  	_ =	shalt  }
0x5c: {  	_ =	shalt  }
0x5d: {  	_ =	shalt  }
0x5e: {  	_ =	shalt  }
0x5f: {  	_ =	shalt  }
0x60: {  	_ =	shalt  }
0x61: {  	_ =	shalt  }
0x62: {  	_ =	shalt  }
0x63: {  	_ =	shalt  }
0x64: {  	_ =	shalt  }
0x65: {  	_ =	shalt  }
0x66: {  	_ =	shalt  }
0x67: {  	_ =	shalt  }
0x68: {  	_ =	shalt  }
0x69: {  	_ =	shalt  }
0x6a: {  	_ =	shalt  }
0x6b: {  	_ =	shalt  }
0x6c: {  	_ =	shalt  }
0x6d: {  	_ =	shalt  }
0x6e: {  	_ =	shalt  }
0x6f: {  	_ =	shalt  }
0x70: {  	_ =	shalt  }
0x71: {  	_ =	shalt  }
0x72: {  	_ =	shalt  }
0x73: {  	_ =	shalt  }
0x74: {  	_ =	shalt  }
0x75: {  	_ =	shalt  }
0x76: {  	_ =	shalt  }
0x77: {  	_ =	shalt  }
0x78: {  	_ =	shalt  }
0x79: {  	_ =	shalt  }
0x7a: {  	_ =	shalt  }
0x7b: {  	_ =	shalt  }
0x7c: {  	_ =	shalt  }
0x7d: {  	_ =	shalt  }
0x7e: {  	_ =	shalt  }
0x7f: {  	_ =	shalt  }
0x80: {  	_ =	shalt  }
0x81: {  	_ =	shalt  }
0x82: {  	_ =	shalt  }
0x83: {  	_ =	shalt  }
0x84: {  	_ =	shalt  }
0x85: {  	_ =	shalt  }
0x86: {  	_ =	shalt  }
0x87: {  	_ =	shalt  }
.Lfunc_end0:
.L_simem_size_0:
called_computation_lowered:
.L_overlay_start_0:
0x88: {  	s2 =	sld [smem:$0x3FD9]  }
0x89: {  	s3 =	sld [smem:$0x3FFE];
	_ =	sdelay $0x1  }
0x8a: {  	s1 =	srdreg.scid  }
0x8b: {  	s0 =	sand.u32 $0x1, s1  }
0x8c: {  	s17 =	sshll.u32 s0, $0xA;
	s2 =	sadd.s32 s3, s2  }
0x8d: {  	s2 =	sadd.s32 s2, s17  }
0x8e: {  	[smem:$0x3FC2] =	sst s2  }
0x8f: {  	_ = 	snop  }
0x90: {  	s2 =	sld [smem:$0x3FD0];
	(tm) =	ssettm $0x1  }
0x91: {  	s18 =	sld [smem:$0x3FFB];
	_ =	sdelay $0x3  }
0x92: {  	_ =	strace s18  }
0x93: {  	s3 =	sld [smem:$0x3FFC];
	_ =	sdelay $0x3  }
0x94: {  	_ =	strace s3  }
0x95: {  	s3 =	sld [smem:$0x3FFD];
	_ =	sdelay $0x3  }
0x96: {  	_ =	strace s3  }
0x97: {  	_ =	strace $0x8FFFFFFF  }
0x98: {  	s19 =	sld [smem:$0x3FDB];
	_ =	sdelay $0x1  }
0x99: {  	s4 =	simm.s32 $_scs_section_size  }
0x9a: {  	s5 =	simm.s32 $_size__tile_overlayer_lowered;
	s6 =	simm.s32 $_tile_overlayer_lowered  }
0x9b: {  	s22 =	simm.s32 $0x1BFF;
	s21 =	sshll.u32 s6, $0x1;
	s3 =	sadd.s32 s4, s19  }
0x9c: {  	s7 =	simm.s32 $0x0;
	s20 =	sshll.u32 s5, $0x1;
	s5 =	sadd.s32 s21, s3  }
0x9d: {  	[timem:s7], [sflag:s22] =	dma.local [hbm:s5], s20  }
0x9e: {  	_ =	swait.ge [sflag:s22], s20  }
0x9f: {  	s4 =	ssub.s32 $0x0, s20;
	[sflag:s22] =	ssyncset.done $0x0  }
0xa0: {  	[sflag:s22] =	ssyncadd.s32 s4;
	_ =	sdelay $0x1  }
0xa1: {  	s23 =	simm.s32 $0x1B8B  }
0xa2: {  	_ =	swait.ge [sflag:s23], $0x1  }
0xa3: {  	[sflag:s23] =	ssyncset.done $0x0  }
0xa4: {  	s25 =	simm.s32 $0x1B8E;
	s24 =	sld [smem:$0x3FFE];
	[sflag:s23] =	ssyncadd.s32 $0xFFFFFFFF  }
0xa5: {  	s26 =	simm.s32 $execute0_lowered;
	[smem:$0x3FD2] =	sst s25  }
0xa6: {  	s5 =	sshll.u32 s26, $0x1;
	_ =	strace $0x80000046;
	[dreg:$0x1] =	wrdreg $0xFFFFFFFF  }
0xa7: {  	s28 =	simm.s32 $_size_execute0_lowered;
	s3 =	sadd.s32 s3, s5;
	[dreg:$0x0] =	wrdreg $0x0  }
0xa8: {  	s5 =	sshll.u32 s28, $0x1;
	[dreg:$0x2] =	wrdreg s3  }
0xa9: {  	[dreg:$0x3] =	wrdreg s5  }
0xaa: {  	[dreg:$0x4] =	wrdreg $0xC0  }
0xab: {  	_ =	task [dreg:s7], $0x5FFFF  }
0xac: {  	[dreg:$0x1] =	wrdreg $0xFFFFFFFF  }
0xad: {  	[dreg:$0x0] =	wrdreg $0x60  }
0xae: {  	[dreg:$0x2] =	wrdreg s24  }
0xaf: {  	[dreg:$0x3] =	wrdreg s2  }
0xb0: {  	[dreg:$0x4] =	wrdreg $0x28800  }
0xb1: {  	[dreg:$0x5] =	wrdreg $0x9  }
0xb2: {  	_ =	task.clear_ibuf [dreg:s7], $0x6FFFF;
	_ =	strace $0x90000046  }
0xb3: {  	s29 =	simm.s32 $0x9;
	_ =	strace $0x80000048  }
0xb4: {  	_ =	swait.ge [sflag:s29], $0x1  }
0xb5: {  	[sflag:s29] =	ssyncadd.s32 $0xFFFFFFFF  }
0xb6: {  	_ =	strace $0x90000048  }
0xb7: {  	_ =	sfence  }
0xb8: {  	s30 =	sld [smem:$0x0];
	_ =	sdelay $0x2  }
0xb9: {  	s31 =	sshll.u32 s1, $0xD;
	s1 =	sshrl.u32 s1, $0x2  }
0xba: {  	s3 =	sand.u32 $0x4000, s31;
	s1 =	sadd.s32 s1, s30  }
0xbb: {  	s0 =	sor.u32 s3, s0;
	s1 =	sshll.u32 s1, $0x11  }
0xbc: {  	s0 =	sor.u32 s1, s0  }
0xbd: {  	s0 =	sadd.s32 $0x8F2B, s0  }
0xbe: {  	[sflag:s0] =	ssyncadd.remote.s32 $0x1  }
0xbf: {  	_ =	sfence.sel $0xFFFF  }
0xc0: {  	[dreg:$0x0] =	wrdreg $0xFFFFFFFF;
	(pc) =	sbr.abs _section_cstart, $3  }
0xc1: {  	[dreg:$0x1] =	wrdreg $0xFFFFFFFF  }
0xc2: {  	_ =	task.clear_ibuf [dreg:s7], $0x2FFFF;
	_ =	strace $0x9FFFFFFF  }
0xc3: {  	(tm) =	ssettm $0x7FFFFFFF  }
tec
execute0_lowered:
.L_overlay_start_1:
0x0: {  	(tag) =	ssettag $0x1  }
0x1: {  	s5 =	rddreg [dreg:$0x0]  }
0x2: {  	s1 =	srdreg.scid;
	s7 =	rddreg [dreg:$0x1]  }
0x3: {  	s0 =	stileid.u32;
	s2 =	rddreg [dreg:$0x2]  }
0x4: {  	s3 =	simm.s32 $0x0;
	s13 =	simm.s32 $0x80;
	s14 =	simm.s32 $0x20  }
0x5: {  	s15 =	simm.s32 $0x10;
	s16 =	simm.s32 $0x0;
	s6 =	sand.u32 $0x1, s1  }
0x6: {  	s29 =	sshll.u32 s0, $0x1;
	s1 =	rddreg [dreg:$0x3];
	s10 =	smul.u32 $0x500, s0  }
0x7: {  	[smem:$0x7FF] =	sst s3;
	s12 =	smul.u32 $0xA00, s0;
	s31 =	sshll.u32 s0, $0x6  }
0x8: {  	s4 =	sor.u32 s6, s29;
	_ =	strace $0x80000047;
	s9 =	ssub.s32 $0x2, s6  }
0x9: {  	s6 =	sshll.u32 s6, $0x7;
	s4 =	smul.u32 $0x500, s4;
	s11 =	sshrl.u32 s9, $0x1  }
0xa: {  	s10 =	sor.u32 s6, s10;
	s30 =	sshrl.u32 s12, $0x2;
	s9 =	ssub.s32 s9, s11  }
0xb: {  	s10 =	sshrl.u32 s10, $0x3;
	s12 =	sadd.s32 s30, s2;
	s11 =	sor.u32 $0x1C01, s31  }
0xc: {  	s8 =	sadd.s32 s4, s5;
	s4 =	sadd.s32 $0x17600, s5;
	s5 =	sadd.s32 $0x17800, s5  }
0xd: {  	s7 =	sadd.s32 s7, s10;
	s10 =	simm.s32 $0x2800;
	s12 =	sshrl.u32 s12, $0x3  }
0xe: {  	s6 =	sadd.s32 $0x3600, s8;
	s8 =	smax.u32 s9, $0x1;
	s9 =	simm.s32 $0x1  }
.LBB2_1:
0xf: {  	[tilespmem:s3], [sflag:$0x1] =	stream.linear.gather [hbm4b:s6+s3], $0x2800, $0x38;
	[tilespmem:$0x2B00] =	vst v63  }
0x10: {  	_ =	swait.ge [sflag:s9], $0x2800  }
0x11: {  	[sflag:s9] =	ssyncset.done $0x0  }
0x12: {  	[sflag:s9] =	ssyncadd.s32 $0xFFFFD800  }
0x13: {  	[tilespmem:s10], [sflag:$0x1] =	stream.linear.gather [hbm4b:s4+s3], $0x80, $0x38;
	[tilespmem:$0x2B00] =	vst v63  }
0x14: {  	_ =	swait.ge [sflag:s9], $0x80  }
0x15: {  	[sflag:s9] =	ssyncset.done $0x0  }
0x16: {  	[sflag:s9] =	ssyncadd.s32 $0xFFFFFF80  }
0x17: {  	[spmem:s12], [sflag:s11] =	dma.local [hbm:s5], $0x50  }
0x18: {  	_ =	swait.ge [sflag:s9], $0x50  }
0x19: {  	[sflag:s9] =	ssyncset.done $0x0  }
0x1a: {  	[sflag:s9] =	ssyncadd.s32 $0xFFFFFFB0  }
0x1b: {  	s17 =	simm.s32 $0x0;
	[bflag:$0x0] =	sbarrier.arrive $0xFFFF  }
0x1c: {  	[spmem:s2] =	stream.indirect.scatter.add.f32 [tilespmem:s10], [sflag:$0x1], $0x1, s17, s13, $0xb8;
	[tilespmem:$0x2B00] =	vst v63  }
0x1d: {  	_ =	swait.ge [sflag:s9], $0x80  }
0x1e: {  	s17 =	simm.s32 $0x200;
	[sflag:s9] =	ssyncset.done $0x0  }
.LBB2_2:
0x1f: {  	s18 =	sshra.s32 s17, $0x2;
	[sflag:s9] =	ssyncadd.s32 $0xFFFFFF80;
	p0 =	sne.s32 s17, $0x9E00  }
0x20: {  	[spmem:s2] =	stream.indirect.scatter.add.f32 [tilespmem:s10], [sflag:$0x1], $0x1, s18, s13, $0xb8;
	[tilespmem:$0x2B00] =	vst v63  }
.Ltmp0:
0x21: {  	_ = 	snop;
	(pc) =	sbr.rel @p0 .LBB2_2-.Ltmp0, $4  }
0x22: {  	_ = 	snop  }
0x23: {  	s17 =	sadd.s32 $0x200, s17  }
0x24: {  	_ =	swait.ge [sflag:s9], $0x80  }
0x25: {  	[sflag:s9] =	ssyncset.done $0x0  }
0x26: {  	s16 =	sadd.s32 $0x1, s16  }
0x27: {  	[sflag:s9] =	ssyncadd.s32 $0xFFFFFF80;
	p0 =	sne.s32 s16, s8  }
.Ltmp1:
0x28: {  	[bflag:$0x0] =	sbarrier.arrive $0xFFFF;
	(pc) =	sbr.rel @p0 .LBB2_1-.Ltmp1, $4  }
0x29: {  	[hbm:s7@s14], [sflag:s11] =	dma.strided [spmem:s12@s15], $0x50, s9, $0x10   }
0x2a: {  	_ =	swait.ge [sflag:s9], $0x50  }
0x2b: {  	[sflag:s9] =	ssyncset.done $0x0  }
0x2c: {  	[sflag:s9] =	ssyncadd.s32 $0xFFFFFFB0  }
0x2d: {  	_ =	sfence.sel $0x180000  }
0x2e: {  	[bflag:$0x0] =	sbarrier.arrive $0xFFFF  }
0x2f: {  	p0 =	sne.s32 s0, $0x0;
	_ =	strace $0x90000047  }
0x30: {  	s0 =	sadd.s32 @!p0 $0x100000, s1;
	[bflag:$0x2] =	sbarrier.arrive $0xFFFF  }
0x31: {  	[sflag:s0] =	ssyncadd.tile.s32 @!p0 $0x1;
	_ =	shalt  }
.Lfunc_end2:
_tile_overlayer_lowered:
.L_overlay_start_2:
0x32: {  	(tag) =	ssettag $0x2  }
0x33: {  	s0 =	rddreg [dreg:$0x0];
	s2 =	stileid.u32  }
0x34: {  	s1 =	rddreg [dreg:$0x1];
	p0 =	sne.s32 s2, $0x0  }
0x35: {  	s3 =	rddreg [dreg:$0x2];
	[bflag:$0x3] =	sbarrier.arrive $0xFFFF;
	s2 =	simm.s32 @!p0 $0x1C01  }
0x36: {  	[timem:s3], [sflag:s2] =	dma.local @!p0 [hbm:s0], s1  }
0x37: {  	s0 =	simm.s32 @!p0 $0x1  }
0x38: {  	_ =	swait.ge @!p0 [sflag:s0], s1  }
0x39: {  	s1 =	ssub.s32 @!p0 $0x0, s1;
	[sflag:s0] =	ssyncset.done @!p0 $0x0  }
0x3a: {  	[sflag:s0] =	ssyncadd.s32 @!p0 s1  }
0x3b: {  	[bflag:$0x3] =	sbarrier.arrive $0xFFFF  }
0x3c: {  	_ =	shalt  }

</sc_bundles>
